<compile_context>
chip_gen: v7x
topology: tpu7x:2x2x1
jax: 0.10.2.dev20260603
libtpu: 0.0.44.dev20260713+nightly
codegen_flags: <defaults>
</compile_context>

<pallas_src>
import functools

import jax
import jax.numpy as jnp
from jax import lax
from jax.experimental import pallas as pl
from jax.experimental.pallas import tpu as pltpu
from jax.experimental.pallas import tpu_sc as plsc

T = 2048
D = 768
F = 3072
E = 8
TOPK = 2
TR = 256
NB = 24
RPAD = NB * TR
FT = 512
NF = F // FT
CH = 256
NCH = T // CH
NW = 32
CT = T // NW
RMAX = 16


def _route_body(x_ref, wg_ref, bg_ref, pos0_ref, pos1_ref, w0_ref, w1_ref,
                tab_ref):
    f32 = jnp.float32
    x = x_ref[...]
    logits = jnp.dot(x, wg_ref[...], preferred_element_type=f32) + bg_ref[...].reshape(1, E)
    ie = lax.broadcasted_iota(jnp.int32, (T, E), 1)
    v1 = jnp.max(logits, axis=1, keepdims=True)
    e1 = jnp.min(jnp.where(logits >= v1, ie, E), axis=1, keepdims=True)
    m1 = ie == e1
    masked = jnp.where(m1, -jnp.inf, logits)
    v2 = jnp.max(masked, axis=1, keepdims=True)
    e2 = jnp.min(jnp.where(masked >= v2, ie, E), axis=1, keepdims=True)
    m2 = ie == e2
    r = jnp.exp(v2 - v1)
    w0_ref[...] = (1.0 / (1.0 + r)).reshape(T)
    w1_ref[...] = (r / (1.0 + r)).reshape(T)
    A = m1.astype(f32) + m2.astype(f32)
    itc = lax.broadcasted_iota(jnp.int32, (NCH, T), 0)
    itt = lax.broadcasted_iota(jnp.int32, (NCH, T), 1)
    seg = (itc == itt // CH).astype(f32)
    csum = jnp.dot(seg, A, preferred_element_type=f32)
    r8 = lax.broadcasted_iota(jnp.int32, (NCH, NCH), 0)
    c8 = lax.broadcasted_iota(jnp.int32, (NCH, NCH), 1)
    slt8 = (c8 < r8).astype(f32)
    base = jnp.dot(slt8, csum, preferred_element_type=f32)
    rl = lax.broadcasted_iota(jnp.int32, (CH, CH), 0)
    cl = lax.broadcasted_iota(jnp.int32, (CH, CH), 1)
    sltc = (cl < rl).astype(f32)
    parts = []
    for c in range(NCH):
        Ac = A[c * CH:(c + 1) * CH, :]
        parts.append(jnp.dot(sltc, Ac, preferred_element_type=f32)
                     + base[c:c + 1, :])
    S = jnp.concatenate(parts, axis=0)
    g = jnp.sum(csum, axis=0, keepdims=True)
    blk = (g.astype(jnp.int32) + (TR - 1)) // TR
    blkf = blk.astype(f32)
    sut8 = (r8 < c8).astype(f32)
    bstartf = jnp.dot(blkf, sut8, preferred_element_type=f32)
    rowstart = bstartf * TR
    rank0 = jnp.sum(jnp.where(m1, S, 0.0), axis=1, keepdims=True)
    rank1 = jnp.sum(jnp.where(m2, S, 0.0), axis=1, keepdims=True)
    rs0 = jnp.sum(jnp.where(m1, rowstart, 0.0), axis=1, keepdims=True)
    rs1 = jnp.sum(jnp.where(m2, rowstart, 0.0), axis=1, keepdims=True)
    pos0_ref[...] = (rs0 + rank0).astype(jnp.int32).reshape(T)
    pos1_ref[...] = (rs1 + rank1).astype(jnp.int32).reshape(T)
    endf = bstartf + blkf
    bif = lax.broadcasted_iota(jnp.int32, (NB, E), 0).astype(f32)
    ownerf = jnp.sum((endf <= bif).astype(f32), axis=1, keepdims=True)
    totalf = jnp.sum(blkf)
    lastf = jnp.sum((endf <= totalf - 1.0).astype(f32))
    bi1 = lax.broadcasted_iota(jnp.int32, (NB, 1), 0).astype(f32)
    bef = jnp.where(bi1 < totalf, ownerf, lastf)
    be_col = jnp.clip(bef, 0.0, float(E - 1))
    bx_col = jnp.minimum(bi1, totalf - 1.0)
    actf = (blkf > 0.0).astype(f32)
    arf = jnp.dot(actf, sut8, preferred_element_type=f32)
    nrunsf = jnp.sum(actf)
    bstart_le = (bstartf <= bif).astype(f32) * actf
    rid_col = jnp.maximum(
        jnp.sum(bstart_le, axis=1, keepdims=True) - 1.0, 0.0)
    fr_col = jnp.sum((bstartf == bif).astype(f32) * actf, axis=1,
                     keepdims=True)
    eids = lax.broadcasted_iota(jnp.int32, (RMAX, E), 1).astype(f32)
    rr = lax.broadcasted_iota(jnp.int32, (RMAX, E), 0).astype(f32)
    sel = (rr == arf).astype(f32) * actf
    rexraw = jnp.sum(eids * sel, axis=1, keepdims=True)
    lastact = jnp.sum(eids[0:1, :] * (arf == nrunsf - 1.0).astype(f32) * actf)
    ri1 = lax.broadcasted_iota(jnp.int32, (RMAX, 1), 0).astype(f32)
    rex_col = jnp.where(ri1 < nrunsf, rexraw, lastact)
    rex_pad = jnp.concatenate(
        [rex_col, jnp.zeros((NB - RMAX, 1), f32)], axis=0)
    nbnr_col = jnp.where(bi1 < 1.0, totalf,
                         jnp.where(bi1 < 2.0, nrunsf, 0.0))
    tab = jnp.concatenate(
        [be_col, bx_col, rid_col, fr_col, rex_pad, nbnr_col,
         jnp.zeros((NB, 2), f32)], axis=1)
    tab_ref[...] = tab.astype(jnp.int32)


def _route(flat, Wg, bg):
    out = pl.pallas_call(
        _route_body,
        out_shape=(
            jax.ShapeDtypeStruct((T,), jnp.int32),
            jax.ShapeDtypeStruct((T,), jnp.int32),
            jax.ShapeDtypeStruct((T,), jnp.float32),
            jax.ShapeDtypeStruct((T,), jnp.float32),
            jax.ShapeDtypeStruct((NB, 8), jnp.int32),
        ),
    )(flat, Wg, bg)
    return out


def _ffn_body(tab_ref, x_ref, w1_hbm, b1_ref, w2_hbm, b2_ref, ws_ref, o_ref,
              w1buf, w2buf, w1sem, w2sem):
    b = pl.program_id(0)
    nbv = tab_ref[0, 5]
    r = tab_ref[b, 2]
    par = lax.rem(r, 2)

    def w_copy(slot, e):
        c1 = pltpu.make_async_copy(w1_hbm.at[e], w1buf.at[slot],
                                   w1sem.at[slot])
        c2 = pltpu.make_async_copy(w2_hbm.at[e], w2buf.at[slot],
                                   w2sem.at[slot])
        return c1, c2

    @pl.when(b == 0)
    def _():
        for c in w_copy(0, tab_ref[0, 4]):
            c.start()

    @pl.when((b < nbv) & (tab_ref[b, 3] == 1))
    def _():
        @pl.when(r + 1 < tab_ref[1, 5])
        def _():
            for c in w_copy(lax.rem(r + 1, 2), tab_ref[r + 1, 4]):
                c.start()

        for c in w_copy(par, tab_ref[r, 4]):
            c.wait()

    @pl.when(b < nbv)
    def _():
        e = tab_ref[b, 0]
        oh = (lax.broadcasted_iota(jnp.int32, (1, E), 1) == e).astype(
            jnp.float32)
        b1r = jnp.dot(oh, b1_ref[...], preferred_element_type=jnp.float32)
        b2r = jnp.dot(oh, b2_ref[...], preferred_element_type=jnp.float32)
        x = x_ref[...].astype(jnp.bfloat16)
        w1 = w1buf[par].astype(jnp.bfloat16)
        h = jnp.dot(x, w1, preferred_element_type=jnp.float32)
        h = jax.nn.gelu(h + b1r)
        w2 = w2buf[par].astype(jnp.bfloat16)
        p = jnp.dot(h.astype(jnp.bfloat16), w2,
                    preferred_element_type=jnp.float32)
        o_ref[...] = (p + b2r) * ws_ref[...].reshape(TR, 1)


def _ffn(xs, ws, tab, W1, b1, W2, b2):
    grid_spec = pltpu.PrefetchScalarGridSpec(
        num_scalar_prefetch=1,
        grid=(NB,),
        in_specs=[
            pl.BlockSpec((TR, D), lambda b, tab: (tab[b, 1], 0)),
            pl.BlockSpec(memory_space=pl.ANY),
            pl.BlockSpec((E, F), lambda b, tab: (0, 0)),
            pl.BlockSpec(memory_space=pl.ANY),
            pl.BlockSpec((E, D), lambda b, tab: (0, 0)),
            pl.BlockSpec((TR,), lambda b, tab: (tab[b, 1],)),
        ],
        out_specs=pl.BlockSpec((TR, D), lambda b, tab: (tab[b, 1], 0)),
        scratch_shapes=[
            pltpu.VMEM((2, D, F), jnp.float32),
            pltpu.VMEM((2, F, D), jnp.float32),
            pltpu.SemaphoreType.DMA((2,)),
            pltpu.SemaphoreType.DMA((2,)),
        ],
    )
    return pl.pallas_call(
        _ffn_body,
        grid_spec=grid_spec,
        out_shape=jax.ShapeDtypeStruct((RPAD, D), jnp.float32),
        compiler_params=pltpu.CompilerParams(
            dimension_semantics=("arbitrary",),
            vmem_limit_bytes=100 * 1024 * 1024),
    )(tab, xs, W1, b1, W2, b2, ws)


def _dispatch(flat, pos0, pos1, w0, w1):
    mesh = plsc.VectorSubcoreMesh(core_axis_name="c", subcore_axis_name="s")

    @functools.partial(
        pl.kernel,
        out_type=(
            jax.ShapeDtypeStruct((RPAD, D), jnp.float32),
            jax.ShapeDtypeStruct((RPAD,), jnp.float32),
        ),
        mesh=mesh,
        scratch_types=[
            pltpu.VMEM((CT, D), jnp.float32),
            pltpu.VMEM((CT,), jnp.int32),
            pltpu.VMEM((CT,), jnp.int32),
            pltpu.VMEM((T,), jnp.int32),
            pltpu.VMEM((T,), jnp.int32),
            pltpu.VMEM((T,), jnp.float32),
            pltpu.VMEM((T,), jnp.float32),
            pltpu.VMEM((RPAD,), jnp.float32),
            pltpu.SemaphoreType.DMA,
            pltpu.SemaphoreType.DMA,
        ],
        compiler_params=pltpu.CompilerParams(needs_layout_passes=False),
    )
    def k(flat_hbm, p0_hbm, p1_hbm, w0_hbm, w1_hbm, xs_hbm, ws_hbm,
          rows_v, i0_v, i1_v, p0_v, p1_v, w0_v, w1_v, ws_v, sem0, sem1):
        nc = plsc.get_sparse_core_info().num_cores
        wid = lax.axis_index("s") * nc + lax.axis_index("c")
        t0 = wid * CT
        pltpu.sync_copy(flat_hbm.at[pl.ds(t0, CT)], rows_v)
        pltpu.sync_copy(p0_hbm.at[pl.ds(t0, CT)], i0_v)
        pltpu.sync_copy(p1_hbm.at[pl.ds(t0, CT)], i1_v)
        c0 = pltpu.async_copy(rows_v, xs_hbm.at[i0_v], sem0)
        c1 = pltpu.async_copy(rows_v, xs_hbm.at[i1_v], sem1)

        @pl.when(wid == 0)
        def _():
            pltpu.sync_copy(p0_hbm, p0_v)
            pltpu.sync_copy(p1_hbm, p1_v)
            pltpu.sync_copy(w0_hbm, w0_v)
            pltpu.sync_copy(w1_hbm, w1_v)

            def body(i, carry):
                s = i * 16
                plsc.store_scatter(ws_v, [p0_v[pl.ds(s, 16)]],
                                   w0_v[pl.ds(s, 16)])
                plsc.store_scatter(ws_v, [p1_v[pl.ds(s, 16)]],
                                   w1_v[pl.ds(s, 16)])
                return carry

            lax.fori_loop(0, T // 16, body, 0)
            pltpu.sync_copy(ws_v, ws_hbm)

        c0.wait()
        c1.wait()

    return k(flat, pos0, pos1, w0, w1)


def _combine(ys, pos0, pos1):
    mesh = plsc.VectorSubcoreMesh(core_axis_name="c", subcore_axis_name="s")

    @functools.partial(
        pl.kernel,
        out_type=jax.ShapeDtypeStruct((T, D), jnp.float32),
        mesh=mesh,
        scratch_types=[
            pltpu.VMEM((CT, D), jnp.float32),
            pltpu.VMEM((CT, D), jnp.float32),
            pltpu.VMEM((CT,), jnp.int32),
            pltpu.VMEM((CT,), jnp.int32),
            pltpu.SemaphoreType.DMA((2,)),
            pltpu.SemaphoreType.DMA((2,)),
        ],
    )
    def k(ys_hbm, p0_hbm, p1_hbm, out_hbm, r0_v, r1_v, i0_v, i1_v, sem0, sem1):
        nc = plsc.get_sparse_core_info().num_cores
        wid = lax.axis_index("s") * nc + lax.axis_index("c")
        t0 = wid * CT
        hc = CT // 2
        pltpu.sync_copy(p0_hbm.at[pl.ds(t0, CT)], i0_v)
        pltpu.sync_copy(p1_hbm.at[pl.ds(t0, CT)], i1_v)
        copies = []
        for c in range(2):
            sl = pl.ds(c * hc, hc)
            copies.append(pltpu.async_copy(
                ys_hbm.at[i0_v.at[sl]], r0_v.at[sl], sem0.at[c]))
            copies.append(pltpu.async_copy(
                ys_hbm.at[i1_v.at[sl]], r1_v.at[sl], sem1.at[c]))
        for c in range(2):
            copies[2 * c].wait()
            copies[2 * c + 1].wait()

            def body(i, carry):
                for j in range(D // 16):
                    sl2 = pl.ds(j * 16, 16)
                    r0_v[i, sl2] = r0_v[i, sl2] + r1_v[i, sl2]
                return carry

            lax.fori_loop(c * hc, (c + 1) * hc, body, 0)
            pltpu.sync_copy(r0_v.at[pl.ds(c * hc, hc)],
                            out_hbm.at[pl.ds(t0 + c * hc, hc)])

    return k(ys, pos0, pos1)


def kernel(x, Wg, bg, W1, b1, W2, b2):
    B, S, Dm = x.shape
    flat = x.reshape(B * S, Dm)
    pos0, pos1, w0, w1, tab = _route(flat, Wg, bg)
    xs, ws = _dispatch(flat, pos0, pos1, w0, w1)
    ys = _ffn(xs, ws, tab, W1, b1, W2, b2)
    out = _combine(ys, pos0, pos1)
    return out.reshape(B, S, Dm)

# --- scband reference (transcript-rebuilt; emitter-appended) ---
"""Pipeline reference for scband-mixture-of-experts-74629351735467 (READ-ONLY COPY).

The authoritative reference and input builder live on the scoring server;
editing this copy changes nothing except your own understanding.
"""

import jax, jax.numpy as jnp
import numpy as np

TOP_K = 2

def setup_inputs(seed: int = 0) -> dict:
    key = jax.random.key(seed)
    ks = jax.random.split(key, 8)
    B, S, D, F, E = 1, 2048, 768, 3072, 8
    x = jax.random.normal(ks[0], (B, S, D), dtype=jnp.float32)
    Wg = jax.random.normal(ks[1], (D, E), dtype=jnp.float32) * 0.02
    bg = jnp.zeros((E,), dtype=jnp.float32)
    W1 = jax.random.normal(ks[2], (E, D, F), dtype=jnp.float32) * 0.02
    b1 = jnp.zeros((E, F), dtype=jnp.float32)
    W2 = jax.random.normal(ks[3], (E, F, D), dtype=jnp.float32) * 0.02
    b2 = jnp.zeros((E, D), dtype=jnp.float32)
    return {"x": x, "Wg": Wg, "bg": bg, "W1": W1, "b1": b1, "W2": W2, "b2": b2}

def reference(x, Wg, bg, W1, b1, W2, b2):
    # Eval-mode forward of MixtureOfExperts with linear gating, top_k=2, FFN experts,
    # no jitter noise, no token dropping (drop_tokens=False), no residual connection.
    B, S, D = x.shape
    E = Wg.shape[1]
    flat = x.reshape(B * S, D)                      # [T, D]
    logits = flat @ Wg + bg                         # [T, E]
    probs = jax.nn.softmax(logits, axis=-1)         # [T, E]
    vals, idx = jax.lax.top_k(probs, TOP_K)         # [T, k], [T, k]
    w = vals / jnp.sum(vals, axis=-1, keepdims=True)  # renormalized top-k weights
    combine = jnp.sum(jax.nn.one_hot(idx, E, dtype=flat.dtype) * w[..., None], axis=1)  # [T, E]
    # Expert FFNs: y_e = gelu(x @ W1_e + b1_e) @ W2_e + b2_e
    h = jax.nn.gelu(jnp.einsum('td,edf->tef', flat, W1) + b1)   # [T, E, F]
    eo = jnp.einsum('tef,efd->ted', h, W2) + b2                 # [T, E, D]
    out = jnp.einsum('ted,te->td', eo, combine)                 # [T, D]
    return out.reshape(B, S, D)

if __name__ == "__main__":
    import jax
    _d = setup_inputs()
    print(jax.jit(kernel)(*tuple(_d.values())))

</pallas_src>

<mosaic_0001>
#map = affine_map<(d0, d1) -> (0, 0)>
#map1 = affine_map<(d0, d1) -> (0)>
module attributes {stable_mosaic.version = 14 : i64} {
  func.func @k(%arg0: i32, %arg1: i32, %arg2: memref<6144x768xf32, #tpu.memory_space<hbm>>, %arg3: memref<2048xi32, #tpu.memory_space<hbm>>, %arg4: memref<2048xi32, #tpu.memory_space<hbm>>, %arg5: memref<2048x768xf32, #tpu.memory_space<hbm>>, %arg6: memref<64x768xf32, #tpu.memory_space<vmem>>, %arg7: memref<64x768xf32, #tpu.memory_space<vmem>>, %arg8: memref<64xi32, #tpu.memory_space<vmem>>, %arg9: memref<64xi32, #tpu.memory_space<vmem>>, %arg10: memref<2x!tpu.dma_semaphore, #tpu.memory_space<semaphore_mem>>, %arg11: memref<2x!tpu.dma_semaphore, #tpu.memory_space<semaphore_mem>>) attributes {dimension_semantics = [#tpu.dimension_semantics<core_parallel>, #tpu.dimension_semantics<subcore_parallel>], iteration_bounds = array<i64: 2, 16>, scalar_prefetch = 0 : i64, scratch_operands = 6 : i64, tpu.core_type = #tpu.core_type<sc_vector_subcore>, window_params = [{transform_indices = #map}, {transform_indices = #map1}, {transform_indices = #map1}, {transform_indices = #map}]} {
    %mul3A = arith.constant 2 : i32
    %mul3A_0 = arith.muli %arg1, %mul3A : i32
    %add3A = arith.addi %mul3A_0, %arg0 : i32
    %mul3A_1 = arith.constant 64 : i32
    %mul3A_2 = arith.muli %add3A, %mul3A_1 : i32
    "tpu.region"() ({
      %run_scoped3A = tpu.sem_alloc : memref<!tpu.dma_semaphore, #tpu.memory_space<semaphore_mem>>
      %dma_start3A_104 = tpu.memref_slice %arg3[%mul3A_2] : memref<2048xi32, #tpu.memory_space<hbm>> -> memref<64xi32, #tpu.memory_space<hbm>>
      %dma_start3A_105 = tpu.memref_slice %arg3[%mul3A_2] : memref<2048xi32, #tpu.memory_space<hbm>> -> memref<64xi32, #tpu.memory_space<hbm>>
      tpu.enqueue_dma source(%dma_start3A_105 : memref<64xi32, #tpu.memory_space<hbm>>) target(%arg8 : memref<64xi32, #tpu.memory_space<vmem>>) target_semaphore(%run_scoped3A : memref<!tpu.dma_semaphore, #tpu.memory_space<semaphore_mem>>)
      %dma_wait3A_106 = tpu.memref_slice %arg3[%mul3A_2] : memref<2048xi32, #tpu.memory_space<hbm>> -> memref<64xi32, #tpu.memory_space<hbm>>
      %dma_wait3A_107 = tpu.memref_slice %arg3[%mul3A_2] : memref<2048xi32, #tpu.memory_space<hbm>> -> memref<64xi32, #tpu.memory_space<hbm>>
      tpu.wait_dma2 semaphore(%run_scoped3A : memref<!tpu.dma_semaphore, #tpu.memory_space<semaphore_mem>>) src(%dma_wait3A_107 : memref<64xi32, #tpu.memory_space<hbm>>) dst(%arg8 : memref<64xi32, #tpu.memory_space<vmem>>)
      tpu.yield
    }) : () -> ()
    "tpu.region"() ({
      %run_scoped3A = tpu.sem_alloc : memref<!tpu.dma_semaphore, #tpu.memory_space<semaphore_mem>>
      %dma_start3A_104 = tpu.memref_slice %arg4[%mul3A_2] : memref<2048xi32, #tpu.memory_space<hbm>> -> memref<64xi32, #tpu.memory_space<hbm>>
      %dma_start3A_105 = tpu.memref_slice %arg4[%mul3A_2] : memref<2048xi32, #tpu.memory_space<hbm>> -> memref<64xi32, #tpu.memory_space<hbm>>
      tpu.enqueue_dma source(%dma_start3A_105 : memref<64xi32, #tpu.memory_space<hbm>>) target(%arg9 : memref<64xi32, #tpu.memory_space<vmem>>) target_semaphore(%run_scoped3A : memref<!tpu.dma_semaphore, #tpu.memory_space<semaphore_mem>>)
      %dma_wait3A_106 = tpu.memref_slice %arg4[%mul3A_2] : memref<2048xi32, #tpu.memory_space<hbm>> -> memref<64xi32, #tpu.memory_space<hbm>>
      %dma_wait3A_107 = tpu.memref_slice %arg4[%mul3A_2] : memref<2048xi32, #tpu.memory_space<hbm>> -> memref<64xi32, #tpu.memory_space<hbm>>
      tpu.wait_dma2 semaphore(%run_scoped3A : memref<!tpu.dma_semaphore, #tpu.memory_space<semaphore_mem>>) src(%dma_wait3A_107 : memref<64xi32, #tpu.memory_space<hbm>>) dst(%arg9 : memref<64xi32, #tpu.memory_space<vmem>>)
      tpu.yield
    }) : () -> ()
    %dma_start3A = arith.constant 0 : i32
    %dma_start3A_3 = arith.constant 0 : i32
    %dma_start3A_4 = arith.constant 0 : i32
    %dma_start3A_5 = tpu.memref_slice %arg6[%dma_start3A_3, %dma_start3A_4] : memref<64x768xf32, #tpu.memory_space<vmem>> -> memref<32x768xf32, #tpu.memory_space<vmem>>
    %dma_start3A_6 = arith.constant 0 : i32
    %dma_start3A_7 = tpu.memref_slice %arg8[%dma_start3A_6] : memref<64xi32, #tpu.memory_space<vmem>> -> memref<32xi32, #tpu.memory_space<vmem>>
    %dma_start3A_8 = arith.constant 0 : i32
    %dma_start3A_9 = arith.constant 0 : i32
    %dma_start3A_10 = tpu.memref_slice %arg2[%dma_start3A_8, %dma_start3A_9] : memref<6144x768xf32, #tpu.memory_space<hbm>> -> memref<6144x768xf32, #tpu.memory_space<hbm>>
    %dma_start3A_11 = tpu.memref_slice %arg10[%dma_start3A] : memref<2x!tpu.dma_semaphore, #tpu.memory_space<semaphore_mem>> -> memref<1x!tpu.dma_semaphore, #tpu.memory_space<semaphore_mem>>
    %dma_start3A_12 = tpu.memref_squeeze %dma_start3A_11 : memref<1x!tpu.dma_semaphore, #tpu.memory_space<semaphore_mem>> -> memref<!tpu.dma_semaphore, #tpu.memory_space<semaphore_mem>>
    tpu.enqueue_indirect_dma source(%dma_start3A_10 : memref<6144x768xf32, #tpu.memory_space<hbm>>) target(%dma_start3A_5 : memref<32x768xf32, #tpu.memory_space<vmem>>) offsets(%dma_start3A_7 : memref<32xi32, #tpu.memory_space<vmem>>) semaphore(%dma_start3A_12 : memref<!tpu.dma_semaphore, #tpu.memory_space<semaphore_mem>>)
    %dma_start3A_13 = arith.constant 0 : i32
    %dma_start3A_14 = arith.constant 0 : i32
    %dma_start3A_15 = arith.constant 0 : i32
    %dma_start3A_16 = tpu.memref_slice %arg7[%dma_start3A_14, %dma_start3A_15] : memref<64x768xf32, #tpu.memory_space<vmem>> -> memref<32x768xf32, #tpu.memory_space<vmem>>
    %dma_start3A_17 = arith.constant 0 : i32
    %dma_start3A_18 = tpu.memref_slice %arg9[%dma_start3A_17] : memref<64xi32, #tpu.memory_space<vmem>> -> memref<32xi32, #tpu.memory_space<vmem>>
    %dma_start3A_19 = arith.constant 0 : i32
    %dma_start3A_20 = arith.constant 0 : i32
    %dma_start3A_21 = tpu.memref_slice %arg2[%dma_start3A_19, %dma_start3A_20] : memref<6144x768xf32, #tpu.memory_space<hbm>> -> memref<6144x768xf32, #tpu.memory_space<hbm>>
    %dma_start3A_22 = tpu.memref_slice %arg11[%dma_start3A_13] : memref<2x!tpu.dma_semaphore, #tpu.memory_space<semaphore_mem>> -> memref<1x!tpu.dma_semaphore, #tpu.memory_space<semaphore_mem>>
    %dma_start3A_23 = tpu.memref_squeeze %dma_start3A_22 : memref<1x!tpu.dma_semaphore, #tpu.memory_space<semaphore_mem>> -> memref<!tpu.dma_semaphore, #tpu.memory_space<semaphore_mem>>
    tpu.enqueue_indirect_dma source(%dma_start3A_21 : memref<6144x768xf32, #tpu.memory_space<hbm>>) target(%dma_start3A_16 : memref<32x768xf32, #tpu.memory_space<vmem>>) offsets(%dma_start3A_18 : memref<32xi32, #tpu.memory_space<vmem>>) semaphore(%dma_start3A_23 : memref<!tpu.dma_semaphore, #tpu.memory_space<semaphore_mem>>)
    %dma_start3A_24 = arith.constant 1 : i32
    %dma_start3A_25 = arith.constant 32 : i32
    %dma_start3A_26 = arith.constant 0 : i32
    %dma_start3A_27 = tpu.memref_slice %arg6[%dma_start3A_25, %dma_start3A_26] : memref<64x768xf32, #tpu.memory_space<vmem>> -> memref<32x768xf32, #tpu.memory_space<vmem>>
    %dma_start3A_28 = arith.constant 32 : i32
    %dma_start3A_29 = tpu.memref_slice %arg8[%dma_start3A_28] : memref<64xi32, #tpu.memory_space<vmem>> -> memref<32xi32, #tpu.memory_space<vmem>>
    %dma_start3A_30 = arith.constant 0 : i32
    %dma_start3A_31 = arith.constant 0 : i32
    %dma_start3A_32 = tpu.memref_slice %arg2[%dma_start3A_30, %dma_start3A_31] : memref<6144x768xf32, #tpu.memory_space<hbm>> -> memref<6144x768xf32, #tpu.memory_space<hbm>>
    %dma_start3A_33 = tpu.memref_slice %arg10[%dma_start3A_24] : memref<2x!tpu.dma_semaphore, #tpu.memory_space<semaphore_mem>> -> memref<1x!tpu.dma_semaphore, #tpu.memory_space<semaphore_mem>>
    %dma_start3A_34 = tpu.memref_squeeze %dma_start3A_33 : memref<1x!tpu.dma_semaphore, #tpu.memory_space<semaphore_mem>> -> memref<!tpu.dma_semaphore, #tpu.memory_space<semaphore_mem>>
    tpu.enqueue_indirect_dma source(%dma_start3A_32 : memref<6144x768xf32, #tpu.memory_space<hbm>>) target(%dma_start3A_27 : memref<32x768xf32, #tpu.memory_space<vmem>>) offsets(%dma_start3A_29 : memref<32xi32, #tpu.memory_space<vmem>>) semaphore(%dma_start3A_34 : memref<!tpu.dma_semaphore, #tpu.memory_space<semaphore_mem>>)
    %dma_start3A_35 = arith.constant 1 : i32
    %dma_start3A_36 = arith.constant 32 : i32
    %dma_start3A_37 = arith.constant 0 : i32
    %dma_start3A_38 = tpu.memref_slice %arg7[%dma_start3A_36, %dma_start3A_37] : memref<64x768xf32, #tpu.memory_space<vmem>> -> memref<32x768xf32, #tpu.memory_space<vmem>>
    %dma_start3A_39 = arith.constant 32 : i32
    %dma_start3A_40 = tpu.memref_slice %arg9[%dma_start3A_39] : memref<64xi32, #tpu.memory_space<vmem>> -> memref<32xi32, #tpu.memory_space<vmem>>
    %dma_start3A_41 = arith.constant 0 : i32
    %dma_start3A_42 = arith.constant 0 : i32
    %dma_start3A_43 = tpu.memref_slice %arg2[%dma_start3A_41, %dma_start3A_42] : memref<6144x768xf32, #tpu.memory_space<hbm>> -> memref<6144x768xf32, #tpu.memory_space<hbm>>
    %dma_start3A_44 = tpu.memref_slice %arg11[%dma_start3A_35] : memref<2x!tpu.dma_semaphore, #tpu.memory_space<semaphore_mem>> -> memref<1x!tpu.dma_semaphore, #tpu.memory_space<semaphore_mem>>
    %dma_start3A_45 = tpu.memref_squeeze %dma_start3A_44 : memref<1x!tpu.dma_semaphore, #tpu.memory_space<semaphore_mem>> -> memref<!tpu.dma_semaphore, #tpu.memory_space<semaphore_mem>>
    tpu.enqueue_indirect_dma source(%dma_start3A_43 : memref<6144x768xf32, #tpu.memory_space<hbm>>) target(%dma_start3A_38 : memref<32x768xf32, #tpu.memory_space<vmem>>) offsets(%dma_start3A_40 : memref<32xi32, #tpu.memory_space<vmem>>) semaphore(%dma_start3A_45 : memref<!tpu.dma_semaphore, #tpu.memory_space<semaphore_mem>>)
    %dma_wait3A = arith.constant 0 : i32
    %dma_wait3A_46 = arith.constant 0 : i32
    %dma_wait3A_47 = arith.constant 0 : i32
    %dma_wait3A_48 = tpu.memref_slice %arg6[%dma_wait3A_46, %dma_wait3A_47] : memref<64x768xf32, #tpu.memory_space<vmem>> -> memref<32x768xf32, #tpu.memory_space<vmem>>
    %dma_wait3A_49 = arith.constant 0 : i32
    %dma_wait3A_50 = tpu.memref_slice %arg8[%dma_wait3A_49] : memref<64xi32, #tpu.memory_space<vmem>> -> memref<32xi32, #tpu.memory_space<vmem>>
    %dma_wait3A_51 = arith.constant 0 : i32
    %dma_wait3A_52 = arith.constant 0 : i32
    %dma_wait3A_53 = tpu.memref_slice %arg2[%dma_wait3A_51, %dma_wait3A_52] : memref<6144x768xf32, #tpu.memory_space<hbm>> -> memref<6144x768xf32, #tpu.memory_space<hbm>>
    %dma_wait3A_54 = tpu.memref_slice %arg10[%dma_wait3A] : memref<2x!tpu.dma_semaphore, #tpu.memory_space<semaphore_mem>> -> memref<1x!tpu.dma_semaphore, #tpu.memory_space<semaphore_mem>>
    %dma_wait3A_55 = tpu.memref_squeeze %dma_wait3A_54 : memref<1x!tpu.dma_semaphore, #tpu.memory_space<semaphore_mem>> -> memref<!tpu.dma_semaphore, #tpu.memory_space<semaphore_mem>>
    tpu.wait_indirect_dma semaphore(%dma_wait3A_55 : memref<!tpu.dma_semaphore, #tpu.memory_space<semaphore_mem>>) src(%dma_wait3A_53 : memref<6144x768xf32, #tpu.memory_space<hbm>>) dst(%dma_wait3A_48 : memref<32x768xf32, #tpu.memory_space<vmem>>)
    %dma_wait3A_56 = arith.constant 0 : i32
    %dma_wait3A_57 = arith.constant 0 : i32
    %dma_wait3A_58 = arith.constant 0 : i32
    %dma_wait3A_59 = tpu.memref_slice %arg7[%dma_wait3A_57, %dma_wait3A_58] : memref<64x768xf32, #tpu.memory_space<vmem>> -> memref<32x768xf32, #tpu.memory_space<vmem>>
    %dma_wait3A_60 = arith.constant 0 : i32
    %dma_wait3A_61 = tpu.memref_slice %arg9[%dma_wait3A_60] : memref<64xi32, #tpu.memory_space<vmem>> -> memref<32xi32, #tpu.memory_space<vmem>>
    %dma_wait3A_62 = arith.constant 0 : i32
    %dma_wait3A_63 = arith.constant 0 : i32
    %dma_wait3A_64 = tpu.memref_slice %arg2[%dma_wait3A_62, %dma_wait3A_63] : memref<6144x768xf32, #tpu.memory_space<hbm>> -> memref<6144x768xf32, #tpu.memory_space<hbm>>
    %dma_wait3A_65 = tpu.memref_slice %arg11[%dma_wait3A_56] : memref<2x!tpu.dma_semaphore, #tpu.memory_space<semaphore_mem>> -> memref<1x!tpu.dma_semaphore, #tpu.memory_space<semaphore_mem>>
    %dma_wait3A_66 = tpu.memref_squeeze %dma_wait3A_65 : memref<1x!tpu.dma_semaphore, #tpu.memory_space<semaphore_mem>> -> memref<!tpu.dma_semaphore, #tpu.memory_space<semaphore_mem>>
    tpu.wait_indirect_dma semaphore(%dma_wait3A_66 : memref<!tpu.dma_semaphore, #tpu.memory_space<semaphore_mem>>) src(%dma_wait3A_64 : memref<6144x768xf32, #tpu.memory_space<hbm>>) dst(%dma_wait3A_59 : memref<32x768xf32, #tpu.memory_space<vmem>>)
    %scan3A = arith.constant 0 : i32
    %scan3A_67 = arith.constant 0 : i32
    %scan3A_68 = arith.constant 32 : i32
    %scan3A_69 = arith.addi %scan3A_67, %scan3A_68 : i32
    %scan3A_70 = arith.constant 1 : i32
    scf.for %scan3A_104 = %scan3A_67 to %scan3A_69 step %scan3A_70  : i32 {
      %get3A = arith.index_cast %scan3A_104 : i32 to index
      %get3A_105 = arith.constant 0 : index
      %get3A_106 = tpu.vector_load %arg6[%get3A, %get3A_105] {strides = array<i32>} : memref<64x768xf32, #tpu.memory_space<vmem>>, vector<1x16xf32>,
      %get3A_107 = vector.shape_cast %get3A_106 : vector<1x16xf32> to vector<16xf32>
      %get3A_108 = arith.index_cast %scan3A_104 : i32 to index
      %get3A_109 = arith.constant 0 : index
      %get3A_110 = tpu.vector_load %arg7[%get3A_108, %get3A_109] {strides = array<i32>} : memref<64x768xf32, #tpu.memory_space<vmem>>, vector<1x16xf32>,
      %get3A_111 = vector.shape_cast %get3A_110 : vector<1x16xf32> to vector<16xf32>
      %add3A_112 = arith.addf %get3A_107, %get3A_111 : vector<16xf32>
      %swap3A = arith.index_cast %scan3A_104 : i32 to index
      %swap3A_113 = arith.constant 0 : index
      %swap3A_114 = tpu.vector_load %arg6[%swap3A, %swap3A_113] {strides = array<i32>} : memref<64x768xf32, #tpu.memory_space<vmem>>, vector<1x16xf32>,
      %swap3A_115 = vector.shape_cast %swap3A_114 : vector<1x16xf32> to vector<16xf32>
      %swap3A_116 = vector.shape_cast %add3A_112 : vector<16xf32> to vector<1x16xf32>
      tpu.vector_store %arg6[%swap3A, %swap3A_113], %swap3A_116 {strides = array<i32>} : memref<64x768xf32, #tpu.memory_space<vmem>>, vector<1x16xf32>,
      %get3A_117 = arith.index_cast %scan3A_104 : i32 to index
      %get3A_118 = arith.constant 16 : index
      %get3A_119 = tpu.vector_load %arg6[%get3A_117, %get3A_118] {strides = array<i32>} : memref<64x768xf32, #tpu.memory_space<vmem>>, vector<1x16xf32>,
      %get3A_120 = vector.shape_cast %get3A_119 : vector<1x16xf32> to vector<16xf32>
      %get3A_121 = arith.index_cast %scan3A_104 : i32 to index
      %get3A_122 = arith.constant 16 : index
      %get3A_123 = tpu.vector_load %arg7[%get3A_121, %get3A_122] {strides = array<i32>} : memref<64x768xf32, #tpu.memory_space<vmem>>, vector<1x16xf32>,
      %get3A_124 = vector.shape_cast %get3A_123 : vector<1x16xf32> to vector<16xf32>
      %add3A_125 = arith.addf %get3A_120, %get3A_124 : vector<16xf32>
      %swap3A_126 = arith.index_cast %scan3A_104 : i32 to index
      %swap3A_127 = arith.constant 16 : index
      %swap3A_128 = tpu.vector_load %arg6[%swap3A_126, %swap3A_127] {strides = array<i32>} : memref<64x768xf32, #tpu.memory_space<vmem>>, vector<1x16xf32>,
      %swap3A_129 = vector.shape_cast %swap3A_128 : vector<1x16xf32> to vector<16xf32>
      %swap3A_130 = vector.shape_cast %add3A_125 : vector<16xf32> to vector<1x16xf32>
      tpu.vector_store %arg6[%swap3A_126, %swap3A_127], %swap3A_130 {strides = array<i32>} : memref<64x768xf32, #tpu.memory_space<vmem>>, vector<1x16xf32>,
      %get3A_131 = arith.index_cast %scan3A_104 : i32 to index
      %get3A_132 = arith.constant 32 : index
      %get3A_133 = tpu.vector_load %arg6[%get3A_131, %get3A_132] {strides = array<i32>} : memref<64x768xf32, #tpu.memory_space<vmem>>, vector<1x16xf32>,
      %get3A_134 = vector.shape_cast %get3A_133 : vector<1x16xf32> to vector<16xf32>
      %get3A_135 = arith.index_cast %scan3A_104 : i32 to index
      %get3A_136 = arith.constant 32 : index
      %get3A_137 = tpu.vector_load %arg7[%get3A_135, %get3A_136] {strides = array<i32>} : memref<64x768xf32, #tpu.memory_space<vmem>>, vector<1x16xf32>,
      %get3A_138 = vector.shape_cast %get3A_137 : vector<1x16xf32> to vector<16xf32>
      %add3A_139 = arith.addf %get3A_134, %get3A_138 : vector<16xf32>
      %swap3A_140 = arith.index_cast %scan3A_104 : i32 to index
      %swap3A_141 = arith.constant 32 : index
      %swap3A_142 = tpu.vector_load %arg6[%swap3A_140, %swap3A_141] {strides = array<i32>} : memref<64x768xf32, #tpu.memory_space<vmem>>, vector<1x16xf32>,
      %swap3A_143 = vector.shape_cast %swap3A_142 : vector<1x16xf32> to vector<16xf32>
      %swap3A_144 = vector.shape_cast %add3A_139 : vector<16xf32> to vector<1x16xf32>
      tpu.vector_store %arg6[%swap3A_140, %swap3A_141], %swap3A_144 {strides = array<i32>} : memref<64x768xf32, #tpu.memory_space<vmem>>, vector<1x16xf32>,
      %get3A_145 = arith.index_cast %scan3A_104 : i32 to index
      %get3A_146 = arith.constant 48 : index
      %get3A_147 = tpu.vector_load %arg6[%get3A_145, %get3A_146] {strides = array<i32>} : memref<64x768xf32, #tpu.memory_space<vmem>>, vector<1x16xf32>,
      %get3A_148 = vector.shape_cast %get3A_147 : vector<1x16xf32> to vector<16xf32>
      %get3A_149 = arith.index_cast %scan3A_104 : i32 to index
      %get3A_150 = arith.constant 48 : index
      %get3A_151 = tpu.vector_load %arg7[%get3A_149, %get3A_150] {strides = array<i32>} : memref<64x768xf32, #tpu.memory_space<vmem>>, vector<1x16xf32>,
      %get3A_152 = vector.shape_cast %get3A_151 : vector<1x16xf32> to vector<16xf32>
      %add3A_153 = arith.addf %get3A_148, %get3A_152 : vector<16xf32>
      %swap3A_154 = arith.index_cast %scan3A_104 : i32 to index
      %swap3A_155 = arith.constant 48 : index
      %swap3A_156 = tpu.vector_load %arg6[%swap3A_154, %swap3A_155] {strides = array<i32>} : memref<64x768xf32, #tpu.memory_space<vmem>>, vector<1x16xf32>,
      %swap3A_157 = vector.shape_cast %swap3A_156 : vector<1x16xf32> to vector<16xf32>
      %swap3A_158 = vector.shape_cast %add3A_153 : vector<16xf32> to vector<1x16xf32>
      tpu.vector_store %arg6[%swap3A_154, %swap3A_155], %swap3A_158 {strides = array<i32>} : memref<64x768xf32, #tpu.memory_space<vmem>>, vector<1x16xf32>,
      %get3A_159 = arith.index_cast %scan3A_104 : i32 to index
      %get3A_160 = arith.constant 64 : index
      %get3A_161 = tpu.vector_load %arg6[%get3A_159, %get3A_160] {strides = array<i32>} : memref<64x768xf32, #tpu.memory_space<vmem>>, vector<1x16xf32>,
      %get3A_162 = vector.shape_cast %get3A_161 : vector<1x16xf32> to vector<16xf32>
      %get3A_163 = arith.index_cast %scan3A_104 : i32 to index
      %get3A_164 = arith.constant 64 : index
      %get3A_165 = tpu.vector_load %arg7[%get3A_163, %get3A_164] {strides = array<i32>} : memref<64x768xf32, #tpu.memory_space<vmem>>, vector<1x16xf32>,
      %get3A_166 = vector.shape_cast %get3A_165 : vector<1x16xf32> to vector<16xf32>
      %add3A_167 = arith.addf %get3A_162, %get3A_166 : vector<16xf32>
      %swap3A_168 = arith.index_cast %scan3A_104 : i32 to index
      %swap3A_169 = arith.constant 64 : index
      %swap3A_170 = tpu.vector_load %arg6[%swap3A_168, %swap3A_169] {strides = array<i32>} : memref<64x768xf32, #tpu.memory_space<vmem>>, vector<1x16xf32>,
      %swap3A_171 = vector.shape_cast %swap3A_170 : vector<1x16xf32> to vector<16xf32>
      %swap3A_172 = vector.shape_cast %add3A_167 : vector<16xf32> to vector<1x16xf32>
      tpu.vector_store %arg6[%swap3A_168, %swap3A_169], %swap3A_172 {strides = array<i32>} : memref<64x768xf32, #tpu.memory_space<vmem>>, vector<1x16xf32>,
      %get3A_173 = arith.index_cast %scan3A_104 : i32 to index
      %get3A_174 = arith.constant 80 : index
      %get3A_175 = tpu.vector_load %arg6[%get3A_173, %get3A_174] {strides = array<i32>} : memref<64x768xf32, #tpu.memory_space<vmem>>, vector<1x16xf32>,
      %get3A_176 = vector.shape_cast %get3A_175 : vector<1x16xf32> to vector<16xf32>
      %get3A_177 = arith.index_cast %scan3A_104 : i32 to index
      %get3A_178 = arith.constant 80 : index
      %get3A_179 = tpu.vector_load %arg7[%get3A_177, %get3A_178] {strides = array<i32>} : memref<64x768xf32, #tpu.memory_space<vmem>>, vector<1x16xf32>,
      %get3A_180 = vector.shape_cast %get3A_179 : vector<1x16xf32> to vector<16xf32>
      %add3A_181 = arith.addf %get3A_176, %get3A_180 : vector<16xf32>
      %swap3A_182 = arith.index_cast %scan3A_104 : i32 to index
      %swap3A_183 = arith.constant 80 : index
      %swap3A_184 = tpu.vector_load %arg6[%swap3A_182, %swap3A_183] {strides = array<i32>} : memref<64x768xf32, #tpu.memory_space<vmem>>, vector<1x16xf32>,
      %swap3A_185 = vector.shape_cast %swap3A_184 : vector<1x16xf32> to vector<16xf32>
      %swap3A_186 = vector.shape_cast %add3A_181 : vector<16xf32> to vector<1x16xf32>
      tpu.vector_store %arg6[%swap3A_182, %swap3A_183], %swap3A_186 {strides = array<i32>} : memref<64x768xf32, #tpu.memory_space<vmem>>, vector<1x16xf32>,
      %get3A_187 = arith.index_cast %scan3A_104 : i32 to index
      %get3A_188 = arith.constant 96 : index
      %get3A_189 = tpu.vector_load %arg6[%get3A_187, %get3A_188] {strides = array<i32>} : memref<64x768xf32, #tpu.memory_space<vmem>>, vector<1x16xf32>,
      %get3A_190 = vector.shape_cast %get3A_189 : vector<1x16xf32> to vector<16xf32>
      %get3A_191 = arith.index_cast %scan3A_104 : i32 to index
      %get3A_192 = arith.constant 96 : index
      %get3A_193 = tpu.vector_load %arg7[%get3A_191, %get3A_192] {strides = array<i32>} : memref<64x768xf32, #tpu.memory_space<vmem>>, vector<1x16xf32>,
      %get3A_194 = vector.shape_cast %get3A_193 : vector<1x16xf32> to vector<16xf32>
      %add3A_195 = arith.addf %get3A_190, %get3A_194 : vector<16xf32>
      %swap3A_196 = arith.index_cast %scan3A_104 : i32 to index
      %swap3A_197 = arith.constant 96 : index
      %swap3A_198 = tpu.vector_load %arg6[%swap3A_196, %swap3A_197] {strides = array<i32>} : memref<64x768xf32, #tpu.memory_space<vmem>>, vector<1x16xf32>,
      %swap3A_199 = vector.shape_cast %swap3A_198 : vector<1x16xf32> to vector<16xf32>
      %swap3A_200 = vector.shape_cast %add3A_195 : vector<16xf32> to vector<1x16xf32>
      tpu.vector_store %arg6[%swap3A_196, %swap3A_197], %swap3A_200 {strides = array<i32>} : memref<64x768xf32, #tpu.memory_space<vmem>>, vector<1x16xf32>,
      %get3A_201 = arith.index_cast %scan3A_104 : i32 to index
      %get3A_202 = arith.constant 112 : index
      %get3A_203 = tpu.vector_load %arg6[%get3A_201, %get3A_202] {strides = array<i32>} : memref<64x768xf32, #tpu.memory_space<vmem>>, vector<1x16xf32>,
      %get3A_204 = vector.shape_cast %get3A_203 : vector<1x16xf32> to vector<16xf32>
      %get3A_205 = arith.index_cast %scan3A_104 : i32 to index
      %get3A_206 = arith.constant 112 : index
      %get3A_207 = tpu.vector_load %arg7[%get3A_205, %get3A_206] {strides = array<i32>} : memref<64x768xf32, #tpu.memory_space<vmem>>, vector<1x16xf32>,
      %get3A_208 = vector.shape_cast %get3A_207 : vector<1x16xf32> to vector<16xf32>
      %add3A_209 = arith.addf %get3A_204, %get3A_208 : vector<16xf32>
      %swap3A_210 = arith.index_cast %scan3A_104 : i32 to index
      %swap3A_211 = arith.constant 112 : index
      %swap3A_212 = tpu.vector_load %arg6[%swap3A_210, %swap3A_211] {strides = array<i32>} : memref<64x768xf32, #tpu.memory_space<vmem>>, vector<1x16xf32>,
      %swap3A_213 = vector.shape_cast %swap3A_212 : vector<1x16xf32> to vector<16xf32>
      %swap3A_214 = vector.shape_cast %add3A_209 : vector<16xf32> to vector<1x16xf32>
      tpu.vector_store %arg6[%swap3A_210, %swap3A_211], %swap3A_214 {strides = array<i32>} : memref<64x768xf32, #tpu.memory_space<vmem>>, vector<1x16xf32>,
      %get3A_215 = arith.index_cast %scan3A_104 : i32 to index
      %get3A_216 = arith.constant 128 : index
      %get3A_217 = tpu.vector_load %arg6[%get3A_215, %get3A_216] {strides = array<i32>} : memref<64x768xf32, #tpu.memory_space<vmem>>, vector<1x16xf32>,
      %get3A_218 = vector.shape_cast %get3A_217 : vector<1x16xf32> to vector<16xf32>
      %get3A_219 = arith.index_cast %scan3A_104 : i32 to index
      %get3A_220 = arith.constant 128 : index
      %get3A_221 = tpu.vector_load %arg7[%get3A_219, %get3A_220] {strides = array<i32>} : memref<64x768xf32, #tpu.memory_space<vmem>>, vector<1x16xf32>,
      %get3A_222 = vector.shape_cast %get3A_221 : vector<1x16xf32> to vector<16xf32>
      %add3A_223 = arith.addf %get3A_218, %get3A_222 : vector<16xf32>
      %swap3A_224 = arith.index_cast %scan3A_104 : i32 to index
      %swap3A_225 = arith.constant 128 : index
      %swap3A_226 = tpu.vector_load %arg6[%swap3A_224, %swap3A_225] {strides = array<i32>} : memref<64x768xf32, #tpu.memory_space<vmem>>, vector<1x16xf32>,
      %swap3A_227 = vector.shape_cast %swap3A_226 : vector<1x16xf32> to vector<16xf32>
      %swap3A_228 = vector.shape_cast %add3A_223 : vector<16xf32> to vector<1x16xf32>
      tpu.vector_store %arg6[%swap3A_224, %swap3A_225], %swap3A_228 {strides = array<i32>} : memref<64x768xf32, #tpu.memory_space<vmem>>, vector<1x16xf32>,
      %get3A_229 = arith.index_cast %scan3A_104 : i32 to index
      %get3A_230 = arith.constant 144 : index
      %get3A_231 = tpu.vector_load %arg6[%get3A_229, %get3A_230] {strides = array<i32>} : memref<64x768xf32, #tpu.memory_space<vmem>>, vector<1x16xf32>,
      %get3A_232 = vector.shape_cast %get3A_231 : vector<1x16xf32> to vector<16xf32>
      %get3A_233 = arith.index_cast %scan3A_104 : i32 to index
      %get3A_234 = arith.constant 144 : index
      %get3A_235 = tpu.vector_load %arg7[%get3A_233, %get3A_234] {strides = array<i32>} : memref<64x768xf32, #tpu.memory_space<vmem>>, vector<1x16xf32>,
      %get3A_236 = vector.shape_cast %get3A_235 : vector<1x16xf32> to vector<16xf32>
      %add3A_237 = arith.addf %get3A_232, %get3A_236 : vector<16xf32>
      %swap3A_238 = arith.index_cast %scan3A_104 : i32 to index
      %swap3A_239 = arith.constant 144 : index
      %swap3A_240 = tpu.vector_load %arg6[%swap3A_238, %swap3A_239] {strides = array<i32>} : memref<64x768xf32, #tpu.memory_space<vmem>>, vector<1x16xf32>,
      %swap3A_241 = vector.shape_cast %swap3A_240 : vector<1x16xf32> to vector<16xf32>
      %swap3A_242 = vector.shape_cast %add3A_237 : vector<16xf32> to vector<1x16xf32>
      tpu.vector_store %arg6[%swap3A_238, %swap3A_239], %swap3A_242 {strides = array<i32>} : memref<64x768xf32, #tpu.memory_space<vmem>>, vector<1x16xf32>,
      %get3A_243 = arith.index_cast %scan3A_104 : i32 to index
      %get3A_244 = arith.constant 160 : index
      %get3A_245 = tpu.vector_load %arg6[%get3A_243, %get3A_244] {strides = array<i32>} : memref<64x768xf32, #tpu.memory_space<vmem>>, vector<1x16xf32>,
      %get3A_246 = vector.shape_cast %get3A_245 : vector<1x16xf32> to vector<16xf32>
      %get3A_247 = arith.index_cast %scan3A_104 : i32 to index
      %get3A_248 = arith.constant 160 : index
      %get3A_249 = tpu.vector_load %arg7[%get3A_247, %get3A_248] {strides = array<i32>} : memref<64x768xf32, #tpu.memory_space<vmem>>, vector<1x16xf32>,
      %get3A_250 = vector.shape_cast %get3A_249 : vector<1x16xf32> to vector<16xf32>
      %add3A_251 = arith.addf %get3A_246, %get3A_250 : vector<16xf32>
      %swap3A_252 = arith.index_cast %scan3A_104 : i32 to index
      %swap3A_253 = arith.constant 160 : index
      %swap3A_254 = tpu.vector_load %arg6[%swap3A_252, %swap3A_253] {strides = array<i32>} : memref<64x768xf32, #tpu.memory_space<vmem>>, vector<1x16xf32>,
      %swap3A_255 = vector.shape_cast %swap3A_254 : vector<1x16xf32> to vector<16xf32>
      %swap3A_256 = vector.shape_cast %add3A_251 : vector<16xf32> to vector<1x16xf32>
      tpu.vector_store %arg6[%swap3A_252, %swap3A_253], %swap3A_256 {strides = array<i32>} : memref<64x768xf32, #tpu.memory_space<vmem>>, vector<1x16xf32>,
      %get3A_257 = arith.index_cast %scan3A_104 : i32 to index
      %get3A_258 = arith.constant 176 : index
      %get3A_259 = tpu.vector_load %arg6[%get3A_257, %get3A_258] {strides = array<i32>} : memref<64x768xf32, #tpu.memory_space<vmem>>, vector<1x16xf32>,
      %get3A_260 = vector.shape_cast %get3A_259 : vector<1x16xf32> to vector<16xf32>
      %get3A_261 = arith.index_cast %scan3A_104 : i32 to index
      %get3A_262 = arith.constant 176 : index
      %get3A_263 = tpu.vector_load %arg7[%get3A_261, %get3A_262] {strides = array<i32>} : memref<64x768xf32, #tpu.memory_space<vmem>>, vector<1x16xf32>,
      %get3A_264 = vector.shape_cast %get3A_263 : vector<1x16xf32> to vector<16xf32>
      %add3A_265 = arith.addf %get3A_260, %get3A_264 : vector<16xf32>
      %swap3A_266 = arith.index_cast %scan3A_104 : i32 to index
      %swap3A_267 = arith.constant 176 : index
      %swap3A_268 = tpu.vector_load %arg6[%swap3A_266, %swap3A_267] {strides = array<i32>} : memref<64x768xf32, #tpu.memory_space<vmem>>, vector<1x16xf32>,
      %swap3A_269 = vector.shape_cast %swap3A_268 : vector<1x16xf32> to vector<16xf32>
      %swap3A_270 = vector.shape_cast %add3A_265 : vector<16xf32> to vector<1x16xf32>
      tpu.vector_store %arg6[%swap3A_266, %swap3A_267], %swap3A_270 {strides = array<i32>} : memref<64x768xf32, #tpu.memory_space<vmem>>, vector<1x16xf32>,
      %get3A_271 = arith.index_cast %scan3A_104 : i32 to index
      %get3A_272 = arith.constant 192 : index
      %get3A_273 = tpu.vector_load %arg6[%get3A_271, %get3A_272] {strides = array<i32>} : memref<64x768xf32, #tpu.memory_space<vmem>>, vector<1x16xf32>,
      %get3A_274 = vector.shape_cast %get3A_273 : vector<1x16xf32> to vector<16xf32>
      %get3A_275 = arith.index_cast %scan3A_104 : i32 to index
      %get3A_276 = arith.constant 192 : index
      %get3A_277 = tpu.vector_load %arg7[%get3A_275, %get3A_276] {strides = array<i32>} : memref<64x768xf32, #tpu.memory_space<vmem>>, vector<1x16xf32>,
      %get3A_278 = vector.shape_cast %get3A_277 : vector<1x16xf32> to vector<16xf32>
      %add3A_279 = arith.addf %get3A_274, %get3A_278 : vector<16xf32>
      %swap3A_280 = arith.index_cast %scan3A_104 : i32 to index
      %swap3A_281 = arith.constant 192 : index
      %swap3A_282 = tpu.vector_load %arg6[%swap3A_280, %swap3A_281] {strides = array<i32>} : memref<64x768xf32, #tpu.memory_space<vmem>>, vector<1x16xf32>,
      %swap3A_283 = vector.shape_cast %swap3A_282 : vector<1x16xf32> to vector<16xf32>
      %swap3A_284 = vector.shape_cast %add3A_279 : vector<16xf32> to vector<1x16xf32>
      tpu.vector_store %arg6[%swap3A_280, %swap3A_281], %swap3A_284 {strides = array<i32>} : memref<64x768xf32, #tpu.memory_space<vmem>>, vector<1x16xf32>,
      %get3A_285 = arith.index_cast %scan3A_104 : i32 to index
      %get3A_286 = arith.constant 208 : index
      %get3A_287 = tpu.vector_load %arg6[%get3A_285, %get3A_286] {strides = array<i32>} : memref<64x768xf32, #tpu.memory_space<vmem>>, vector<1x16xf32>,
      %get3A_288 = vector.shape_cast %get3A_287 : vector<1x16xf32> to vector<16xf32>
      %get3A_289 = arith.index_cast %scan3A_104 : i32 to index
      %get3A_290 = arith.constant 208 : index
      %get3A_291 = tpu.vector_load %arg7[%get3A_289, %get3A_290] {strides = array<i32>} : memref<64x768xf32, #tpu.memory_space<vmem>>, vector<1x16xf32>,
      %get3A_292 = vector.shape_cast %get3A_291 : vector<1x16xf32> to vector<16xf32>
      %add3A_293 = arith.addf %get3A_288, %get3A_292 : vector<16xf32>
      %swap3A_294 = arith.index_cast %scan3A_104 : i32 to index
      %swap3A_295 = arith.constant 208 : index
      %swap3A_296 = tpu.vector_load %arg6[%swap3A_294, %swap3A_295] {strides = array<i32>} : memref<64x768xf32, #tpu.memory_space<vmem>>, vector<1x16xf32>,
      %swap3A_297 = vector.shape_cast %swap3A_296 : vector<1x16xf32> to vector<16xf32>
      %swap3A_298 = vector.shape_cast %add3A_293 : vector<16xf32> to vector<1x16xf32>
      tpu.vector_store %arg6[%swap3A_294, %swap3A_295], %swap3A_298 {strides = array<i32>} : memref<64x768xf32, #tpu.memory_space<vmem>>, vector<1x16xf32>,
      %get3A_299 = arith.index_cast %scan3A_104 : i32 to index
      %get3A_300 = arith.constant 224 : index
      %get3A_301 = tpu.vector_load %arg6[%get3A_299, %get3A_300] {strides = array<i32>} : memref<64x768xf32, #tpu.memory_space<vmem>>, vector<1x16xf32>,
      %get3A_302 = vector.shape_cast %get3A_301 : vector<1x16xf32> to vector<16xf32>
      %get3A_303 = arith.index_cast %scan3A_104 : i32 to index
      %get3A_304 = arith.constant 224 : index
      %get3A_305 = tpu.vector_load %arg7[%get3A_303, %get3A_304] {strides = array<i32>} : memref<64x768xf32, #tpu.memory_space<vmem>>, vector<1x16xf32>,
      %get3A_306 = vector.shape_cast %get3A_305 : vector<1x16xf32> to vector<16xf32>
      %add3A_307 = arith.addf %get3A_302, %get3A_306 : vector<16xf32>
      %swap3A_308 = arith.index_cast %scan3A_104 : i32 to index
      %swap3A_309 = arith.constant 224 : index
      %swap3A_310 = tpu.vector_load %arg6[%swap3A_308, %swap3A_309] {strides = array<i32>} : memref<64x768xf32, #tpu.memory_space<vmem>>, vector<1x16xf32>,
      %swap3A_311 = vector.shape_cast %swap3A_310 : vector<1x16xf32> to vector<16xf32>
      %swap3A_312 = vector.shape_cast %add3A_307 : vector<16xf32> to vector<1x16xf32>
      tpu.vector_store %arg6[%swap3A_308, %swap3A_309], %swap3A_312 {strides = array<i32>} : memref<64x768xf32, #tpu.memory_space<vmem>>, vector<1x16xf32>,
      %get3A_313 = arith.index_cast %scan3A_104 : i32 to index
      %get3A_314 = arith.constant 240 : index
      %get3A_315 = tpu.vector_load %arg6[%get3A_313, %get3A_314] {strides = array<i32>} : memref<64x768xf32, #tpu.memory_space<vmem>>, vector<1x16xf32>,
      %get3A_316 = vector.shape_cast %get3A_315 : vector<1x16xf32> to vector<16xf32>
      %get3A_317 = arith.index_cast %scan3A_104 : i32 to index
      %get3A_318 = arith.constant 240 : index
      %get3A_319 = tpu.vector_load %arg7[%get3A_317, %get3A_318] {strides = array<i32>} : memref<64x768xf32, #tpu.memory_space<vmem>>, vector<1x16xf32>,
      %get3A_320 = vector.shape_cast %get3A_319 : vector<1x16xf32> to vector<16xf32>
      %add3A_321 = arith.addf %get3A_316, %get3A_320 : vector<16xf32>
      %swap3A_322 = arith.index_cast %scan3A_104 : i32 to index
      %swap3A_323 = arith.constant 240 : index
      %swap3A_324 = tpu.vector_load %arg6[%swap3A_322, %swap3A_323] {strides = array<i32>} : memref<64x768xf32, #tpu.memory_space<vmem>>, vector<1x16xf32>,
      %swap3A_325 = vector.shape_cast %swap3A_324 : vector<1x16xf32> to vector<16xf32>
      %swap3A_326 = vector.shape_cast %add3A_321 : vector<16xf32> to vector<1x16xf32>
      tpu.vector_store %arg6[%swap3A_322, %swap3A_323], %swap3A_326 {strides = array<i32>} : memref<64x768xf32, #tpu.memory_space<vmem>>, vector<1x16xf32>,
      %get3A_327 = arith.index_cast %scan3A_104 : i32 to index
      %get3A_328 = arith.constant 256 : index
      %get3A_329 = tpu.vector_load %arg6[%get3A_327, %get3A_328] {strides = array<i32>} : memref<64x768xf32, #tpu.memory_space<vmem>>, vector<1x16xf32>,
      %get3A_330 = vector.shape_cast %get3A_329 : vector<1x16xf32> to vector<16xf32>
      %get3A_331 = arith.index_cast %scan3A_104 : i32 to index
      %get3A_332 = arith.constant 256 : index
      %get3A_333 = tpu.vector_load %arg7[%get3A_331, %get3A_332] {strides = array<i32>} : memref<64x768xf32, #tpu.memory_space<vmem>>, vector<1x16xf32>,
      %get3A_334 = vector.shape_cast %get3A_333 : vector<1x16xf32> to vector<16xf32>
      %add3A_335 = arith.addf %get3A_330, %get3A_334 : vector<16xf32>
      %swap3A_336 = arith.index_cast %scan3A_104 : i32 to index
      %swap3A_337 = arith.constant 256 : index
      %swap3A_338 = tpu.vector_load %arg6[%swap3A_336, %swap3A_337] {strides = array<i32>} : memref<64x768xf32, #tpu.memory_space<vmem>>, vector<1x16xf32>,
      %swap3A_339 = vector.shape_cast %swap3A_338 : vector<1x16xf32> to vector<16xf32>
      %swap3A_340 = vector.shape_cast %add3A_335 : vector<16xf32> to vector<1x16xf32>
      tpu.vector_store %arg6[%swap3A_336, %swap3A_337], %swap3A_340 {strides = array<i32>} : memref<64x768xf32, #tpu.memory_space<vmem>>, vector<1x16xf32>,
      %get3A_341 = arith.index_cast %scan3A_104 : i32 to index
      %get3A_342 = arith.constant 272 : index
      %get3A_343 = tpu.vector_load %arg6[%get3A_341, %get3A_342] {strides = array<i32>} : memref<64x768xf32, #tpu.memory_space<vmem>>, vector<1x16xf32>,
      %get3A_344 = vector.shape_cast %get3A_343 : vector<1x16xf32> to vector<16xf32>
      %get3A_345 = arith.index_cast %scan3A_104 : i32 to index
      %get3A_346 = arith.constant 272 : index
      %get3A_347 = tpu.vector_load %arg7[%get3A_345, %get3A_346] {strides = array<i32>} : memref<64x768xf32, #tpu.memory_space<vmem>>, vector<1x16xf32>,
      %get3A_348 = vector.shape_cast %get3A_347 : vector<1x16xf32> to vector<16xf32>
      %add3A_349 = arith.addf %get3A_344, %get3A_348 : vector<16xf32>
      %swap3A_350 = arith.index_cast %scan3A_104 : i32 to index
      %swap3A_351 = arith.constant 272 : index
      %swap3A_352 = tpu.vector_load %arg6[%swap3A_350, %swap3A_351] {strides = array<i32>} : memref<64x768xf32, #tpu.memory_space<vmem>>, vector<1x16xf32>,
      %swap3A_353 = vector.shape_cast %swap3A_352 : vector<1x16xf32> to vector<16xf32>
      %swap3A_354 = vector.shape_cast %add3A_349 : vector<16xf32> to vector<1x16xf32>
      tpu.vector_store %arg6[%swap3A_350, %swap3A_351], %swap3A_354 {strides = array<i32>} : memref<64x768xf32, #tpu.memory_space<vmem>>, vector<1x16xf32>,
      %get3A_355 = arith.index_cast %scan3A_104 : i32 to index
      %get3A_356 = arith.constant 288 : index
      %get3A_357 = tpu.vector_load %arg6[%get3A_355, %get3A_356] {strides = array<i32>} : memref<64x768xf32, #tpu.memory_space<vmem>>, vector<1x16xf32>,
      %get3A_358 = vector.shape_cast %get3A_357 : vector<1x16xf32> to vector<16xf32>
      %get3A_359 = arith.index_cast %scan3A_104 : i32 to index
      %get3A_360 = arith.constant 288 : index
      %get3A_361 = tpu.vector_load %arg7[%get3A_359, %get3A_360] {strides = array<i32>} : memref<64x768xf32, #tpu.memory_space<vmem>>, vector<1x16xf32>,
      %get3A_362 = vector.shape_cast %get3A_361 : vector<1x16xf32> to vector<16xf32>
      %add3A_363 = arith.addf %get3A_358, %get3A_362 : vector<16xf32>
      %swap3A_364 = arith.index_cast %scan3A_104 : i32 to index
      %swap3A_365 = arith.constant 288 : index
      %swap3A_366 = tpu.vector_load %arg6[%swap3A_364, %swap3A_365] {strides = array<i32>} : memref<64x768xf32, #tpu.memory_space<vmem>>, vector<1x16xf32>,
      %swap3A_367 = vector.shape_cast %swap3A_366 : vector<1x16xf32> to vector<16xf32>
      %swap3A_368 = vector.shape_cast %add3A_363 : vector<16xf32> to vector<1x16xf32>
      tpu.vector_store %arg6[%swap3A_364, %swap3A_365], %swap3A_368 {strides = array<i32>} : memref<64x768xf32, #tpu.memory_space<vmem>>, vector<1x16xf32>,
      %get3A_369 = arith.index_cast %scan3A_104 : i32 to index
      %get3A_370 = arith.constant 304 : index
      %get3A_371 = tpu.vector_load %arg6[%get3A_369, %get3A_370] {strides = array<i32>} : memref<64x768xf32, #tpu.memory_space<vmem>>, vector<1x16xf32>,
      %get3A_372 = vector.shape_cast %get3A_371 : vector<1x16xf32> to vector<16xf32>
      %get3A_373 = arith.index_cast %scan3A_104 : i32 to index
      %get3A_374 = arith.constant 304 : index
      %get3A_375 = tpu.vector_load %arg7[%get3A_373, %get3A_374] {strides = array<i32>} : memref<64x768xf32, #tpu.memory_space<vmem>>, vector<1x16xf32>,
      %get3A_376 = vector.shape_cast %get3A_375 : vector<1x16xf32> to vector<16xf32>
      %add3A_377 = arith.addf %get3A_372, %get3A_376 : vector<16xf32>
      %swap3A_378 = arith.index_cast %scan3A_104 : i32 to index
      %swap3A_379 = arith.constant 304 : index
      %swap3A_380 = tpu.vector_load %arg6[%swap3A_378, %swap3A_379] {strides = array<i32>} : memref<64x768xf32, #tpu.memory_space<vmem>>, vector<1x16xf32>,
      %swap3A_381 = vector.shape_cast %swap3A_380 : vector<1x16xf32> to vector<16xf32>
      %swap3A_382 = vector.shape_cast %add3A_377 : vector<16xf32> to vector<1x16xf32>
      tpu.vector_store %arg6[%swap3A_378, %swap3A_379], %swap3A_382 {strides = array<i32>} : memref<64x768xf32, #tpu.memory_space<vmem>>, vector<1x16xf32>,
      %get3A_383 = arith.index_cast %scan3A_104 : i32 to index
      %get3A_384 = arith.constant 320 : index
      %get3A_385 = tpu.vector_load %arg6[%get3A_383, %get3A_384] {strides = array<i32>} : memref<64x768xf32, #tpu.memory_space<vmem>>, vector<1x16xf32>,
      %get3A_386 = vector.shape_cast %get3A_385 : vector<1x16xf32> to vector<16xf32>
      %get3A_387 = arith.index_cast %scan3A_104 : i32 to index
      %get3A_388 = arith.constant 320 : index
      %get3A_389 = tpu.vector_load %arg7[%get3A_387, %get3A_388] {strides = array<i32>} : memref<64x768xf32, #tpu.memory_space<vmem>>, vector<1x16xf32>,
      %get3A_390 = vector.shape_cast %get3A_389 : vector<1x16xf32> to vector<16xf32>
      %add3A_391 = arith.addf %get3A_386, %get3A_390 : vector<16xf32>
      %swap3A_392 = arith.index_cast %scan3A_104 : i32 to index
      %swap3A_393 = arith.constant 320 : index
      %swap3A_394 = tpu.vector_load %arg6[%swap3A_392, %swap3A_393] {strides = array<i32>} : memref<64x768xf32, #tpu.memory_space<vmem>>, vector<1x16xf32>,
      %swap3A_395 = vector.shape_cast %swap3A_394 : vector<1x16xf32> to vector<16xf32>
      %swap3A_396 = vector.shape_cast %add3A_391 : vector<16xf32> to vector<1x16xf32>
      tpu.vector_store %arg6[%swap3A_392, %swap3A_393], %swap3A_396 {strides = array<i32>} : memref<64x768xf32, #tpu.memory_space<vmem>>, vector<1x16xf32>,
      %get3A_397 = arith.index_cast %scan3A_104 : i32 to index
      %get3A_398 = arith.constant 336 : index
      %get3A_399 = tpu.vector_load %arg6[%get3A_397, %get3A_398] {strides = array<i32>} : memref<64x768xf32, #tpu.memory_space<vmem>>, vector<1x16xf32>,
      %get3A_400 = vector.shape_cast %get3A_399 : vector<1x16xf32> to vector<16xf32>
      %get3A_401 = arith.index_cast %scan3A_104 : i32 to index
      %get3A_402 = arith.constant 336 : index
      %get3A_403 = tpu.vector_load %arg7[%get3A_401, %get3A_402] {strides = array<i32>} : memref<64x768xf32, #tpu.memory_space<vmem>>, vector<1x16xf32>,
      %get3A_404 = vector.shape_cast %get3A_403 : vector<1x16xf32> to vector<16xf32>
      %add3A_405 = arith.addf %get3A_400, %get3A_404 : vector<16xf32>
      %swap3A_406 = arith.index_cast %scan3A_104 : i32 to index
      %swap3A_407 = arith.constant 336 : index
      %swap3A_408 = tpu.vector_load %arg6[%swap3A_406, %swap3A_407] {strides = array<i32>} : memref<64x768xf32, #tpu.memory_space<vmem>>, vector<1x16xf32>,
      %swap3A_409 = vector.shape_cast %swap3A_408 : vector<1x16xf32> to vector<16xf32>
      %swap3A_410 = vector.shape_cast %add3A_405 : vector<16xf32> to vector<1x16xf32>
      tpu.vector_store %arg6[%swap3A_406, %swap3A_407], %swap3A_410 {strides = array<i32>} : memref<64x768xf32, #tpu.memory_space<vmem>>, vector<1x16xf32>,
      %get3A_411 = arith.index_cast %scan3A_104 : i32 to index
      %get3A_412 = arith.constant 352 : index
      %get3A_413 = tpu.vector_load %arg6[%get3A_411, %get3A_412] {strides = array<i32>} : memref<64x768xf32, #tpu.memory_space<vmem>>, vector<1x16xf32>,
      %get3A_414 = vector.shape_cast %get3A_413 : vector<1x16xf32> to vector<16xf32>
      %get3A_415 = arith.index_cast %scan3A_104 : i32 to index
      %get3A_416 = arith.constant 352 : index
      %get3A_417 = tpu.vector_load %arg7[%get3A_415, %get3A_416] {strides = array<i32>} : memref<64x768xf32, #tpu.memory_space<vmem>>, vector<1x16xf32>,
      %get3A_418 = vector.shape_cast %get3A_417 : vector<1x16xf32> to vector<16xf32>
      %add3A_419 = arith.addf %get3A_414, %get3A_418 : vector<16xf32>
      %swap3A_420 = arith.index_cast %scan3A_104 : i32 to index
      %swap3A_421 = arith.constant 352 : index
      %swap3A_422 = tpu.vector_load %arg6[%swap3A_420, %swap3A_421] {strides = array<i32>} : memref<64x768xf32, #tpu.memory_space<vmem>>, vector<1x16xf32>,
      %swap3A_423 = vector.shape_cast %swap3A_422 : vector<1x16xf32> to vector<16xf32>
      %swap3A_424 = vector.shape_cast %add3A_419 : vector<16xf32> to vector<1x16xf32>
      tpu.vector_store %arg6[%swap3A_420, %swap3A_421], %swap3A_424 {strides = array<i32>} : memref<64x768xf32, #tpu.memory_space<vmem>>, vector<1x16xf32>,
      %get3A_425 = arith.index_cast %scan3A_104 : i32 to index
      %get3A_426 = arith.constant 368 : index
      %get3A_427 = tpu.vector_load %arg6[%get3A_425, %get3A_426] {strides = array<i32>} : memref<64x768xf32, #tpu.memory_space<vmem>>, vector<1x16xf32>,
      %get3A_428 = vector.shape_cast %get3A_427 : vector<1x16xf32> to vector<16xf32>
      %get3A_429 = arith.index_cast %scan3A_104 : i32 to index
      %get3A_430 = arith.constant 368 : index
      %get3A_431 = tpu.vector_load %arg7[%get3A_429, %get3A_430] {strides = array<i32>} : memref<64x768xf32, #tpu.memory_space<vmem>>, vector<1x16xf32>,
      %get3A_432 = vector.shape_cast %get3A_431 : vector<1x16xf32> to vector<16xf32>
      %add3A_433 = arith.addf %get3A_428, %get3A_432 : vector<16xf32>
      %swap3A_434 = arith.index_cast %scan3A_104 : i32 to index
      %swap3A_435 = arith.constant 368 : index
      %swap3A_436 = tpu.vector_load %arg6[%swap3A_434, %swap3A_435] {strides = array<i32>} : memref<64x768xf32, #tpu.memory_space<vmem>>, vector<1x16xf32>,
      %swap3A_437 = vector.shape_cast %swap3A_436 : vector<1x16xf32> to vector<16xf32>
      %swap3A_438 = vector.shape_cast %add3A_433 : vector<16xf32> to vector<1x16xf32>
      tpu.vector_store %arg6[%swap3A_434, %swap3A_435], %swap3A_438 {strides = array<i32>} : memref<64x768xf32, #tpu.memory_space<vmem>>, vector<1x16xf32>,
      %get3A_439 = arith.index_cast %scan3A_104 : i32 to index
      %get3A_440 = arith.constant 384 : index
      %get3A_441 = tpu.vector_load %arg6[%get3A_439, %get3A_440] {strides = array<i32>} : memref<64x768xf32, #tpu.memory_space<vmem>>, vector<1x16xf32>,
      %get3A_442 = vector.shape_cast %get3A_441 : vector<1x16xf32> to vector<16xf32>
      %get3A_443 = arith.index_cast %scan3A_104 : i32 to index
      %get3A_444 = arith.constant 384 : index
      %get3A_445 = tpu.vector_load %arg7[%get3A_443, %get3A_444] {strides = array<i32>} : memref<64x768xf32, #tpu.memory_space<vmem>>, vector<1x16xf32>,
      %get3A_446 = vector.shape_cast %get3A_445 : vector<1x16xf32> to vector<16xf32>
      %add3A_447 = arith.addf %get3A_442, %get3A_446 : vector<16xf32>
      %swap3A_448 = arith.index_cast %scan3A_104 : i32 to index
      %swap3A_449 = arith.constant 384 : index
      %swap3A_450 = tpu.vector_load %arg6[%swap3A_448, %swap3A_449] {strides = array<i32>} : memref<64x768xf32, #tpu.memory_space<vmem>>, vector<1x16xf32>,
      %swap3A_451 = vector.shape_cast %swap3A_450 : vector<1x16xf32> to vector<16xf32>
      %swap3A_452 = vector.shape_cast %add3A_447 : vector<16xf32> to vector<1x16xf32>
      tpu.vector_store %arg6[%swap3A_448, %swap3A_449], %swap3A_452 {strides = array<i32>} : memref<64x768xf32, #tpu.memory_space<vmem>>, vector<1x16xf32>,
      %get3A_453 = arith.index_cast %scan3A_104 : i32 to index
      %get3A_454 = arith.constant 400 : index
      %get3A_455 = tpu.vector_load %arg6[%get3A_453, %get3A_454] {strides = array<i32>} : memref<64x768xf32, #tpu.memory_space<vmem>>, vector<1x16xf32>,
      %get3A_456 = vector.shape_cast %get3A_455 : vector<1x16xf32> to vector<16xf32>
      %get3A_457 = arith.index_cast %scan3A_104 : i32 to index
      %get3A_458 = arith.constant 400 : index
      %get3A_459 = tpu.vector_load %arg7[%get3A_457, %get3A_458] {strides = array<i32>} : memref<64x768xf32, #tpu.memory_space<vmem>>, vector<1x16xf32>,
      %get3A_460 = vector.shape_cast %get3A_459 : vector<1x16xf32> to vector<16xf32>
      %add3A_461 = arith.addf %get3A_456, %get3A_460 : vector<16xf32>
      %swap3A_462 = arith.index_cast %scan3A_104 : i32 to index
      %swap3A_463 = arith.constant 400 : index
      %swap3A_464 = tpu.vector_load %arg6[%swap3A_462, %swap3A_463] {strides = array<i32>} : memref<64x768xf32, #tpu.memory_space<vmem>>, vector<1x16xf32>,
      %swap3A_465 = vector.shape_cast %swap3A_464 : vector<1x16xf32> to vector<16xf32>
      %swap3A_466 = vector.shape_cast %add3A_461 : vector<16xf32> to vector<1x16xf32>
      tpu.vector_store %arg6[%swap3A_462, %swap3A_463], %swap3A_466 {strides = array<i32>} : memref<64x768xf32, #tpu.memory_space<vmem>>, vector<1x16xf32>,
      %get3A_467 = arith.index_cast %scan3A_104 : i32 to index
      %get3A_468 = arith.constant 416 : index
      %get3A_469 = tpu.vector_load %arg6[%get3A_467, %get3A_468] {strides = array<i32>} : memref<64x768xf32, #tpu.memory_space<vmem>>, vector<1x16xf32>,
      %get3A_470 = vector.shape_cast %get3A_469 : vector<1x16xf32> to vector<16xf32>
      %get3A_471 = arith.index_cast %scan3A_104 : i32 to index
      %get3A_472 = arith.constant 416 : index
      %get3A_473 = tpu.vector_load %arg7[%get3A_471, %get3A_472] {strides = array<i32>} : memref<64x768xf32, #tpu.memory_space<vmem>>, vector<1x16xf32>,
      %get3A_474 = vector.shape_cast %get3A_473 : vector<1x16xf32> to vector<16xf32>
      %add3A_475 = arith.addf %get3A_470, %get3A_474 : vector<16xf32>
      %swap3A_476 = arith.index_cast %scan3A_104 : i32 to index
      %swap3A_477 = arith.constant 416 : index
      %swap3A_478 = tpu.vector_load %arg6[%swap3A_476, %swap3A_477] {strides = array<i32>} : memref<64x768xf32, #tpu.memory_space<vmem>>, vector<1x16xf32>,
      %swap3A_479 = vector.shape_cast %swap3A_478 : vector<1x16xf32> to vector<16xf32>
      %swap3A_480 = vector.shape_cast %add3A_475 : vector<16xf32> to vector<1x16xf32>
      tpu.vector_store %arg6[%swap3A_476, %swap3A_477], %swap3A_480 {strides = array<i32>} : memref<64x768xf32, #tpu.memory_space<vmem>>, vector<1x16xf32>,
      %get3A_481 = arith.index_cast %scan3A_104 : i32 to index
      %get3A_482 = arith.constant 432 : index
      %get3A_483 = tpu.vector_load %arg6[%get3A_481, %get3A_482] {strides = array<i32>} : memref<64x768xf32, #tpu.memory_space<vmem>>, vector<1x16xf32>,
      %get3A_484 = vector.shape_cast %get3A_483 : vector<1x16xf32> to vector<16xf32>
      %get3A_485 = arith.index_cast %scan3A_104 : i32 to index
      %get3A_486 = arith.constant 432 : index
      %get3A_487 = tpu.vector_load %arg7[%get3A_485, %get3A_486] {strides = array<i32>} : memref<64x768xf32, #tpu.memory_space<vmem>>, vector<1x16xf32>,
      %get3A_488 = vector.shape_cast %get3A_487 : vector<1x16xf32> to vector<16xf32>
      %add3A_489 = arith.addf %get3A_484, %get3A_488 : vector<16xf32>
      %swap3A_490 = arith.index_cast %scan3A_104 : i32 to index
      %swap3A_491 = arith.constant 432 : index
      %swap3A_492 = tpu.vector_load %arg6[%swap3A_490, %swap3A_491] {strides = array<i32>} : memref<64x768xf32, #tpu.memory_space<vmem>>, vector<1x16xf32>,
      %swap3A_493 = vector.shape_cast %swap3A_492 : vector<1x16xf32> to vector<16xf32>
      %swap3A_494 = vector.shape_cast %add3A_489 : vector<16xf32> to vector<1x16xf32>
      tpu.vector_store %arg6[%swap3A_490, %swap3A_491], %swap3A_494 {strides = array<i32>} : memref<64x768xf32, #tpu.memory_space<vmem>>, vector<1x16xf32>,
      %get3A_495 = arith.index_cast %scan3A_104 : i32 to index
      %get3A_496 = arith.constant 448 : index
      %get3A_497 = tpu.vector_load %arg6[%get3A_495, %get3A_496] {strides = array<i32>} : memref<64x768xf32, #tpu.memory_space<vmem>>, vector<1x16xf32>,
      %get3A_498 = vector.shape_cast %get3A_497 : vector<1x16xf32> to vector<16xf32>
      %get3A_499 = arith.index_cast %scan3A_104 : i32 to index
      %get3A_500 = arith.constant 448 : index
      %get3A_501 = tpu.vector_load %arg7[%get3A_499, %get3A_500] {strides = array<i32>} : memref<64x768xf32, #tpu.memory_space<vmem>>, vector<1x16xf32>,
      %get3A_502 = vector.shape_cast %get3A_501 : vector<1x16xf32> to vector<16xf32>
      %add3A_503 = arith.addf %get3A_498, %get3A_502 : vector<16xf32>
      %swap3A_504 = arith.index_cast %scan3A_104 : i32 to index
      %swap3A_505 = arith.constant 448 : index
      %swap3A_506 = tpu.vector_load %arg6[%swap3A_504, %swap3A_505] {strides = array<i32>} : memref<64x768xf32, #tpu.memory_space<vmem>>, vector<1x16xf32>,
      %swap3A_507 = vector.shape_cast %swap3A_506 : vector<1x16xf32> to vector<16xf32>
      %swap3A_508 = vector.shape_cast %add3A_503 : vector<16xf32> to vector<1x16xf32>
      tpu.vector_store %arg6[%swap3A_504, %swap3A_505], %swap3A_508 {strides = array<i32>} : memref<64x768xf32, #tpu.memory_space<vmem>>, vector<1x16xf32>,
      %get3A_509 = arith.index_cast %scan3A_104 : i32 to index
      %get3A_510 = arith.constant 464 : index
      %get3A_511 = tpu.vector_load %arg6[%get3A_509, %get3A_510] {strides = array<i32>} : memref<64x768xf32, #tpu.memory_space<vmem>>, vector<1x16xf32>,
      %get3A_512 = vector.shape_cast %get3A_511 : vector<1x16xf32> to vector<16xf32>
      %get3A_513 = arith.index_cast %scan3A_104 : i32 to index
      %get3A_514 = arith.constant 464 : index
      %get3A_515 = tpu.vector_load %arg7[%get3A_513, %get3A_514] {strides = array<i32>} : memref<64x768xf32, #tpu.memory_space<vmem>>, vector<1x16xf32>,
      %get3A_516 = vector.shape_cast %get3A_515 : vector<1x16xf32> to vector<16xf32>
      %add3A_517 = arith.addf %get3A_512, %get3A_516 : vector<16xf32>
      %swap3A_518 = arith.index_cast %scan3A_104 : i32 to index
      %swap3A_519 = arith.constant 464 : index
      %swap3A_520 = tpu.vector_load %arg6[%swap3A_518, %swap3A_519] {strides = array<i32>} : memref<64x768xf32, #tpu.memory_space<vmem>>, vector<1x16xf32>,
      %swap3A_521 = vector.shape_cast %swap3A_520 : vector<1x16xf32> to vector<16xf32>
      %swap3A_522 = vector.shape_cast %add3A_517 : vector<16xf32> to vector<1x16xf32>
      tpu.vector_store %arg6[%swap3A_518, %swap3A_519], %swap3A_522 {strides = array<i32>} : memref<64x768xf32, #tpu.memory_space<vmem>>, vector<1x16xf32>,
      %get3A_523 = arith.index_cast %scan3A_104 : i32 to index
      %get3A_524 = arith.constant 480 : index
      %get3A_525 = tpu.vector_load %arg6[%get3A_523, %get3A_524] {strides = array<i32>} : memref<64x768xf32, #tpu.memory_space<vmem>>, vector<1x16xf32>,
      %get3A_526 = vector.shape_cast %get3A_525 : vector<1x16xf32> to vector<16xf32>
      %get3A_527 = arith.index_cast %scan3A_104 : i32 to index
      %get3A_528 = arith.constant 480 : index
      %get3A_529 = tpu.vector_load %arg7[%get3A_527, %get3A_528] {strides = array<i32>} : memref<64x768xf32, #tpu.memory_space<vmem>>, vector<1x16xf32>,
      %get3A_530 = vector.shape_cast %get3A_529 : vector<1x16xf32> to vector<16xf32>
      %add3A_531 = arith.addf %get3A_526, %get3A_530 : vector<16xf32>
      %swap3A_532 = arith.index_cast %scan3A_104 : i32 to index
      %swap3A_533 = arith.constant 480 : index
      %swap3A_534 = tpu.vector_load %arg6[%swap3A_532, %swap3A_533] {strides = array<i32>} : memref<64x768xf32, #tpu.memory_space<vmem>>, vector<1x16xf32>,
      %swap3A_535 = vector.shape_cast %swap3A_534 : vector<1x16xf32> to vector<16xf32>
      %swap3A_536 = vector.shape_cast %add3A_531 : vector<16xf32> to vector<1x16xf32>
      tpu.vector_store %arg6[%swap3A_532, %swap3A_533], %swap3A_536 {strides = array<i32>} : memref<64x768xf32, #tpu.memory_space<vmem>>, vector<1x16xf32>,
      %get3A_537 = arith.index_cast %scan3A_104 : i32 to index
      %get3A_538 = arith.constant 496 : index
      %get3A_539 = tpu.vector_load %arg6[%get3A_537, %get3A_538] {strides = array<i32>} : memref<64x768xf32, #tpu.memory_space<vmem>>, vector<1x16xf32>,
      %get3A_540 = vector.shape_cast %get3A_539 : vector<1x16xf32> to vector<16xf32>
      %get3A_541 = arith.index_cast %scan3A_104 : i32 to index
      %get3A_542 = arith.constant 496 : index
      %get3A_543 = tpu.vector_load %arg7[%get3A_541, %get3A_542] {strides = array<i32>} : memref<64x768xf32, #tpu.memory_space<vmem>>, vector<1x16xf32>,
      %get3A_544 = vector.shape_cast %get3A_543 : vector<1x16xf32> to vector<16xf32>
      %add3A_545 = arith.addf %get3A_540, %get3A_544 : vector<16xf32>
      %swap3A_546 = arith.index_cast %scan3A_104 : i32 to index
      %swap3A_547 = arith.constant 496 : index
      %swap3A_548 = tpu.vector_load %arg6[%swap3A_546, %swap3A_547] {strides = array<i32>} : memref<64x768xf32, #tpu.memory_space<vmem>>, vector<1x16xf32>,
      %swap3A_549 = vector.shape_cast %swap3A_548 : vector<1x16xf32> to vector<16xf32>
      %swap3A_550 = vector.shape_cast %add3A_545 : vector<16xf32> to vector<1x16xf32>
      tpu.vector_store %arg6[%swap3A_546, %swap3A_547], %swap3A_550 {strides = array<i32>} : memref<64x768xf32, #tpu.memory_space<vmem>>, vector<1x16xf32>,
      %get3A_551 = arith.index_cast %scan3A_104 : i32 to index
      %get3A_552 = arith.constant 512 : index
      %get3A_553 = tpu.vector_load %arg6[%get3A_551, %get3A_552] {strides = array<i32>} : memref<64x768xf32, #tpu.memory_space<vmem>>, vector<1x16xf32>,
      %get3A_554 = vector.shape_cast %get3A_553 : vector<1x16xf32> to vector<16xf32>
      %get3A_555 = arith.index_cast %scan3A_104 : i32 to index
      %get3A_556 = arith.constant 512 : index
      %get3A_557 = tpu.vector_load %arg7[%get3A_555, %get3A_556] {strides = array<i32>} : memref<64x768xf32, #tpu.memory_space<vmem>>, vector<1x16xf32>,
      %get3A_558 = vector.shape_cast %get3A_557 : vector<1x16xf32> to vector<16xf32>
      %add3A_559 = arith.addf %get3A_554, %get3A_558 : vector<16xf32>
      %swap3A_560 = arith.index_cast %scan3A_104 : i32 to index
      %swap3A_561 = arith.constant 512 : index
      %swap3A_562 = tpu.vector_load %arg6[%swap3A_560, %swap3A_561] {strides = array<i32>} : memref<64x768xf32, #tpu.memory_space<vmem>>, vector<1x16xf32>,
      %swap3A_563 = vector.shape_cast %swap3A_562 : vector<1x16xf32> to vector<16xf32>
      %swap3A_564 = vector.shape_cast %add3A_559 : vector<16xf32> to vector<1x16xf32>
      tpu.vector_store %arg6[%swap3A_560, %swap3A_561], %swap3A_564 {strides = array<i32>} : memref<64x768xf32, #tpu.memory_space<vmem>>, vector<1x16xf32>,
      %get3A_565 = arith.index_cast %scan3A_104 : i32 to index
      %get3A_566 = arith.constant 528 : index
      %get3A_567 = tpu.vector_load %arg6[%get3A_565, %get3A_566] {strides = array<i32>} : memref<64x768xf32, #tpu.memory_space<vmem>>, vector<1x16xf32>,
      %get3A_568 = vector.shape_cast %get3A_567 : vector<1x16xf32> to vector<16xf32>
      %get3A_569 = arith.index_cast %scan3A_104 : i32 to index
      %get3A_570 = arith.constant 528 : index
      %get3A_571 = tpu.vector_load %arg7[%get3A_569, %get3A_570] {strides = array<i32>} : memref<64x768xf32, #tpu.memory_space<vmem>>, vector<1x16xf32>,
      %get3A_572 = vector.shape_cast %get3A_571 : vector<1x16xf32> to vector<16xf32>
      %add3A_573 = arith.addf %get3A_568, %get3A_572 : vector<16xf32>
      %swap3A_574 = arith.index_cast %scan3A_104 : i32 to index
      %swap3A_575 = arith.constant 528 : index
      %swap3A_576 = tpu.vector_load %arg6[%swap3A_574, %swap3A_575] {strides = array<i32>} : memref<64x768xf32, #tpu.memory_space<vmem>>, vector<1x16xf32>,
      %swap3A_577 = vector.shape_cast %swap3A_576 : vector<1x16xf32> to vector<16xf32>
      %swap3A_578 = vector.shape_cast %add3A_573 : vector<16xf32> to vector<1x16xf32>
      tpu.vector_store %arg6[%swap3A_574, %swap3A_575], %swap3A_578 {strides = array<i32>} : memref<64x768xf32, #tpu.memory_space<vmem>>, vector<1x16xf32>,
      %get3A_579 = arith.index_cast %scan3A_104 : i32 to index
      %get3A_580 = arith.constant 544 : index
      %get3A_581 = tpu.vector_load %arg6[%get3A_579, %get3A_580] {strides = array<i32>} : memref<64x768xf32, #tpu.memory_space<vmem>>, vector<1x16xf32>,
      %get3A_582 = vector.shape_cast %get3A_581 : vector<1x16xf32> to vector<16xf32>
      %get3A_583 = arith.index_cast %scan3A_104 : i32 to index
      %get3A_584 = arith.constant 544 : index
      %get3A_585 = tpu.vector_load %arg7[%get3A_583, %get3A_584] {strides = array<i32>} : memref<64x768xf32, #tpu.memory_space<vmem>>, vector<1x16xf32>,
      %get3A_586 = vector.shape_cast %get3A_585 : vector<1x16xf32> to vector<16xf32>
      %add3A_587 = arith.addf %get3A_582, %get3A_586 : vector<16xf32>
      %swap3A_588 = arith.index_cast %scan3A_104 : i32 to index
      %swap3A_589 = arith.constant 544 : index
      %swap3A_590 = tpu.vector_load %arg6[%swap3A_588, %swap3A_589] {strides = array<i32>} : memref<64x768xf32, #tpu.memory_space<vmem>>, vector<1x16xf32>,
      %swap3A_591 = vector.shape_cast %swap3A_590 : vector<1x16xf32> to vector<16xf32>
      %swap3A_592 = vector.shape_cast %add3A_587 : vector<16xf32> to vector<1x16xf32>
      tpu.vector_store %arg6[%swap3A_588, %swap3A_589], %swap3A_592 {strides = array<i32>} : memref<64x768xf32, #tpu.memory_space<vmem>>, vector<1x16xf32>,
      %get3A_593 = arith.index_cast %scan3A_104 : i32 to index
      %get3A_594 = arith.constant 560 : index
      %get3A_595 = tpu.vector_load %arg6[%get3A_593, %get3A_594] {strides = array<i32>} : memref<64x768xf32, #tpu.memory_space<vmem>>, vector<1x16xf32>,
      %get3A_596 = vector.shape_cast %get3A_595 : vector<1x16xf32> to vector<16xf32>
      %get3A_597 = arith.index_cast %scan3A_104 : i32 to index
      %get3A_598 = arith.constant 560 : index
      %get3A_599 = tpu.vector_load %arg7[%get3A_597, %get3A_598] {strides = array<i32>} : memref<64x768xf32, #tpu.memory_space<vmem>>, vector<1x16xf32>,
      %get3A_600 = vector.shape_cast %get3A_599 : vector<1x16xf32> to vector<16xf32>
      %add3A_601 = arith.addf %get3A_596, %get3A_600 : vector<16xf32>
      %swap3A_602 = arith.index_cast %scan3A_104 : i32 to index
      %swap3A_603 = arith.constant 560 : index
      %swap3A_604 = tpu.vector_load %arg6[%swap3A_602, %swap3A_603] {strides = array<i32>} : memref<64x768xf32, #tpu.memory_space<vmem>>, vector<1x16xf32>,
      %swap3A_605 = vector.shape_cast %swap3A_604 : vector<1x16xf32> to vector<16xf32>
      %swap3A_606 = vector.shape_cast %add3A_601 : vector<16xf32> to vector<1x16xf32>
      tpu.vector_store %arg6[%swap3A_602, %swap3A_603], %swap3A_606 {strides = array<i32>} : memref<64x768xf32, #tpu.memory_space<vmem>>, vector<1x16xf32>,
      %get3A_607 = arith.index_cast %scan3A_104 : i32 to index
      %get3A_608 = arith.constant 576 : index
      %get3A_609 = tpu.vector_load %arg6[%get3A_607, %get3A_608] {strides = array<i32>} : memref<64x768xf32, #tpu.memory_space<vmem>>, vector<1x16xf32>,
      %get3A_610 = vector.shape_cast %get3A_609 : vector<1x16xf32> to vector<16xf32>
      %get3A_611 = arith.index_cast %scan3A_104 : i32 to index
      %get3A_612 = arith.constant 576 : index
      %get3A_613 = tpu.vector_load %arg7[%get3A_611, %get3A_612] {strides = array<i32>} : memref<64x768xf32, #tpu.memory_space<vmem>>, vector<1x16xf32>,
      %get3A_614 = vector.shape_cast %get3A_613 : vector<1x16xf32> to vector<16xf32>
      %add3A_615 = arith.addf %get3A_610, %get3A_614 : vector<16xf32>
      %swap3A_616 = arith.index_cast %scan3A_104 : i32 to index
      %swap3A_617 = arith.constant 576 : index
      %swap3A_618 = tpu.vector_load %arg6[%swap3A_616, %swap3A_617] {strides = array<i32>} : memref<64x768xf32, #tpu.memory_space<vmem>>, vector<1x16xf32>,
      %swap3A_619 = vector.shape_cast %swap3A_618 : vector<1x16xf32> to vector<16xf32>
      %swap3A_620 = vector.shape_cast %add3A_615 : vector<16xf32> to vector<1x16xf32>
      tpu.vector_store %arg6[%swap3A_616, %swap3A_617], %swap3A_620 {strides = array<i32>} : memref<64x768xf32, #tpu.memory_space<vmem>>, vector<1x16xf32>,
      %get3A_621 = arith.index_cast %scan3A_104 : i32 to index
      %get3A_622 = arith.constant 592 : index
      %get3A_623 = tpu.vector_load %arg6[%get3A_621, %get3A_622] {strides = array<i32>} : memref<64x768xf32, #tpu.memory_space<vmem>>, vector<1x16xf32>,
      %get3A_624 = vector.shape_cast %get3A_623 : vector<1x16xf32> to vector<16xf32>
      %get3A_625 = arith.index_cast %scan3A_104 : i32 to index
      %get3A_626 = arith.constant 592 : index
      %get3A_627 = tpu.vector_load %arg7[%get3A_625, %get3A_626] {strides = array<i32>} : memref<64x768xf32, #tpu.memory_space<vmem>>, vector<1x16xf32>,
      %get3A_628 = vector.shape_cast %get3A_627 : vector<1x16xf32> to vector<16xf32>
      %add3A_629 = arith.addf %get3A_624, %get3A_628 : vector<16xf32>
      %swap3A_630 = arith.index_cast %scan3A_104 : i32 to index
      %swap3A_631 = arith.constant 592 : index
      %swap3A_632 = tpu.vector_load %arg6[%swap3A_630, %swap3A_631] {strides = array<i32>} : memref<64x768xf32, #tpu.memory_space<vmem>>, vector<1x16xf32>,
      %swap3A_633 = vector.shape_cast %swap3A_632 : vector<1x16xf32> to vector<16xf32>
      %swap3A_634 = vector.shape_cast %add3A_629 : vector<16xf32> to vector<1x16xf32>
      tpu.vector_store %arg6[%swap3A_630, %swap3A_631], %swap3A_634 {strides = array<i32>} : memref<64x768xf32, #tpu.memory_space<vmem>>, vector<1x16xf32>,
      %get3A_635 = arith.index_cast %scan3A_104 : i32 to index
      %get3A_636 = arith.constant 608 : index
      %get3A_637 = tpu.vector_load %arg6[%get3A_635, %get3A_636] {strides = array<i32>} : memref<64x768xf32, #tpu.memory_space<vmem>>, vector<1x16xf32>,
      %get3A_638 = vector.shape_cast %get3A_637 : vector<1x16xf32> to vector<16xf32>
      %get3A_639 = arith.index_cast %scan3A_104 : i32 to index
      %get3A_640 = arith.constant 608 : index
      %get3A_641 = tpu.vector_load %arg7[%get3A_639, %get3A_640] {strides = array<i32>} : memref<64x768xf32, #tpu.memory_space<vmem>>, vector<1x16xf32>,
      %get3A_642 = vector.shape_cast %get3A_641 : vector<1x16xf32> to vector<16xf32>
      %add3A_643 = arith.addf %get3A_638, %get3A_642 : vector<16xf32>
      %swap3A_644 = arith.index_cast %scan3A_104 : i32 to index
      %swap3A_645 = arith.constant 608 : index
      %swap3A_646 = tpu.vector_load %arg6[%swap3A_644, %swap3A_645] {strides = array<i32>} : memref<64x768xf32, #tpu.memory_space<vmem>>, vector<1x16xf32>,
      %swap3A_647 = vector.shape_cast %swap3A_646 : vector<1x16xf32> to vector<16xf32>
      %swap3A_648 = vector.shape_cast %add3A_643 : vector<16xf32> to vector<1x16xf32>
      tpu.vector_store %arg6[%swap3A_644, %swap3A_645], %swap3A_648 {strides = array<i32>} : memref<64x768xf32, #tpu.memory_space<vmem>>, vector<1x16xf32>,
      %get3A_649 = arith.index_cast %scan3A_104 : i32 to index
      %get3A_650 = arith.constant 624 : index
      %get3A_651 = tpu.vector_load %arg6[%get3A_649, %get3A_650] {strides = array<i32>} : memref<64x768xf32, #tpu.memory_space<vmem>>, vector<1x16xf32>,
      %get3A_652 = vector.shape_cast %get3A_651 : vector<1x16xf32> to vector<16xf32>
      %get3A_653 = arith.index_cast %scan3A_104 : i32 to index
      %get3A_654 = arith.constant 624 : index
      %get3A_655 = tpu.vector_load %arg7[%get3A_653, %get3A_654] {strides = array<i32>} : memref<64x768xf32, #tpu.memory_space<vmem>>, vector<1x16xf32>,
      %get3A_656 = vector.shape_cast %get3A_655 : vector<1x16xf32> to vector<16xf32>
      %add3A_657 = arith.addf %get3A_652, %get3A_656 : vector<16xf32>
      %swap3A_658 = arith.index_cast %scan3A_104 : i32 to index
      %swap3A_659 = arith.constant 624 : index
      %swap3A_660 = tpu.vector_load %arg6[%swap3A_658, %swap3A_659] {strides = array<i32>} : memref<64x768xf32, #tpu.memory_space<vmem>>, vector<1x16xf32>,
      %swap3A_661 = vector.shape_cast %swap3A_660 : vector<1x16xf32> to vector<16xf32>
      %swap3A_662 = vector.shape_cast %add3A_657 : vector<16xf32> to vector<1x16xf32>
      tpu.vector_store %arg6[%swap3A_658, %swap3A_659], %swap3A_662 {strides = array<i32>} : memref<64x768xf32, #tpu.memory_space<vmem>>, vector<1x16xf32>,
      %get3A_663 = arith.index_cast %scan3A_104 : i32 to index
      %get3A_664 = arith.constant 640 : index
      %get3A_665 = tpu.vector_load %arg6[%get3A_663, %get3A_664] {strides = array<i32>} : memref<64x768xf32, #tpu.memory_space<vmem>>, vector<1x16xf32>,
      %get3A_666 = vector.shape_cast %get3A_665 : vector<1x16xf32> to vector<16xf32>
      %get3A_667 = arith.index_cast %scan3A_104 : i32 to index
      %get3A_668 = arith.constant 640 : index
      %get3A_669 = tpu.vector_load %arg7[%get3A_667, %get3A_668] {strides = array<i32>} : memref<64x768xf32, #tpu.memory_space<vmem>>, vector<1x16xf32>,
      %get3A_670 = vector.shape_cast %get3A_669 : vector<1x16xf32> to vector<16xf32>
      %add3A_671 = arith.addf %get3A_666, %get3A_670 : vector<16xf32>
      %swap3A_672 = arith.index_cast %scan3A_104 : i32 to index
      %swap3A_673 = arith.constant 640 : index
      %swap3A_674 = tpu.vector_load %arg6[%swap3A_672, %swap3A_673] {strides = array<i32>} : memref<64x768xf32, #tpu.memory_space<vmem>>, vector<1x16xf32>,
      %swap3A_675 = vector.shape_cast %swap3A_674 : vector<1x16xf32> to vector<16xf32>
      %swap3A_676 = vector.shape_cast %add3A_671 : vector<16xf32> to vector<1x16xf32>
      tpu.vector_store %arg6[%swap3A_672, %swap3A_673], %swap3A_676 {strides = array<i32>} : memref<64x768xf32, #tpu.memory_space<vmem>>, vector<1x16xf32>,
      %get3A_677 = arith.index_cast %scan3A_104 : i32 to index
      %get3A_678 = arith.constant 656 : index
      %get3A_679 = tpu.vector_load %arg6[%get3A_677, %get3A_678] {strides = array<i32>} : memref<64x768xf32, #tpu.memory_space<vmem>>, vector<1x16xf32>,
      %get3A_680 = vector.shape_cast %get3A_679 : vector<1x16xf32> to vector<16xf32>
      %get3A_681 = arith.index_cast %scan3A_104 : i32 to index
      %get3A_682 = arith.constant 656 : index
      %get3A_683 = tpu.vector_load %arg7[%get3A_681, %get3A_682] {strides = array<i32>} : memref<64x768xf32, #tpu.memory_space<vmem>>, vector<1x16xf32>,
      %get3A_684 = vector.shape_cast %get3A_683 : vector<1x16xf32> to vector<16xf32>
      %add3A_685 = arith.addf %get3A_680, %get3A_684 : vector<16xf32>
      %swap3A_686 = arith.index_cast %scan3A_104 : i32 to index
      %swap3A_687 = arith.constant 656 : index
      %swap3A_688 = tpu.vector_load %arg6[%swap3A_686, %swap3A_687] {strides = array<i32>} : memref<64x768xf32, #tpu.memory_space<vmem>>, vector<1x16xf32>,
      %swap3A_689 = vector.shape_cast %swap3A_688 : vector<1x16xf32> to vector<16xf32>
      %swap3A_690 = vector.shape_cast %add3A_685 : vector<16xf32> to vector<1x16xf32>
      tpu.vector_store %arg6[%swap3A_686, %swap3A_687], %swap3A_690 {strides = array<i32>} : memref<64x768xf32, #tpu.memory_space<vmem>>, vector<1x16xf32>,
      %get3A_691 = arith.index_cast %scan3A_104 : i32 to index
      %get3A_692 = arith.constant 672 : index
      %get3A_693 = tpu.vector_load %arg6[%get3A_691, %get3A_692] {strides = array<i32>} : memref<64x768xf32, #tpu.memory_space<vmem>>, vector<1x16xf32>,
      %get3A_694 = vector.shape_cast %get3A_693 : vector<1x16xf32> to vector<16xf32>
      %get3A_695 = arith.index_cast %scan3A_104 : i32 to index
      %get3A_696 = arith.constant 672 : index
      %get3A_697 = tpu.vector_load %arg7[%get3A_695, %get3A_696] {strides = array<i32>} : memref<64x768xf32, #tpu.memory_space<vmem>>, vector<1x16xf32>,
      %get3A_698 = vector.shape_cast %get3A_697 : vector<1x16xf32> to vector<16xf32>
      %add3A_699 = arith.addf %get3A_694, %get3A_698 : vector<16xf32>
      %swap3A_700 = arith.index_cast %scan3A_104 : i32 to index
      %swap3A_701 = arith.constant 672 : index
      %swap3A_702 = tpu.vector_load %arg6[%swap3A_700, %swap3A_701] {strides = array<i32>} : memref<64x768xf32, #tpu.memory_space<vmem>>, vector<1x16xf32>,
      %swap3A_703 = vector.shape_cast %swap3A_702 : vector<1x16xf32> to vector<16xf32>
      %swap3A_704 = vector.shape_cast %add3A_699 : vector<16xf32> to vector<1x16xf32>
      tpu.vector_store %arg6[%swap3A_700, %swap3A_701], %swap3A_704 {strides = array<i32>} : memref<64x768xf32, #tpu.memory_space<vmem>>, vector<1x16xf32>,
      %get3A_705 = arith.index_cast %scan3A_104 : i32 to index
      %get3A_706 = arith.constant 688 : index
      %get3A_707 = tpu.vector_load %arg6[%get3A_705, %get3A_706] {strides = array<i32>} : memref<64x768xf32, #tpu.memory_space<vmem>>, vector<1x16xf32>,
      %get3A_708 = vector.shape_cast %get3A_707 : vector<1x16xf32> to vector<16xf32>
      %get3A_709 = arith.index_cast %scan3A_104 : i32 to index
      %get3A_710 = arith.constant 688 : index
      %get3A_711 = tpu.vector_load %arg7[%get3A_709, %get3A_710] {strides = array<i32>} : memref<64x768xf32, #tpu.memory_space<vmem>>, vector<1x16xf32>,
      %get3A_712 = vector.shape_cast %get3A_711 : vector<1x16xf32> to vector<16xf32>
      %add3A_713 = arith.addf %get3A_708, %get3A_712 : vector<16xf32>
      %swap3A_714 = arith.index_cast %scan3A_104 : i32 to index
      %swap3A_715 = arith.constant 688 : index
      %swap3A_716 = tpu.vector_load %arg6[%swap3A_714, %swap3A_715] {strides = array<i32>} : memref<64x768xf32, #tpu.memory_space<vmem>>, vector<1x16xf32>,
      %swap3A_717 = vector.shape_cast %swap3A_716 : vector<1x16xf32> to vector<16xf32>
      %swap3A_718 = vector.shape_cast %add3A_713 : vector<16xf32> to vector<1x16xf32>
      tpu.vector_store %arg6[%swap3A_714, %swap3A_715], %swap3A_718 {strides = array<i32>} : memref<64x768xf32, #tpu.memory_space<vmem>>, vector<1x16xf32>,
      %get3A_719 = arith.index_cast %scan3A_104 : i32 to index
      %get3A_720 = arith.constant 704 : index
      %get3A_721 = tpu.vector_load %arg6[%get3A_719, %get3A_720] {strides = array<i32>} : memref<64x768xf32, #tpu.memory_space<vmem>>, vector<1x16xf32>,
      %get3A_722 = vector.shape_cast %get3A_721 : vector<1x16xf32> to vector<16xf32>
      %get3A_723 = arith.index_cast %scan3A_104 : i32 to index
      %get3A_724 = arith.constant 704 : index
      %get3A_725 = tpu.vector_load %arg7[%get3A_723, %get3A_724] {strides = array<i32>} : memref<64x768xf32, #tpu.memory_space<vmem>>, vector<1x16xf32>,
      %get3A_726 = vector.shape_cast %get3A_725 : vector<1x16xf32> to vector<16xf32>
      %add3A_727 = arith.addf %get3A_722, %get3A_726 : vector<16xf32>
      %swap3A_728 = arith.index_cast %scan3A_104 : i32 to index
      %swap3A_729 = arith.constant 704 : index
      %swap3A_730 = tpu.vector_load %arg6[%swap3A_728, %swap3A_729] {strides = array<i32>} : memref<64x768xf32, #tpu.memory_space<vmem>>, vector<1x16xf32>,
      %swap3A_731 = vector.shape_cast %swap3A_730 : vector<1x16xf32> to vector<16xf32>
      %swap3A_732 = vector.shape_cast %add3A_727 : vector<16xf32> to vector<1x16xf32>
      tpu.vector_store %arg6[%swap3A_728, %swap3A_729], %swap3A_732 {strides = array<i32>} : memref<64x768xf32, #tpu.memory_space<vmem>>, vector<1x16xf32>,
      %get3A_733 = arith.index_cast %scan3A_104 : i32 to index
      %get3A_734 = arith.constant 720 : index
      %get3A_735 = tpu.vector_load %arg6[%get3A_733, %get3A_734] {strides = array<i32>} : memref<64x768xf32, #tpu.memory_space<vmem>>, vector<1x16xf32>,
      %get3A_736 = vector.shape_cast %get3A_735 : vector<1x16xf32> to vector<16xf32>
      %get3A_737 = arith.index_cast %scan3A_104 : i32 to index
      %get3A_738 = arith.constant 720 : index
      %get3A_739 = tpu.vector_load %arg7[%get3A_737, %get3A_738] {strides = array<i32>} : memref<64x768xf32, #tpu.memory_space<vmem>>, vector<1x16xf32>,
      %get3A_740 = vector.shape_cast %get3A_739 : vector<1x16xf32> to vector<16xf32>
      %add3A_741 = arith.addf %get3A_736, %get3A_740 : vector<16xf32>
      %swap3A_742 = arith.index_cast %scan3A_104 : i32 to index
      %swap3A_743 = arith.constant 720 : index
      %swap3A_744 = tpu.vector_load %arg6[%swap3A_742, %swap3A_743] {strides = array<i32>} : memref<64x768xf32, #tpu.memory_space<vmem>>, vector<1x16xf32>,
      %swap3A_745 = vector.shape_cast %swap3A_744 : vector<1x16xf32> to vector<16xf32>
      %swap3A_746 = vector.shape_cast %add3A_741 : vector<16xf32> to vector<1x16xf32>
      tpu.vector_store %arg6[%swap3A_742, %swap3A_743], %swap3A_746 {strides = array<i32>} : memref<64x768xf32, #tpu.memory_space<vmem>>, vector<1x16xf32>,
      %get3A_747 = arith.index_cast %scan3A_104 : i32 to index
      %get3A_748 = arith.constant 736 : index
      %get3A_749 = tpu.vector_load %arg6[%get3A_747, %get3A_748] {strides = array<i32>} : memref<64x768xf32, #tpu.memory_space<vmem>>, vector<1x16xf32>,
      %get3A_750 = vector.shape_cast %get3A_749 : vector<1x16xf32> to vector<16xf32>
      %get3A_751 = arith.index_cast %scan3A_104 : i32 to index
      %get3A_752 = arith.constant 736 : index
      %get3A_753 = tpu.vector_load %arg7[%get3A_751, %get3A_752] {strides = array<i32>} : memref<64x768xf32, #tpu.memory_space<vmem>>, vector<1x16xf32>,
      %get3A_754 = vector.shape_cast %get3A_753 : vector<1x16xf32> to vector<16xf32>
      %add3A_755 = arith.addf %get3A_750, %get3A_754 : vector<16xf32>
      %swap3A_756 = arith.index_cast %scan3A_104 : i32 to index
      %swap3A_757 = arith.constant 736 : index
      %swap3A_758 = tpu.vector_load %arg6[%swap3A_756, %swap3A_757] {strides = array<i32>} : memref<64x768xf32, #tpu.memory_space<vmem>>, vector<1x16xf32>,
      %swap3A_759 = vector.shape_cast %swap3A_758 : vector<1x16xf32> to vector<16xf32>
      %swap3A_760 = vector.shape_cast %add3A_755 : vector<16xf32> to vector<1x16xf32>
      tpu.vector_store %arg6[%swap3A_756, %swap3A_757], %swap3A_760 {strides = array<i32>} : memref<64x768xf32, #tpu.memory_space<vmem>>, vector<1x16xf32>,
      %get3A_761 = arith.index_cast %scan3A_104 : i32 to index
      %get3A_762 = arith.constant 752 : index
      %get3A_763 = tpu.vector_load %arg6[%get3A_761, %get3A_762] {strides = array<i32>} : memref<64x768xf32, #tpu.memory_space<vmem>>, vector<1x16xf32>,
      %get3A_764 = vector.shape_cast %get3A_763 : vector<1x16xf32> to vector<16xf32>
      %get3A_765 = arith.index_cast %scan3A_104 : i32 to index
      %get3A_766 = arith.constant 752 : index
      %get3A_767 = tpu.vector_load %arg7[%get3A_765, %get3A_766] {strides = array<i32>} : memref<64x768xf32, #tpu.memory_space<vmem>>, vector<1x16xf32>,
      %get3A_768 = vector.shape_cast %get3A_767 : vector<1x16xf32> to vector<16xf32>
      %add3A_769 = arith.addf %get3A_764, %get3A_768 : vector<16xf32>
      %swap3A_770 = arith.index_cast %scan3A_104 : i32 to index
      %swap3A_771 = arith.constant 752 : index
      %swap3A_772 = tpu.vector_load %arg6[%swap3A_770, %swap3A_771] {strides = array<i32>} : memref<64x768xf32, #tpu.memory_space<vmem>>, vector<1x16xf32>,
      %swap3A_773 = vector.shape_cast %swap3A_772 : vector<1x16xf32> to vector<16xf32>
      %swap3A_774 = vector.shape_cast %add3A_769 : vector<16xf32> to vector<1x16xf32>
      tpu.vector_store %arg6[%swap3A_770, %swap3A_771], %swap3A_774 {strides = array<i32>} : memref<64x768xf32, #tpu.memory_space<vmem>>, vector<1x16xf32>,
    }
    %scan3A_71 = arith.constant 32 : i32
    %add3A_72 = arith.constant 0 : i32
    %add3A_73 = arith.addi %mul3A_2, %add3A_72 : i32
    "tpu.region"() ({
      %run_scoped3A = tpu.sem_alloc : memref<!tpu.dma_semaphore, #tpu.memory_space<semaphore_mem>>
      %dma_start3A_104 = arith.constant 0 : i32
      %dma_start3A_105 = arith.constant 0 : i32
      %dma_start3A_106 = tpu.memref_slice %arg6[%dma_start3A_104, %dma_start3A_105] : memref<64x768xf32, #tpu.memory_space<vmem>> -> memref<32x768xf32, #tpu.memory_space<vmem>>
      %dma_start3A_107 = arith.constant 0 : i32
      %dma_start3A_108 = tpu.memref_slice %arg5[%add3A_73, %dma_start3A_107] : memref<2048x768xf32, #tpu.memory_space<hbm>> -> memref<32x768xf32, #tpu.memory_space<hbm>>
      %dma_start3A_109 = arith.constant 0 : i32
      %dma_start3A_110 = tpu.memref_slice %arg5[%add3A_73, %dma_start3A_109] : memref<2048x768xf32, #tpu.memory_space<hbm>> -> memref<32x768xf32, #tpu.memory_space<hbm>>
      %dma_start3A_111 = arith.constant 0 : i32
      %dma_start3A_112 = arith.constant 0 : i32
      %dma_start3A_113 = tpu.memref_slice %arg6[%dma_start3A_111, %dma_start3A_112] : memref<64x768xf32, #tpu.memory_space<vmem>> -> memref<32x768xf32, #tpu.memory_space<vmem>>
      tpu.enqueue_dma source(%dma_start3A_113 : memref<32x768xf32, #tpu.memory_space<vmem>>) target(%dma_start3A_110 : memref<32x768xf32, #tpu.memory_space<hbm>>) target_semaphore(%run_scoped3A : memref<!tpu.dma_semaphore, #tpu.memory_space<semaphore_mem>>)
      %dma_wait3A_114 = arith.constant 0 : i32
      %dma_wait3A_115 = arith.constant 0 : i32
      %dma_wait3A_116 = tpu.memref_slice %arg6[%dma_wait3A_114, %dma_wait3A_115] : memref<64x768xf32, #tpu.memory_space<vmem>> -> memref<32x768xf32, #tpu.memory_space<vmem>>
      %dma_wait3A_117 = arith.constant 0 : i32
      %dma_wait3A_118 = tpu.memref_slice %arg5[%add3A_73, %dma_wait3A_117] : memref<2048x768xf32, #tpu.memory_space<hbm>> -> memref<32x768xf32, #tpu.memory_space<hbm>>
      %dma_wait3A_119 = arith.constant 0 : i32
      %dma_wait3A_120 = tpu.memref_slice %arg5[%add3A_73, %dma_wait3A_119] : memref<2048x768xf32, #tpu.memory_space<hbm>> -> memref<32x768xf32, #tpu.memory_space<hbm>>
      %dma_wait3A_121 = arith.constant 0 : i32
      %dma_wait3A_122 = arith.constant 0 : i32
      %dma_wait3A_123 = tpu.memref_slice %arg6[%dma_wait3A_121, %dma_wait3A_122] : memref<64x768xf32, #tpu.memory_space<vmem>> -> memref<32x768xf32, #tpu.memory_space<vmem>>
      tpu.wait_dma2 semaphore(%run_scoped3A : memref<!tpu.dma_semaphore, #tpu.memory_space<semaphore_mem>>) src(%dma_wait3A_123 : memref<32x768xf32, #tpu.memory_space<vmem>>) dst(%dma_wait3A_120 : memref<32x768xf32, #tpu.memory_space<hbm>>)
      tpu.yield
    }) : () -> ()
    %dma_wait3A_74 = arith.constant 1 : i32
    %dma_wait3A_75 = arith.constant 32 : i32
    %dma_wait3A_76 = arith.constant 0 : i32
    %dma_wait3A_77 = tpu.memref_slice %arg6[%dma_wait3A_75, %dma_wait3A_76] : memref<64x768xf32, #tpu.memory_space<vmem>> -> memref<32x768xf32, #tpu.memory_space<vmem>>
    %dma_wait3A_78 = arith.constant 32 : i32
    %dma_wait3A_79 = tpu.memref_slice %arg8[%dma_wait3A_78] : memref<64xi32, #tpu.memory_space<vmem>> -> memref<32xi32, #tpu.memory_space<vmem>>
    %dma_wait3A_80 = arith.constant 0 : i32
    %dma_wait3A_81 = arith.constant 0 : i32
    %dma_wait3A_82 = tpu.memref_slice %arg2[%dma_wait3A_80, %dma_wait3A_81] : memref<6144x768xf32, #tpu.memory_space<hbm>> -> memref<6144x768xf32, #tpu.memory_space<hbm>>
    %dma_wait3A_83 = tpu.memref_slice %arg10[%dma_wait3A_74] : memref<2x!tpu.dma_semaphore, #tpu.memory_space<semaphore_mem>> -> memref<1x!tpu.dma_semaphore, #tpu.memory_space<semaphore_mem>>
    %dma_wait3A_84 = tpu.memref_squeeze %dma_wait3A_83 : memref<1x!tpu.dma_semaphore, #tpu.memory_space<semaphore_mem>> -> memref<!tpu.dma_semaphore, #tpu.memory_space<semaphore_mem>>
    tpu.wait_indirect_dma semaphore(%dma_wait3A_84 : memref<!tpu.dma_semaphore, #tpu.memory_space<semaphore_mem>>) src(%dma_wait3A_82 : memref<6144x768xf32, #tpu.memory_space<hbm>>) dst(%dma_wait3A_77 : memref<32x768xf32, #tpu.memory_space<vmem>>)
    %dma_wait3A_85 = arith.constant 1 : i32
    %dma_wait3A_86 = arith.constant 32 : i32
    %dma_wait3A_87 = arith.constant 0 : i32
    %dma_wait3A_88 = tpu.memref_slice %arg7[%dma_wait3A_86, %dma_wait3A_87] : memref<64x768xf32, #tpu.memory_space<vmem>> -> memref<32x768xf32, #tpu.memory_space<vmem>>
    %dma_wait3A_89 = arith.constant 32 : i32
    %dma_wait3A_90 = tpu.memref_slice %arg9[%dma_wait3A_89] : memref<64xi32, #tpu.memory_space<vmem>> -> memref<32xi32, #tpu.memory_space<vmem>>
    %dma_wait3A_91 = arith.constant 0 : i32
    %dma_wait3A_92 = arith.constant 0 : i32
    %dma_wait3A_93 = tpu.memref_slice %arg2[%dma_wait3A_91, %dma_wait3A_92] : memref<6144x768xf32, #tpu.memory_space<hbm>> -> memref<6144x768xf32, #tpu.memory_space<hbm>>
    %dma_wait3A_94 = tpu.memref_slice %arg11[%dma_wait3A_85] : memref<2x!tpu.dma_semaphore, #tpu.memory_space<semaphore_mem>> -> memref<1x!tpu.dma_semaphore, #tpu.memory_space<semaphore_mem>>
    %dma_wait3A_95 = tpu.memref_squeeze %dma_wait3A_94 : memref<1x!tpu.dma_semaphore, #tpu.memory_space<semaphore_mem>> -> memref<!tpu.dma_semaphore, #tpu.memory_space<semaphore_mem>>
    tpu.wait_indirect_dma semaphore(%dma_wait3A_95 : memref<!tpu.dma_semaphore, #tpu.memory_space<semaphore_mem>>) src(%dma_wait3A_93 : memref<6144x768xf32, #tpu.memory_space<hbm>>) dst(%dma_wait3A_88 : memref<32x768xf32, #tpu.memory_space<vmem>>)
    %scan3A_96 = arith.constant 0 : i32
    %scan3A_97 = arith.constant 32 : i32
    %scan3A_98 = arith.constant 32 : i32
    %scan3A_99 = arith.addi %scan3A_97, %scan3A_98 : i32
    %scan3A_100 = arith.constant 1 : i32
    scf.for %scan3A_104 = %scan3A_97 to %scan3A_99 step %scan3A_100  : i32 {
      %get3A = arith.index_cast %scan3A_104 : i32 to index
      %get3A_105 = arith.constant 0 : index
      %get3A_106 = tpu.vector_load %arg6[%get3A, %get3A_105] {strides = array<i32>} : memref<64x768xf32, #tpu.memory_space<vmem>>, vector<1x16xf32>,
      %get3A_107 = vector.shape_cast %get3A_106 : vector<1x16xf32> to vector<16xf32>
      %get3A_108 = arith.index_cast %scan3A_104 : i32 to index
      %get3A_109 = arith.constant 0 : index
      %get3A_110 = tpu.vector_load %arg7[%get3A_108, %get3A_109] {strides = array<i32>} : memref<64x768xf32, #tpu.memory_space<vmem>>, vector<1x16xf32>,
      %get3A_111 = vector.shape_cast %get3A_110 : vector<1x16xf32> to vector<16xf32>
      %add3A_112 = arith.addf %get3A_107, %get3A_111 : vector<16xf32>
      %swap3A = arith.index_cast %scan3A_104 : i32 to index
      %swap3A_113 = arith.constant 0 : index
      %swap3A_114 = tpu.vector_load %arg6[%swap3A, %swap3A_113] {strides = array<i32>} : memref<64x768xf32, #tpu.memory_space<vmem>>, vector<1x16xf32>,
      %swap3A_115 = vector.shape_cast %swap3A_114 : vector<1x16xf32> to vector<16xf32>
      %swap3A_116 = vector.shape_cast %add3A_112 : vector<16xf32> to vector<1x16xf32>
      tpu.vector_store %arg6[%swap3A, %swap3A_113], %swap3A_116 {strides = array<i32>} : memref<64x768xf32, #tpu.memory_space<vmem>>, vector<1x16xf32>,
      %get3A_117 = arith.index_cast %scan3A_104 : i32 to index
      %get3A_118 = arith.constant 16 : index
      %get3A_119 = tpu.vector_load %arg6[%get3A_117, %get3A_118] {strides = array<i32>} : memref<64x768xf32, #tpu.memory_space<vmem>>, vector<1x16xf32>,
      %get3A_120 = vector.shape_cast %get3A_119 : vector<1x16xf32> to vector<16xf32>
      %get3A_121 = arith.index_cast %scan3A_104 : i32 to index
      %get3A_122 = arith.constant 16 : index
      %get3A_123 = tpu.vector_load %arg7[%get3A_121, %get3A_122] {strides = array<i32>} : memref<64x768xf32, #tpu.memory_space<vmem>>, vector<1x16xf32>,
      %get3A_124 = vector.shape_cast %get3A_123 : vector<1x16xf32> to vector<16xf32>
      %add3A_125 = arith.addf %get3A_120, %get3A_124 : vector<16xf32>
      %swap3A_126 = arith.index_cast %scan3A_104 : i32 to index
      %swap3A_127 = arith.constant 16 : index
      %swap3A_128 = tpu.vector_load %arg6[%swap3A_126, %swap3A_127] {strides = array<i32>} : memref<64x768xf32, #tpu.memory_space<vmem>>, vector<1x16xf32>,
      %swap3A_129 = vector.shape_cast %swap3A_128 : vector<1x16xf32> to vector<16xf32>
      %swap3A_130 = vector.shape_cast %add3A_125 : vector<16xf32> to vector<1x16xf32>
      tpu.vector_store %arg6[%swap3A_126, %swap3A_127], %swap3A_130 {strides = array<i32>} : memref<64x768xf32, #tpu.memory_space<vmem>>, vector<1x16xf32>,
      %get3A_131 = arith.index_cast %scan3A_104 : i32 to index
      %get3A_132 = arith.constant 32 : index
      %get3A_133 = tpu.vector_load %arg6[%get3A_131, %get3A_132] {strides = array<i32>} : memref<64x768xf32, #tpu.memory_space<vmem>>, vector<1x16xf32>,
      %get3A_134 = vector.shape_cast %get3A_133 : vector<1x16xf32> to vector<16xf32>
      %get3A_135 = arith.index_cast %scan3A_104 : i32 to index
      %get3A_136 = arith.constant 32 : index
      %get3A_137 = tpu.vector_load %arg7[%get3A_135, %get3A_136] {strides = array<i32>} : memref<64x768xf32, #tpu.memory_space<vmem>>, vector<1x16xf32>,
      %get3A_138 = vector.shape_cast %get3A_137 : vector<1x16xf32> to vector<16xf32>
      %add3A_139 = arith.addf %get3A_134, %get3A_138 : vector<16xf32>
      %swap3A_140 = arith.index_cast %scan3A_104 : i32 to index
      %swap3A_141 = arith.constant 32 : index
      %swap3A_142 = tpu.vector_load %arg6[%swap3A_140, %swap3A_141] {strides = array<i32>} : memref<64x768xf32, #tpu.memory_space<vmem>>, vector<1x16xf32>,
      %swap3A_143 = vector.shape_cast %swap3A_142 : vector<1x16xf32> to vector<16xf32>
      %swap3A_144 = vector.shape_cast %add3A_139 : vector<16xf32> to vector<1x16xf32>
      tpu.vector_store %arg6[%swap3A_140, %swap3A_141], %swap3A_144 {strides = array<i32>} : memref<64x768xf32, #tpu.memory_space<vmem>>, vector<1x16xf32>,
      %get3A_145 = arith.index_cast %scan3A_104 : i32 to index
      %get3A_146 = arith.constant 48 : index
      %get3A_147 = tpu.vector_load %arg6[%get3A_145, %get3A_146] {strides = array<i32>} : memref<64x768xf32, #tpu.memory_space<vmem>>, vector<1x16xf32>,
      %get3A_148 = vector.shape_cast %get3A_147 : vector<1x16xf32> to vector<16xf32>
      %get3A_149 = arith.index_cast %scan3A_104 : i32 to index
      %get3A_150 = arith.constant 48 : index
      %get3A_151 = tpu.vector_load %arg7[%get3A_149, %get3A_150] {strides = array<i32>} : memref<64x768xf32, #tpu.memory_space<vmem>>, vector<1x16xf32>,
      %get3A_152 = vector.shape_cast %get3A_151 : vector<1x16xf32> to vector<16xf32>
      %add3A_153 = arith.addf %get3A_148, %get3A_152 : vector<16xf32>
      %swap3A_154 = arith.index_cast %scan3A_104 : i32 to index
      %swap3A_155 = arith.constant 48 : index
      %swap3A_156 = tpu.vector_load %arg6[%swap3A_154, %swap3A_155] {strides = array<i32>} : memref<64x768xf32, #tpu.memory_space<vmem>>, vector<1x16xf32>,
      %swap3A_157 = vector.shape_cast %swap3A_156 : vector<1x16xf32> to vector<16xf32>
      %swap3A_158 = vector.shape_cast %add3A_153 : vector<16xf32> to vector<1x16xf32>
      tpu.vector_store %arg6[%swap3A_154, %swap3A_155], %swap3A_158 {strides = array<i32>} : memref<64x768xf32, #tpu.memory_space<vmem>>, vector<1x16xf32>,
      %get3A_159 = arith.index_cast %scan3A_104 : i32 to index
      %get3A_160 = arith.constant 64 : index
      %get3A_161 = tpu.vector_load %arg6[%get3A_159, %get3A_160] {strides = array<i32>} : memref<64x768xf32, #tpu.memory_space<vmem>>, vector<1x16xf32>,
      %get3A_162 = vector.shape_cast %get3A_161 : vector<1x16xf32> to vector<16xf32>
      %get3A_163 = arith.index_cast %scan3A_104 : i32 to index
      %get3A_164 = arith.constant 64 : index
      %get3A_165 = tpu.vector_load %arg7[%get3A_163, %get3A_164] {strides = array<i32>} : memref<64x768xf32, #tpu.memory_space<vmem>>, vector<1x16xf32>,
      %get3A_166 = vector.shape_cast %get3A_165 : vector<1x16xf32> to vector<16xf32>
      %add3A_167 = arith.addf %get3A_162, %get3A_166 : vector<16xf32>
      %swap3A_168 = arith.index_cast %scan3A_104 : i32 to index
      %swap3A_169 = arith.constant 64 : index
      %swap3A_170 = tpu.vector_load %arg6[%swap3A_168, %swap3A_169] {strides = array<i32>} : memref<64x768xf32, #tpu.memory_space<vmem>>, vector<1x16xf32>,
      %swap3A_171 = vector.shape_cast %swap3A_170 : vector<1x16xf32> to vector<16xf32>
      %swap3A_172 = vector.shape_cast %add3A_167 : vector<16xf32> to vector<1x16xf32>
      tpu.vector_store %arg6[%swap3A_168, %swap3A_169], %swap3A_172 {strides = array<i32>} : memref<64x768xf32, #tpu.memory_space<vmem>>, vector<1x16xf32>,
      %get3A_173 = arith.index_cast %scan3A_104 : i32 to index
      %get3A_174 = arith.constant 80 : index
      %get3A_175 = tpu.vector_load %arg6[%get3A_173, %get3A_174] {strides = array<i32>} : memref<64x768xf32, #tpu.memory_space<vmem>>, vector<1x16xf32>,
      %get3A_176 = vector.shape_cast %get3A_175 : vector<1x16xf32> to vector<16xf32>
      %get3A_177 = arith.index_cast %scan3A_104 : i32 to index
      %get3A_178 = arith.constant 80 : index
      %get3A_179 = tpu.vector_load %arg7[%get3A_177, %get3A_178] {strides = array<i32>} : memref<64x768xf32, #tpu.memory_space<vmem>>, vector<1x16xf32>,
      %get3A_180 = vector.shape_cast %get3A_179 : vector<1x16xf32> to vector<16xf32>
      %add3A_181 = arith.addf %get3A_176, %get3A_180 : vector<16xf32>
      %swap3A_182 = arith.index_cast %scan3A_104 : i32 to index
      %swap3A_183 = arith.constant 80 : index
      %swap3A_184 = tpu.vector_load %arg6[%swap3A_182, %swap3A_183] {strides = array<i32>} : memref<64x768xf32, #tpu.memory_space<vmem>>, vector<1x16xf32>,
      %swap3A_185 = vector.shape_cast %swap3A_184 : vector<1x16xf32> to vector<16xf32>
      %swap3A_186 = vector.shape_cast %add3A_181 : vector<16xf32> to vector<1x16xf32>
      tpu.vector_store %arg6[%swap3A_182, %swap3A_183], %swap3A_186 {strides = array<i32>} : memref<64x768xf32, #tpu.memory_space<vmem>>, vector<1x16xf32>,
      %get3A_187 = arith.index_cast %scan3A_104 : i32 to index
      %get3A_188 = arith.constant 96 : index
      %get3A_189 = tpu.vector_load %arg6[%get3A_187, %get3A_188] {strides = array<i32>} : memref<64x768xf32, #tpu.memory_space<vmem>>, vector<1x16xf32>,
      %get3A_190 = vector.shape_cast %get3A_189 : vector<1x16xf32> to vector<16xf32>
      %get3A_191 = arith.index_cast %scan3A_104 : i32 to index
      %get3A_192 = arith.constant 96 : index
      %get3A_193 = tpu.vector_load %arg7[%get3A_191, %get3A_192] {strides = array<i32>} : memref<64x768xf32, #tpu.memory_space<vmem>>, vector<1x16xf32>,
      %get3A_194 = vector.shape_cast %get3A_193 : vector<1x16xf32> to vector<16xf32>
      %add3A_195 = arith.addf %get3A_190, %get3A_194 : vector<16xf32>
      %swap3A_196 = arith.index_cast %scan3A_104 : i32 to index
      %swap3A_197 = arith.constant 96 : index
      %swap3A_198 = tpu.vector_load %arg6[%swap3A_196, %swap3A_197] {strides = array<i32>} : memref<64x768xf32, #tpu.memory_space<vmem>>, vector<1x16xf32>,
      %swap3A_199 = vector.shape_cast %swap3A_198 : vector<1x16xf32> to vector<16xf32>
      %swap3A_200 = vector.shape_cast %add3A_195 : vector<16xf32> to vector<1x16xf32>
      tpu.vector_store %arg6[%swap3A_196, %swap3A_197], %swap3A_200 {strides = array<i32>} : memref<64x768xf32, #tpu.memory_space<vmem>>, vector<1x16xf32>,
      %get3A_201 = arith.index_cast %scan3A_104 : i32 to index
      %get3A_202 = arith.constant 112 : index
      %get3A_203 = tpu.vector_load %arg6[%get3A_201, %get3A_202] {strides = array<i32>} : memref<64x768xf32, #tpu.memory_space<vmem>>, vector<1x16xf32>,
      %get3A_204 = vector.shape_cast %get3A_203 : vector<1x16xf32> to vector<16xf32>
      %get3A_205 = arith.index_cast %scan3A_104 : i32 to index
      %get3A_206 = arith.constant 112 : index
      %get3A_207 = tpu.vector_load %arg7[%get3A_205, %get3A_206] {strides = array<i32>} : memref<64x768xf32, #tpu.memory_space<vmem>>, vector<1x16xf32>,
      %get3A_208 = vector.shape_cast %get3A_207 : vector<1x16xf32> to vector<16xf32>
      %add3A_209 = arith.addf %get3A_204, %get3A_208 : vector<16xf32>
      %swap3A_210 = arith.index_cast %scan3A_104 : i32 to index
      %swap3A_211 = arith.constant 112 : index
      %swap3A_212 = tpu.vector_load %arg6[%swap3A_210, %swap3A_211] {strides = array<i32>} : memref<64x768xf32, #tpu.memory_space<vmem>>, vector<1x16xf32>,
      %swap3A_213 = vector.shape_cast %swap3A_212 : vector<1x16xf32> to vector<16xf32>
      %swap3A_214 = vector.shape_cast %add3A_209 : vector<16xf32> to vector<1x16xf32>
      tpu.vector_store %arg6[%swap3A_210, %swap3A_211], %swap3A_214 {strides = array<i32>} : memref<64x768xf32, #tpu.memory_space<vmem>>, vector<1x16xf32>,
      %get3A_215 = arith.index_cast %scan3A_104 : i32 to index
      %get3A_216 = arith.constant 128 : index
      %get3A_217 = tpu.vector_load %arg6[%get3A_215, %get3A_216] {strides = array<i32>} : memref<64x768xf32, #tpu.memory_space<vmem>>, vector<1x16xf32>,
      %get3A_218 = vector.shape_cast %get3A_217 : vector<1x16xf32> to vector<16xf32>
      %get3A_219 = arith.index_cast %scan3A_104 : i32 to index
      %get3A_220 = arith.constant 128 : index
      %get3A_221 = tpu.vector_load %arg7[%get3A_219, %get3A_220] {strides = array<i32>} : memref<64x768xf32, #tpu.memory_space<vmem>>, vector<1x16xf32>,
      %get3A_222 = vector.shape_cast %get3A_221 : vector<1x16xf32> to vector<16xf32>
      %add3A_223 = arith.addf %get3A_218, %get3A_222 : vector<16xf32>
      %swap3A_224 = arith.index_cast %scan3A_104 : i32 to index
      %swap3A_225 = arith.constant 128 : index
      %swap3A_226 = tpu.vector_load %arg6[%swap3A_224, %swap3A_225] {strides = array<i32>} : memref<64x768xf32, #tpu.memory_space<vmem>>, vector<1x16xf32>,
      %swap3A_227 = vector.shape_cast %swap3A_226 : vector<1x16xf32> to vector<16xf32>
      %swap3A_228 = vector.shape_cast %add3A_223 : vector<16xf32> to vector<1x16xf32>
      tpu.vector_store %arg6[%swap3A_224, %swap3A_225], %swap3A_228 {strides = array<i32>} : memref<64x768xf32, #tpu.memory_space<vmem>>, vector<1x16xf32>,
      %get3A_229 = arith.index_cast %scan3A_104 : i32 to index
      %get3A_230 = arith.constant 144 : index
      %get3A_231 = tpu.vector_load %arg6[%get3A_229, %get3A_230] {strides = array<i32>} : memref<64x768xf32, #tpu.memory_space<vmem>>, vector<1x16xf32>,
      %get3A_232 = vector.shape_cast %get3A_231 : vector<1x16xf32> to vector<16xf32>
      %get3A_233 = arith.index_cast %scan3A_104 : i32 to index
      %get3A_234 = arith.constant 144 : index
      %get3A_235 = tpu.vector_load %arg7[%get3A_233, %get3A_234] {strides = array<i32>} : memref<64x768xf32, #tpu.memory_space<vmem>>, vector<1x16xf32>,
      %get3A_236 = vector.shape_cast %get3A_235 : vector<1x16xf32> to vector<16xf32>
      %add3A_237 = arith.addf %get3A_232, %get3A_236 : vector<16xf32>
      %swap3A_238 = arith.index_cast %scan3A_104 : i32 to index
      %swap3A_239 = arith.constant 144 : index
      %swap3A_240 = tpu.vector_load %arg6[%swap3A_238, %swap3A_239] {strides = array<i32>} : memref<64x768xf32, #tpu.memory_space<vmem>>, vector<1x16xf32>,
      %swap3A_241 = vector.shape_cast %swap3A_240 : vector<1x16xf32> to vector<16xf32>
      %swap3A_242 = vector.shape_cast %add3A_237 : vector<16xf32> to vector<1x16xf32>
      tpu.vector_store %arg6[%swap3A_238, %swap3A_239], %swap3A_242 {strides = array<i32>} : memref<64x768xf32, #tpu.memory_space<vmem>>, vector<1x16xf32>,
      %get3A_243 = arith.index_cast %scan3A_104 : i32 to index
      %get3A_244 = arith.constant 160 : index
      %get3A_245 = tpu.vector_load %arg6[%get3A_243, %get3A_244] {strides = array<i32>} : memref<64x768xf32, #tpu.memory_space<vmem>>, vector<1x16xf32>,
      %get3A_246 = vector.shape_cast %get3A_245 : vector<1x16xf32> to vector<16xf32>
      %get3A_247 = arith.index_cast %scan3A_104 : i32 to index
      %get3A_248 = arith.constant 160 : index
      %get3A_249 = tpu.vector_load %arg7[%get3A_247, %get3A_248] {strides = array<i32>} : memref<64x768xf32, #tpu.memory_space<vmem>>, vector<1x16xf32>,
      %get3A_250 = vector.shape_cast %get3A_249 : vector<1x16xf32> to vector<16xf32>
      %add3A_251 = arith.addf %get3A_246, %get3A_250 : vector<16xf32>
      %swap3A_252 = arith.index_cast %scan3A_104 : i32 to index
      %swap3A_253 = arith.constant 160 : index
      %swap3A_254 = tpu.vector_load %arg6[%swap3A_252, %swap3A_253] {strides = array<i32>} : memref<64x768xf32, #tpu.memory_space<vmem>>, vector<1x16xf32>,
      %swap3A_255 = vector.shape_cast %swap3A_254 : vector<1x16xf32> to vector<16xf32>
      %swap3A_256 = vector.shape_cast %add3A_251 : vector<16xf32> to vector<1x16xf32>
      tpu.vector_store %arg6[%swap3A_252, %swap3A_253], %swap3A_256 {strides = array<i32>} : memref<64x768xf32, #tpu.memory_space<vmem>>, vector<1x16xf32>,
      %get3A_257 = arith.index_cast %scan3A_104 : i32 to index
      %get3A_258 = arith.constant 176 : index
      %get3A_259 = tpu.vector_load %arg6[%get3A_257, %get3A_258] {strides = array<i32>} : memref<64x768xf32, #tpu.memory_space<vmem>>, vector<1x16xf32>,
      %get3A_260 = vector.shape_cast %get3A_259 : vector<1x16xf32> to vector<16xf32>
      %get3A_261 = arith.index_cast %scan3A_104 : i32 to index
      %get3A_262 = arith.constant 176 : index
      %get3A_263 = tpu.vector_load %arg7[%get3A_261, %get3A_262] {strides = array<i32>} : memref<64x768xf32, #tpu.memory_space<vmem>>, vector<1x16xf32>,
      %get3A_264 = vector.shape_cast %get3A_263 : vector<1x16xf32> to vector<16xf32>
      %add3A_265 = arith.addf %get3A_260, %get3A_264 : vector<16xf32>
      %swap3A_266 = arith.index_cast %scan3A_104 : i32 to index
      %swap3A_267 = arith.constant 176 : index
      %swap3A_268 = tpu.vector_load %arg6[%swap3A_266, %swap3A_267] {strides = array<i32>} : memref<64x768xf32, #tpu.memory_space<vmem>>, vector<1x16xf32>,
      %swap3A_269 = vector.shape_cast %swap3A_268 : vector<1x16xf32> to vector<16xf32>
      %swap3A_270 = vector.shape_cast %add3A_265 : vector<16xf32> to vector<1x16xf32>
      tpu.vector_store %arg6[%swap3A_266, %swap3A_267], %swap3A_270 {strides = array<i32>} : memref<64x768xf32, #tpu.memory_space<vmem>>, vector<1x16xf32>,
      %get3A_271 = arith.index_cast %scan3A_104 : i32 to index
      %get3A_272 = arith.constant 192 : index
      %get3A_273 = tpu.vector_load %arg6[%get3A_271, %get3A_272] {strides = array<i32>} : memref<64x768xf32, #tpu.memory_space<vmem>>, vector<1x16xf32>,
      %get3A_274 = vector.shape_cast %get3A_273 : vector<1x16xf32> to vector<16xf32>
      %get3A_275 = arith.index_cast %scan3A_104 : i32 to index
      %get3A_276 = arith.constant 192 : index
      %get3A_277 = tpu.vector_load %arg7[%get3A_275, %get3A_276] {strides = array<i32>} : memref<64x768xf32, #tpu.memory_space<vmem>>, vector<1x16xf32>,
      %get3A_278 = vector.shape_cast %get3A_277 : vector<1x16xf32> to vector<16xf32>
      %add3A_279 = arith.addf %get3A_274, %get3A_278 : vector<16xf32>
      %swap3A_280 = arith.index_cast %scan3A_104 : i32 to index
      %swap3A_281 = arith.constant 192 : index
      %swap3A_282 = tpu.vector_load %arg6[%swap3A_280, %swap3A_281] {strides = array<i32>} : memref<64x768xf32, #tpu.memory_space<vmem>>, vector<1x16xf32>,
      %swap3A_283 = vector.shape_cast %swap3A_282 : vector<1x16xf32> to vector<16xf32>
      %swap3A_284 = vector.shape_cast %add3A_279 : vector<16xf32> to vector<1x16xf32>
      tpu.vector_store %arg6[%swap3A_280, %swap3A_281], %swap3A_284 {strides = array<i32>} : memref<64x768xf32, #tpu.memory_space<vmem>>, vector<1x16xf32>,
      %get3A_285 = arith.index_cast %scan3A_104 : i32 to index
      %get3A_286 = arith.constant 208 : index
      %get3A_287 = tpu.vector_load %arg6[%get3A_285, %get3A_286] {strides = array<i32>} : memref<64x768xf32, #tpu.memory_space<vmem>>, vector<1x16xf32>,
      %get3A_288 = vector.shape_cast %get3A_287 : vector<1x16xf32> to vector<16xf32>
      %get3A_289 = arith.index_cast %scan3A_104 : i32 to index
      %get3A_290 = arith.constant 208 : index
      %get3A_291 = tpu.vector_load %arg7[%get3A_289, %get3A_290] {strides = array<i32>} : memref<64x768xf32, #tpu.memory_space<vmem>>, vector<1x16xf32>,
      %get3A_292 = vector.shape_cast %get3A_291 : vector<1x16xf32> to vector<16xf32>
      %add3A_293 = arith.addf %get3A_288, %get3A_292 : vector<16xf32>
      %swap3A_294 = arith.index_cast %scan3A_104 : i32 to index
      %swap3A_295 = arith.constant 208 : index
      %swap3A_296 = tpu.vector_load %arg6[%swap3A_294, %swap3A_295] {strides = array<i32>} : memref<64x768xf32, #tpu.memory_space<vmem>>, vector<1x16xf32>,
      %swap3A_297 = vector.shape_cast %swap3A_296 : vector<1x16xf32> to vector<16xf32>
      %swap3A_298 = vector.shape_cast %add3A_293 : vector<16xf32> to vector<1x16xf32>
      tpu.vector_store %arg6[%swap3A_294, %swap3A_295], %swap3A_298 {strides = array<i32>} : memref<64x768xf32, #tpu.memory_space<vmem>>, vector<1x16xf32>,
      %get3A_299 = arith.index_cast %scan3A_104 : i32 to index
      %get3A_300 = arith.constant 224 : index
      %get3A_301 = tpu.vector_load %arg6[%get3A_299, %get3A_300] {strides = array<i32>} : memref<64x768xf32, #tpu.memory_space<vmem>>, vector<1x16xf32>,
      %get3A_302 = vector.shape_cast %get3A_301 : vector<1x16xf32> to vector<16xf32>
      %get3A_303 = arith.index_cast %scan3A_104 : i32 to index
      %get3A_304 = arith.constant 224 : index
      %get3A_305 = tpu.vector_load %arg7[%get3A_303, %get3A_304] {strides = array<i32>} : memref<64x768xf32, #tpu.memory_space<vmem>>, vector<1x16xf32>,
      %get3A_306 = vector.shape_cast %get3A_305 : vector<1x16xf32> to vector<16xf32>
      %add3A_307 = arith.addf %get3A_302, %get3A_306 : vector<16xf32>
      %swap3A_308 = arith.index_cast %scan3A_104 : i32 to index
      %swap3A_309 = arith.constant 224 : index
      %swap3A_310 = tpu.vector_load %arg6[%swap3A_308, %swap3A_309] {strides = array<i32>} : memref<64x768xf32, #tpu.memory_space<vmem>>, vector<1x16xf32>,
      %swap3A_311 = vector.shape_cast %swap3A_310 : vector<1x16xf32> to vector<16xf32>
      %swap3A_312 = vector.shape_cast %add3A_307 : vector<16xf32> to vector<1x16xf32>
      tpu.vector_store %arg6[%swap3A_308, %swap3A_309], %swap3A_312 {strides = array<i32>} : memref<64x768xf32, #tpu.memory_space<vmem>>, vector<1x16xf32>,
      %get3A_313 = arith.index_cast %scan3A_104 : i32 to index
      %get3A_314 = arith.constant 240 : index
      %get3A_315 = tpu.vector_load %arg6[%get3A_313, %get3A_314] {strides = array<i32>} : memref<64x768xf32, #tpu.memory_space<vmem>>, vector<1x16xf32>,
      %get3A_316 = vector.shape_cast %get3A_315 : vector<1x16xf32> to vector<16xf32>
      %get3A_317 = arith.index_cast %scan3A_104 : i32 to index
      %get3A_318 = arith.constant 240 : index
      %get3A_319 = tpu.vector_load %arg7[%get3A_317, %get3A_318] {strides = array<i32>} : memref<64x768xf32, #tpu.memory_space<vmem>>, vector<1x16xf32>,
      %get3A_320 = vector.shape_cast %get3A_319 : vector<1x16xf32> to vector<16xf32>
      %add3A_321 = arith.addf %get3A_316, %get3A_320 : vector<16xf32>
      %swap3A_322 = arith.index_cast %scan3A_104 : i32 to index
      %swap3A_323 = arith.constant 240 : index
      %swap3A_324 = tpu.vector_load %arg6[%swap3A_322, %swap3A_323] {strides = array<i32>} : memref<64x768xf32, #tpu.memory_space<vmem>>, vector<1x16xf32>,
      %swap3A_325 = vector.shape_cast %swap3A_324 : vector<1x16xf32> to vector<16xf32>
      %swap3A_326 = vector.shape_cast %add3A_321 : vector<16xf32> to vector<1x16xf32>
      tpu.vector_store %arg6[%swap3A_322, %swap3A_323], %swap3A_326 {strides = array<i32>} : memref<64x768xf32, #tpu.memory_space<vmem>>, vector<1x16xf32>,
      %get3A_327 = arith.index_cast %scan3A_104 : i32 to index
      %get3A_328 = arith.constant 256 : index
      %get3A_329 = tpu.vector_load %arg6[%get3A_327, %get3A_328] {strides = array<i32>} : memref<64x768xf32, #tpu.memory_space<vmem>>, vector<1x16xf32>,
      %get3A_330 = vector.shape_cast %get3A_329 : vector<1x16xf32> to vector<16xf32>
      %get3A_331 = arith.index_cast %scan3A_104 : i32 to index
      %get3A_332 = arith.constant 256 : index
      %get3A_333 = tpu.vector_load %arg7[%get3A_331, %get3A_332] {strides = array<i32>} : memref<64x768xf32, #tpu.memory_space<vmem>>, vector<1x16xf32>,
      %get3A_334 = vector.shape_cast %get3A_333 : vector<1x16xf32> to vector<16xf32>
      %add3A_335 = arith.addf %get3A_330, %get3A_334 : vector<16xf32>
      %swap3A_336 = arith.index_cast %scan3A_104 : i32 to index
      %swap3A_337 = arith.constant 256 : index
      %swap3A_338 = tpu.vector_load %arg6[%swap3A_336, %swap3A_337] {strides = array<i32>} : memref<64x768xf32, #tpu.memory_space<vmem>>, vector<1x16xf32>,
      %swap3A_339 = vector.shape_cast %swap3A_338 : vector<1x16xf32> to vector<16xf32>
      %swap3A_340 = vector.shape_cast %add3A_335 : vector<16xf32> to vector<1x16xf32>
      tpu.vector_store %arg6[%swap3A_336, %swap3A_337], %swap3A_340 {strides = array<i32>} : memref<64x768xf32, #tpu.memory_space<vmem>>, vector<1x16xf32>,
      %get3A_341 = arith.index_cast %scan3A_104 : i32 to index
      %get3A_342 = arith.constant 272 : index
      %get3A_343 = tpu.vector_load %arg6[%get3A_341, %get3A_342] {strides = array<i32>} : memref<64x768xf32, #tpu.memory_space<vmem>>, vector<1x16xf32>,
      %get3A_344 = vector.shape_cast %get3A_343 : vector<1x16xf32> to vector<16xf32>
      %get3A_345 = arith.index_cast %scan3A_104 : i32 to index
      %get3A_346 = arith.constant 272 : index
      %get3A_347 = tpu.vector_load %arg7[%get3A_345, %get3A_346] {strides = array<i32>} : memref<64x768xf32, #tpu.memory_space<vmem>>, vector<1x16xf32>,
      %get3A_348 = vector.shape_cast %get3A_347 : vector<1x16xf32> to vector<16xf32>
      %add3A_349 = arith.addf %get3A_344, %get3A_348 : vector<16xf32>
      %swap3A_350 = arith.index_cast %scan3A_104 : i32 to index
      %swap3A_351 = arith.constant 272 : index
      %swap3A_352 = tpu.vector_load %arg6[%swap3A_350, %swap3A_351] {strides = array<i32>} : memref<64x768xf32, #tpu.memory_space<vmem>>, vector<1x16xf32>,
      %swap3A_353 = vector.shape_cast %swap3A_352 : vector<1x16xf32> to vector<16xf32>
      %swap3A_354 = vector.shape_cast %add3A_349 : vector<16xf32> to vector<1x16xf32>
      tpu.vector_store %arg6[%swap3A_350, %swap3A_351], %swap3A_354 {strides = array<i32>} : memref<64x768xf32, #tpu.memory_space<vmem>>, vector<1x16xf32>,
      %get3A_355 = arith.index_cast %scan3A_104 : i32 to index
      %get3A_356 = arith.constant 288 : index
      %get3A_357 = tpu.vector_load %arg6[%get3A_355, %get3A_356] {strides = array<i32>} : memref<64x768xf32, #tpu.memory_space<vmem>>, vector<1x16xf32>,
      %get3A_358 = vector.shape_cast %get3A_357 : vector<1x16xf32> to vector<16xf32>
      %get3A_359 = arith.index_cast %scan3A_104 : i32 to index
      %get3A_360 = arith.constant 288 : index
      %get3A_361 = tpu.vector_load %arg7[%get3A_359, %get3A_360] {strides = array<i32>} : memref<64x768xf32, #tpu.memory_space<vmem>>, vector<1x16xf32>,
      %get3A_362 = vector.shape_cast %get3A_361 : vector<1x16xf32> to vector<16xf32>
      %add3A_363 = arith.addf %get3A_358, %get3A_362 : vector<16xf32>
      %swap3A_364 = arith.index_cast %scan3A_104 : i32 to index
      %swap3A_365 = arith.constant 288 : index
      %swap3A_366 = tpu.vector_load %arg6[%swap3A_364, %swap3A_365] {strides = array<i32>} : memref<64x768xf32, #tpu.memory_space<vmem>>, vector<1x16xf32>,
      %swap3A_367 = vector.shape_cast %swap3A_366 : vector<1x16xf32> to vector<16xf32>
      %swap3A_368 = vector.shape_cast %add3A_363 : vector<16xf32> to vector<1x16xf32>
      tpu.vector_store %arg6[%swap3A_364, %swap3A_365], %swap3A_368 {strides = array<i32>} : memref<64x768xf32, #tpu.memory_space<vmem>>, vector<1x16xf32>,
      %get3A_369 = arith.index_cast %scan3A_104 : i32 to index
      %get3A_370 = arith.constant 304 : index
      %get3A_371 = tpu.vector_load %arg6[%get3A_369, %get3A_370] {strides = array<i32>} : memref<64x768xf32, #tpu.memory_space<vmem>>, vector<1x16xf32>,
      %get3A_372 = vector.shape_cast %get3A_371 : vector<1x16xf32> to vector<16xf32>
      %get3A_373 = arith.index_cast %scan3A_104 : i32 to index
      %get3A_374 = arith.constant 304 : index
      %get3A_375 = tpu.vector_load %arg7[%get3A_373, %get3A_374] {strides = array<i32>} : memref<64x768xf32, #tpu.memory_space<vmem>>, vector<1x16xf32>,
      %get3A_376 = vector.shape_cast %get3A_375 : vector<1x16xf32> to vector<16xf32>
      %add3A_377 = arith.addf %get3A_372, %get3A_376 : vector<16xf32>
      %swap3A_378 = arith.index_cast %scan3A_104 : i32 to index
      %swap3A_379 = arith.constant 304 : index
      %swap3A_380 = tpu.vector_load %arg6[%swap3A_378, %swap3A_379] {strides = array<i32>} : memref<64x768xf32, #tpu.memory_space<vmem>>, vector<1x16xf32>,
      %swap3A_381 = vector.shape_cast %swap3A_380 : vector<1x16xf32> to vector<16xf32>
      %swap3A_382 = vector.shape_cast %add3A_377 : vector<16xf32> to vector<1x16xf32>
      tpu.vector_store %arg6[%swap3A_378, %swap3A_379], %swap3A_382 {strides = array<i32>} : memref<64x768xf32, #tpu.memory_space<vmem>>, vector<1x16xf32>,
      %get3A_383 = arith.index_cast %scan3A_104 : i32 to index
      %get3A_384 = arith.constant 320 : index
      %get3A_385 = tpu.vector_load %arg6[%get3A_383, %get3A_384] {strides = array<i32>} : memref<64x768xf32, #tpu.memory_space<vmem>>, vector<1x16xf32>,
      %get3A_386 = vector.shape_cast %get3A_385 : vector<1x16xf32> to vector<16xf32>
      %get3A_387 = arith.index_cast %scan3A_104 : i32 to index
      %get3A_388 = arith.constant 320 : index
      %get3A_389 = tpu.vector_load %arg7[%get3A_387, %get3A_388] {strides = array<i32>} : memref<64x768xf32, #tpu.memory_space<vmem>>, vector<1x16xf32>,
      %get3A_390 = vector.shape_cast %get3A_389 : vector<1x16xf32> to vector<16xf32>
      %add3A_391 = arith.addf %get3A_386, %get3A_390 : vector<16xf32>
      %swap3A_392 = arith.index_cast %scan3A_104 : i32 to index
      %swap3A_393 = arith.constant 320 : index
      %swap3A_394 = tpu.vector_load %arg6[%swap3A_392, %swap3A_393] {strides = array<i32>} : memref<64x768xf32, #tpu.memory_space<vmem>>, vector<1x16xf32>,
      %swap3A_395 = vector.shape_cast %swap3A_394 : vector<1x16xf32> to vector<16xf32>
      %swap3A_396 = vector.shape_cast %add3A_391 : vector<16xf32> to vector<1x16xf32>
      tpu.vector_store %arg6[%swap3A_392, %swap3A_393], %swap3A_396 {strides = array<i32>} : memref<64x768xf32, #tpu.memory_space<vmem>>, vector<1x16xf32>,
      %get3A_397 = arith.index_cast %scan3A_104 : i32 to index
      %get3A_398 = arith.constant 336 : index
      %get3A_399 = tpu.vector_load %arg6[%get3A_397, %get3A_398] {strides = array<i32>} : memref<64x768xf32, #tpu.memory_space<vmem>>, vector<1x16xf32>,
      %get3A_400 = vector.shape_cast %get3A_399 : vector<1x16xf32> to vector<16xf32>
      %get3A_401 = arith.index_cast %scan3A_104 : i32 to index
      %get3A_402 = arith.constant 336 : index
      %get3A_403 = tpu.vector_load %arg7[%get3A_401, %get3A_402] {strides = array<i32>} : memref<64x768xf32, #tpu.memory_space<vmem>>, vector<1x16xf32>,
      %get3A_404 = vector.shape_cast %get3A_403 : vector<1x16xf32> to vector<16xf32>
      %add3A_405 = arith.addf %get3A_400, %get3A_404 : vector<16xf32>
      %swap3A_406 = arith.index_cast %scan3A_104 : i32 to index
      %swap3A_407 = arith.constant 336 : index
      %swap3A_408 = tpu.vector_load %arg6[%swap3A_406, %swap3A_407] {strides = array<i32>} : memref<64x768xf32, #tpu.memory_space<vmem>>, vector<1x16xf32>,
      %swap3A_409 = vector.shape_cast %swap3A_408 : vector<1x16xf32> to vector<16xf32>
      %swap3A_410 = vector.shape_cast %add3A_405 : vector<16xf32> to vector<1x16xf32>
      tpu.vector_store %arg6[%swap3A_406, %swap3A_407], %swap3A_410 {strides = array<i32>} : memref<64x768xf32, #tpu.memory_space<vmem>>, vector<1x16xf32>,
      %get3A_411 = arith.index_cast %scan3A_104 : i32 to index
      %get3A_412 = arith.constant 352 : index
      %get3A_413 = tpu.vector_load %arg6[%get3A_411, %get3A_412] {strides = array<i32>} : memref<64x768xf32, #tpu.memory_space<vmem>>, vector<1x16xf32>,
      %get3A_414 = vector.shape_cast %get3A_413 : vector<1x16xf32> to vector<16xf32>
      %get3A_415 = arith.index_cast %scan3A_104 : i32 to index
      %get3A_416 = arith.constant 352 : index
      %get3A_417 = tpu.vector_load %arg7[%get3A_415, %get3A_416] {strides = array<i32>} : memref<64x768xf32, #tpu.memory_space<vmem>>, vector<1x16xf32>,
      %get3A_418 = vector.shape_cast %get3A_417 : vector<1x16xf32> to vector<16xf32>
      %add3A_419 = arith.addf %get3A_414, %get3A_418 : vector<16xf32>
      %swap3A_420 = arith.index_cast %scan3A_104 : i32 to index
      %swap3A_421 = arith.constant 352 : index
      %swap3A_422 = tpu.vector_load %arg6[%swap3A_420, %swap3A_421] {strides = array<i32>} : memref<64x768xf32, #tpu.memory_space<vmem>>, vector<1x16xf32>,
      %swap3A_423 = vector.shape_cast %swap3A_422 : vector<1x16xf32> to vector<16xf32>
      %swap3A_424 = vector.shape_cast %add3A_419 : vector<16xf32> to vector<1x16xf32>
      tpu.vector_store %arg6[%swap3A_420, %swap3A_421], %swap3A_424 {strides = array<i32>} : memref<64x768xf32, #tpu.memory_space<vmem>>, vector<1x16xf32>,
      %get3A_425 = arith.index_cast %scan3A_104 : i32 to index
      %get3A_426 = arith.constant 368 : index
      %get3A_427 = tpu.vector_load %arg6[%get3A_425, %get3A_426] {strides = array<i32>} : memref<64x768xf32, #tpu.memory_space<vmem>>, vector<1x16xf32>,
      %get3A_428 = vector.shape_cast %get3A_427 : vector<1x16xf32> to vector<16xf32>
      %get3A_429 = arith.index_cast %scan3A_104 : i32 to index
      %get3A_430 = arith.constant 368 : index
      %get3A_431 = tpu.vector_load %arg7[%get3A_429, %get3A_430] {strides = array<i32>} : memref<64x768xf32, #tpu.memory_space<vmem>>, vector<1x16xf32>,
      %get3A_432 = vector.shape_cast %get3A_431 : vector<1x16xf32> to vector<16xf32>
      %add3A_433 = arith.addf %get3A_428, %get3A_432 : vector<16xf32>
      %swap3A_434 = arith.index_cast %scan3A_104 : i32 to index
      %swap3A_435 = arith.constant 368 : index
      %swap3A_436 = tpu.vector_load %arg6[%swap3A_434, %swap3A_435] {strides = array<i32>} : memref<64x768xf32, #tpu.memory_space<vmem>>, vector<1x16xf32>,
      %swap3A_437 = vector.shape_cast %swap3A_436 : vector<1x16xf32> to vector<16xf32>
      %swap3A_438 = vector.shape_cast %add3A_433 : vector<16xf32> to vector<1x16xf32>
      tpu.vector_store %arg6[%swap3A_434, %swap3A_435], %swap3A_438 {strides = array<i32>} : memref<64x768xf32, #tpu.memory_space<vmem>>, vector<1x16xf32>,
      %get3A_439 = arith.index_cast %scan3A_104 : i32 to index
      %get3A_440 = arith.constant 384 : index
      %get3A_441 = tpu.vector_load %arg6[%get3A_439, %get3A_440] {strides = array<i32>} : memref<64x768xf32, #tpu.memory_space<vmem>>, vector<1x16xf32>,
      %get3A_442 = vector.shape_cast %get3A_441 : vector<1x16xf32> to vector<16xf32>
      %get3A_443 = arith.index_cast %scan3A_104 : i32 to index
      %get3A_444 = arith.constant 384 : index
      %get3A_445 = tpu.vector_load %arg7[%get3A_443, %get3A_444] {strides = array<i32>} : memref<64x768xf32, #tpu.memory_space<vmem>>, vector<1x16xf32>,
      %get3A_446 = vector.shape_cast %get3A_445 : vector<1x16xf32> to vector<16xf32>
      %add3A_447 = arith.addf %get3A_442, %get3A_446 : vector<16xf32>
      %swap3A_448 = arith.index_cast %scan3A_104 : i32 to index
      %swap3A_449 = arith.constant 384 : index
      %swap3A_450 = tpu.vector_load %arg6[%swap3A_448, %swap3A_449] {strides = array<i32>} : memref<64x768xf32, #tpu.memory_space<vmem>>, vector<1x16xf32>,
      %swap3A_451 = vector.shape_cast %swap3A_450 : vector<1x16xf32> to vector<16xf32>
      %swap3A_452 = vector.shape_cast %add3A_447 : vector<16xf32> to vector<1x16xf32>
      tpu.vector_store %arg6[%swap3A_448, %swap3A_449], %swap3A_452 {strides = array<i32>} : memref<64x768xf32, #tpu.memory_space<vmem>>, vector<1x16xf32>,
      %get3A_453 = arith.index_cast %scan3A_104 : i32 to index
      %get3A_454 = arith.constant 400 : index
      %get3A_455 = tpu.vector_load %arg6[%get3A_453, %get3A_454] {strides = array<i32>} : memref<64x768xf32, #tpu.memory_space<vmem>>, vector<1x16xf32>,
      %get3A_456 = vector.shape_cast %get3A_455 : vector<1x16xf32> to vector<16xf32>
      %get3A_457 = arith.index_cast %scan3A_104 : i32 to index
      %get3A_458 = arith.constant 400 : index
      %get3A_459 = tpu.vector_load %arg7[%get3A_457, %get3A_458] {strides = array<i32>} : memref<64x768xf32, #tpu.memory_space<vmem>>, vector<1x16xf32>,
      %get3A_460 = vector.shape_cast %get3A_459 : vector<1x16xf32> to vector<16xf32>
      %add3A_461 = arith.addf %get3A_456, %get3A_460 : vector<16xf32>
      %swap3A_462 = arith.index_cast %scan3A_104 : i32 to index
      %swap3A_463 = arith.constant 400 : index
      %swap3A_464 = tpu.vector_load %arg6[%swap3A_462, %swap3A_463] {strides = array<i32>} : memref<64x768xf32, #tpu.memory_space<vmem>>, vector<1x16xf32>,
      %swap3A_465 = vector.shape_cast %swap3A_464 : vector<1x16xf32> to vector<16xf32>
      %swap3A_466 = vector.shape_cast %add3A_461 : vector<16xf32> to vector<1x16xf32>
      tpu.vector_store %arg6[%swap3A_462, %swap3A_463], %swap3A_466 {strides = array<i32>} : memref<64x768xf32, #tpu.memory_space<vmem>>, vector<1x16xf32>,
      %get3A_467 = arith.index_cast %scan3A_104 : i32 to index
      %get3A_468 = arith.constant 416 : index
      %get3A_469 = tpu.vector_load %arg6[%get3A_467, %get3A_468] {strides = array<i32>} : memref<64x768xf32, #tpu.memory_space<vmem>>, vector<1x16xf32>,
      %get3A_470 = vector.shape_cast %get3A_469 : vector<1x16xf32> to vector<16xf32>
      %get3A_471 = arith.index_cast %scan3A_104 : i32 to index
      %get3A_472 = arith.constant 416 : index
      %get3A_473 = tpu.vector_load %arg7[%get3A_471, %get3A_472] {strides = array<i32>} : memref<64x768xf32, #tpu.memory_space<vmem>>, vector<1x16xf32>,
      %get3A_474 = vector.shape_cast %get3A_473 : vector<1x16xf32> to vector<16xf32>
      %add3A_475 = arith.addf %get3A_470, %get3A_474 : vector<16xf32>
      %swap3A_476 = arith.index_cast %scan3A_104 : i32 to index
      %swap3A_477 = arith.constant 416 : index
      %swap3A_478 = tpu.vector_load %arg6[%swap3A_476, %swap3A_477] {strides = array<i32>} : memref<64x768xf32, #tpu.memory_space<vmem>>, vector<1x16xf32>,
      %swap3A_479 = vector.shape_cast %swap3A_478 : vector<1x16xf32> to vector<16xf32>
      %swap3A_480 = vector.shape_cast %add3A_475 : vector<16xf32> to vector<1x16xf32>
      tpu.vector_store %arg6[%swap3A_476, %swap3A_477], %swap3A_480 {strides = array<i32>} : memref<64x768xf32, #tpu.memory_space<vmem>>, vector<1x16xf32>,
      %get3A_481 = arith.index_cast %scan3A_104 : i32 to index
      %get3A_482 = arith.constant 432 : index
      %get3A_483 = tpu.vector_load %arg6[%get3A_481, %get3A_482] {strides = array<i32>} : memref<64x768xf32, #tpu.memory_space<vmem>>, vector<1x16xf32>,
      %get3A_484 = vector.shape_cast %get3A_483 : vector<1x16xf32> to vector<16xf32>
      %get3A_485 = arith.index_cast %scan3A_104 : i32 to index
      %get3A_486 = arith.constant 432 : index
      %get3A_487 = tpu.vector_load %arg7[%get3A_485, %get3A_486] {strides = array<i32>} : memref<64x768xf32, #tpu.memory_space<vmem>>, vector<1x16xf32>,
      %get3A_488 = vector.shape_cast %get3A_487 : vector<1x16xf32> to vector<16xf32>
      %add3A_489 = arith.addf %get3A_484, %get3A_488 : vector<16xf32>
      %swap3A_490 = arith.index_cast %scan3A_104 : i32 to index
      %swap3A_491 = arith.constant 432 : index
      %swap3A_492 = tpu.vector_load %arg6[%swap3A_490, %swap3A_491] {strides = array<i32>} : memref<64x768xf32, #tpu.memory_space<vmem>>, vector<1x16xf32>,
      %swap3A_493 = vector.shape_cast %swap3A_492 : vector<1x16xf32> to vector<16xf32>
      %swap3A_494 = vector.shape_cast %add3A_489 : vector<16xf32> to vector<1x16xf32>
      tpu.vector_store %arg6[%swap3A_490, %swap3A_491], %swap3A_494 {strides = array<i32>} : memref<64x768xf32, #tpu.memory_space<vmem>>, vector<1x16xf32>,
      %get3A_495 = arith.index_cast %scan3A_104 : i32 to index
      %get3A_496 = arith.constant 448 : index
      %get3A_497 = tpu.vector_load %arg6[%get3A_495, %get3A_496] {strides = array<i32>} : memref<64x768xf32, #tpu.memory_space<vmem>>, vector<1x16xf32>,
      %get3A_498 = vector.shape_cast %get3A_497 : vector<1x16xf32> to vector<16xf32>
      %get3A_499 = arith.index_cast %scan3A_104 : i32 to index
      %get3A_500 = arith.constant 448 : index
      %get3A_501 = tpu.vector_load %arg7[%get3A_499, %get3A_500] {strides = array<i32>} : memref<64x768xf32, #tpu.memory_space<vmem>>, vector<1x16xf32>,
      %get3A_502 = vector.shape_cast %get3A_501 : vector<1x16xf32> to vector<16xf32>
      %add3A_503 = arith.addf %get3A_498, %get3A_502 : vector<16xf32>
      %swap3A_504 = arith.index_cast %scan3A_104 : i32 to index
      %swap3A_505 = arith.constant 448 : index
      %swap3A_506 = tpu.vector_load %arg6[%swap3A_504, %swap3A_505] {strides = array<i32>} : memref<64x768xf32, #tpu.memory_space<vmem>>, vector<1x16xf32>,
      %swap3A_507 = vector.shape_cast %swap3A_506 : vector<1x16xf32> to vector<16xf32>
      %swap3A_508 = vector.shape_cast %add3A_503 : vector<16xf32> to vector<1x16xf32>
      tpu.vector_store %arg6[%swap3A_504, %swap3A_505], %swap3A_508 {strides = array<i32>} : memref<64x768xf32, #tpu.memory_space<vmem>>, vector<1x16xf32>,
      %get3A_509 = arith.index_cast %scan3A_104 : i32 to index
      %get3A_510 = arith.constant 464 : index
      %get3A_511 = tpu.vector_load %arg6[%get3A_509, %get3A_510] {strides = array<i32>} : memref<64x768xf32, #tpu.memory_space<vmem>>, vector<1x16xf32>,
      %get3A_512 = vector.shape_cast %get3A_511 : vector<1x16xf32> to vector<16xf32>
      %get3A_513 = arith.index_cast %scan3A_104 : i32 to index
      %get3A_514 = arith.constant 464 : index
      %get3A_515 = tpu.vector_load %arg7[%get3A_513, %get3A_514] {strides = array<i32>} : memref<64x768xf32, #tpu.memory_space<vmem>>, vector<1x16xf32>,
      %get3A_516 = vector.shape_cast %get3A_515 : vector<1x16xf32> to vector<16xf32>
      %add3A_517 = arith.addf %get3A_512, %get3A_516 : vector<16xf32>
      %swap3A_518 = arith.index_cast %scan3A_104 : i32 to index
      %swap3A_519 = arith.constant 464 : index
      %swap3A_520 = tpu.vector_load %arg6[%swap3A_518, %swap3A_519] {strides = array<i32>} : memref<64x768xf32, #tpu.memory_space<vmem>>, vector<1x16xf32>,
      %swap3A_521 = vector.shape_cast %swap3A_520 : vector<1x16xf32> to vector<16xf32>
      %swap3A_522 = vector.shape_cast %add3A_517 : vector<16xf32> to vector<1x16xf32>
      tpu.vector_store %arg6[%swap3A_518, %swap3A_519], %swap3A_522 {strides = array<i32>} : memref<64x768xf32, #tpu.memory_space<vmem>>, vector<1x16xf32>,
      %get3A_523 = arith.index_cast %scan3A_104 : i32 to index
      %get3A_524 = arith.constant 480 : index
      %get3A_525 = tpu.vector_load %arg6[%get3A_523, %get3A_524] {strides = array<i32>} : memref<64x768xf32, #tpu.memory_space<vmem>>, vector<1x16xf32>,
      %get3A_526 = vector.shape_cast %get3A_525 : vector<1x16xf32> to vector<16xf32>
      %get3A_527 = arith.index_cast %scan3A_104 : i32 to index
      %get3A_528 = arith.constant 480 : index
      %get3A_529 = tpu.vector_load %arg7[%get3A_527, %get3A_528] {strides = array<i32>} : memref<64x768xf32, #tpu.memory_space<vmem>>, vector<1x16xf32>,
      %get3A_530 = vector.shape_cast %get3A_529 : vector<1x16xf32> to vector<16xf32>
      %add3A_531 = arith.addf %get3A_526, %get3A_530 : vector<16xf32>
      %swap3A_532 = arith.index_cast %scan3A_104 : i32 to index
      %swap3A_533 = arith.constant 480 : index
      %swap3A_534 = tpu.vector_load %arg6[%swap3A_532, %swap3A_533] {strides = array<i32>} : memref<64x768xf32, #tpu.memory_space<vmem>>, vector<1x16xf32>,
      %swap3A_535 = vector.shape_cast %swap3A_534 : vector<1x16xf32> to vector<16xf32>
      %swap3A_536 = vector.shape_cast %add3A_531 : vector<16xf32> to vector<1x16xf32>
      tpu.vector_store %arg6[%swap3A_532, %swap3A_533], %swap3A_536 {strides = array<i32>} : memref<64x768xf32, #tpu.memory_space<vmem>>, vector<1x16xf32>,
      %get3A_537 = arith.index_cast %scan3A_104 : i32 to index
      %get3A_538 = arith.constant 496 : index
      %get3A_539 = tpu.vector_load %arg6[%get3A_537, %get3A_538] {strides = array<i32>} : memref<64x768xf32, #tpu.memory_space<vmem>>, vector<1x16xf32>,
      %get3A_540 = vector.shape_cast %get3A_539 : vector<1x16xf32> to vector<16xf32>
      %get3A_541 = arith.index_cast %scan3A_104 : i32 to index
      %get3A_542 = arith.constant 496 : index
      %get3A_543 = tpu.vector_load %arg7[%get3A_541, %get3A_542] {strides = array<i32>} : memref<64x768xf32, #tpu.memory_space<vmem>>, vector<1x16xf32>,
      %get3A_544 = vector.shape_cast %get3A_543 : vector<1x16xf32> to vector<16xf32>
      %add3A_545 = arith.addf %get3A_540, %get3A_544 : vector<16xf32>
      %swap3A_546 = arith.index_cast %scan3A_104 : i32 to index
      %swap3A_547 = arith.constant 496 : index
      %swap3A_548 = tpu.vector_load %arg6[%swap3A_546, %swap3A_547] {strides = array<i32>} : memref<64x768xf32, #tpu.memory_space<vmem>>, vector<1x16xf32>,
      %swap3A_549 = vector.shape_cast %swap3A_548 : vector<1x16xf32> to vector<16xf32>
      %swap3A_550 = vector.shape_cast %add3A_545 : vector<16xf32> to vector<1x16xf32>
      tpu.vector_store %arg6[%swap3A_546, %swap3A_547], %swap3A_550 {strides = array<i32>} : memref<64x768xf32, #tpu.memory_space<vmem>>, vector<1x16xf32>,
      %get3A_551 = arith.index_cast %scan3A_104 : i32 to index
      %get3A_552 = arith.constant 512 : index
      %get3A_553 = tpu.vector_load %arg6[%get3A_551, %get3A_552] {strides = array<i32>} : memref<64x768xf32, #tpu.memory_space<vmem>>, vector<1x16xf32>,
      %get3A_554 = vector.shape_cast %get3A_553 : vector<1x16xf32> to vector<16xf32>
      %get3A_555 = arith.index_cast %scan3A_104 : i32 to index
      %get3A_556 = arith.constant 512 : index
      %get3A_557 = tpu.vector_load %arg7[%get3A_555, %get3A_556] {strides = array<i32>} : memref<64x768xf32, #tpu.memory_space<vmem>>, vector<1x16xf32>,
      %get3A_558 = vector.shape_cast %get3A_557 : vector<1x16xf32> to vector<16xf32>
      %add3A_559 = arith.addf %get3A_554, %get3A_558 : vector<16xf32>
      %swap3A_560 = arith.index_cast %scan3A_104 : i32 to index
      %swap3A_561 = arith.constant 512 : index
      %swap3A_562 = tpu.vector_load %arg6[%swap3A_560, %swap3A_561] {strides = array<i32>} : memref<64x768xf32, #tpu.memory_space<vmem>>, vector<1x16xf32>,
      %swap3A_563 = vector.shape_cast %swap3A_562 : vector<1x16xf32> to vector<16xf32>
      %swap3A_564 = vector.shape_cast %add3A_559 : vector<16xf32> to vector<1x16xf32>
      tpu.vector_store %arg6[%swap3A_560, %swap3A_561], %swap3A_564 {strides = array<i32>} : memref<64x768xf32, #tpu.memory_space<vmem>>, vector<1x16xf32>,
      %get3A_565 = arith.index_cast %scan3A_104 : i32 to index
      %get3A_566 = arith.constant 528 : index
      %get3A_567 = tpu.vector_load %arg6[%get3A_565, %get3A_566] {strides = array<i32>} : memref<64x768xf32, #tpu.memory_space<vmem>>, vector<1x16xf32>,
      %get3A_568 = vector.shape_cast %get3A_567 : vector<1x16xf32> to vector<16xf32>
      %get3A_569 = arith.index_cast %scan3A_104 : i32 to index
      %get3A_570 = arith.constant 528 : index
      %get3A_571 = tpu.vector_load %arg7[%get3A_569, %get3A_570] {strides = array<i32>} : memref<64x768xf32, #tpu.memory_space<vmem>>, vector<1x16xf32>,
      %get3A_572 = vector.shape_cast %get3A_571 : vector<1x16xf32> to vector<16xf32>
      %add3A_573 = arith.addf %get3A_568, %get3A_572 : vector<16xf32>
      %swap3A_574 = arith.index_cast %scan3A_104 : i32 to index
      %swap3A_575 = arith.constant 528 : index
      %swap3A_576 = tpu.vector_load %arg6[%swap3A_574, %swap3A_575] {strides = array<i32>} : memref<64x768xf32, #tpu.memory_space<vmem>>, vector<1x16xf32>,
      %swap3A_577 = vector.shape_cast %swap3A_576 : vector<1x16xf32> to vector<16xf32>
      %swap3A_578 = vector.shape_cast %add3A_573 : vector<16xf32> to vector<1x16xf32>
      tpu.vector_store %arg6[%swap3A_574, %swap3A_575], %swap3A_578 {strides = array<i32>} : memref<64x768xf32, #tpu.memory_space<vmem>>, vector<1x16xf32>,
      %get3A_579 = arith.index_cast %scan3A_104 : i32 to index
      %get3A_580 = arith.constant 544 : index
      %get3A_581 = tpu.vector_load %arg6[%get3A_579, %get3A_580] {strides = array<i32>} : memref<64x768xf32, #tpu.memory_space<vmem>>, vector<1x16xf32>,
      %get3A_582 = vector.shape_cast %get3A_581 : vector<1x16xf32> to vector<16xf32>
      %get3A_583 = arith.index_cast %scan3A_104 : i32 to index
      %get3A_584 = arith.constant 544 : index
      %get3A_585 = tpu.vector_load %arg7[%get3A_583, %get3A_584] {strides = array<i32>} : memref<64x768xf32, #tpu.memory_space<vmem>>, vector<1x16xf32>,
      %get3A_586 = vector.shape_cast %get3A_585 : vector<1x16xf32> to vector<16xf32>
      %add3A_587 = arith.addf %get3A_582, %get3A_586 : vector<16xf32>
      %swap3A_588 = arith.index_cast %scan3A_104 : i32 to index
      %swap3A_589 = arith.constant 544 : index
      %swap3A_590 = tpu.vector_load %arg6[%swap3A_588, %swap3A_589] {strides = array<i32>} : memref<64x768xf32, #tpu.memory_space<vmem>>, vector<1x16xf32>,
      %swap3A_591 = vector.shape_cast %swap3A_590 : vector<1x16xf32> to vector<16xf32>
      %swap3A_592 = vector.shape_cast %add3A_587 : vector<16xf32> to vector<1x16xf32>
      tpu.vector_store %arg6[%swap3A_588, %swap3A_589], %swap3A_592 {strides = array<i32>} : memref<64x768xf32, #tpu.memory_space<vmem>>, vector<1x16xf32>,
      %get3A_593 = arith.index_cast %scan3A_104 : i32 to index
      %get3A_594 = arith.constant 560 : index
      %get3A_595 = tpu.vector_load %arg6[%get3A_593, %get3A_594] {strides = array<i32>} : memref<64x768xf32, #tpu.memory_space<vmem>>, vector<1x16xf32>,
      %get3A_596 = vector.shape_cast %get3A_595 : vector<1x16xf32> to vector<16xf32>
      %get3A_597 = arith.index_cast %scan3A_104 : i32 to index
      %get3A_598 = arith.constant 560 : index
      %get3A_599 = tpu.vector_load %arg7[%get3A_597, %get3A_598] {strides = array<i32>} : memref<64x768xf32, #tpu.memory_space<vmem>>, vector<1x16xf32>,
      %get3A_600 = vector.shape_cast %get3A_599 : vector<1x16xf32> to vector<16xf32>
      %add3A_601 = arith.addf %get3A_596, %get3A_600 : vector<16xf32>
      %swap3A_602 = arith.index_cast %scan3A_104 : i32 to index
      %swap3A_603 = arith.constant 560 : index
      %swap3A_604 = tpu.vector_load %arg6[%swap3A_602, %swap3A_603] {strides = array<i32>} : memref<64x768xf32, #tpu.memory_space<vmem>>, vector<1x16xf32>,
      %swap3A_605 = vector.shape_cast %swap3A_604 : vector<1x16xf32> to vector<16xf32>
      %swap3A_606 = vector.shape_cast %add3A_601 : vector<16xf32> to vector<1x16xf32>
      tpu.vector_store %arg6[%swap3A_602, %swap3A_603], %swap3A_606 {strides = array<i32>} : memref<64x768xf32, #tpu.memory_space<vmem>>, vector<1x16xf32>,
      %get3A_607 = arith.index_cast %scan3A_104 : i32 to index
      %get3A_608 = arith.constant 576 : index
      %get3A_609 = tpu.vector_load %arg6[%get3A_607, %get3A_608] {strides = array<i32>} : memref<64x768xf32, #tpu.memory_space<vmem>>, vector<1x16xf32>,
      %get3A_610 = vector.shape_cast %get3A_609 : vector<1x16xf32> to vector<16xf32>
      %get3A_611 = arith.index_cast %scan3A_104 : i32 to index
      %get3A_612 = arith.constant 576 : index
      %get3A_613 = tpu.vector_load %arg7[%get3A_611, %get3A_612] {strides = array<i32>} : memref<64x768xf32, #tpu.memory_space<vmem>>, vector<1x16xf32>,
      %get3A_614 = vector.shape_cast %get3A_613 : vector<1x16xf32> to vector<16xf32>
      %add3A_615 = arith.addf %get3A_610, %get3A_614 : vector<16xf32>
      %swap3A_616 = arith.index_cast %scan3A_104 : i32 to index
      %swap3A_617 = arith.constant 576 : index
      %swap3A_618 = tpu.vector_load %arg6[%swap3A_616, %swap3A_617] {strides = array<i32>} : memref<64x768xf32, #tpu.memory_space<vmem>>, vector<1x16xf32>,
      %swap3A_619 = vector.shape_cast %swap3A_618 : vector<1x16xf32> to vector<16xf32>
      %swap3A_620 = vector.shape_cast %add3A_615 : vector<16xf32> to vector<1x16xf32>
      tpu.vector_store %arg6[%swap3A_616, %swap3A_617], %swap3A_620 {strides = array<i32>} : memref<64x768xf32, #tpu.memory_space<vmem>>, vector<1x16xf32>,
      %get3A_621 = arith.index_cast %scan3A_104 : i32 to index
      %get3A_622 = arith.constant 592 : index
      %get3A_623 = tpu.vector_load %arg6[%get3A_621, %get3A_622] {strides = array<i32>} : memref<64x768xf32, #tpu.memory_space<vmem>>, vector<1x16xf32>,
      %get3A_624 = vector.shape_cast %get3A_623 : vector<1x16xf32> to vector<16xf32>
      %get3A_625 = arith.index_cast %scan3A_104 : i32 to index
      %get3A_626 = arith.constant 592 : index
      %get3A_627 = tpu.vector_load %arg7[%get3A_625, %get3A_626] {strides = array<i32>} : memref<64x768xf32, #tpu.memory_space<vmem>>, vector<1x16xf32>,
      %get3A_628 = vector.shape_cast %get3A_627 : vector<1x16xf32> to vector<16xf32>
      %add3A_629 = arith.addf %get3A_624, %get3A_628 : vector<16xf32>
      %swap3A_630 = arith.index_cast %scan3A_104 : i32 to index
      %swap3A_631 = arith.constant 592 : index
      %swap3A_632 = tpu.vector_load %arg6[%swap3A_630, %swap3A_631] {strides = array<i32>} : memref<64x768xf32, #tpu.memory_space<vmem>>, vector<1x16xf32>,
      %swap3A_633 = vector.shape_cast %swap3A_632 : vector<1x16xf32> to vector<16xf32>
      %swap3A_634 = vector.shape_cast %add3A_629 : vector<16xf32> to vector<1x16xf32>
      tpu.vector_store %arg6[%swap3A_630, %swap3A_631], %swap3A_634 {strides = array<i32>} : memref<64x768xf32, #tpu.memory_space<vmem>>, vector<1x16xf32>,
      %get3A_635 = arith.index_cast %scan3A_104 : i32 to index
      %get3A_636 = arith.constant 608 : index
      %get3A_637 = tpu.vector_load %arg6[%get3A_635, %get3A_636] {strides = array<i32>} : memref<64x768xf32, #tpu.memory_space<vmem>>, vector<1x16xf32>,
      %get3A_638 = vector.shape_cast %get3A_637 : vector<1x16xf32> to vector<16xf32>
      %get3A_639 = arith.index_cast %scan3A_104 : i32 to index
      %get3A_640 = arith.constant 608 : index
      %get3A_641 = tpu.vector_load %arg7[%get3A_639, %get3A_640] {strides = array<i32>} : memref<64x768xf32, #tpu.memory_space<vmem>>, vector<1x16xf32>,
      %get3A_642 = vector.shape_cast %get3A_641 : vector<1x16xf32> to vector<16xf32>
      %add3A_643 = arith.addf %get3A_638, %get3A_642 : vector<16xf32>
      %swap3A_644 = arith.index_cast %scan3A_104 : i32 to index
      %swap3A_645 = arith.constant 608 : index
      %swap3A_646 = tpu.vector_load %arg6[%swap3A_644, %swap3A_645] {strides = array<i32>} : memref<64x768xf32, #tpu.memory_space<vmem>>, vector<1x16xf32>,
      %swap3A_647 = vector.shape_cast %swap3A_646 : vector<1x16xf32> to vector<16xf32>
      %swap3A_648 = vector.shape_cast %add3A_643 : vector<16xf32> to vector<1x16xf32>
      tpu.vector_store %arg6[%swap3A_644, %swap3A_645], %swap3A_648 {strides = array<i32>} : memref<64x768xf32, #tpu.memory_space<vmem>>, vector<1x16xf32>,
      %get3A_649 = arith.index_cast %scan3A_104 : i32 to index
      %get3A_650 = arith.constant 624 : index
      %get3A_651 = tpu.vector_load %arg6[%get3A_649, %get3A_650] {strides = array<i32>} : memref<64x768xf32, #tpu.memory_space<vmem>>, vector<1x16xf32>,
      %get3A_652 = vector.shape_cast %get3A_651 : vector<1x16xf32> to vector<16xf32>
      %get3A_653 = arith.index_cast %scan3A_104 : i32 to index
      %get3A_654 = arith.constant 624 : index
      %get3A_655 = tpu.vector_load %arg7[%get3A_653, %get3A_654] {strides = array<i32>} : memref<64x768xf32, #tpu.memory_space<vmem>>, vector<1x16xf32>,
      %get3A_656 = vector.shape_cast %get3A_655 : vector<1x16xf32> to vector<16xf32>
      %add3A_657 = arith.addf %get3A_652, %get3A_656 : vector<16xf32>
      %swap3A_658 = arith.index_cast %scan3A_104 : i32 to index
      %swap3A_659 = arith.constant 624 : index
      %swap3A_660 = tpu.vector_load %arg6[%swap3A_658, %swap3A_659] {strides = array<i32>} : memref<64x768xf32, #tpu.memory_space<vmem>>, vector<1x16xf32>,
      %swap3A_661 = vector.shape_cast %swap3A_660 : vector<1x16xf32> to vector<16xf32>
      %swap3A_662 = vector.shape_cast %add3A_657 : vector<16xf32> to vector<1x16xf32>
      tpu.vector_store %arg6[%swap3A_658, %swap3A_659], %swap3A_662 {strides = array<i32>} : memref<64x768xf32, #tpu.memory_space<vmem>>, vector<1x16xf32>,
      %get3A_663 = arith.index_cast %scan3A_104 : i32 to index
      %get3A_664 = arith.constant 640 : index
      %get3A_665 = tpu.vector_load %arg6[%get3A_663, %get3A_664] {strides = array<i32>} : memref<64x768xf32, #tpu.memory_space<vmem>>, vector<1x16xf32>,
      %get3A_666 = vector.shape_cast %get3A_665 : vector<1x16xf32> to vector<16xf32>
      %get3A_667 = arith.index_cast %scan3A_104 : i32 to index
      %get3A_668 = arith.constant 640 : index
      %get3A_669 = tpu.vector_load %arg7[%get3A_667, %get3A_668] {strides = array<i32>} : memref<64x768xf32, #tpu.memory_space<vmem>>, vector<1x16xf32>,
      %get3A_670 = vector.shape_cast %get3A_669 : vector<1x16xf32> to vector<16xf32>
      %add3A_671 = arith.addf %get3A_666, %get3A_670 : vector<16xf32>
      %swap3A_672 = arith.index_cast %scan3A_104 : i32 to index
      %swap3A_673 = arith.constant 640 : index
      %swap3A_674 = tpu.vector_load %arg6[%swap3A_672, %swap3A_673] {strides = array<i32>} : memref<64x768xf32, #tpu.memory_space<vmem>>, vector<1x16xf32>,
      %swap3A_675 = vector.shape_cast %swap3A_674 : vector<1x16xf32> to vector<16xf32>
      %swap3A_676 = vector.shape_cast %add3A_671 : vector<16xf32> to vector<1x16xf32>
      tpu.vector_store %arg6[%swap3A_672, %swap3A_673], %swap3A_676 {strides = array<i32>} : memref<64x768xf32, #tpu.memory_space<vmem>>, vector<1x16xf32>,
      %get3A_677 = arith.index_cast %scan3A_104 : i32 to index
      %get3A_678 = arith.constant 656 : index
      %get3A_679 = tpu.vector_load %arg6[%get3A_677, %get3A_678] {strides = array<i32>} : memref<64x768xf32, #tpu.memory_space<vmem>>, vector<1x16xf32>,
      %get3A_680 = vector.shape_cast %get3A_679 : vector<1x16xf32> to vector<16xf32>
      %get3A_681 = arith.index_cast %scan3A_104 : i32 to index
      %get3A_682 = arith.constant 656 : index
      %get3A_683 = tpu.vector_load %arg7[%get3A_681, %get3A_682] {strides = array<i32>} : memref<64x768xf32, #tpu.memory_space<vmem>>, vector<1x16xf32>,
      %get3A_684 = vector.shape_cast %get3A_683 : vector<1x16xf32> to vector<16xf32>
      %add3A_685 = arith.addf %get3A_680, %get3A_684 : vector<16xf32>
      %swap3A_686 = arith.index_cast %scan3A_104 : i32 to index
      %swap3A_687 = arith.constant 656 : index
      %swap3A_688 = tpu.vector_load %arg6[%swap3A_686, %swap3A_687] {strides = array<i32>} : memref<64x768xf32, #tpu.memory_space<vmem>>, vector<1x16xf32>,
      %swap3A_689 = vector.shape_cast %swap3A_688 : vector<1x16xf32> to vector<16xf32>
      %swap3A_690 = vector.shape_cast %add3A_685 : vector<16xf32> to vector<1x16xf32>
      tpu.vector_store %arg6[%swap3A_686, %swap3A_687], %swap3A_690 {strides = array<i32>} : memref<64x768xf32, #tpu.memory_space<vmem>>, vector<1x16xf32>,
      %get3A_691 = arith.index_cast %scan3A_104 : i32 to index
      %get3A_692 = arith.constant 672 : index
      %get3A_693 = tpu.vector_load %arg6[%get3A_691, %get3A_692] {strides = array<i32>} : memref<64x768xf32, #tpu.memory_space<vmem>>, vector<1x16xf32>,
      %get3A_694 = vector.shape_cast %get3A_693 : vector<1x16xf32> to vector<16xf32>
      %get3A_695 = arith.index_cast %scan3A_104 : i32 to index
      %get3A_696 = arith.constant 672 : index
      %get3A_697 = tpu.vector_load %arg7[%get3A_695, %get3A_696] {strides = array<i32>} : memref<64x768xf32, #tpu.memory_space<vmem>>, vector<1x16xf32>,
      %get3A_698 = vector.shape_cast %get3A_697 : vector<1x16xf32> to vector<16xf32>
      %add3A_699 = arith.addf %get3A_694, %get3A_698 : vector<16xf32>
      %swap3A_700 = arith.index_cast %scan3A_104 : i32 to index
      %swap3A_701 = arith.constant 672 : index
      %swap3A_702 = tpu.vector_load %arg6[%swap3A_700, %swap3A_701] {strides = array<i32>} : memref<64x768xf32, #tpu.memory_space<vmem>>, vector<1x16xf32>,
      %swap3A_703 = vector.shape_cast %swap3A_702 : vector<1x16xf32> to vector<16xf32>
      %swap3A_704 = vector.shape_cast %add3A_699 : vector<16xf32> to vector<1x16xf32>
      tpu.vector_store %arg6[%swap3A_700, %swap3A_701], %swap3A_704 {strides = array<i32>} : memref<64x768xf32, #tpu.memory_space<vmem>>, vector<1x16xf32>,
      %get3A_705 = arith.index_cast %scan3A_104 : i32 to index
      %get3A_706 = arith.constant 688 : index
      %get3A_707 = tpu.vector_load %arg6[%get3A_705, %get3A_706] {strides = array<i32>} : memref<64x768xf32, #tpu.memory_space<vmem>>, vector<1x16xf32>,
      %get3A_708 = vector.shape_cast %get3A_707 : vector<1x16xf32> to vector<16xf32>
      %get3A_709 = arith.index_cast %scan3A_104 : i32 to index
      %get3A_710 = arith.constant 688 : index
      %get3A_711 = tpu.vector_load %arg7[%get3A_709, %get3A_710] {strides = array<i32>} : memref<64x768xf32, #tpu.memory_space<vmem>>, vector<1x16xf32>,
      %get3A_712 = vector.shape_cast %get3A_711 : vector<1x16xf32> to vector<16xf32>
      %add3A_713 = arith.addf %get3A_708, %get3A_712 : vector<16xf32>
      %swap3A_714 = arith.index_cast %scan3A_104 : i32 to index
      %swap3A_715 = arith.constant 688 : index
      %swap3A_716 = tpu.vector_load %arg6[%swap3A_714, %swap3A_715] {strides = array<i32>} : memref<64x768xf32, #tpu.memory_space<vmem>>, vector<1x16xf32>,
      %swap3A_717 = vector.shape_cast %swap3A_716 : vector<1x16xf32> to vector<16xf32>
      %swap3A_718 = vector.shape_cast %add3A_713 : vector<16xf32> to vector<1x16xf32>
      tpu.vector_store %arg6[%swap3A_714, %swap3A_715], %swap3A_718 {strides = array<i32>} : memref<64x768xf32, #tpu.memory_space<vmem>>, vector<1x16xf32>,
      %get3A_719 = arith.index_cast %scan3A_104 : i32 to index
      %get3A_720 = arith.constant 704 : index
      %get3A_721 = tpu.vector_load %arg6[%get3A_719, %get3A_720] {strides = array<i32>} : memref<64x768xf32, #tpu.memory_space<vmem>>, vector<1x16xf32>,
      %get3A_722 = vector.shape_cast %get3A_721 : vector<1x16xf32> to vector<16xf32>
      %get3A_723 = arith.index_cast %scan3A_104 : i32 to index
      %get3A_724 = arith.constant 704 : index
      %get3A_725 = tpu.vector_load %arg7[%get3A_723, %get3A_724] {strides = array<i32>} : memref<64x768xf32, #tpu.memory_space<vmem>>, vector<1x16xf32>,
      %get3A_726 = vector.shape_cast %get3A_725 : vector<1x16xf32> to vector<16xf32>
      %add3A_727 = arith.addf %get3A_722, %get3A_726 : vector<16xf32>
      %swap3A_728 = arith.index_cast %scan3A_104 : i32 to index
      %swap3A_729 = arith.constant 704 : index
      %swap3A_730 = tpu.vector_load %arg6[%swap3A_728, %swap3A_729] {strides = array<i32>} : memref<64x768xf32, #tpu.memory_space<vmem>>, vector<1x16xf32>,
      %swap3A_731 = vector.shape_cast %swap3A_730 : vector<1x16xf32> to vector<16xf32>
      %swap3A_732 = vector.shape_cast %add3A_727 : vector<16xf32> to vector<1x16xf32>
      tpu.vector_store %arg6[%swap3A_728, %swap3A_729], %swap3A_732 {strides = array<i32>} : memref<64x768xf32, #tpu.memory_space<vmem>>, vector<1x16xf32>,
      %get3A_733 = arith.index_cast %scan3A_104 : i32 to index
      %get3A_734 = arith.constant 720 : index
      %get3A_735 = tpu.vector_load %arg6[%get3A_733, %get3A_734] {strides = array<i32>} : memref<64x768xf32, #tpu.memory_space<vmem>>, vector<1x16xf32>,
      %get3A_736 = vector.shape_cast %get3A_735 : vector<1x16xf32> to vector<16xf32>
      %get3A_737 = arith.index_cast %scan3A_104 : i32 to index
      %get3A_738 = arith.constant 720 : index
      %get3A_739 = tpu.vector_load %arg7[%get3A_737, %get3A_738] {strides = array<i32>} : memref<64x768xf32, #tpu.memory_space<vmem>>, vector<1x16xf32>,
      %get3A_740 = vector.shape_cast %get3A_739 : vector<1x16xf32> to vector<16xf32>
      %add3A_741 = arith.addf %get3A_736, %get3A_740 : vector<16xf32>
      %swap3A_742 = arith.index_cast %scan3A_104 : i32 to index
      %swap3A_743 = arith.constant 720 : index
      %swap3A_744 = tpu.vector_load %arg6[%swap3A_742, %swap3A_743] {strides = array<i32>} : memref<64x768xf32, #tpu.memory_space<vmem>>, vector<1x16xf32>,
      %swap3A_745 = vector.shape_cast %swap3A_744 : vector<1x16xf32> to vector<16xf32>
      %swap3A_746 = vector.shape_cast %add3A_741 : vector<16xf32> to vector<1x16xf32>
      tpu.vector_store %arg6[%swap3A_742, %swap3A_743], %swap3A_746 {strides = array<i32>} : memref<64x768xf32, #tpu.memory_space<vmem>>, vector<1x16xf32>,
      %get3A_747 = arith.index_cast %scan3A_104 : i32 to index
      %get3A_748 = arith.constant 736 : index
      %get3A_749 = tpu.vector_load %arg6[%get3A_747, %get3A_748] {strides = array<i32>} : memref<64x768xf32, #tpu.memory_space<vmem>>, vector<1x16xf32>,
      %get3A_750 = vector.shape_cast %get3A_749 : vector<1x16xf32> to vector<16xf32>
      %get3A_751 = arith.index_cast %scan3A_104 : i32 to index
      %get3A_752 = arith.constant 736 : index
      %get3A_753 = tpu.vector_load %arg7[%get3A_751, %get3A_752] {strides = array<i32>} : memref<64x768xf32, #tpu.memory_space<vmem>>, vector<1x16xf32>,
      %get3A_754 = vector.shape_cast %get3A_753 : vector<1x16xf32> to vector<16xf32>
      %add3A_755 = arith.addf %get3A_750, %get3A_754 : vector<16xf32>
      %swap3A_756 = arith.index_cast %scan3A_104 : i32 to index
      %swap3A_757 = arith.constant 736 : index
      %swap3A_758 = tpu.vector_load %arg6[%swap3A_756, %swap3A_757] {strides = array<i32>} : memref<64x768xf32, #tpu.memory_space<vmem>>, vector<1x16xf32>,
      %swap3A_759 = vector.shape_cast %swap3A_758 : vector<1x16xf32> to vector<16xf32>
      %swap3A_760 = vector.shape_cast %add3A_755 : vector<16xf32> to vector<1x16xf32>
      tpu.vector_store %arg6[%swap3A_756, %swap3A_757], %swap3A_760 {strides = array<i32>} : memref<64x768xf32, #tpu.memory_space<vmem>>, vector<1x16xf32>,
      %get3A_761 = arith.index_cast %scan3A_104 : i32 to index
      %get3A_762 = arith.constant 752 : index
      %get3A_763 = tpu.vector_load %arg6[%get3A_761, %get3A_762] {strides = array<i32>} : memref<64x768xf32, #tpu.memory_space<vmem>>, vector<1x16xf32>,
      %get3A_764 = vector.shape_cast %get3A_763 : vector<1x16xf32> to vector<16xf32>
      %get3A_765 = arith.index_cast %scan3A_104 : i32 to index
      %get3A_766 = arith.constant 752 : index
      %get3A_767 = tpu.vector_load %arg7[%get3A_765, %get3A_766] {strides = array<i32>} : memref<64x768xf32, #tpu.memory_space<vmem>>, vector<1x16xf32>,
      %get3A_768 = vector.shape_cast %get3A_767 : vector<1x16xf32> to vector<16xf32>
      %add3A_769 = arith.addf %get3A_764, %get3A_768 : vector<16xf32>
      %swap3A_770 = arith.index_cast %scan3A_104 : i32 to index
      %swap3A_771 = arith.constant 752 : index
      %swap3A_772 = tpu.vector_load %arg6[%swap3A_770, %swap3A_771] {strides = array<i32>} : memref<64x768xf32, #tpu.memory_space<vmem>>, vector<1x16xf32>,
      %swap3A_773 = vector.shape_cast %swap3A_772 : vector<1x16xf32> to vector<16xf32>
      %swap3A_774 = vector.shape_cast %add3A_769 : vector<16xf32> to vector<1x16xf32>
      tpu.vector_store %arg6[%swap3A_770, %swap3A_771], %swap3A_774 {strides = array<i32>} : memref<64x768xf32, #tpu.memory_space<vmem>>, vector<1x16xf32>,
    }
    %scan3A_101 = arith.constant 32 : i32
    %add3A_102 = arith.constant 32 : i32
    %add3A_103 = arith.addi %mul3A_2, %add3A_102 : i32
    "tpu.region"() ({
      %run_scoped3A = tpu.sem_alloc : memref<!tpu.dma_semaphore, #tpu.memory_space<semaphore_mem>>
      %dma_start3A_104 = arith.constant 32 : i32
      %dma_start3A_105 = arith.constant 0 : i32
      %dma_start3A_106 = tpu.memref_slice %arg6[%dma_start3A_104, %dma_start3A_105] : memref<64x768xf32, #tpu.memory_space<vmem>> -> memref<32x768xf32, #tpu.memory_space<vmem>>
      %dma_start3A_107 = arith.constant 0 : i32
      %dma_start3A_108 = tpu.memref_slice %arg5[%add3A_103, %dma_start3A_107] : memref<2048x768xf32, #tpu.memory_space<hbm>> -> memref<32x768xf32, #tpu.memory_space<hbm>>
      %dma_start3A_109 = arith.constant 0 : i32
      %dma_start3A_110 = tpu.memref_slice %arg5[%add3A_103, %dma_start3A_109] : memref<2048x768xf32, #tpu.memory_space<hbm>> -> memref<32x768xf32, #tpu.memory_space<hbm>>
      %dma_start3A_111 = arith.constant 32 : i32
      %dma_start3A_112 = arith.constant 0 : i32
      %dma_start3A_113 = tpu.memref_slice %arg6[%dma_start3A_111, %dma_start3A_112] : memref<64x768xf32, #tpu.memory_space<vmem>> -> memref<32x768xf32, #tpu.memory_space<vmem>>
      tpu.enqueue_dma source(%dma_start3A_113 : memref<32x768xf32, #tpu.memory_space<vmem>>) target(%dma_start3A_110 : memref<32x768xf32, #tpu.memory_space<hbm>>) target_semaphore(%run_scoped3A : memref<!tpu.dma_semaphore, #tpu.memory_space<semaphore_mem>>)
      %dma_wait3A_114 = arith.constant 32 : i32
      %dma_wait3A_115 = arith.constant 0 : i32
      %dma_wait3A_116 = tpu.memref_slice %arg6[%dma_wait3A_114, %dma_wait3A_115] : memref<64x768xf32, #tpu.memory_space<vmem>> -> memref<32x768xf32, #tpu.memory_space<vmem>>
      %dma_wait3A_117 = arith.constant 0 : i32
      %dma_wait3A_118 = tpu.memref_slice %arg5[%add3A_103, %dma_wait3A_117] : memref<2048x768xf32, #tpu.memory_space<hbm>> -> memref<32x768xf32, #tpu.memory_space<hbm>>
      %dma_wait3A_119 = arith.constant 0 : i32
      %dma_wait3A_120 = tpu.memref_slice %arg5[%add3A_103, %dma_wait3A_119] : memref<2048x768xf32, #tpu.memory_space<hbm>> -> memref<32x768xf32, #tpu.memory_space<hbm>>
      %dma_wait3A_121 = arith.constant 32 : i32
      %dma_wait3A_122 = arith.constant 0 : i32
      %dma_wait3A_123 = tpu.memref_slice %arg6[%dma_wait3A_121, %dma_wait3A_122] : memref<64x768xf32, #tpu.memory_space<vmem>> -> memref<32x768xf32, #tpu.memory_space<vmem>>
      tpu.wait_dma2 semaphore(%run_scoped3A : memref<!tpu.dma_semaphore, #tpu.memory_space<semaphore_mem>>) src(%dma_wait3A_123 : memref<32x768xf32, #tpu.memory_space<vmem>>) dst(%dma_wait3A_120 : memref<32x768xf32, #tpu.memory_space<hbm>>)
      tpu.yield
    }) : () -> ()
    return
  }
}

#map = affine_map<(d0, d1) -> (0, 0)>
#map1 = affine_map<(d0, d1) -> (0)>
module attributes {stable_mosaic.version = 14 : i64} {
  func.func @k(%arg0: i32, %arg1: i32, %arg2: memref<2048x768xf32, #tpu.memory_space<hbm>>, %arg3: memref<2048xi32, #tpu.memory_space<hbm>>, %arg4: memref<2048xi32, #tpu.memory_space<hbm>>, %arg5: memref<2048xf32, #tpu.memory_space<hbm>>, %arg6: memref<2048xf32, #tpu.memory_space<hbm>>, %arg7: memref<6144x768xf32, #tpu.memory_space<hbm>>, %arg8: memref<6144xf32, #tpu.memory_space<hbm>>, %arg9: memref<64x768xf32, #tpu.memory_space<vmem>>, %arg10: memref<64xi32, #tpu.memory_space<vmem>>, %arg11: memref<64xi32, #tpu.memory_space<vmem>>, %arg12: memref<2048xi32, #tpu.memory_space<vmem>>, %arg13: memref<2048xi32, #tpu.memory_space<vmem>>, %arg14: memref<2048xf32, #tpu.memory_space<vmem>>, %arg15: memref<2048xf32, #tpu.memory_space<vmem>>, %arg16: memref<6144xf32, #tpu.memory_space<vmem>>, %arg17: memref<!tpu.dma_semaphore, #tpu.memory_space<semaphore_mem>>, %arg18: memref<!tpu.dma_semaphore, #tpu.memory_space<semaphore_mem>>) attributes {dimension_semantics = [#tpu.dimension_semantics<core_parallel>, #tpu.dimension_semantics<subcore_parallel>], iteration_bounds = array<i64: 2, 16>, scalar_prefetch = 0 : i64, scratch_operands = 10 : i64, tpu.core_type = #tpu.core_type<sc_vector_subcore>, window_params = [{transform_indices = #map}, {transform_indices = #map1}, {transform_indices = #map1}, {transform_indices = #map1}, {transform_indices = #map1}, {transform_indices = #map}, {transform_indices = #map1}]} {
    %mul3A = arith.constant 2 : i32
    %mul3A_0 = arith.muli %arg1, %mul3A : i32
    %add3A = arith.addi %mul3A_0, %arg0 : i32
    %mul3A_1 = arith.constant 64 : i32
    %mul3A_2 = arith.muli %add3A, %mul3A_1 : i32
    "tpu.region"() ({
      %run_scoped3A = tpu.sem_alloc : memref<!tpu.dma_semaphore, #tpu.memory_space<semaphore_mem>>
      %dma_start3A_15 = arith.constant 0 : i32
      %dma_start3A_16 = tpu.memref_slice %arg2[%mul3A_2, %dma_start3A_15] : memref<2048x768xf32, #tpu.memory_space<hbm>> -> memref<64x768xf32, #tpu.memory_space<hbm>>
      %dma_start3A_17 = arith.constant 0 : i32
      %dma_start3A_18 = tpu.memref_slice %arg2[%mul3A_2, %dma_start3A_17] : memref<2048x768xf32, #tpu.memory_space<hbm>> -> memref<64x768xf32, #tpu.memory_space<hbm>>
      tpu.enqueue_dma source(%dma_start3A_18 : memref<64x768xf32, #tpu.memory_space<hbm>>) target(%arg9 : memref<64x768xf32, #tpu.memory_space<vmem>>) target_semaphore(%run_scoped3A : memref<!tpu.dma_semaphore, #tpu.memory_space<semaphore_mem>>)
      %dma_wait3A_19 = arith.constant 0 : i32
      %dma_wait3A_20 = tpu.memref_slice %arg2[%mul3A_2, %dma_wait3A_19] : memref<2048x768xf32, #tpu.memory_space<hbm>> -> memref<64x768xf32, #tpu.memory_space<hbm>>
      %dma_wait3A_21 = arith.constant 0 : i32
      %dma_wait3A_22 = tpu.memref_slice %arg2[%mul3A_2, %dma_wait3A_21] : memref<2048x768xf32, #tpu.memory_space<hbm>> -> memref<64x768xf32, #tpu.memory_space<hbm>>
      tpu.wait_dma2 semaphore(%run_scoped3A : memref<!tpu.dma_semaphore, #tpu.memory_space<semaphore_mem>>) src(%dma_wait3A_22 : memref<64x768xf32, #tpu.memory_space<hbm>>) dst(%arg9 : memref<64x768xf32, #tpu.memory_space<vmem>>)
      tpu.yield
    }) : () -> ()
    "tpu.region"() ({
      %run_scoped3A = tpu.sem_alloc : memref<!tpu.dma_semaphore, #tpu.memory_space<semaphore_mem>>
      %dma_start3A_15 = tpu.memref_slice %arg3[%mul3A_2] : memref<2048xi32, #tpu.memory_space<hbm>> -> memref<64xi32, #tpu.memory_space<hbm>>
      %dma_start3A_16 = tpu.memref_slice %arg3[%mul3A_2] : memref<2048xi32, #tpu.memory_space<hbm>> -> memref<64xi32, #tpu.memory_space<hbm>>
      tpu.enqueue_dma source(%dma_start3A_16 : memref<64xi32, #tpu.memory_space<hbm>>) target(%arg10 : memref<64xi32, #tpu.memory_space<vmem>>) target_semaphore(%run_scoped3A : memref<!tpu.dma_semaphore, #tpu.memory_space<semaphore_mem>>)
      %dma_wait3A_17 = tpu.memref_slice %arg3[%mul3A_2] : memref<2048xi32, #tpu.memory_space<hbm>> -> memref<64xi32, #tpu.memory_space<hbm>>
      %dma_wait3A_18 = tpu.memref_slice %arg3[%mul3A_2] : memref<2048xi32, #tpu.memory_space<hbm>> -> memref<64xi32, #tpu.memory_space<hbm>>
      tpu.wait_dma2 semaphore(%run_scoped3A : memref<!tpu.dma_semaphore, #tpu.memory_space<semaphore_mem>>) src(%dma_wait3A_18 : memref<64xi32, #tpu.memory_space<hbm>>) dst(%arg10 : memref<64xi32, #tpu.memory_space<vmem>>)
      tpu.yield
    }) : () -> ()
    "tpu.region"() ({
      %run_scoped3A = tpu.sem_alloc : memref<!tpu.dma_semaphore, #tpu.memory_space<semaphore_mem>>
      %dma_start3A_15 = tpu.memref_slice %arg4[%mul3A_2] : memref<2048xi32, #tpu.memory_space<hbm>> -> memref<64xi32, #tpu.memory_space<hbm>>
      %dma_start3A_16 = tpu.memref_slice %arg4[%mul3A_2] : memref<2048xi32, #tpu.memory_space<hbm>> -> memref<64xi32, #tpu.memory_space<hbm>>
      tpu.enqueue_dma source(%dma_start3A_16 : memref<64xi32, #tpu.memory_space<hbm>>) target(%arg11 : memref<64xi32, #tpu.memory_space<vmem>>) target_semaphore(%run_scoped3A : memref<!tpu.dma_semaphore, #tpu.memory_space<semaphore_mem>>)
      %dma_wait3A_17 = tpu.memref_slice %arg4[%mul3A_2] : memref<2048xi32, #tpu.memory_space<hbm>> -> memref<64xi32, #tpu.memory_space<hbm>>
      %dma_wait3A_18 = tpu.memref_slice %arg4[%mul3A_2] : memref<2048xi32, #tpu.memory_space<hbm>> -> memref<64xi32, #tpu.memory_space<hbm>>
      tpu.wait_dma2 semaphore(%run_scoped3A : memref<!tpu.dma_semaphore, #tpu.memory_space<semaphore_mem>>) src(%dma_wait3A_18 : memref<64xi32, #tpu.memory_space<hbm>>) dst(%arg11 : memref<64xi32, #tpu.memory_space<vmem>>)
      tpu.yield
    }) : () -> ()
    %dma_start3A = arith.constant 0 : i32
    %dma_start3A_3 = arith.constant 0 : i32
    %dma_start3A_4 = tpu.memref_slice %arg7[%dma_start3A, %dma_start3A_3] : memref<6144x768xf32, #tpu.memory_space<hbm>> -> memref<6144x768xf32, #tpu.memory_space<hbm>>
    tpu.enqueue_indirect_dma source(%arg9 : memref<64x768xf32, #tpu.memory_space<vmem>>) target(%dma_start3A_4 : memref<6144x768xf32, #tpu.memory_space<hbm>>) offsets(%arg10 : memref<64xi32, #tpu.memory_space<vmem>>) semaphore(%arg17 : memref<!tpu.dma_semaphore, #tpu.memory_space<semaphore_mem>>)
    %dma_start3A_5 = arith.constant 0 : i32
    %dma_start3A_6 = arith.constant 0 : i32
    %dma_start3A_7 = tpu.memref_slice %arg7[%dma_start3A_5, %dma_start3A_6] : memref<6144x768xf32, #tpu.memory_space<hbm>> -> memref<6144x768xf32, #tpu.memory_space<hbm>>
    tpu.enqueue_indirect_dma source(%arg9 : memref<64x768xf32, #tpu.memory_space<vmem>>) target(%dma_start3A_7 : memref<6144x768xf32, #tpu.memory_space<hbm>>) offsets(%arg11 : memref<64xi32, #tpu.memory_space<vmem>>) semaphore(%arg18 : memref<!tpu.dma_semaphore, #tpu.memory_space<semaphore_mem>>)
    %eq3A = arith.constant 0 : i32
    %eq3A_8 = arith.cmpi eq, %add3A, %eq3A : i32
    %convert_element_type3A = arith.extui %eq3A_8 : i1 to i32
    %cond3A = arith.constant 0 : i32
    %cond3A_9 = arith.cmpi ne, %convert_element_type3A, %cond3A : i32
    scf.if %cond3A_9 {
      "tpu.region"() ({
        %run_scoped3A = tpu.sem_alloc : memref<!tpu.dma_semaphore, #tpu.memory_space<semaphore_mem>>
        tpu.enqueue_dma source(%arg3 : memref<2048xi32, #tpu.memory_space<hbm>>) target(%arg12 : memref<2048xi32, #tpu.memory_space<vmem>>) target_semaphore(%run_scoped3A : memref<!tpu.dma_semaphore, #tpu.memory_space<semaphore_mem>>)
        tpu.wait_dma2 semaphore(%run_scoped3A : memref<!tpu.dma_semaphore, #tpu.memory_space<semaphore_mem>>) src(%arg3 : memref<2048xi32, #tpu.memory_space<hbm>>) dst(%arg12 : memref<2048xi32, #tpu.memory_space<vmem>>)
        tpu.yield
      }) : () -> ()
      "tpu.region"() ({
        %run_scoped3A = tpu.sem_alloc : memref<!tpu.dma_semaphore, #tpu.memory_space<semaphore_mem>>
        tpu.enqueue_dma source(%arg4 : memref<2048xi32, #tpu.memory_space<hbm>>) target(%arg13 : memref<2048xi32, #tpu.memory_space<vmem>>) target_semaphore(%run_scoped3A : memref<!tpu.dma_semaphore, #tpu.memory_space<semaphore_mem>>)
        tpu.wait_dma2 semaphore(%run_scoped3A : memref<!tpu.dma_semaphore, #tpu.memory_space<semaphore_mem>>) src(%arg4 : memref<2048xi32, #tpu.memory_space<hbm>>) dst(%arg13 : memref<2048xi32, #tpu.memory_space<vmem>>)
        tpu.yield
      }) : () -> ()
      "tpu.region"() ({
        %run_scoped3A = tpu.sem_alloc : memref<!tpu.dma_semaphore, #tpu.memory_space<semaphore_mem>>
        tpu.enqueue_dma source(%arg5 : memref<2048xf32, #tpu.memory_space<hbm>>) target(%arg14 : memref<2048xf32, #tpu.memory_space<vmem>>) target_semaphore(%run_scoped3A : memref<!tpu.dma_semaphore, #tpu.memory_space<semaphore_mem>>)
        tpu.wait_dma2 semaphore(%run_scoped3A : memref<!tpu.dma_semaphore, #tpu.memory_space<semaphore_mem>>) src(%arg5 : memref<2048xf32, #tpu.memory_space<hbm>>) dst(%arg14 : memref<2048xf32, #tpu.memory_space<vmem>>)
        tpu.yield
      }) : () -> ()
      "tpu.region"() ({
        %run_scoped3A = tpu.sem_alloc : memref<!tpu.dma_semaphore, #tpu.memory_space<semaphore_mem>>
        tpu.enqueue_dma source(%arg6 : memref<2048xf32, #tpu.memory_space<hbm>>) target(%arg15 : memref<2048xf32, #tpu.memory_space<vmem>>) target_semaphore(%run_scoped3A : memref<!tpu.dma_semaphore, #tpu.memory_space<semaphore_mem>>)
        tpu.wait_dma2 semaphore(%run_scoped3A : memref<!tpu.dma_semaphore, #tpu.memory_space<semaphore_mem>>) src(%arg6 : memref<2048xf32, #tpu.memory_space<hbm>>) dst(%arg15 : memref<2048xf32, #tpu.memory_space<vmem>>)
        tpu.yield
      }) : () -> ()
      %scan3A = arith.constant 0 : i32
      %scan3A_15 = arith.constant 0 : i32
      %scan3A_16 = arith.constant 128 : i32
      %scan3A_17 = arith.addi %scan3A_15, %scan3A_16 : i32
      %scan3A_18 = arith.constant 1 : i32
      scf.for %scan3A_20 = %scan3A_15 to %scan3A_17 step %scan3A_18  : i32 {
        %mul3A_21 = arith.constant 16 : i32
        %mul3A_22 = arith.muli %scan3A_20, %mul3A_21 : i32
        %get3A = arith.index_cast %mul3A_22 : i32 to index
        %get3A_23 = tpu.vector_load %arg12[%get3A] {strides = array<i32>} : memref<2048xi32, #tpu.memory_space<vmem>>, vector<16xi32>,
        %get3A_24 = arith.index_cast %mul3A_22 : i32 to index
        %get3A_25 = tpu.vector_load %arg14[%get3A_24] {strides = array<i32>} : memref<2048xf32, #tpu.memory_space<vmem>>, vector<16xf32>,
        tpu.vector_store_idx %arg16[%get3A_23], %get3A_25 : memref<6144xf32, #tpu.memory_space<vmem>>[vector<16xi32>], vector<16xf32>,
        %get3A_26 = arith.index_cast %mul3A_22 : i32 to index
        %get3A_27 = tpu.vector_load %arg13[%get3A_26] {strides = array<i32>} : memref<2048xi32, #tpu.memory_space<vmem>>, vector<16xi32>,
        %get3A_28 = arith.index_cast %mul3A_22 : i32 to index
        %get3A_29 = tpu.vector_load %arg15[%get3A_28] {strides = array<i32>} : memref<2048xf32, #tpu.memory_space<vmem>>, vector<16xf32>,
        tpu.vector_store_idx %arg16[%get3A_27], %get3A_29 : memref<6144xf32, #tpu.memory_space<vmem>>[vector<16xi32>], vector<16xf32>,
      }
      %scan3A_19 = arith.constant 128 : i32
      "tpu.region"() ({
        %run_scoped3A = tpu.sem_alloc : memref<!tpu.dma_semaphore, #tpu.memory_space<semaphore_mem>>
        tpu.enqueue_dma source(%arg16 : memref<6144xf32, #tpu.memory_space<vmem>>) target(%arg8 : memref<6144xf32, #tpu.memory_space<hbm>>) target_semaphore(%run_scoped3A : memref<!tpu.dma_semaphore, #tpu.memory_space<semaphore_mem>>)
        tpu.wait_dma2 semaphore(%run_scoped3A : memref<!tpu.dma_semaphore, #tpu.memory_space<semaphore_mem>>) src(%arg16 : memref<6144xf32, #tpu.memory_space<vmem>>) dst(%arg8 : memref<6144xf32, #tpu.memory_space<hbm>>)
        tpu.yield
      }) : () -> ()
    } else {
    }
    %dma_wait3A = arith.constant 0 : i32
    %dma_wait3A_10 = arith.constant 0 : i32
    %dma_wait3A_11 = tpu.memref_slice %arg7[%dma_wait3A, %dma_wait3A_10] : memref<6144x768xf32, #tpu.memory_space<hbm>> -> memref<6144x768xf32, #tpu.memory_space<hbm>>
    tpu.wait_indirect_dma semaphore(%arg17 : memref<!tpu.dma_semaphore, #tpu.memory_space<semaphore_mem>>) src(%arg9 : memref<64x768xf32, #tpu.memory_space<vmem>>) dst(%dma_wait3A_11 : memref<6144x768xf32, #tpu.memory_space<hbm>>)
    %dma_wait3A_12 = arith.constant 0 : i32
    %dma_wait3A_13 = arith.constant 0 : i32
    %dma_wait3A_14 = tpu.memref_slice %arg7[%dma_wait3A_12, %dma_wait3A_13] : memref<6144x768xf32, #tpu.memory_space<hbm>> -> memref<6144x768xf32, #tpu.memory_space<hbm>>
    tpu.wait_indirect_dma semaphore(%arg18 : memref<!tpu.dma_semaphore, #tpu.memory_space<semaphore_mem>>) src(%arg9 : memref<64x768xf32, #tpu.memory_space<vmem>>) dst(%dma_wait3A_14 : memref<6144x768xf32, #tpu.memory_space<hbm>>)
    return
  }
}

module attributes {stable_mosaic.version = 14 : i64} {
  func.func @_ffn_body(%arg0: i32, %arg1: memref<24x8xi32, #tpu.memory_space<smem>>, %arg2: memref<256x768xf32, #tpu.memory_space<vmem>>, %arg3: memref<8x768x3072xf32, #tpu.memory_space<any>>, %arg4: memref<8x3072xf32, #tpu.memory_space<vmem>>, %arg5: memref<8x3072x768xf32, #tpu.memory_space<any>>, %arg6: memref<8x768xf32, #tpu.memory_space<vmem>>, %arg7: memref<256xf32, #tpu.memory_space<vmem>>, %arg8: memref<256x768xf32, #tpu.memory_space<vmem>>, %arg9: memref<2x768x3072xf32, #tpu.memory_space<vmem>>, %arg10: memref<2x3072x768xf32, #tpu.memory_space<vmem>>, %arg11: memref<2x!tpu.dma_semaphore, #tpu.memory_space<semaphore_mem>>, %arg12: memref<2x!tpu.dma_semaphore, #tpu.memory_space<semaphore_mem>>) attributes {dimension_semantics = [#tpu.dimension_semantics<arbitrary>], iteration_bounds = array<i64: 24>, scalar_prefetch = 1 : i64, scratch_operands = 4 : i64, tpu.core_type = #tpu.core_type<tc>, window_params = [{transform_indices = @transform_0, window_bounds = array<i64: 256, 768>}, {}, {pipeline_mode = #tpu.pipeline_mode<synchronous>, transform_indices = @transform_2, window_bounds = array<i64: 8, 3072>}, {}, {pipeline_mode = #tpu.pipeline_mode<synchronous>, transform_indices = @transform_4, window_bounds = array<i64: 8, 768>}, {transform_indices = @transform_5, window_bounds = array<i64: 256>}, {transform_indices = @transform_6, window_bounds = array<i64: 256, 768>}]} {
    %get3A = arith.constant 0 : index
    %get3A_0 = arith.constant 5 : index
    %get3A_1 = memref.load %arg1[%get3A, %get3A_0] : memref<24x8xi32, #tpu.memory_space<smem>>
    %get3A_2 = arith.index_cast %arg0 : i32 to index
    %get3A_3 = arith.constant 2 : index
    %get3A_4 = memref.load %arg1[%get3A_2, %get3A_3] : memref<24x8xi32, #tpu.memory_space<smem>>
    %rem3A = arith.constant 2 : i32
    %rem3A_5 = arith.remsi %get3A_4, %rem3A : i32
    %eq3A = arith.constant 0 : i32
    %eq3A_6 = arith.cmpi eq, %arg0, %eq3A : i32
    %convert_element_type3A = arith.extui %eq3A_6 : i1 to i32
    %cond3A = arith.constant 0 : i32
    %cond3A_7 = arith.cmpi ne, %convert_element_type3A, %cond3A : i32
    scf.if %cond3A_7 {
      %get3A_20 = arith.constant 0 : index
      %get3A_21 = arith.constant 4 : index
      %get3A_22 = memref.load %arg1[%get3A_20, %get3A_21] : memref<24x8xi32, #tpu.memory_space<smem>>
      %dma_start3A = arith.constant 0 : i32
      %dma_start3A_23 = arith.constant 0 : i32
      %dma_start3A_24 = tpu.memref_slice %arg11[%dma_start3A_23] : memref<2x!tpu.dma_semaphore, #tpu.memory_space<semaphore_mem>> -> memref<1x!tpu.dma_semaphore, #tpu.memory_space<semaphore_mem>>
      %dma_start3A_25 = tpu.memref_squeeze %dma_start3A_24 : memref<1x!tpu.dma_semaphore, #tpu.memory_space<semaphore_mem>> -> memref<!tpu.dma_semaphore, #tpu.memory_space<semaphore_mem>>
      %dma_start3A_26 = arith.constant 0 : i32
      %dma_start3A_27 = arith.constant 0 : i32
      %dma_start3A_28 = tpu.memref_slice %arg9[%dma_start3A, %dma_start3A_26, %dma_start3A_27] : memref<2x768x3072xf32, #tpu.memory_space<vmem>> -> memref<1x768x3072xf32, #tpu.memory_space<vmem>>
      %dma_start3A_29 = tpu.memref_squeeze %dma_start3A_28 : memref<1x768x3072xf32, #tpu.memory_space<vmem>> -> memref<768x3072xf32, #tpu.memory_space<vmem>>
      %dma_start3A_30 = arith.constant 0 : i32
      %dma_start3A_31 = arith.constant 0 : i32
      %dma_start3A_32 = tpu.memref_slice %arg3[%get3A_22, %dma_start3A_30, %dma_start3A_31] : memref<8x768x3072xf32, #tpu.memory_space<any>> -> memref<1x768x3072xf32, #tpu.memory_space<any>>
      %dma_start3A_33 = tpu.memref_squeeze %dma_start3A_32 : memref<1x768x3072xf32, #tpu.memory_space<any>> -> memref<768x3072xf32, #tpu.memory_space<any>>
      tpu.enqueue_dma source(%dma_start3A_33 : memref<768x3072xf32, #tpu.memory_space<any>>) target(%dma_start3A_29 : memref<768x3072xf32, #tpu.memory_space<vmem>>) target_semaphore(%dma_start3A_25 : memref<!tpu.dma_semaphore, #tpu.memory_space<semaphore_mem>>)
      %dma_start3A_34 = arith.constant 0 : i32
      %dma_start3A_35 = arith.constant 0 : i32
      %dma_start3A_36 = tpu.memref_slice %arg12[%dma_start3A_35] : memref<2x!tpu.dma_semaphore, #tpu.memory_space<semaphore_mem>> -> memref<1x!tpu.dma_semaphore, #tpu.memory_space<semaphore_mem>>
      %dma_start3A_37 = tpu.memref_squeeze %dma_start3A_36 : memref<1x!tpu.dma_semaphore, #tpu.memory_space<semaphore_mem>> -> memref<!tpu.dma_semaphore, #tpu.memory_space<semaphore_mem>>
      %dma_start3A_38 = arith.constant 0 : i32
      %dma_start3A_39 = arith.constant 0 : i32
      %dma_start3A_40 = tpu.memref_slice %arg10[%dma_start3A_34, %dma_start3A_38, %dma_start3A_39] : memref<2x3072x768xf32, #tpu.memory_space<vmem>> -> memref<1x3072x768xf32, #tpu.memory_space<vmem>>
      %dma_start3A_41 = tpu.memref_squeeze %dma_start3A_40 : memref<1x3072x768xf32, #tpu.memory_space<vmem>> -> memref<3072x768xf32, #tpu.memory_space<vmem>>
      %dma_start3A_42 = arith.constant 0 : i32
      %dma_start3A_43 = arith.constant 0 : i32
      %dma_start3A_44 = tpu.memref_slice %arg5[%get3A_22, %dma_start3A_42, %dma_start3A_43] : memref<8x3072x768xf32, #tpu.memory_space<any>> -> memref<1x3072x768xf32, #tpu.memory_space<any>>
      %dma_start3A_45 = tpu.memref_squeeze %dma_start3A_44 : memref<1x3072x768xf32, #tpu.memory_space<any>> -> memref<3072x768xf32, #tpu.memory_space<any>>
      tpu.enqueue_dma source(%dma_start3A_45 : memref<3072x768xf32, #tpu.memory_space<any>>) target(%dma_start3A_41 : memref<3072x768xf32, #tpu.memory_space<vmem>>) target_semaphore(%dma_start3A_37 : memref<!tpu.dma_semaphore, #tpu.memory_space<semaphore_mem>>)
    } else {
    }
    %lt3A = arith.cmpi slt, %arg0, %get3A_1 : i32
    %get3A_8 = arith.index_cast %arg0 : i32 to index
    %get3A_9 = arith.constant 3 : index
    %get3A_10 = memref.load %arg1[%get3A_8, %get3A_9] : memref<24x8xi32, #tpu.memory_space<smem>>
    %eq3A_11 = arith.constant 1 : i32
    %eq3A_12 = arith.cmpi eq, %get3A_10, %eq3A_11 : i32
    %and3A = arith.andi %lt3A, %eq3A_12 : i1
    %convert_element_type3A_13 = arith.extui %and3A : i1 to i32
    %cond3A_14 = arith.constant 0 : i32
    %cond3A_15 = arith.cmpi ne, %convert_element_type3A_13, %cond3A_14 : i32
    scf.if %cond3A_15 {
      %add3A = arith.constant 1 : i32
      %add3A_20 = arith.addi %get3A_4, %add3A : i32
      %get3A_21 = arith.constant 1 : index
      %get3A_22 = arith.constant 5 : index
      %get3A_23 = memref.load %arg1[%get3A_21, %get3A_22] : memref<24x8xi32, #tpu.memory_space<smem>>
      %lt3A_24 = arith.cmpi slt, %add3A_20, %get3A_23 : i32
      %convert_element_type3A_25 = arith.extui %lt3A_24 : i1 to i32
      %cond3A_26 = arith.constant 0 : i32
      %cond3A_27 = arith.cmpi ne, %convert_element_type3A_25, %cond3A_26 : i32
      scf.if %cond3A_27 {
        %add3A_50 = arith.constant 1 : i32
        %add3A_51 = arith.addi %get3A_4, %add3A_50 : i32
        %rem3A_52 = arith.constant 2 : i32
        %rem3A_53 = arith.remsi %add3A_51, %rem3A_52 : i32
        %add3A_54 = arith.constant 1 : i32
        %add3A_55 = arith.addi %get3A_4, %add3A_54 : i32
        %get3A_56 = arith.index_cast %add3A_55 : i32 to index
        %get3A_57 = arith.constant 4 : index
        %get3A_58 = memref.load %arg1[%get3A_56, %get3A_57] : memref<24x8xi32, #tpu.memory_space<smem>>
        %dma_start3A = tpu.memref_slice %arg11[%rem3A_53] : memref<2x!tpu.dma_semaphore, #tpu.memory_space<semaphore_mem>> -> memref<1x!tpu.dma_semaphore, #tpu.memory_space<semaphore_mem>>
        %dma_start3A_59 = tpu.memref_squeeze %dma_start3A : memref<1x!tpu.dma_semaphore, #tpu.memory_space<semaphore_mem>> -> memref<!tpu.dma_semaphore, #tpu.memory_space<semaphore_mem>>
        %dma_start3A_60 = arith.constant 0 : i32
        %dma_start3A_61 = arith.constant 0 : i32
        %dma_start3A_62 = tpu.memref_slice %arg9[%rem3A_53, %dma_start3A_60, %dma_start3A_61] : memref<2x768x3072xf32, #tpu.memory_space<vmem>> -> memref<1x768x3072xf32, #tpu.memory_space<vmem>>
        %dma_start3A_63 = tpu.memref_squeeze %dma_start3A_62 : memref<1x768x3072xf32, #tpu.memory_space<vmem>> -> memref<768x3072xf32, #tpu.memory_space<vmem>>
        %dma_start3A_64 = arith.constant 0 : i32
        %dma_start3A_65 = arith.constant 0 : i32
        %dma_start3A_66 = tpu.memref_slice %arg3[%get3A_58, %dma_start3A_64, %dma_start3A_65] : memref<8x768x3072xf32, #tpu.memory_space<any>> -> memref<1x768x3072xf32, #tpu.memory_space<any>>
        %dma_start3A_67 = tpu.memref_squeeze %dma_start3A_66 : memref<1x768x3072xf32, #tpu.memory_space<any>> -> memref<768x3072xf32, #tpu.memory_space<any>>
        tpu.enqueue_dma source(%dma_start3A_67 : memref<768x3072xf32, #tpu.memory_space<any>>) target(%dma_start3A_63 : memref<768x3072xf32, #tpu.memory_space<vmem>>) target_semaphore(%dma_start3A_59 : memref<!tpu.dma_semaphore, #tpu.memory_space<semaphore_mem>>)
        %dma_start3A_68 = tpu.memref_slice %arg12[%rem3A_53] : memref<2x!tpu.dma_semaphore, #tpu.memory_space<semaphore_mem>> -> memref<1x!tpu.dma_semaphore, #tpu.memory_space<semaphore_mem>>
        %dma_start3A_69 = tpu.memref_squeeze %dma_start3A_68 : memref<1x!tpu.dma_semaphore, #tpu.memory_space<semaphore_mem>> -> memref<!tpu.dma_semaphore, #tpu.memory_space<semaphore_mem>>
        %dma_start3A_70 = arith.constant 0 : i32
        %dma_start3A_71 = arith.constant 0 : i32
        %dma_start3A_72 = tpu.memref_slice %arg10[%rem3A_53, %dma_start3A_70, %dma_start3A_71] : memref<2x3072x768xf32, #tpu.memory_space<vmem>> -> memref<1x3072x768xf32, #tpu.memory_space<vmem>>
        %dma_start3A_73 = tpu.memref_squeeze %dma_start3A_72 : memref<1x3072x768xf32, #tpu.memory_space<vmem>> -> memref<3072x768xf32, #tpu.memory_space<vmem>>
        %dma_start3A_74 = arith.constant 0 : i32
        %dma_start3A_75 = arith.constant 0 : i32
        %dma_start3A_76 = tpu.memref_slice %arg5[%get3A_58, %dma_start3A_74, %dma_start3A_75] : memref<8x3072x768xf32, #tpu.memory_space<any>> -> memref<1x3072x768xf32, #tpu.memory_space<any>>
        %dma_start3A_77 = tpu.memref_squeeze %dma_start3A_76 : memref<1x3072x768xf32, #tpu.memory_space<any>> -> memref<3072x768xf32, #tpu.memory_space<any>>
        tpu.enqueue_dma source(%dma_start3A_77 : memref<3072x768xf32, #tpu.memory_space<any>>) target(%dma_start3A_73 : memref<3072x768xf32, #tpu.memory_space<vmem>>) target_semaphore(%dma_start3A_69 : memref<!tpu.dma_semaphore, #tpu.memory_space<semaphore_mem>>)
      } else {
      }
      %get3A_28 = arith.index_cast %get3A_4 : i32 to index
      %get3A_29 = arith.constant 4 : index
      %get3A_30 = memref.load %arg1[%get3A_28, %get3A_29] : memref<24x8xi32, #tpu.memory_space<smem>>
      %dma_wait3A = tpu.memref_slice %arg11[%rem3A_5] : memref<2x!tpu.dma_semaphore, #tpu.memory_space<semaphore_mem>> -> memref<1x!tpu.dma_semaphore, #tpu.memory_space<semaphore_mem>>
      %dma_wait3A_31 = tpu.memref_squeeze %dma_wait3A : memref<1x!tpu.dma_semaphore, #tpu.memory_space<semaphore_mem>> -> memref<!tpu.dma_semaphore, #tpu.memory_space<semaphore_mem>>
      %dma_wait3A_32 = arith.constant 0 : i32
      %dma_wait3A_33 = arith.constant 0 : i32
      %dma_wait3A_34 = tpu.memref_slice %arg9[%rem3A_5, %dma_wait3A_32, %dma_wait3A_33] : memref<2x768x3072xf32, #tpu.memory_space<vmem>> -> memref<1x768x3072xf32, #tpu.memory_space<vmem>>
      %dma_wait3A_35 = tpu.memref_squeeze %dma_wait3A_34 : memref<1x768x3072xf32, #tpu.memory_space<vmem>> -> memref<768x3072xf32, #tpu.memory_space<vmem>>
      %dma_wait3A_36 = arith.constant 0 : i32
      %dma_wait3A_37 = arith.constant 0 : i32
      %dma_wait3A_38 = tpu.memref_slice %arg3[%get3A_30, %dma_wait3A_36, %dma_wait3A_37] : memref<8x768x3072xf32, #tpu.memory_space<any>> -> memref<1x768x3072xf32, #tpu.memory_space<any>>
      %dma_wait3A_39 = tpu.memref_squeeze %dma_wait3A_38 : memref<1x768x3072xf32, #tpu.memory_space<any>> -> memref<768x3072xf32, #tpu.memory_space<any>>
      tpu.wait_dma2 semaphore(%dma_wait3A_31 : memref<!tpu.dma_semaphore, #tpu.memory_space<semaphore_mem>>) src(%dma_wait3A_39 : memref<768x3072xf32, #tpu.memory_space<any>>) dst(%dma_wait3A_35 : memref<768x3072xf32, #tpu.memory_space<vmem>>)
      %dma_wait3A_40 = tpu.memref_slice %arg12[%rem3A_5] : memref<2x!tpu.dma_semaphore, #tpu.memory_space<semaphore_mem>> -> memref<1x!tpu.dma_semaphore, #tpu.memory_space<semaphore_mem>>
      %dma_wait3A_41 = tpu.memref_squeeze %dma_wait3A_40 : memref<1x!tpu.dma_semaphore, #tpu.memory_space<semaphore_mem>> -> memref<!tpu.dma_semaphore, #tpu.memory_space<semaphore_mem>>
      %dma_wait3A_42 = arith.constant 0 : i32
      %dma_wait3A_43 = arith.constant 0 : i32
      %dma_wait3A_44 = tpu.memref_slice %arg10[%rem3A_5, %dma_wait3A_42, %dma_wait3A_43] : memref<2x3072x768xf32, #tpu.memory_space<vmem>> -> memref<1x3072x768xf32, #tpu.memory_space<vmem>>
      %dma_wait3A_45 = tpu.memref_squeeze %dma_wait3A_44 : memref<1x3072x768xf32, #tpu.memory_space<vmem>> -> memref<3072x768xf32, #tpu.memory_space<vmem>>
      %dma_wait3A_46 = arith.constant 0 : i32
      %dma_wait3A_47 = arith.constant 0 : i32
      %dma_wait3A_48 = tpu.memref_slice %arg5[%get3A_30, %dma_wait3A_46, %dma_wait3A_47] : memref<8x3072x768xf32, #tpu.memory_space<any>> -> memref<1x3072x768xf32, #tpu.memory_space<any>>
      %dma_wait3A_49 = tpu.memref_squeeze %dma_wait3A_48 : memref<1x3072x768xf32, #tpu.memory_space<any>> -> memref<3072x768xf32, #tpu.memory_space<any>>
      tpu.wait_dma2 semaphore(%dma_wait3A_41 : memref<!tpu.dma_semaphore, #tpu.memory_space<semaphore_mem>>) src(%dma_wait3A_49 : memref<3072x768xf32, #tpu.memory_space<any>>) dst(%dma_wait3A_45 : memref<3072x768xf32, #tpu.memory_space<vmem>>)
    } else {
    }
    %lt3A_16 = arith.cmpi slt, %arg0, %get3A_1 : i32
    %convert_element_type3A_17 = arith.extui %lt3A_16 : i1 to i32
    %cond3A_18 = arith.constant 0 : i32
    %cond3A_19 = arith.cmpi ne, %convert_element_type3A_17, %cond3A_18 : i32
    scf.if %cond3A_19 {
      %get3A_20 = arith.index_cast %arg0 : i32 to index
      %get3A_21 = arith.constant 0 : index
      %get3A_22 = memref.load %arg1[%get3A_20, %get3A_21] : memref<24x8xi32, #tpu.memory_space<smem>>
      %iota3A = tpu.iota {dimensions = array<i32: 1>} : vector<1x8xi32>
      %eq3A_23 = vector.broadcast %get3A_22 : i32 to vector<1x8xi32>
      %eq3A_24 = arith.cmpi eq, %iota3A, %eq3A_23 : vector<1x8xi32>
      %convert_element_type3A_25 = arith.extui %eq3A_24 : vector<1x8xi1> to vector<1x8xi32>
      %convert_element_type3A_26 = arith.sitofp %convert_element_type3A_25 : vector<1x8xi32> to vector<1x8xf32>
      %get3A_27 = arith.constant 0 : index
      %get3A_28 = arith.constant 0 : index
      %get3A_29 = vector.load %arg4[%get3A_27, %get3A_28] : memref<8x3072xf32, #tpu.memory_space<vmem>>, vector<8x3072xf32>
      %dot_general3A = arith.constant dense<0.000000e+00> : vector<1x3072xf32>
      %dot_general3A_30 = tpu.matmul %convert_element_type3A_26, %get3A_29, %dot_general3A {dimension_numbers = #tpu.dot_dimension_numbers<[1], [0], [0], [1], [0, 0, 1, 1], [], []>, transpose_lhs_hint = false} : vector<1x8xf32>, vector<8x3072xf32>, vector<1x3072xf32> -> vector<1x3072xf32>
      %get3A_31 = arith.constant 0 : index
      %get3A_32 = arith.constant 0 : index
      %get3A_33 = vector.load %arg6[%get3A_31, %get3A_32] : memref<8x768xf32, #tpu.memory_space<vmem>>, vector<8x768xf32>
      %dot_general3A_34 = arith.constant dense<0.000000e+00> : vector<1x768xf32>
      %dot_general3A_35 = tpu.matmul %convert_element_type3A_26, %get3A_33, %dot_general3A_34 {dimension_numbers = #tpu.dot_dimension_numbers<[1], [0], [0], [1], [0, 0, 1, 1], [], []>, transpose_lhs_hint = false} : vector<1x8xf32>, vector<8x768xf32>, vector<1x768xf32> -> vector<1x768xf32>
      %get3A_36 = arith.constant 0 : index
      %get3A_37 = arith.constant 0 : index
      %get3A_38 = vector.load %arg2[%get3A_36, %get3A_37] : memref<256x768xf32, #tpu.memory_space<vmem>>, vector<256x768xf32>
      %convert_element_type3A_39 = arith.truncf %get3A_38 : vector<256x768xf32> to vector<256x768xbf16>
      %get3A_40 = arith.index_cast %rem3A_5 : i32 to index
      %get3A_41 = arith.constant 0 : index
      %get3A_42 = arith.constant 0 : index
      %get3A_43 = vector.load %arg9[%get3A_40, %get3A_41, %get3A_42] : memref<2x768x3072xf32, #tpu.memory_space<vmem>>, vector<1x768x3072xf32>
      %get3A_44 = vector.shape_cast %get3A_43 : vector<1x768x3072xf32> to vector<768x3072xf32>
      %convert_element_type3A_45 = arith.truncf %get3A_44 : vector<768x3072xf32> to vector<768x3072xbf16>
      %dot_general3A_46 = arith.constant dense<0.000000e+00> : vector<256x3072xf32>
      %dot_general3A_47 = tpu.matmul %convert_element_type3A_39, %convert_element_type3A_45, %dot_general3A_46 {dimension_numbers = #tpu.dot_dimension_numbers<[1], [0], [0], [1], [0, 0, 1, 1], [], []>, transpose_lhs_hint = false} : vector<256x768xbf16>, vector<768x3072xbf16>, vector<256x3072xf32> -> vector<256x3072xf32>
      %add3A = vector.broadcast %dot_general3A_30 : vector<1x3072xf32> to vector<256x3072xf32>
      %add3A_48 = arith.addf %dot_general3A_47, %add3A : vector<256x3072xf32>
      %integer_pow3A = arith.mulf %add3A_48, %add3A_48 : vector<256x3072xf32>
      %integer_pow3A_49 = arith.mulf %add3A_48, %integer_pow3A : vector<256x3072xf32>
      %mul3A = arith.constant 4.471500e-02 : f32
      %mul3A_50 = vector.broadcast %mul3A : f32 to vector<256x3072xf32>
      %mul3A_51 = arith.mulf %mul3A_50, %integer_pow3A_49 : vector<256x3072xf32>
      %add3A_52 = arith.addf %add3A_48, %mul3A_51 : vector<256x3072xf32>
      %mul3A_53 = arith.constant 0.797884583 : f32
      %mul3A_54 = vector.broadcast %mul3A_53 : f32 to vector<256x3072xf32>
      %mul3A_55 = arith.mulf %mul3A_54, %add3A_52 : vector<256x3072xf32>
      %tanh3A = math.tanh %mul3A_55 : vector<256x3072xf32>
      %add3A_56 = arith.constant 1.000000e+00 : f32
      %add3A_57 = vector.broadcast %add3A_56 : f32 to vector<256x3072xf32>
      %add3A_58 = arith.addf %add3A_57, %tanh3A : vector<256x3072xf32>
      %mul3A_59 = arith.constant 5.000000e-01 : f32
      %mul3A_60 = vector.broadcast %mul3A_59 : f32 to vector<256x3072xf32>
      %mul3A_61 = arith.mulf %mul3A_60, %add3A_58 : vector<256x3072xf32>
      %mul3A_62 = arith.mulf %add3A_48, %mul3A_61 : vector<256x3072xf32>
      %get3A_63 = arith.index_cast %rem3A_5 : i32 to index
      %get3A_64 = arith.constant 0 : index
      %get3A_65 = arith.constant 0 : index
      %get3A_66 = vector.load %arg10[%get3A_63, %get3A_64, %get3A_65] : memref<2x3072x768xf32, #tpu.memory_space<vmem>>, vector<1x3072x768xf32>
      %get3A_67 = vector.shape_cast %get3A_66 : vector<1x3072x768xf32> to vector<3072x768xf32>
      %convert_element_type3A_68 = arith.truncf %get3A_67 : vector<3072x768xf32> to vector<3072x768xbf16>
      %convert_element_type3A_69 = arith.truncf %mul3A_62 : vector<256x3072xf32> to vector<256x3072xbf16>
      %dot_general3A_70 = arith.constant dense<0.000000e+00> : vector<256x768xf32>
      %dot_general3A_71 = tpu.matmul %convert_element_type3A_69, %convert_element_type3A_68, %dot_general3A_70 {dimension_numbers = #tpu.dot_dimension_numbers<[1], [0], [0], [1], [0, 0, 1, 1], [], []>, transpose_lhs_hint = false} : vector<256x3072xbf16>, vector<3072x768xbf16>, vector<256x768xf32> -> vector<256x768xf32>
      %add3A_72 = vector.broadcast %dot_general3A_35 : vector<1x768xf32> to vector<256x768xf32>
      %add3A_73 = arith.addf %dot_general3A_71, %add3A_72 : vector<256x768xf32>
      %get3A_74 = arith.constant 0 : index
      %get3A_75 = vector.load %arg7[%get3A_74] : memref<256xf32, #tpu.memory_space<vmem>>, vector<256xf32>
      %reshape3A = vector.shape_cast %get3A_75 : vector<256xf32> to vector<256x1xf32>
      %mul3A_76 = vector.broadcast %reshape3A : vector<256x1xf32> to vector<256x768xf32>
      %mul3A_77 = arith.mulf %add3A_73, %mul3A_76 : vector<256x768xf32>
      %swap3A = arith.constant 0 : index
      %swap3A_78 = arith.constant 0 : index
      %swap3A_79 = vector.load %arg8[%swap3A, %swap3A_78] : memref<256x768xf32, #tpu.memory_space<vmem>>, vector<256x768xf32>
      tpu.vector_store %arg8[%swap3A, %swap3A_78], %mul3A_77 {strides = array<i32>} : memref<256x768xf32, #tpu.memory_space<vmem>>, vector<256x768xf32>,
    } else {
    }
    return
  }
  func.func @transform_0(%arg0: i32, %arg1: memref<24x8xi32, #tpu.memory_space<smem>>) -> (i32, i32) {
    %get3A = arith.index_cast %arg0 : i32 to index
    %get3A_0 = arith.constant 1 : index
    %get3A_1 = memref.load %arg1[%get3A, %get3A_0] : memref<24x8xi32, #tpu.memory_space<smem>>
    %c0_i32 = arith.constant 0 : i32
    %c0_i32_2 = arith.constant 0 : i32
    return %get3A_1, %c0_i32 : i32, i32
  }
  func.func @transform_2(%arg0: i32, %arg1: memref<24x8xi32, #tpu.memory_space<smem>>) -> (i32, i32) {
    %c0_i32 = arith.constant 0 : i32
    %c0_i32_0 = arith.constant 0 : i32
    %c0_i32_1 = arith.constant 0 : i32
    return %c0_i32, %c0_i32_0 : i32, i32
  }
  func.func @transform_4(%arg0: i32, %arg1: memref<24x8xi32, #tpu.memory_space<smem>>) -> (i32, i32) {
    %c0_i32 = arith.constant 0 : i32
    %c0_i32_0 = arith.constant 0 : i32
    %c0_i32_1 = arith.constant 0 : i32
    return %c0_i32, %c0_i32_0 : i32, i32
  }
  func.func @transform_5(%arg0: i32, %arg1: memref<24x8xi32, #tpu.memory_space<smem>>) -> i32 {
    %get3A = arith.index_cast %arg0 : i32 to index
    %get3A_0 = arith.constant 1 : index
    %get3A_1 = memref.load %arg1[%get3A, %get3A_0] : memref<24x8xi32, #tpu.memory_space<smem>>
    %c0_i32 = arith.constant 0 : i32
    return %get3A_1 : i32
  }
  func.func @transform_6(%arg0: i32, %arg1: memref<24x8xi32, #tpu.memory_space<smem>>) -> (i32, i32) {
    %get3A = arith.index_cast %arg0 : i32 to index
    %get3A_0 = arith.constant 1 : index
    %get3A_1 = memref.load %arg1[%get3A, %get3A_0] : memref<24x8xi32, #tpu.memory_space<smem>>
    %c0_i32 = arith.constant 0 : i32
    %c0_i32_2 = arith.constant 0 : i32
    return %get3A_1, %c0_i32 : i32, i32
  }
}

module attributes {stable_mosaic.version = 14 : i64} {
  func.func @_route_body(%arg0: memref<2048x768xf32, #tpu.memory_space<vmem>>, %arg1: memref<768x8xf32, #tpu.memory_space<vmem>>, %arg2: memref<8xf32, #tpu.memory_space<vmem>>, %arg3: memref<2048xi32, #tpu.memory_space<vmem>>, %arg4: memref<2048xi32, #tpu.memory_space<vmem>>, %arg5: memref<2048xf32, #tpu.memory_space<vmem>>, %arg6: memref<2048xf32, #tpu.memory_space<vmem>>, %arg7: memref<24x8xi32, #tpu.memory_space<vmem>>) attributes {dimension_semantics = [], scalar_prefetch = 0 : i64, scratch_operands = 0 : i64, tpu.core_type = #tpu.core_type<tc>} {
    %get3A = arith.constant 0 : index
    %get3A_0 = arith.constant 0 : index
    %get3A_1 = vector.load %arg0[%get3A, %get3A_0] : memref<2048x768xf32, #tpu.memory_space<vmem>>, vector<2048x768xf32>
    %get3A_2 = arith.constant 0 : index
    %get3A_3 = arith.constant 0 : index
    %get3A_4 = vector.load %arg1[%get3A_2, %get3A_3] : memref<768x8xf32, #tpu.memory_space<vmem>>, vector<768x8xf32>
    %dot_general3A = arith.constant dense<0.000000e+00> : vector<2048x8xf32>
    %dot_general3A_5 = tpu.matmul %get3A_1, %get3A_4, %dot_general3A {dimension_numbers = #tpu.dot_dimension_numbers<[1], [0], [0], [1], [0, 0, 1, 1], [], []>, transpose_lhs_hint = false} : vector<2048x768xf32>, vector<768x8xf32>, vector<2048x8xf32> -> vector<2048x8xf32>
    %get3A_6 = arith.constant 0 : index
    %get3A_7 = vector.load %arg2[%get3A_6] : memref<8xf32, #tpu.memory_space<vmem>>, vector<8xf32>
    %reshape3A = vector.shape_cast %get3A_7 : vector<8xf32> to vector<1x8xf32>
    %add3A = vector.broadcast %reshape3A : vector<1x8xf32> to vector<2048x8xf32>
    %add3A_8 = arith.addf %dot_general3A_5, %add3A : vector<2048x8xf32>
    %iota3A = tpu.iota {dimensions = array<i32: 1>} : vector<2048x8xi32>
    %reduce_max3A = arith.constant dense<0xFF800000> : vector<2048xf32>
    %reduce_max3A_9 = vector.multi_reduction <maximumf>, %add3A_8, %reduce_max3A [1] : vector<2048x8xf32> to vector<2048xf32>
    %broadcast_in_dim3A = vector.shape_cast %reduce_max3A_9 : vector<2048xf32> to vector<2048x1xf32>
    %ge3A = vector.broadcast %broadcast_in_dim3A : vector<2048x1xf32> to vector<2048x8xf32>
    %ge3A_10 = arith.cmpf oge, %add3A_8, %ge3A : vector<2048x8xf32>
    %jit3A = arith.constant 8 : i32
    %broadcast_in_dim3A_11 = vector.broadcast %jit3A : i32 to vector<2048x8xi32>
    %select_n3A = arith.select %ge3A_10, %iota3A, %broadcast_in_dim3A_11 : vector<2048x8xi1>, vector<2048x8xi32>
    %reduce_min3A = arith.constant dense<2147483647> : vector<2048xi32>
    %reduce_min3A_12 = vector.multi_reduction <minsi>, %select_n3A, %reduce_min3A [1] : vector<2048x8xi32> to vector<2048xi32>
    %broadcast_in_dim3A_13 = vector.shape_cast %reduce_min3A_12 : vector<2048xi32> to vector<2048x1xi32>
    %eq3A = vector.broadcast %broadcast_in_dim3A_13 : vector<2048x1xi32> to vector<2048x8xi32>
    %eq3A_14 = arith.cmpi eq, %iota3A, %eq3A : vector<2048x8xi32>
    %jit3A_15 = arith.constant 0xFF800000 : f32
    %broadcast_in_dim3A_16 = vector.broadcast %jit3A_15 : f32 to vector<2048x8xf32>
    %select_n3A_17 = arith.select %eq3A_14, %broadcast_in_dim3A_16, %add3A_8 : vector<2048x8xi1>, vector<2048x8xf32>
    %reduce_max3A_18 = arith.constant dense<0xFF800000> : vector<2048xf32>
    %reduce_max3A_19 = vector.multi_reduction <maximumf>, %select_n3A_17, %reduce_max3A_18 [1] : vector<2048x8xf32> to vector<2048xf32>
    %broadcast_in_dim3A_20 = vector.shape_cast %reduce_max3A_19 : vector<2048xf32> to vector<2048x1xf32>
    %ge3A_21 = vector.broadcast %broadcast_in_dim3A_20 : vector<2048x1xf32> to vector<2048x8xf32>
    %ge3A_22 = arith.cmpf oge, %select_n3A_17, %ge3A_21 : vector<2048x8xf32>
    %jit3A_23 = arith.constant 8 : i32
    %broadcast_in_dim3A_24 = vector.broadcast %jit3A_23 : i32 to vector<2048x8xi32>
    %select_n3A_25 = arith.select %ge3A_22, %iota3A, %broadcast_in_dim3A_24 : vector<2048x8xi1>, vector<2048x8xi32>
    %reduce_min3A_26 = arith.constant dense<2147483647> : vector<2048xi32>
    %reduce_min3A_27 = vector.multi_reduction <minsi>, %select_n3A_25, %reduce_min3A_26 [1] : vector<2048x8xi32> to vector<2048xi32>
    %broadcast_in_dim3A_28 = vector.shape_cast %reduce_min3A_27 : vector<2048xi32> to vector<2048x1xi32>
    %eq3A_29 = vector.broadcast %broadcast_in_dim3A_28 : vector<2048x1xi32> to vector<2048x8xi32>
    %eq3A_30 = arith.cmpi eq, %iota3A, %eq3A_29 : vector<2048x8xi32>
    %sub3A = arith.subf %broadcast_in_dim3A_20, %broadcast_in_dim3A : vector<2048x1xf32>
    %exp3A = math.exp %sub3A : vector<2048x1xf32>
    %add3A_31 = arith.constant 1.000000e+00 : f32
    %add3A_32 = vector.broadcast %add3A_31 : f32 to vector<2048x1xf32>
    %add3A_33 = arith.addf %add3A_32, %exp3A : vector<2048x1xf32>
    %div3A = arith.constant 1.000000e+00 : f32
    %div3A_34 = vector.broadcast %div3A : f32 to vector<2048x1xf32>
    %div3A_35 = arith.divf %div3A_34, %add3A_33 : vector<2048x1xf32>
    %reshape3A_36 = vector.shape_cast %div3A_35 : vector<2048x1xf32> to vector<2048xf32>
    %swap3A = arith.constant 0 : index
    %swap3A_37 = vector.load %arg5[%swap3A] : memref<2048xf32, #tpu.memory_space<vmem>>, vector<2048xf32>
    tpu.vector_store %arg5[%swap3A], %reshape3A_36 {strides = array<i32>} : memref<2048xf32, #tpu.memory_space<vmem>>, vector<2048xf32>,
    %add3A_38 = arith.constant 1.000000e+00 : f32
    %add3A_39 = vector.broadcast %add3A_38 : f32 to vector<2048x1xf32>
    %add3A_40 = arith.addf %add3A_39, %exp3A : vector<2048x1xf32>
    %div3A_41 = arith.divf %exp3A, %add3A_40 : vector<2048x1xf32>
    %reshape3A_42 = vector.shape_cast %div3A_41 : vector<2048x1xf32> to vector<2048xf32>
    %swap3A_43 = arith.constant 0 : index
    %swap3A_44 = vector.load %arg6[%swap3A_43] : memref<2048xf32, #tpu.memory_space<vmem>>, vector<2048xf32>
    tpu.vector_store %arg6[%swap3A_43], %reshape3A_42 {strides = array<i32>} : memref<2048xf32, #tpu.memory_space<vmem>>, vector<2048xf32>,
    %convert_element_type3A = arith.extui %eq3A_14 : vector<2048x8xi1> to vector<2048x8xi32>
    %convert_element_type3A_45 = arith.sitofp %convert_element_type3A : vector<2048x8xi32> to vector<2048x8xf32>
    %convert_element_type3A_46 = arith.extui %eq3A_30 : vector<2048x8xi1> to vector<2048x8xi32>
    %convert_element_type3A_47 = arith.sitofp %convert_element_type3A_46 : vector<2048x8xi32> to vector<2048x8xf32>
    %add3A_48 = arith.addf %convert_element_type3A_45, %convert_element_type3A_47 : vector<2048x8xf32>
    %iota3A_49 = tpu.iota {dimensions = array<i32: 0>} : vector<8x2048xi32>
    %iota3A_50 = tpu.iota {dimensions = array<i32: 1>} : vector<8x2048xi32>
    %jit3A_51 = arith.constant 256 : i32
    %div3A_52 = vector.broadcast %jit3A_51 : i32 to vector<8x2048xi32>
    %div3A_53 = arith.divsi %iota3A_50, %div3A_52 : vector<8x2048xi32>
    %sign3A = arith.constant 0 : i32
    %sign3A_54 = vector.broadcast %sign3A : i32 to vector<8x2048xi32>
    %sign3A_55 = arith.cmpi sgt, %iota3A_50, %sign3A_54 : vector<8x2048xi32>
    %sign3A_56 = arith.extui %sign3A_55 : vector<8x2048xi1> to vector<8x2048xi32>
    %sign3A_57 = arith.constant 0 : i32
    %sign3A_58 = vector.broadcast %sign3A_57 : i32 to vector<8x2048xi32>
    %sign3A_59 = arith.cmpi slt, %iota3A_50, %sign3A_58 : vector<8x2048xi32>
    %sign3A_60 = arith.extui %sign3A_59 : vector<8x2048xi1> to vector<8x2048xi32>
    %sign3A_61 = arith.subi %sign3A_56, %sign3A_60 : vector<8x2048xi32>
    %sign3A_62 = arith.constant 0 : i32
    %sign3A_63 = arith.cmpi sgt, %jit3A_51, %sign3A_62 : i32
    %sign3A_64 = arith.extui %sign3A_63 : i1 to i32
    %sign3A_65 = arith.constant 0 : i32
    %sign3A_66 = arith.cmpi slt, %jit3A_51, %sign3A_65 : i32
    %sign3A_67 = arith.extui %sign3A_66 : i1 to i32
    %sign3A_68 = arith.subi %sign3A_64, %sign3A_67 : i32
    %ne3A = vector.broadcast %sign3A_68 : i32 to vector<8x2048xi32>
    %ne3A_69 = arith.cmpi ne, %sign3A_61, %ne3A : vector<8x2048xi32>
    %rem3A = vector.broadcast %jit3A_51 : i32 to vector<8x2048xi32>
    %rem3A_70 = arith.remsi %iota3A_50, %rem3A : vector<8x2048xi32>
    %ne3A_71 = arith.constant 0 : i32
    %ne3A_72 = vector.broadcast %ne3A_71 : i32 to vector<8x2048xi32>
    %ne3A_73 = arith.cmpi ne, %rem3A_70, %ne3A_72 : vector<8x2048xi32>
    %and3A = arith.andi %ne3A_69, %ne3A_73 : vector<8x2048xi1>
    %sub3A_74 = arith.constant 1 : i32
    %sub3A_75 = vector.broadcast %sub3A_74 : i32 to vector<8x2048xi32>
    %sub3A_76 = arith.subi %div3A_53, %sub3A_75 : vector<8x2048xi32>
    %select_n3A_77 = arith.select %and3A, %sub3A_76, %div3A_53 : vector<8x2048xi1>, vector<8x2048xi32>
    %eq3A_78 = arith.cmpi eq, %iota3A_49, %select_n3A_77 : vector<8x2048xi32>
    %convert_element_type3A_79 = arith.extui %eq3A_78 : vector<8x2048xi1> to vector<8x2048xi32>
    %convert_element_type3A_80 = arith.sitofp %convert_element_type3A_79 : vector<8x2048xi32> to vector<8x2048xf32>
    %dot_general3A_81 = arith.constant dense<0.000000e+00> : vector<8x8xf32>
    %dot_general3A_82 = tpu.matmul %convert_element_type3A_80, %add3A_48, %dot_general3A_81 {dimension_numbers = #tpu.dot_dimension_numbers<[1], [0], [0], [1], [0, 0, 1, 1], [], []>, transpose_lhs_hint = false} : vector<8x2048xf32>, vector<2048x8xf32>, vector<8x8xf32> -> vector<8x8xf32>
    %iota3A_83 = tpu.iota {dimensions = array<i32: 0>} : vector<8x8xi32>
    %iota3A_84 = tpu.iota {dimensions = array<i32: 1>} : vector<8x8xi32>
    %lt3A = arith.cmpi slt, %iota3A_84, %iota3A_83 : vector<8x8xi32>
    %convert_element_type3A_85 = arith.extui %lt3A : vector<8x8xi1> to vector<8x8xi32>
    %convert_element_type3A_86 = arith.sitofp %convert_element_type3A_85 : vector<8x8xi32> to vector<8x8xf32>
    %dot_general3A_87 = arith.constant dense<0.000000e+00> : vector<8x8xf32>
    %dot_general3A_88 = tpu.matmul %convert_element_type3A_86, %dot_general3A_82, %dot_general3A_87 {dimension_numbers = #tpu.dot_dimension_numbers<[1], [0], [0], [1], [0, 0, 1, 1], [], []>, transpose_lhs_hint = false} : vector<8x8xf32>, vector<8x8xf32>, vector<8x8xf32> -> vector<8x8xf32>
    %iota3A_89 = tpu.iota {dimensions = array<i32: 0>} : vector<256x256xi32>
    %iota3A_90 = tpu.iota {dimensions = array<i32: 1>} : vector<256x256xi32>
    %lt3A_91 = arith.cmpi slt, %iota3A_90, %iota3A_89 : vector<256x256xi32>
    %convert_element_type3A_92 = arith.extui %lt3A_91 : vector<256x256xi1> to vector<256x256xi32>
    %convert_element_type3A_93 = arith.sitofp %convert_element_type3A_92 : vector<256x256xi32> to vector<256x256xf32>
    %slice3A = vector.extract_strided_slice %add3A_48 {offsets = [0, 0], sizes = [256, 8], strides = [1, 1]} : vector<2048x8xf32> to vector<256x8xf32>
    %dot_general3A_94 = arith.constant dense<0.000000e+00> : vector<256x8xf32>
    %dot_general3A_95 = tpu.matmul %convert_element_type3A_93, %slice3A, %dot_general3A_94 {dimension_numbers = #tpu.dot_dimension_numbers<[1], [0], [0], [1], [0, 0, 1, 1], [], []>, transpose_lhs_hint = false} : vector<256x256xf32>, vector<256x8xf32>, vector<256x8xf32> -> vector<256x8xf32>
    %slice3A_96 = vector.extract_strided_slice %dot_general3A_88 {offsets = [0, 0], sizes = [1, 8], strides = [1, 1]} : vector<8x8xf32> to vector<1x8xf32>
    %add3A_97 = vector.broadcast %slice3A_96 : vector<1x8xf32> to vector<256x8xf32>
    %add3A_98 = arith.addf %dot_general3A_95, %add3A_97 : vector<256x8xf32>
    %slice3A_99 = vector.extract_strided_slice %add3A_48 {offsets = [256, 0], sizes = [256, 8], strides = [1, 1]} : vector<2048x8xf32> to vector<256x8xf32>
    %dot_general3A_100 = arith.constant dense<0.000000e+00> : vector<256x8xf32>
    %dot_general3A_101 = tpu.matmul %convert_element_type3A_93, %slice3A_99, %dot_general3A_100 {dimension_numbers = #tpu.dot_dimension_numbers<[1], [0], [0], [1], [0, 0, 1, 1], [], []>, transpose_lhs_hint = false} : vector<256x256xf32>, vector<256x8xf32>, vector<256x8xf32> -> vector<256x8xf32>
    %slice3A_102 = vector.extract_strided_slice %dot_general3A_88 {offsets = [1, 0], sizes = [1, 8], strides = [1, 1]} : vector<8x8xf32> to vector<1x8xf32>
    %add3A_103 = vector.broadcast %slice3A_102 : vector<1x8xf32> to vector<256x8xf32>
    %add3A_104 = arith.addf %dot_general3A_101, %add3A_103 : vector<256x8xf32>
    %slice3A_105 = vector.extract_strided_slice %add3A_48 {offsets = [512, 0], sizes = [256, 8], strides = [1, 1]} : vector<2048x8xf32> to vector<256x8xf32>
    %dot_general3A_106 = arith.constant dense<0.000000e+00> : vector<256x8xf32>
    %dot_general3A_107 = tpu.matmul %convert_element_type3A_93, %slice3A_105, %dot_general3A_106 {dimension_numbers = #tpu.dot_dimension_numbers<[1], [0], [0], [1], [0, 0, 1, 1], [], []>, transpose_lhs_hint = false} : vector<256x256xf32>, vector<256x8xf32>, vector<256x8xf32> -> vector<256x8xf32>
    %slice3A_108 = vector.extract_strided_slice %dot_general3A_88 {offsets = [2, 0], sizes = [1, 8], strides = [1, 1]} : vector<8x8xf32> to vector<1x8xf32>
    %add3A_109 = vector.broadcast %slice3A_108 : vector<1x8xf32> to vector<256x8xf32>
    %add3A_110 = arith.addf %dot_general3A_107, %add3A_109 : vector<256x8xf32>
    %slice3A_111 = vector.extract_strided_slice %add3A_48 {offsets = [768, 0], sizes = [256, 8], strides = [1, 1]} : vector<2048x8xf32> to vector<256x8xf32>
    %dot_general3A_112 = arith.constant dense<0.000000e+00> : vector<256x8xf32>
    %dot_general3A_113 = tpu.matmul %convert_element_type3A_93, %slice3A_111, %dot_general3A_112 {dimension_numbers = #tpu.dot_dimension_numbers<[1], [0], [0], [1], [0, 0, 1, 1], [], []>, transpose_lhs_hint = false} : vector<256x256xf32>, vector<256x8xf32>, vector<256x8xf32> -> vector<256x8xf32>
    %slice3A_114 = vector.extract_strided_slice %dot_general3A_88 {offsets = [3, 0], sizes = [1, 8], strides = [1, 1]} : vector<8x8xf32> to vector<1x8xf32>
    %add3A_115 = vector.broadcast %slice3A_114 : vector<1x8xf32> to vector<256x8xf32>
    %add3A_116 = arith.addf %dot_general3A_113, %add3A_115 : vector<256x8xf32>
    %slice3A_117 = vector.extract_strided_slice %add3A_48 {offsets = [1024, 0], sizes = [256, 8], strides = [1, 1]} : vector<2048x8xf32> to vector<256x8xf32>
    %dot_general3A_118 = arith.constant dense<0.000000e+00> : vector<256x8xf32>
    %dot_general3A_119 = tpu.matmul %convert_element_type3A_93, %slice3A_117, %dot_general3A_118 {dimension_numbers = #tpu.dot_dimension_numbers<[1], [0], [0], [1], [0, 0, 1, 1], [], []>, transpose_lhs_hint = false} : vector<256x256xf32>, vector<256x8xf32>, vector<256x8xf32> -> vector<256x8xf32>
    %slice3A_120 = vector.extract_strided_slice %dot_general3A_88 {offsets = [4, 0], sizes = [1, 8], strides = [1, 1]} : vector<8x8xf32> to vector<1x8xf32>
    %add3A_121 = vector.broadcast %slice3A_120 : vector<1x8xf32> to vector<256x8xf32>
    %add3A_122 = arith.addf %dot_general3A_119, %add3A_121 : vector<256x8xf32>
    %slice3A_123 = vector.extract_strided_slice %add3A_48 {offsets = [1280, 0], sizes = [256, 8], strides = [1, 1]} : vector<2048x8xf32> to vector<256x8xf32>
    %dot_general3A_124 = arith.constant dense<0.000000e+00> : vector<256x8xf32>
    %dot_general3A_125 = tpu.matmul %convert_element_type3A_93, %slice3A_123, %dot_general3A_124 {dimension_numbers = #tpu.dot_dimension_numbers<[1], [0], [0], [1], [0, 0, 1, 1], [], []>, transpose_lhs_hint = false} : vector<256x256xf32>, vector<256x8xf32>, vector<256x8xf32> -> vector<256x8xf32>
    %slice3A_126 = vector.extract_strided_slice %dot_general3A_88 {offsets = [5, 0], sizes = [1, 8], strides = [1, 1]} : vector<8x8xf32> to vector<1x8xf32>
    %add3A_127 = vector.broadcast %slice3A_126 : vector<1x8xf32> to vector<256x8xf32>
    %add3A_128 = arith.addf %dot_general3A_125, %add3A_127 : vector<256x8xf32>
    %slice3A_129 = vector.extract_strided_slice %add3A_48 {offsets = [1536, 0], sizes = [256, 8], strides = [1, 1]} : vector<2048x8xf32> to vector<256x8xf32>
    %dot_general3A_130 = arith.constant dense<0.000000e+00> : vector<256x8xf32>
    %dot_general3A_131 = tpu.matmul %convert_element_type3A_93, %slice3A_129, %dot_general3A_130 {dimension_numbers = #tpu.dot_dimension_numbers<[1], [0], [0], [1], [0, 0, 1, 1], [], []>, transpose_lhs_hint = false} : vector<256x256xf32>, vector<256x8xf32>, vector<256x8xf32> -> vector<256x8xf32>
    %slice3A_132 = vector.extract_strided_slice %dot_general3A_88 {offsets = [6, 0], sizes = [1, 8], strides = [1, 1]} : vector<8x8xf32> to vector<1x8xf32>
    %add3A_133 = vector.broadcast %slice3A_132 : vector<1x8xf32> to vector<256x8xf32>
    %add3A_134 = arith.addf %dot_general3A_131, %add3A_133 : vector<256x8xf32>
    %slice3A_135 = vector.extract_strided_slice %add3A_48 {offsets = [1792, 0], sizes = [256, 8], strides = [1, 1]} : vector<2048x8xf32> to vector<256x8xf32>
    %dot_general3A_136 = arith.constant dense<0.000000e+00> : vector<256x8xf32>
    %dot_general3A_137 = tpu.matmul %convert_element_type3A_93, %slice3A_135, %dot_general3A_136 {dimension_numbers = #tpu.dot_dimension_numbers<[1], [0], [0], [1], [0, 0, 1, 1], [], []>, transpose_lhs_hint = false} : vector<256x256xf32>, vector<256x8xf32>, vector<256x8xf32> -> vector<256x8xf32>
    %slice3A_138 = vector.extract_strided_slice %dot_general3A_88 {offsets = [7, 0], sizes = [1, 8], strides = [1, 1]} : vector<8x8xf32> to vector<1x8xf32>
    %add3A_139 = vector.broadcast %slice3A_138 : vector<1x8xf32> to vector<256x8xf32>
    %add3A_140 = arith.addf %dot_general3A_137, %add3A_139 : vector<256x8xf32>
    %concatenate3A = tpu.concatenate %add3A_98, %add3A_104, %add3A_110, %add3A_116, %add3A_122, %add3A_128, %add3A_134, %add3A_140 in 0 : vector<256x8xf32>, vector<256x8xf32>, vector<256x8xf32>, vector<256x8xf32>, vector<256x8xf32>, vector<256x8xf32>, vector<256x8xf32>, vector<256x8xf32> -> vector<2048x8xf32>
    %reduce_sum3A = arith.constant dense<0.000000e+00> : vector<8xf32>
    %reduce_sum3A_141 = vector.multi_reduction <add>, %dot_general3A_82, %reduce_sum3A [0] : vector<8x8xf32> to vector<8xf32>
    %broadcast_in_dim3A_142 = vector.shape_cast %reduce_sum3A_141 : vector<8xf32> to vector<1x8xf32>
    %convert_element_type3A_143 = arith.fptosi %broadcast_in_dim3A_142 : vector<1x8xf32> to vector<1x8xi32>
    %add3A_144 = arith.constant 255 : i32
    %add3A_145 = vector.broadcast %add3A_144 : i32 to vector<1x8xi32>
    %add3A_146 = arith.addi %convert_element_type3A_143, %add3A_145 : vector<1x8xi32>
    %jit3A_147 = arith.constant 256 : i32
    %div3A_148 = vector.broadcast %jit3A_147 : i32 to vector<1x8xi32>
    %div3A_149 = arith.divsi %add3A_146, %div3A_148 : vector<1x8xi32>
    %sign3A_150 = arith.constant 0 : i32
    %sign3A_151 = vector.broadcast %sign3A_150 : i32 to vector<1x8xi32>
    %sign3A_152 = arith.cmpi sgt, %add3A_146, %sign3A_151 : vector<1x8xi32>
    %sign3A_153 = arith.extui %sign3A_152 : vector<1x8xi1> to vector<1x8xi32>
    %sign3A_154 = arith.constant 0 : i32
    %sign3A_155 = vector.broadcast %sign3A_154 : i32 to vector<1x8xi32>
    %sign3A_156 = arith.cmpi slt, %add3A_146, %sign3A_155 : vector<1x8xi32>
    %sign3A_157 = arith.extui %sign3A_156 : vector<1x8xi1> to vector<1x8xi32>
    %sign3A_158 = arith.subi %sign3A_153, %sign3A_157 : vector<1x8xi32>
    %sign3A_159 = arith.constant 0 : i32
    %sign3A_160 = arith.cmpi sgt, %jit3A_147, %sign3A_159 : i32
    %sign3A_161 = arith.extui %sign3A_160 : i1 to i32
    %sign3A_162 = arith.constant 0 : i32
    %sign3A_163 = arith.cmpi slt, %jit3A_147, %sign3A_162 : i32
    %sign3A_164 = arith.extui %sign3A_163 : i1 to i32
    %sign3A_165 = arith.subi %sign3A_161, %sign3A_164 : i32
    %ne3A_166 = vector.broadcast %sign3A_165 : i32 to vector<1x8xi32>
    %ne3A_167 = arith.cmpi ne, %sign3A_158, %ne3A_166 : vector<1x8xi32>
    %rem3A_168 = vector.broadcast %jit3A_147 : i32 to vector<1x8xi32>
    %rem3A_169 = arith.remsi %add3A_146, %rem3A_168 : vector<1x8xi32>
    %ne3A_170 = arith.constant 0 : i32
    %ne3A_171 = vector.broadcast %ne3A_170 : i32 to vector<1x8xi32>
    %ne3A_172 = arith.cmpi ne, %rem3A_169, %ne3A_171 : vector<1x8xi32>
    %and3A_173 = arith.andi %ne3A_167, %ne3A_172 : vector<1x8xi1>
    %sub3A_174 = arith.constant 1 : i32
    %sub3A_175 = vector.broadcast %sub3A_174 : i32 to vector<1x8xi32>
    %sub3A_176 = arith.subi %div3A_149, %sub3A_175 : vector<1x8xi32>
    %select_n3A_177 = arith.select %and3A_173, %sub3A_176, %div3A_149 : vector<1x8xi1>, vector<1x8xi32>
    %convert_element_type3A_178 = arith.sitofp %select_n3A_177 : vector<1x8xi32> to vector<1x8xf32>
    %lt3A_179 = arith.cmpi slt, %iota3A_83, %iota3A_84 : vector<8x8xi32>
    %convert_element_type3A_180 = arith.extui %lt3A_179 : vector<8x8xi1> to vector<8x8xi32>
    %convert_element_type3A_181 = arith.sitofp %convert_element_type3A_180 : vector<8x8xi32> to vector<8x8xf32>
    %dot_general3A_182 = arith.constant dense<0.000000e+00> : vector<1x8xf32>
    %dot_general3A_183 = tpu.matmul %convert_element_type3A_178, %convert_element_type3A_181, %dot_general3A_182 {dimension_numbers = #tpu.dot_dimension_numbers<[1], [0], [0], [1], [0, 0, 1, 1], [], []>, transpose_lhs_hint = false} : vector<1x8xf32>, vector<8x8xf32>, vector<1x8xf32> -> vector<1x8xf32>
    %mul3A = arith.constant 2.560000e+02 : f32
    %mul3A_184 = vector.broadcast %mul3A : f32 to vector<1x8xf32>
    %mul3A_185 = arith.mulf %dot_general3A_183, %mul3A_184 : vector<1x8xf32>
    %jit3A_186 = arith.constant 0.000000e+00 : f32
    %broadcast_in_dim3A_187 = vector.broadcast %jit3A_186 : f32 to vector<2048x8xf32>
    %select_n3A_188 = arith.select %eq3A_14, %concatenate3A, %broadcast_in_dim3A_187 : vector<2048x8xi1>, vector<2048x8xf32>
    %reduce_sum3A_189 = arith.constant dense<0.000000e+00> : vector<2048xf32>
    %reduce_sum3A_190 = vector.multi_reduction <add>, %select_n3A_188, %reduce_sum3A_189 [1] : vector<2048x8xf32> to vector<2048xf32>
    %broadcast_in_dim3A_191 = vector.shape_cast %reduce_sum3A_190 : vector<2048xf32> to vector<2048x1xf32>
    %jit3A_192 = arith.constant 0.000000e+00 : f32
    %broadcast_in_dim3A_193 = vector.broadcast %jit3A_192 : f32 to vector<2048x8xf32>
    %select_n3A_194 = arith.select %eq3A_30, %concatenate3A, %broadcast_in_dim3A_193 : vector<2048x8xi1>, vector<2048x8xf32>
    %reduce_sum3A_195 = arith.constant dense<0.000000e+00> : vector<2048xf32>
    %reduce_sum3A_196 = vector.multi_reduction <add>, %select_n3A_194, %reduce_sum3A_195 [1] : vector<2048x8xf32> to vector<2048xf32>
    %broadcast_in_dim3A_197 = vector.shape_cast %reduce_sum3A_196 : vector<2048xf32> to vector<2048x1xf32>
    %jit3A_198 = arith.constant 0.000000e+00 : f32
    %broadcast_in_dim3A_199 = vector.shape_cast %mul3A_185 : vector<1x8xf32> to vector<1x8xf32>
    %broadcast_in_dim3A_200 = vector.broadcast %broadcast_in_dim3A_199 : vector<1x8xf32> to vector<2048x8xf32>
    %broadcast_in_dim3A_201 = vector.broadcast %jit3A_198 : f32 to vector<2048x8xf32>
    %select_n3A_202 = arith.select %eq3A_14, %broadcast_in_dim3A_200, %broadcast_in_dim3A_201 : vector<2048x8xi1>, vector<2048x8xf32>
    %reduce_sum3A_203 = arith.constant dense<0.000000e+00> : vector<2048xf32>
    %reduce_sum3A_204 = vector.multi_reduction <add>, %select_n3A_202, %reduce_sum3A_203 [1] : vector<2048x8xf32> to vector<2048xf32>
    %broadcast_in_dim3A_205 = vector.shape_cast %reduce_sum3A_204 : vector<2048xf32> to vector<2048x1xf32>
    %jit3A_206 = arith.constant 0.000000e+00 : f32
    %broadcast_in_dim3A_207 = vector.shape_cast %mul3A_185 : vector<1x8xf32> to vector<1x8xf32>
    %broadcast_in_dim3A_208 = vector.broadcast %broadcast_in_dim3A_207 : vector<1x8xf32> to vector<2048x8xf32>
    %broadcast_in_dim3A_209 = vector.broadcast %jit3A_206 : f32 to vector<2048x8xf32>
    %select_n3A_210 = arith.select %eq3A_30, %broadcast_in_dim3A_208, %broadcast_in_dim3A_209 : vector<2048x8xi1>, vector<2048x8xf32>
    %reduce_sum3A_211 = arith.constant dense<0.000000e+00> : vector<2048xf32>
    %reduce_sum3A_212 = vector.multi_reduction <add>, %select_n3A_210, %reduce_sum3A_211 [1] : vector<2048x8xf32> to vector<2048xf32>
    %broadcast_in_dim3A_213 = vector.shape_cast %reduce_sum3A_212 : vector<2048xf32> to vector<2048x1xf32>
    %add3A_214 = arith.addf %broadcast_in_dim3A_205, %broadcast_in_dim3A_191 : vector<2048x1xf32>
    %convert_element_type3A_215 = arith.fptosi %add3A_214 : vector<2048x1xf32> to vector<2048x1xi32>
    %reshape3A_216 = vector.shape_cast %convert_element_type3A_215 : vector<2048x1xi32> to vector<2048xi32>
    %swap3A_217 = arith.constant 0 : index
    %swap3A_218 = vector.load %arg3[%swap3A_217] : memref<2048xi32, #tpu.memory_space<vmem>>, vector<2048xi32>
    tpu.vector_store %arg3[%swap3A_217], %reshape3A_216 {strides = array<i32>} : memref<2048xi32, #tpu.memory_space<vmem>>, vector<2048xi32>,
    %add3A_219 = arith.addf %broadcast_in_dim3A_213, %broadcast_in_dim3A_197 : vector<2048x1xf32>
    %convert_element_type3A_220 = arith.fptosi %add3A_219 : vector<2048x1xf32> to vector<2048x1xi32>
    %reshape3A_221 = vector.shape_cast %convert_element_type3A_220 : vector<2048x1xi32> to vector<2048xi32>
    %swap3A_222 = arith.constant 0 : index
    %swap3A_223 = vector.load %arg4[%swap3A_222] : memref<2048xi32, #tpu.memory_space<vmem>>, vector<2048xi32>
    tpu.vector_store %arg4[%swap3A_222], %reshape3A_221 {strides = array<i32>} : memref<2048xi32, #tpu.memory_space<vmem>>, vector<2048xi32>,
    %add3A_224 = arith.addf %dot_general3A_183, %convert_element_type3A_178 : vector<1x8xf32>
    %iota3A_225 = tpu.iota {dimensions = array<i32: 0>} : vector<24x8xi32>
    %convert_element_type3A_226 = arith.sitofp %iota3A_225 : vector<24x8xi32> to vector<24x8xf32>
    %le3A = vector.broadcast %add3A_224 : vector<1x8xf32> to vector<24x8xf32>
    %le3A_227 = arith.cmpf ole, %le3A, %convert_element_type3A_226 : vector<24x8xf32>
    %convert_element_type3A_228 = arith.extui %le3A_227 : vector<24x8xi1> to vector<24x8xi32>
    %convert_element_type3A_229 = arith.sitofp %convert_element_type3A_228 : vector<24x8xi32> to vector<24x8xf32>
    %reduce_sum3A_230 = arith.constant dense<0.000000e+00> : vector<24xf32>
    %reduce_sum3A_231 = vector.multi_reduction <add>, %convert_element_type3A_229, %reduce_sum3A_230 [1] : vector<24x8xf32> to vector<24xf32>
    %broadcast_in_dim3A_232 = vector.shape_cast %reduce_sum3A_231 : vector<24xf32> to vector<24x1xf32>
    %reduce_sum3A_233 = vector.shape_cast %convert_element_type3A_178 : vector<1x8xf32> to vector<1x1x8xf32>
    %reduce_sum3A_234 = arith.constant dense<0.000000e+00> : vector<1xf32>
    %reduce_sum3A_235 = vector.multi_reduction <add>, %reduce_sum3A_233, %reduce_sum3A_234 [1, 2] : vector<1x1x8xf32> to vector<1xf32>
    %reduce_sum3A_236 = vector.shape_cast %reduce_sum3A_235 : vector<1xf32> to vector<1x1x1xf32>
    %reduce_sum3A_237 = vector.extract %reduce_sum3A_236[0, 0, 0] : f32 from vector<1x1x1xf32>
    %sub3A_238 = arith.constant 1.000000e+00 : f32
    %sub3A_239 = arith.subf %reduce_sum3A_237, %sub3A_238 : f32
    %le3A_240 = vector.broadcast %sub3A_239 : f32 to vector<1x8xf32>
    %le3A_241 = arith.cmpf ole, %add3A_224, %le3A_240 : vector<1x8xf32>
    %convert_element_type3A_242 = arith.extui %le3A_241 : vector<1x8xi1> to vector<1x8xi32>
    %convert_element_type3A_243 = arith.sitofp %convert_element_type3A_242 : vector<1x8xi32> to vector<1x8xf32>
    %reduce_sum3A_244 = vector.shape_cast %convert_element_type3A_243 : vector<1x8xf32> to vector<1x1x8xf32>
    %reduce_sum3A_245 = arith.constant dense<0.000000e+00> : vector<1xf32>
    %reduce_sum3A_246 = vector.multi_reduction <add>, %reduce_sum3A_244, %reduce_sum3A_245 [1, 2] : vector<1x1x8xf32> to vector<1xf32>
    %reduce_sum3A_247 = vector.shape_cast %reduce_sum3A_246 : vector<1xf32> to vector<1x1x1xf32>
    %reduce_sum3A_248 = vector.extract %reduce_sum3A_247[0, 0, 0] : f32 from vector<1x1x1xf32>
    %iota3A_249 = tpu.iota {dimensions = array<i32: 0>} : vector<24x1xi32>
    %convert_element_type3A_250 = arith.sitofp %iota3A_249 : vector<24x1xi32> to vector<24x1xf32>
    %lt3A_251 = vector.broadcast %reduce_sum3A_237 : f32 to vector<24x1xf32>
    %lt3A_252 = arith.cmpf olt, %convert_element_type3A_250, %lt3A_251 : vector<24x1xf32>
    %broadcast_in_dim3A_253 = vector.broadcast %reduce_sum3A_248 : f32 to vector<24x1xf32>
    %select_n3A_254 = arith.select %lt3A_252, %broadcast_in_dim3A_232, %broadcast_in_dim3A_253 : vector<24x1xi1>, vector<24x1xf32>
    %jit3A_255 = arith.constant 0.000000e+00 : f32
    %jit3A_256 = arith.constant 7.000000e+00 : f32
    %max3A = vector.broadcast %jit3A_255 : f32 to vector<24x1xf32>
    %max3A_257 = arith.maximumf %max3A, %select_n3A_254 : vector<24x1xf32>
    %min3A = vector.broadcast %jit3A_256 : f32 to vector<24x1xf32>
    %min3A_258 = arith.minimumf %min3A, %max3A_257 : vector<24x1xf32>
    %sub3A_259 = arith.constant 1.000000e+00 : f32
    %sub3A_260 = arith.subf %reduce_sum3A_237, %sub3A_259 : f32
    %min3A_261 = vector.broadcast %sub3A_260 : f32 to vector<24x1xf32>
    %min3A_262 = arith.minimumf %convert_element_type3A_250, %min3A_261 : vector<24x1xf32>
    %gt3A = arith.constant 0.000000e+00 : f32
    %gt3A_263 = vector.broadcast %gt3A : f32 to vector<1x8xf32>
    %gt3A_264 = arith.cmpf ogt, %convert_element_type3A_178, %gt3A_263 : vector<1x8xf32>
    %convert_element_type3A_265 = arith.extui %gt3A_264 : vector<1x8xi1> to vector<1x8xi32>
    %convert_element_type3A_266 = arith.sitofp %convert_element_type3A_265 : vector<1x8xi32> to vector<1x8xf32>
    %dot_general3A_267 = arith.constant dense<0.000000e+00> : vector<1x8xf32>
    %dot_general3A_268 = tpu.matmul %convert_element_type3A_266, %convert_element_type3A_181, %dot_general3A_267 {dimension_numbers = #tpu.dot_dimension_numbers<[1], [0], [0], [1], [0, 0, 1, 1], [], []>, transpose_lhs_hint = false} : vector<1x8xf32>, vector<8x8xf32>, vector<1x8xf32> -> vector<1x8xf32>
    %reduce_sum3A_269 = vector.shape_cast %convert_element_type3A_266 : vector<1x8xf32> to vector<1x1x8xf32>
    %reduce_sum3A_270 = arith.constant dense<0.000000e+00> : vector<1xf32>
    %reduce_sum3A_271 = vector.multi_reduction <add>, %reduce_sum3A_269, %reduce_sum3A_270 [1, 2] : vector<1x1x8xf32> to vector<1xf32>
    %reduce_sum3A_272 = vector.shape_cast %reduce_sum3A_271 : vector<1xf32> to vector<1x1x1xf32>
    %reduce_sum3A_273 = vector.extract %reduce_sum3A_272[0, 0, 0] : f32 from vector<1x1x1xf32>
    %le3A_274 = vector.broadcast %dot_general3A_183 : vector<1x8xf32> to vector<24x8xf32>
    %le3A_275 = arith.cmpf ole, %le3A_274, %convert_element_type3A_226 : vector<24x8xf32>
    %convert_element_type3A_276 = arith.extui %le3A_275 : vector<24x8xi1> to vector<24x8xi32>
    %convert_element_type3A_277 = arith.sitofp %convert_element_type3A_276 : vector<24x8xi32> to vector<24x8xf32>
    %mul3A_278 = vector.broadcast %convert_element_type3A_266 : vector<1x8xf32> to vector<24x8xf32>
    %mul3A_279 = arith.mulf %convert_element_type3A_277, %mul3A_278 : vector<24x8xf32>
    %reduce_sum3A_280 = arith.constant dense<0.000000e+00> : vector<24xf32>
    %reduce_sum3A_281 = vector.multi_reduction <add>, %mul3A_279, %reduce_sum3A_280 [1] : vector<24x8xf32> to vector<24xf32>
    %broadcast_in_dim3A_282 = vector.shape_cast %reduce_sum3A_281 : vector<24xf32> to vector<24x1xf32>
    %sub3A_283 = arith.constant 1.000000e+00 : f32
    %sub3A_284 = vector.broadcast %sub3A_283 : f32 to vector<24x1xf32>
    %sub3A_285 = arith.subf %broadcast_in_dim3A_282, %sub3A_284 : vector<24x1xf32>
    %max3A_286 = arith.constant 0.000000e+00 : f32
    %max3A_287 = vector.broadcast %max3A_286 : f32 to vector<24x1xf32>
    %max3A_288 = arith.maximumf %sub3A_285, %max3A_287 : vector<24x1xf32>
    %eq3A_289 = vector.broadcast %dot_general3A_183 : vector<1x8xf32> to vector<24x8xf32>
    %eq3A_290 = arith.cmpf oeq, %eq3A_289, %convert_element_type3A_226 : vector<24x8xf32>
    %convert_element_type3A_291 = arith.extui %eq3A_290 : vector<24x8xi1> to vector<24x8xi32>
    %convert_element_type3A_292 = arith.sitofp %convert_element_type3A_291 : vector<24x8xi32> to vector<24x8xf32>
    %mul3A_293 = vector.broadcast %convert_element_type3A_266 : vector<1x8xf32> to vector<24x8xf32>
    %mul3A_294 = arith.mulf %convert_element_type3A_292, %mul3A_293 : vector<24x8xf32>
    %reduce_sum3A_295 = arith.constant dense<0.000000e+00> : vector<24xf32>
    %reduce_sum3A_296 = vector.multi_reduction <add>, %mul3A_294, %reduce_sum3A_295 [1] : vector<24x8xf32> to vector<24xf32>
    %broadcast_in_dim3A_297 = vector.shape_cast %reduce_sum3A_296 : vector<24xf32> to vector<24x1xf32>
    %iota3A_298 = tpu.iota {dimensions = array<i32: 1>} : vector<16x8xi32>
    %convert_element_type3A_299 = arith.sitofp %iota3A_298 : vector<16x8xi32> to vector<16x8xf32>
    %iota3A_300 = tpu.iota {dimensions = array<i32: 0>} : vector<16x8xi32>
    %convert_element_type3A_301 = arith.sitofp %iota3A_300 : vector<16x8xi32> to vector<16x8xf32>
    %eq3A_302 = vector.broadcast %dot_general3A_268 : vector<1x8xf32> to vector<16x8xf32>
    %eq3A_303 = arith.cmpf oeq, %convert_element_type3A_301, %eq3A_302 : vector<16x8xf32>
    %convert_element_type3A_304 = arith.extui %eq3A_303 : vector<16x8xi1> to vector<16x8xi32>
    %convert_element_type3A_305 = arith.sitofp %convert_element_type3A_304 : vector<16x8xi32> to vector<16x8xf32>
    %mul3A_306 = vector.broadcast %convert_element_type3A_266 : vector<1x8xf32> to vector<16x8xf32>
    %mul3A_307 = arith.mulf %convert_element_type3A_305, %mul3A_306 : vector<16x8xf32>
    %mul3A_308 = arith.mulf %convert_element_type3A_299, %mul3A_307 : vector<16x8xf32>
    %reduce_sum3A_309 = arith.constant dense<0.000000e+00> : vector<16xf32>
    %reduce_sum3A_310 = vector.multi_reduction <add>, %mul3A_308, %reduce_sum3A_309 [1] : vector<16x8xf32> to vector<16xf32>
    %broadcast_in_dim3A_311 = vector.shape_cast %reduce_sum3A_310 : vector<16xf32> to vector<16x1xf32>
    %slice3A_312 = vector.extract_strided_slice %convert_element_type3A_299 {offsets = [0, 0], sizes = [1, 8], strides = [1, 1]} : vector<16x8xf32> to vector<1x8xf32>
    %sub3A_313 = arith.constant 1.000000e+00 : f32
    %sub3A_314 = arith.subf %reduce_sum3A_273, %sub3A_313 : f32
    %eq3A_315 = vector.broadcast %sub3A_314 : f32 to vector<1x8xf32>
    %eq3A_316 = arith.cmpf oeq, %dot_general3A_268, %eq3A_315 : vector<1x8xf32>
    %convert_element_type3A_317 = arith.extui %eq3A_316 : vector<1x8xi1> to vector<1x8xi32>
    %convert_element_type3A_318 = arith.sitofp %convert_element_type3A_317 : vector<1x8xi32> to vector<1x8xf32>
    %mul3A_319 = arith.mulf %slice3A_312, %convert_element_type3A_318 : vector<1x8xf32>
    %mul3A_320 = arith.mulf %mul3A_319, %convert_element_type3A_266 : vector<1x8xf32>
    %reduce_sum3A_321 = vector.shape_cast %mul3A_320 : vector<1x8xf32> to vector<1x1x8xf32>
    %reduce_sum3A_322 = arith.constant dense<0.000000e+00> : vector<1xf32>
    %reduce_sum3A_323 = vector.multi_reduction <add>, %reduce_sum3A_321, %reduce_sum3A_322 [1, 2] : vector<1x1x8xf32> to vector<1xf32>
    %reduce_sum3A_324 = vector.shape_cast %reduce_sum3A_323 : vector<1xf32> to vector<1x1x1xf32>
    %reduce_sum3A_325 = vector.extract %reduce_sum3A_324[0, 0, 0] : f32 from vector<1x1x1xf32>
    %iota3A_326 = tpu.iota {dimensions = array<i32: 0>} : vector<16x1xi32>
    %convert_element_type3A_327 = arith.sitofp %iota3A_326 : vector<16x1xi32> to vector<16x1xf32>
    %lt3A_328 = vector.broadcast %reduce_sum3A_273 : f32 to vector<16x1xf32>
    %lt3A_329 = arith.cmpf olt, %convert_element_type3A_327, %lt3A_328 : vector<16x1xf32>
    %broadcast_in_dim3A_330 = vector.broadcast %reduce_sum3A_325 : f32 to vector<16x1xf32>
    %select_n3A_331 = arith.select %lt3A_329, %broadcast_in_dim3A_311, %broadcast_in_dim3A_330 : vector<16x1xi1>, vector<16x1xf32>
    %broadcast_in_dim3A_332 = arith.constant 0.000000e+00 : f32
    %broadcast_in_dim3A_333 = vector.broadcast %broadcast_in_dim3A_332 : f32 to vector<8x1xf32>
    %concatenate3A_334 = tpu.concatenate %select_n3A_331, %broadcast_in_dim3A_333 in 0 : vector<16x1xf32>, vector<8x1xf32> -> vector<24x1xf32>
    %lt3A_335 = arith.constant 1.000000e+00 : f32
    %lt3A_336 = vector.broadcast %lt3A_335 : f32 to vector<24x1xf32>
    %lt3A_337 = arith.cmpf olt, %convert_element_type3A_250, %lt3A_336 : vector<24x1xf32>
    %lt3A_338 = arith.constant 2.000000e+00 : f32
    %lt3A_339 = vector.broadcast %lt3A_338 : f32 to vector<24x1xf32>
    %lt3A_340 = arith.cmpf olt, %convert_element_type3A_250, %lt3A_339 : vector<24x1xf32>
    %jit3A_341 = arith.constant 0.000000e+00 : f32
    %broadcast_in_dim3A_342 = vector.broadcast %reduce_sum3A_273 : f32 to vector<24x1xf32>
    %broadcast_in_dim3A_343 = vector.broadcast %jit3A_341 : f32 to vector<24x1xf32>
    %select_n3A_344 = arith.select %lt3A_340, %broadcast_in_dim3A_342, %broadcast_in_dim3A_343 : vector<24x1xi1>, vector<24x1xf32>
    %broadcast_in_dim3A_345 = vector.broadcast %reduce_sum3A_237 : f32 to vector<24x1xf32>
    %select_n3A_346 = arith.select %lt3A_337, %broadcast_in_dim3A_345, %select_n3A_344 : vector<24x1xi1>, vector<24x1xf32>
    %broadcast_in_dim3A_347 = arith.constant 0.000000e+00 : f32
    %broadcast_in_dim3A_348 = vector.broadcast %broadcast_in_dim3A_347 : f32 to vector<24x2xf32>
    %concatenate3A_349 = tpu.concatenate %min3A_258, %min3A_262, %max3A_288, %broadcast_in_dim3A_297, %concatenate3A_334, %select_n3A_346, %broadcast_in_dim3A_348 in 1 : vector<24x1xf32>, vector<24x1xf32>, vector<24x1xf32>, vector<24x1xf32>, vector<24x1xf32>, vector<24x1xf32>, vector<24x2xf32> -> vector<24x8xf32>
    %convert_element_type3A_350 = arith.fptosi %concatenate3A_349 : vector<24x8xf32> to vector<24x8xi32>
    %swap3A_351 = arith.constant 0 : index
    %swap3A_352 = arith.constant 0 : index
    %swap3A_353 = vector.load %arg7[%swap3A_351, %swap3A_352] : memref<24x8xi32, #tpu.memory_space<vmem>>, vector<24x8xi32>
    tpu.vector_store %arg7[%swap3A_351, %swap3A_352], %convert_element_type3A_350 {strides = array<i32>} : memref<24x8xi32, #tpu.memory_space<vmem>>, vector<24x8xi32>,
    return
  }
}

</mosaic_0001>

<sc_bundles>
// kernel: kernel.6.cloned.1.call-start
scs
__scs_entry_jumppad:
0x0: {  	(pc) =	sbr.rel $0x88, $3  }
0x1: {  	(tag) =	ssettag $0x0;
	lr =	simm.s32 $0x1  }
0x2: {  	[smem:$0x3F9A] =	sst lr;
	_ =	strace $0xD0000000  }
0x3: {  	_ = 	snop  }
0x4: {  	_ = 	snop  }
0x5: {  	_ = 	snop  }
0x6: {  	_ = 	snop  }
0x7: {  	_ = 	snop  }
__scs_overlays_trampoline_lowered:
0x8: {  	[smem:$0x3FA9] =	sst s0  }
0x9: {  	[smem:$0x3FAA] =	sst s1  }
0xa: {  	[smem:$0x3FAB] =	sst s2  }
0xb: {  	[smem:$0x3FAC] =	sst s3  }
0xc: {  	[smem:$0x3FAD] =	sst s4  }
0xd: {  	[smem:$0x3FAE] =	sst s5  }
0xe: {  	[smem:$0x3FAF] =	sst s6  }
0xf: {  	[smem:$0x3FB0] =	sst s7  }
0x10: {  	[smem:$0x3FB1] =	sst s8  }
0x11: {  	[smem:$0x3FB2] =	sst s9;
	s0 =	simm.s32 @!p0 $0x0  }
0x12: {  	s1 =	sld [smem:$0x3F98];
	s0 =	simm.s32 @p0 $0x1  }
0x13: {  	[smem:$0x3FB3] =	sst s0;
	s0 =	simm.s32 @!p1 $0x0  }
0x14: {  	s2 =	sld [smem:$0x3F97];
	s0 =	simm.s32 @p1 $0x1  }
0x15: {  	[smem:$0x3FB4] =	sst s0;
	s0 =	simm.s32 @!p2 $0x0  }
0x16: {  	s3 =	sld [smem:$0x3FDB];
	s0 =	simm.s32 @p2 $0x1  }
0x17: {  	s4 =	simm.s32 $0x1BF5;
	[smem:$0x3FB6] =	sst s0  }
0x18: {  	s0 =	sld [smem:$0x3F99];
	_ =	swait.ge [sflag:s4], $0x0  }
0x19: {  	s7 =	sld [smem:$0x3F9A]  }
0x1a: {  	s8 =	sadd.s32 $0xFFFFE003, lr  }
0x1b: {  	s9 =	sadd.s32 $0xFFFFFEF7, lr;
	s5 =	simm.s32 $0xFFFFFFFF;
	p2 =	slt.u32 s8, $0xFFFFF086  }
0x1c: {  	p1 =	slt.u32 s9, $0xF7A;
	s5 =	simm.s32 @!p2 $0x0  }
0x1d: {  	s5 =	simm.s32 @p1 $0x1;
	p0 =	seq.s32 s7, s2  }
0x1e: {  	s7 =	smul.u32 @!p0 $0xF7A, s2;
	p2 =	seq.s32 @!p0 s5, $0x0  }
0x1f: {  	s9 =	smul.u32 $0xF7A, s1;
	s8 =	simm.s32 @!p0 $0x1BF5;
	p2 =	por !p2, p0  }
0x20: {  	[sflag:s8] =	ssyncset.s32 @!p0 $0xFFFFF086;
	s6 =	sadd.s32 @!p0 s3, s7;
	s7 =	simm.s32 @!p0 $0x108  }
0x21: {  	s3 =	sadd.s32 s3, s9;
	s6 =	sadd.s32 @!p0 $0x88, s6;
	s7 =	simm.s32 @p2 $0x1082  }
0x22: {  	[simem:s7], [sflag:s8] =	dma.local @!p0 [hbm:s6], $0xF7A  }
0x23: {  	s9 =	sor.u32 $0xD0000000, s2;
	s6 =	simm.s32 $0x108;
	_ =	swait.ge @!p0 [sflag:s8], $0x0  }
0x24: {  	s3 =	sadd.s32 $0x88, s3;
	s6 =	simm.s32 @!p1 $0x1082;
	[sflag:s4] =	ssyncset.s32 $0xFFFFF086  }
0x25: {  	[simem:s6], [sflag:s4] =	dma.local [hbm:s3], $0xF7A  }
0x26: {  	[smem:$0x3F9A] =	sst s1;
	(tag) =	ssettag s2;
	_ =	strace s9  }
0x27: {  	s1 =	sld [smem:$0x3FAA]  }
0x28: {  	s2 =	sld [smem:$0x3FAB]  }
0x29: {  	s4 =	sld [smem:$0x3FAD]  }
0x2a: {  	p0 =	seq.s32 s5, $0x0;
	s5 =	sld [smem:$0x3FAE]  }
0x2b: {  	s6 =	sld [smem:$0x3FAF]  }
0x2c: {  	s7 =	sld [smem:$0x3FB0]  }
0x2d: {  	s3 =	simm.s32 $0x108;
	s8 =	sld [smem:$0x3FB1]  }
0x2e: {  	s3 =	simm.s32 @!p0 $0x1082;
	s9 =	sld [smem:$0x3FB2]  }
0x2f: {  	lr =	sadd.s32 s0, s3;
	s0 =	sld [smem:$0x3FA9]  }
0x30: {  	s3 =	sld [smem:$0x3FAC]  }
0x31: {  	[smem:$0x3FB5] =	sst s10  }
0x32: {  	s10 =	sld [smem:$0x3FB3];
	_ =	sdelay $0x3  }
0x33: {  	p0 =	seq.s32 s10, $0x1;
	s10 =	sld [smem:$0x3FB5];
	_ =	sdelay $0x3  }
0x34: {  	[smem:$0x3FB5] =	sst s10  }
0x35: {  	s10 =	sld [smem:$0x3FB4];
	_ =	sdelay $0x3  }
0x36: {  	p1 =	seq.s32 s10, $0x1;
	s10 =	sld [smem:$0x3FB5];
	_ =	sdelay $0x3  }
0x37: {  	[smem:$0x3FB5] =	sst s10  }
0x38: {  	s10 =	sld [smem:$0x3FB6]  }
0x39: {  	_ = 	snop;
	(pc) =	sbr.ind lr, $3  }
0x3a: {  	_ = 	snop  }
0x3b: {  	_ = 	snop  }
0x3c: {  	p2 =	seq.s32 s10, $0x1;
	s10 =	sld [smem:$0x3FB5]  }
0x3d: {  	_ =	shalt  }
0x3e: {  	_ =	shalt  }
0x3f: {  	_ =	shalt  }
0x40: {  	_ =	shalt  }
0x41: {  	_ =	shalt  }
0x42: {  	_ =	shalt  }
0x43: {  	_ =	shalt  }
0x44: {  	_ =	shalt  }
0x45: {  	_ =	shalt  }
0x46: {  	_ =	shalt  }
0x47: {  	_ =	shalt  }
0x48: {  	_ =	shalt  }
0x49: {  	_ =	shalt  }
0x4a: {  	_ =	shalt  }
0x4b: {  	_ =	shalt  }
0x4c: {  	_ =	shalt  }
0x4d: {  	_ =	shalt  }
0x4e: {  	_ =	shalt  }
0x4f: {  	_ =	shalt  }
0x50: {  	_ =	shalt  }
0x51: {  	_ =	shalt  }
0x52: {  	_ =	shalt  }
0x53: {  	_ =	shalt  }
0x54: {  	_ =	shalt  }
0x55: {  	_ =	shalt  }
0x56: {  	_ =	shalt  }
0x57: {  	_ =	shalt  }
0x58: {  	_ =	shalt  }
0x59: {  	_ =	shalt  }
0x5a: {  	_ =	shalt  }
0x5b: {  	_ =	shalt  }
0x5c: {  	_ =	shalt  }
0x5d: {  	_ =	shalt  }
0x5e: {  	_ =	shalt  }
0x5f: {  	_ =	shalt  }
0x60: {  	_ =	shalt  }
0x61: {  	_ =	shalt  }
0x62: {  	_ =	shalt  }
0x63: {  	_ =	shalt  }
0x64: {  	_ =	shalt  }
0x65: {  	_ =	shalt  }
0x66: {  	_ =	shalt  }
0x67: {  	_ =	shalt  }
0x68: {  	_ =	shalt  }
0x69: {  	_ =	shalt  }
0x6a: {  	_ =	shalt  }
0x6b: {  	_ =	shalt  }
0x6c: {  	_ =	shalt  }
0x6d: {  	_ =	shalt  }
0x6e: {  	_ =	shalt  }
0x6f: {  	_ =	shalt  }
0x70: {  	_ =	shalt  }
0x71: {  	_ =	shalt  }
0x72: {  	_ =	shalt  }
0x73: {  	_ =	shalt  }
0x74: {  	_ =	shalt  }
0x75: {  	_ =	shalt  }
0x76: {  	_ =	shalt  }
0x77: {  	_ =	shalt  }
0x78: {  	_ =	shalt  }
0x79: {  	_ =	shalt  }
0x7a: {  	_ =	shalt  }
0x7b: {  	_ =	shalt  }
0x7c: {  	_ =	shalt  }
0x7d: {  	_ =	shalt  }
0x7e: {  	_ =	shalt  }
0x7f: {  	_ =	shalt  }
0x80: {  	_ =	shalt  }
0x81: {  	_ =	shalt  }
0x82: {  	_ =	shalt  }
0x83: {  	_ =	shalt  }
0x84: {  	_ =	shalt  }
0x85: {  	_ =	shalt  }
0x86: {  	_ =	shalt  }
0x87: {  	_ =	shalt  }
.Lfunc_end0:
.L_simem_size_0:
called_computation_lowered:
.L_overlay_start_0:
0x88: {  	s2 =	sld [smem:$0x3FD9]  }
0x89: {  	s3 =	sld [smem:$0x3FFE];
	_ =	sdelay $0x1  }
0x8a: {  	s1 =	srdreg.scid  }
0x8b: {  	s0 =	sand.u32 $0x1, s1  }
0x8c: {  	s17 =	sshll.u32 s0, $0xA;
	s2 =	sadd.s32 s3, s2  }
0x8d: {  	s2 =	sadd.s32 s2, s17  }
0x8e: {  	[smem:$0x3FC1] =	sst s2  }
0x8f: {  	_ = 	snop  }
0x90: {  	s2 =	sld [smem:$0x3FC9]  }
0x91: {  	s18 =	sld [smem:$0x3FD0];
	(tm) =	ssettm $0x1  }
0x92: {  	s4 =	sld [smem:$0x3FFB];
	_ =	sdelay $0x3  }
0x93: {  	_ =	strace s4  }
0x94: {  	s4 =	sld [smem:$0x3FFC];
	_ =	sdelay $0x3  }
0x95: {  	_ =	strace s4  }
0x96: {  	s4 =	sld [smem:$0x3FFD];
	_ =	sdelay $0x3  }
0x97: {  	_ =	strace s4  }
0x98: {  	_ =	strace $0x8FFFFFFF  }
0x99: {  	s19 =	sld [smem:$0x3FDB];
	_ =	sdelay $0x1  }
0x9a: {  	s5 =	simm.s32 $_scs_section_size  }
0x9b: {  	s6 =	simm.s32 $_size__tile_overlayer_lowered;
	s7 =	simm.s32 $_tile_overlayer_lowered  }
0x9c: {  	s22 =	simm.s32 $0x1BFF;
	s21 =	sshll.u32 s7, $0x1;
	s4 =	sadd.s32 s5, s19  }
0x9d: {  	s8 =	simm.s32 $0x0;
	s20 =	sshll.u32 s6, $0x1;
	s6 =	sadd.s32 s21, s4  }
0x9e: {  	[timem:s8], [sflag:s22] =	dma.local [hbm:s6], s20  }
0x9f: {  	_ =	swait.ge [sflag:s22], s20  }
0xa0: {  	s5 =	ssub.s32 $0x0, s20;
	[sflag:s22] =	ssyncset.done $0x0  }
0xa1: {  	[sflag:s22] =	ssyncadd.s32 s5;
	_ =	sdelay $0x1  }
0xa2: {  	s23 =	simm.s32 $0x1B8B  }
0xa3: {  	_ =	swait.ge [sflag:s23], $0x1  }
0xa4: {  	[sflag:s23] =	ssyncset.done $0x0  }
0xa5: {  	s25 =	simm.s32 $0x1B8E;
	s24 =	sld [smem:$0x3FFE];
	[sflag:s23] =	ssyncadd.s32 $0xFFFFFFFF  }
0xa6: {  	s26 =	simm.s32 $execute0_lowered;
	[smem:$0x3FD2] =	sst s25  }
0xa7: {  	s6 =	sshll.u32 s26, $0x1;
	_ =	strace $0x80000046;
	[dreg:$0x1] =	wrdreg $0xFFFFFFFF  }
0xa8: {  	s28 =	simm.s32 $_size_execute0_lowered;
	s4 =	sadd.s32 s4, s6;
	[dreg:$0x0] =	wrdreg $0x0  }
0xa9: {  	s6 =	sshll.u32 s28, $0x1;
	[dreg:$0x2] =	wrdreg s4  }
0xaa: {  	[dreg:$0x3] =	wrdreg s6  }
0xab: {  	[dreg:$0x4] =	wrdreg $0xC0  }
0xac: {  	_ =	task [dreg:s8], $0x5FFFF  }
0xad: {  	[dreg:$0x1] =	wrdreg $0xFFFFFFFF  }
0xae: {  	[dreg:$0x0] =	wrdreg $0x60  }
0xaf: {  	[dreg:$0x2] =	wrdreg s2  }
0xb0: {  	[dreg:$0x3] =	wrdreg s24  }
0xb1: {  	[dreg:$0x4] =	wrdreg s18  }
0xb2: {  	[dreg:$0x5] =	wrdreg $0x9  }
0xb3: {  	_ =	task.clear_ibuf [dreg:s8], $0x6FFFF;
	_ =	strace $0x90000046  }
0xb4: {  	s29 =	simm.s32 $0x9;
	_ =	strace $0x80000048  }
0xb5: {  	_ =	swait.ge [sflag:s29], $0x1  }
0xb6: {  	[sflag:s29] =	ssyncadd.s32 $0xFFFFFFFF  }
0xb7: {  	_ =	strace $0x90000048  }
0xb8: {  	_ =	sfence  }
0xb9: {  	s30 =	sld [smem:$0x0];
	_ =	sdelay $0x2  }
0xba: {  	s31 =	sshll.u32 s1, $0xD;
	s1 =	sshrl.u32 s1, $0x2  }
0xbb: {  	s3 =	sand.u32 $0x4000, s31;
	s1 =	sadd.s32 s1, s30  }
0xbc: {  	s0 =	sor.u32 s3, s0;
	s1 =	sshll.u32 s1, $0x11  }
0xbd: {  	s0 =	sor.u32 s1, s0  }
0xbe: {  	s0 =	sadd.s32 $0x8F2B, s0  }
0xbf: {  	[sflag:s0] =	ssyncadd.remote.s32 $0x1  }
0xc0: {  	_ =	sfence.sel $0xFFFF  }
0xc1: {  	[dreg:$0x0] =	wrdreg $0xFFFFFFFF;
	(pc) =	sbr.abs _section_cstart, $3  }
0xc2: {  	[dreg:$0x1] =	wrdreg $0xFFFFFFFF  }
0xc3: {  	_ =	task.clear_ibuf [dreg:s8], $0x2FFFF;
	_ =	strace $0x9FFFFFFF  }
0xc4: {  	(tm) =	ssettm $0x7FFFFFFF  }
0xc5: {  	_ =	shalt  }
tec
execute0_lowered:
.L_overlay_start_1:
0x0: {  	(tag) =	ssettag $0x1  }
0x1: {  	s0 =	rddreg [dreg:$0x0]  }
0x2: {  	s1 =	rddreg [dreg:$0x1]  }
0x3: {  	s3 =	simm.s32 $0x0;
	s2 =	srdreg.scid;
	s4 =	stileid.u32  }
0x4: {  	s15 =	simm.s32 $0x3;
	s18 =	simm.s32 $0x0;
	s28 =	simm.s32 $0x1800  }
0x5: {  	s29 =	simm.s32 $0x2000;
	s30 =	simm.s32 $0x2800;
	s31 =	simm.s32 $0x3000  }
0x6: {  	s16 =	simm.s32 $0x7000;
	s17 =	simm.s32 $0x7800;
	s11 =	simm.s32 $0x8800  }
0x7: {  	s14 =	simm.s32 $0x9000;
	[smem:$0x7FF] =	sst s3;
	s9 =	sadd.s32 $0x1C00, s1  }
0x8: {  	s2 =	sand.u32 $0x1, s2;
	s4 =	sshll.u32 s4, $0x1;
	s5 =	sadd.s32 $0x2000, s1  }
0x9: {  	s23 =	sadd.s32 $0x2200, s1;
	_ =	strace $0x80000047;
	[dreg:$0x6] =	wrdreg s5  }
0xa: {  	s10 =	sadd.s32 $0x1E00, s1;
	s8 =	sadd.s32 $0x2600, s1;
	[dreg:$0x7] =	wrdreg s23  }
0xb: {  	s12 =	sadd.s32 $0x2700, s1;
	s13 =	sadd.s32 $0x2800, s1;
	[dreg:$0x4] =	wrdreg s9  }
0xc: {  	s4 =	sor.u32 s2, s4;
	s2 =	ssub.s32 $0x2, s2;
	[dreg:$0x5] =	wrdreg s10  }
0xd: {  	s5 =	simm.s32 $0x6800;
	s23 =	simm.s32 $0x9800;
	s24 =	smul.u32 $0x1800, s4  }
0xe: {  	s6 =	sshrl.u32 s2, $0x1;
	s7 =	sshll.u32 s4, $0x3;
	p0 =	sne.s32 s4, $0x0  }
0xf: {  	s4 =	simm.s32 $0x6000;
	s2 =	ssub.s32 s2, s6;
	s25 =	sadd.s32 s9, s7  }
.Ltmp0:
0x10: {  	s26 =	sadd.s32 s10, s7;
	s10 =	simm.s32 $0xE100;
	(pc) =	sbr.rel .LBB2_1-.Ltmp0, $4  }
0x11: {  	s6 =	simm.s32 $0x5000;
	s7 =	simm.s32 $0x5800;
	[dreg:$0x9] =	wrdreg s25  }
0x12: {  	v2 =	vlaneseq.u32;
	s9 =	simm.s32 $0x8000;
	s0 =	sadd.s32 s0, s24;
	[dreg:$0xa] =	wrdreg s26  }
0x13: {  	vm0 =	vmmov $0xffff;
	v1 =	vshrl.u32 v2, $0x3;
	s22 =	smax.u32 s2, $0x1;
	s25 =	simm.s32 $0x800;
	s26 =	simm.s32 $0x1000  }
0x14: {  	v0 =	vand.u32 $0x7, v2;
	v2 =	vor.u32 $0x8, v2;
	v1 =	vmul.u32 $0x8, v1;
	s2 =	simm.s32 $0x4000;
	s24 =	simm.s32 $0xA000;
	[dreg:$0x8] =	wrdreg s0  }
.LBB2_5:
0x15: {  	s0 =	simm.s32 $0x1;
	s18 =	sadd.s32 $0x1, s18  }
0x16: {  	_ =	swait.ge [sflag:s0], $0xC000;
	p1 =	sne.s32 s18, s22  }
.Ltmp1:
0x17: {  	[sflag:s0] =	ssyncset.done $0x0;
	(pc) =	sbr.rel @!p1 .LBB2_6-.Ltmp1, $4  }
0x18: {  	s21 =	simm.s32 $0x2;
	[sflag:s0] =	ssyncadd.s32 $0xFFFF4000  }
0x19: {  	_ =	swait.ge [sflag:s21], $0xC000  }
0x1a: {  	[sflag:s21] =	ssyncset.done $0x0  }
0x1b: {  	[sflag:s21] =	ssyncadd.s32 $0xFFFF4000  }
.LBB2_1:
0x1c: {  	s0 =	rddreg [dreg:$0x8]  }
0x1d: {  	[tilespmem:s3], [sflag:$0x3] =	stream.linear.gather [hbm4b:s0+s3], $0xC000, $0x38;
	[tilespmem:$0xF900] =	vst v63  }
0x1e: {  	_ =	swait.ge [sflag:s15], $0xC000  }
0x1f: {  	[sflag:s15] =	ssyncset.done $0x0  }
0x20: {  	s1 =	simm.s32 $0xC000;
	s19 =	rddreg [dreg:$0x9];
	[sflag:s15] =	ssyncadd.s32 $0xFFFF4000  }
0x21: {  	[tilespmem:s1], [sflag:$0x3] =	stream.linear.gather [hbm4b:s19+s3], $0x40, $0x38;
	[tilespmem:$0xF900] =	vst v63  }
0x22: {  	_ =	swait.ge [sflag:s15], $0x40  }
0x23: {  	[sflag:s15] =	ssyncset.done $0x0  }
0x24: {  	s21 =	simm.s32 $0xC080;
	s20 =	rddreg [dreg:$0xa];
	[sflag:s15] =	ssyncadd.s32 $0xFFFFFFC0  }
0x25: {  	[tilespmem:s21], [sflag:$0x3] =	stream.linear.gather [hbm4b:s20+s3], $0x40, $0x38;
	[tilespmem:$0xF900] =	vst v63  }
0x26: {  	_ =	swait.ge [sflag:s15], $0x40  }
0x27: {  	[sflag:s15] =	ssyncset.done $0x0  }
0x28: {  	[sflag:s15] =	ssyncadd.s32 $0xFFFFFFC0  }
0x29: {  	v3 =	vld [tilespmem:$0xC000];
	_ =	sdelay $0x4  }
0x2a: {  	v4 =	vshrl.u32 v3, $0x3  }
0x2b: {  	v4 =	vmul.u32 $0x30, v4  }
0x2c: {  	v3 =	vand.u32 $0x7, v3  }
0x2d: {  	v3 =	vor.u32 v3, v4  }
0x2e: {  	v4 =	vperm.xlane v3, v0;
	_ =	sdelay $0x1  }
0x2f: {  	v4 =	vadd.s32 v1, v4;
	_ =	sdelay $0x3  }
0x30: {  	v3 =	vperm.xlane v3, v2  }
0x31: {  	[hbm4b:s8+s3] =	stream.indirect_vreg.scatter [tilespmem:s3], [sflag:$0x1], $0x80, v4, vm0, $0xb8;
	[tilespmem:$0xF900] =	vst v63  }
0x32: {  	v3 =	vadd.s32 v1, v3  }
0x33: {  	[hbm4b:s12+s3] =	stream.indirect_vreg.scatter [tilespmem:s25], [sflag:$0x1], $0x80, v4, vm0, $0xb8;
	[tilespmem:$0xF900] =	vst v63  }
0x34: {  	_ = 	snop  }
0x35: {  	[hbm4b:s13+s3] =	stream.indirect_vreg.scatter [tilespmem:s26], [sflag:$0x1], $0x80, v4, vm0, $0xb8;
	[tilespmem:$0xF900] =	vst v63  }
0x36: {  	_ = 	snop  }
0x37: {  	[hbm4b:s8+s3] =	stream.indirect_vreg.scatter [tilespmem:s28], [sflag:$0x1], $0x80, v3, vm0, $0xb8;
	[tilespmem:$0xF900] =	vst v63  }
0x38: {  	_ = 	snop  }
0x39: {  	[hbm4b:s12+s3] =	stream.indirect_vreg.scatter [tilespmem:s29], [sflag:$0x1], $0x80, v3, vm0, $0xb8;
	[tilespmem:$0xF900] =	vst v63  }
0x3a: {  	_ = 	snop  }
0x3b: {  	[hbm4b:s13+s3] =	stream.indirect_vreg.scatter [tilespmem:s30], [sflag:$0x1], $0x80, v3, vm0, $0xb8;
	[tilespmem:$0xF900] =	vst v63  }
0x3c: {  	v3 =	vld [tilespmem:$0xC010];
	_ =	sdelay $0x4  }
0x3d: {  	v57 =	vshrl.u32 v3, $0x3  }
0x3e: {  	v4 =	vmul.u32 $0x30, v57  }
0x3f: {  	v3 =	vand.u32 $0x7, v3  }
0x40: {  	v3 =	vor.u32 v3, v4  }
0x41: {  	v4 =	vperm.xlane v3, v0;
	_ =	sdelay $0x1  }
0x42: {  	v4 =	vadd.s32 v1, v4;
	_ =	sdelay $0x3  }
0x43: {  	v3 =	vperm.xlane v3, v2  }
0x44: {  	[hbm4b:s8+s3] =	stream.indirect_vreg.scatter [tilespmem:s31], [sflag:$0x1], $0x80, v4, vm0, $0xb8;
	[tilespmem:$0xF900] =	vst v63  }
0x45: {  	s0 =	simm.s32 $0x3800;
	v3 =	vadd.s32 v1, v3  }
0x46: {  	[hbm4b:s12+s3] =	stream.indirect_vreg.scatter [tilespmem:s0], [sflag:$0x1], $0x80, v4, vm0, $0xb8;
	[tilespmem:$0xF900] =	vst v63  }
0x47: {  	_ = 	snop  }
0x48: {  	[hbm4b:s13+s3] =	stream.indirect_vreg.scatter [tilespmem:s2], [sflag:$0x1], $0x80, v4, vm0, $0xb8;
	[tilespmem:$0xF900] =	vst v63  }
0x49: {  	s1 =	simm.s32 $0x4800  }
0x4a: {  	[hbm4b:s8+s3] =	stream.indirect_vreg.scatter [tilespmem:s1], [sflag:$0x1], $0x80, v3, vm0, $0xb8;
	[tilespmem:$0xF900] =	vst v63  }
0x4b: {  	_ = 	snop  }
0x4c: {  	[hbm4b:s12+s3] =	stream.indirect_vreg.scatter [tilespmem:s6], [sflag:$0x1], $0x80, v3, vm0, $0xb8;
	[tilespmem:$0xF900] =	vst v63  }
0x4d: {  	_ = 	snop  }
0x4e: {  	[hbm4b:s13+s3] =	stream.indirect_vreg.scatter [tilespmem:s7], [sflag:$0x1], $0x80, v3, vm0, $0xb8;
	[tilespmem:$0xF900] =	vst v63  }
0x4f: {  	v3 =	vld [tilespmem:$0xC020];
	_ =	sdelay $0x4  }
0x50: {  	v58 =	vshrl.u32 v3, $0x3  }
0x51: {  	v4 =	vmul.u32 $0x30, v58  }
0x52: {  	v3 =	vand.u32 $0x7, v3  }
0x53: {  	v3 =	vor.u32 v3, v4  }
0x54: {  	v4 =	vperm.xlane v3, v0;
	_ =	sdelay $0x1  }
0x55: {  	v4 =	vadd.s32 v1, v4;
	_ =	sdelay $0x3  }
0x56: {  	v3 =	vperm.xlane v3, v2  }
0x57: {  	[hbm4b:s8+s3] =	stream.indirect_vreg.scatter [tilespmem:s4], [sflag:$0x1], $0x80, v4, vm0, $0xb8;
	[tilespmem:$0xF900] =	vst v63  }
0x58: {  	v3 =	vadd.s32 v1, v3  }
0x59: {  	[hbm4b:s12+s3] =	stream.indirect_vreg.scatter [tilespmem:s5], [sflag:$0x1], $0x80, v4, vm0, $0xb8;
	[tilespmem:$0xF900] =	vst v63  }
0x5a: {  	_ = 	snop  }
0x5b: {  	[hbm4b:s13+s3] =	stream.indirect_vreg.scatter [tilespmem:s16], [sflag:$0x1], $0x80, v4, vm0, $0xb8;
	[tilespmem:$0xF900] =	vst v63  }
0x5c: {  	_ = 	snop  }
0x5d: {  	[hbm4b:s8+s3] =	stream.indirect_vreg.scatter [tilespmem:s17], [sflag:$0x1], $0x80, v3, vm0, $0xb8;
	[tilespmem:$0xF900] =	vst v63  }
0x5e: {  	_ = 	snop  }
0x5f: {  	[hbm4b:s12+s3] =	stream.indirect_vreg.scatter [tilespmem:s9], [sflag:$0x1], $0x80, v3, vm0, $0xb8;
	[tilespmem:$0xF900] =	vst v63  }
0x60: {  	_ = 	snop  }
0x61: {  	[hbm4b:s13+s3] =	stream.indirect_vreg.scatter [tilespmem:s11], [sflag:$0x1], $0x80, v3, vm0, $0xb8;
	[tilespmem:$0xF900] =	vst v63  }
0x62: {  	v3 =	vld [tilespmem:$0xC030];
	_ =	sdelay $0x4  }
0x63: {  	v59 =	vshrl.u32 v3, $0x3  }
0x64: {  	v4 =	vmul.u32 $0x30, v59  }
0x65: {  	v3 =	vand.u32 $0x7, v3  }
0x66: {  	v3 =	vor.u32 v3, v4  }
0x67: {  	v4 =	vperm.xlane v3, v0;
	_ =	sdelay $0x1  }
0x68: {  	v4 =	vadd.s32 v1, v4;
	_ =	sdelay $0x3  }
0x69: {  	v3 =	vperm.xlane v3, v2  }
0x6a: {  	[hbm4b:s8+s3] =	stream.indirect_vreg.scatter [tilespmem:s14], [sflag:$0x1], $0x80, v4, vm0, $0xb8;
	[tilespmem:$0xF900] =	vst v63  }
0x6b: {  	v3 =	vadd.s32 v1, v3  }
0x6c: {  	[hbm4b:s12+s3] =	stream.indirect_vreg.scatter [tilespmem:s23], [sflag:$0x1], $0x80, v4, vm0, $0xb8;
	[tilespmem:$0xF900] =	vst v63  }
0x6d: {  	_ = 	snop  }
0x6e: {  	[hbm4b:s13+s3] =	stream.indirect_vreg.scatter [tilespmem:s24], [sflag:$0x1], $0x80, v4, vm0, $0xb8;
	[tilespmem:$0xF900] =	vst v63  }
0x6f: {  	s19 =	simm.s32 $0xA800  }
0x70: {  	[hbm4b:s8+s3] =	stream.indirect_vreg.scatter [tilespmem:s19], [sflag:$0x1], $0x80, v3, vm0, $0xb8;
	[tilespmem:$0xF900] =	vst v63  }
0x71: {  	s20 =	simm.s32 $0xB000  }
0x72: {  	[hbm4b:s12+s3] =	stream.indirect_vreg.scatter [tilespmem:s20], [sflag:$0x1], $0x80, v3, vm0, $0xb8;
	[tilespmem:$0xF900] =	vst v63  }
0x73: {  	s21 =	simm.s32 $0xB800  }
0x74: {  	[hbm4b:s13+s3] =	stream.indirect_vreg.scatter [tilespmem:s21], [sflag:$0x1], $0x80, v3, vm0, $0xb8;
	[tilespmem:$0xF900] =	vst v63  }
0x75: {  	v3 =	vld [tilespmem:$0xC080];
	_ =	sdelay $0x4  }
0x76: {  	v60 =	vshrl.u32 v3, $0x3  }
0x77: {  	v4 =	vmul.u32 $0x30, v60  }
0x78: {  	v3 =	vand.u32 $0x7, v3  }
0x79: {  	v3 =	vor.u32 v3, v4  }
0x7a: {  	v4 =	vperm.xlane v3, v0;
	_ =	sdelay $0x1  }
0x7b: {  	v4 =	vadd.s32 v1, v4;
	_ =	sdelay $0x3  }
0x7c: {  	v3 =	vperm.xlane v3, v2  }
0x7d: {  	[hbm4b:s8+s3] =	stream.indirect_vreg.scatter [tilespmem:s3], [sflag:$0x2], $0x80, v4, vm0, $0xb8;
	[tilespmem:$0xF900] =	vst v63  }
0x7e: {  	v3 =	vadd.s32 v1, v3  }
0x7f: {  	[hbm4b:s12+s3] =	stream.indirect_vreg.scatter [tilespmem:s25], [sflag:$0x2], $0x80, v4, vm0, $0xb8;
	[tilespmem:$0xF900] =	vst v63  }
0x80: {  	_ = 	snop  }
0x81: {  	[hbm4b:s13+s3] =	stream.indirect_vreg.scatter [tilespmem:s26], [sflag:$0x2], $0x80, v4, vm0, $0xb8;
	[tilespmem:$0xF900] =	vst v63  }
0x82: {  	_ = 	snop  }
0x83: {  	[hbm4b:s8+s3] =	stream.indirect_vreg.scatter [tilespmem:s28], [sflag:$0x2], $0x80, v3, vm0, $0xb8;
	[tilespmem:$0xF900] =	vst v63  }
0x84: {  	_ = 	snop  }
0x85: {  	[hbm4b:s12+s3] =	stream.indirect_vreg.scatter [tilespmem:s29], [sflag:$0x2], $0x80, v3, vm0, $0xb8;
	[tilespmem:$0xF900] =	vst v63  }
0x86: {  	_ = 	snop  }
0x87: {  	[hbm4b:s13+s3] =	stream.indirect_vreg.scatter [tilespmem:s30], [sflag:$0x2], $0x80, v3, vm0, $0xb8;
	[tilespmem:$0xF900] =	vst v63  }
0x88: {  	v3 =	vld [tilespmem:$0xC090];
	_ =	sdelay $0x4  }
0x89: {  	v61 =	vshrl.u32 v3, $0x3  }
0x8a: {  	v4 =	vmul.u32 $0x30, v61  }
0x8b: {  	v3 =	vand.u32 $0x7, v3  }
0x8c: {  	v3 =	vor.u32 v3, v4  }
0x8d: {  	v4 =	vperm.xlane v3, v0;
	_ =	sdelay $0x1  }
0x8e: {  	v4 =	vadd.s32 v1, v4;
	_ =	sdelay $0x3  }
0x8f: {  	v3 =	vperm.xlane v3, v2  }
0x90: {  	[hbm4b:s8+s3] =	stream.indirect_vreg.scatter [tilespmem:s31], [sflag:$0x2], $0x80, v4, vm0, $0xb8;
	[tilespmem:$0xF900] =	vst v63  }
0x91: {  	v3 =	vadd.s32 v1, v3  }
0x92: {  	[hbm4b:s12+s3] =	stream.indirect_vreg.scatter [tilespmem:s0], [sflag:$0x2], $0x80, v4, vm0, $0xb8;
	[tilespmem:$0xF900] =	vst v63  }
0x93: {  	_ = 	snop  }
0x94: {  	[hbm4b:s13+s3] =	stream.indirect_vreg.scatter [tilespmem:s2], [sflag:$0x2], $0x80, v4, vm0, $0xb8;
	[tilespmem:$0xF900] =	vst v63  }
0x95: {  	_ = 	snop  }
0x96: {  	[hbm4b:s8+s3] =	stream.indirect_vreg.scatter [tilespmem:s1], [sflag:$0x2], $0x80, v3, vm0, $0xb8;
	[tilespmem:$0xF900] =	vst v63  }
0x97: {  	_ = 	snop  }
0x98: {  	[hbm4b:s12+s3] =	stream.indirect_vreg.scatter [tilespmem:s6], [sflag:$0x2], $0x80, v3, vm0, $0xb8;
	[tilespmem:$0xF900] =	vst v63  }
0x99: {  	_ = 	snop  }
0x9a: {  	[hbm4b:s13+s3] =	stream.indirect_vreg.scatter [tilespmem:s7], [sflag:$0x2], $0x80, v3, vm0, $0xb8;
	[tilespmem:$0xF900] =	vst v63  }
0x9b: {  	v3 =	vld [tilespmem:$0xC0A0];
	_ =	sdelay $0x4  }
0x9c: {  	v62 =	vshrl.u32 v3, $0x3  }
0x9d: {  	v4 =	vmul.u32 $0x30, v62  }
0x9e: {  	v3 =	vand.u32 $0x7, v3  }
0x9f: {  	v3 =	vor.u32 v3, v4  }
0xa0: {  	v4 =	vperm.xlane v3, v0;
	_ =	sdelay $0x1  }
0xa1: {  	v4 =	vadd.s32 v1, v4;
	_ =	sdelay $0x3  }
0xa2: {  	v3 =	vperm.xlane v3, v2  }
0xa3: {  	[hbm4b:s8+s3] =	stream.indirect_vreg.scatter [tilespmem:s4], [sflag:$0x2], $0x80, v4, vm0, $0xb8;
	[tilespmem:$0xF900] =	vst v63  }
0xa4: {  	v3 =	vadd.s32 v1, v3  }
0xa5: {  	[hbm4b:s12+s3] =	stream.indirect_vreg.scatter [tilespmem:s5], [sflag:$0x2], $0x80, v4, vm0, $0xb8;
	[tilespmem:$0xF900] =	vst v63  }
0xa6: {  	_ = 	snop  }
0xa7: {  	[hbm4b:s13+s3] =	stream.indirect_vreg.scatter [tilespmem:s16], [sflag:$0x2], $0x80, v4, vm0, $0xb8;
	[tilespmem:$0xF900] =	vst v63  }
0xa8: {  	_ = 	snop  }
0xa9: {  	[hbm4b:s8+s3] =	stream.indirect_vreg.scatter [tilespmem:s17], [sflag:$0x2], $0x80, v3, vm0, $0xb8;
	[tilespmem:$0xF900] =	vst v63  }
0xaa: {  	_ = 	snop  }
0xab: {  	[hbm4b:s12+s3] =	stream.indirect_vreg.scatter [tilespmem:s9], [sflag:$0x2], $0x80, v3, vm0, $0xb8;
	[tilespmem:$0xF900] =	vst v63  }
0xac: {  	_ = 	snop  }
0xad: {  	[hbm4b:s13+s3] =	stream.indirect_vreg.scatter [tilespmem:s11], [sflag:$0x2], $0x80, v3, vm0, $0xb8;
	[tilespmem:$0xF900] =	vst v63  }
0xae: {  	v3 =	vld [tilespmem:$0xC0B0];
	_ =	sdelay $0x4  }
0xaf: {  	v63 =	vshrl.u32 v3, $0x3  }
0xb0: {  	v4 =	vmul.u32 $0x30, v63  }
0xb1: {  	v3 =	vand.u32 $0x7, v3  }
0xb2: {  	v3 =	vor.u32 v3, v4  }
0xb3: {  	v4 =	vperm.xlane v3, v0;
	_ =	sdelay $0x1  }
0xb4: {  	v4 =	vadd.s32 v1, v4;
	_ =	sdelay $0x3  }
0xb5: {  	v3 =	vperm.xlane v3, v2  }
0xb6: {  	[hbm4b:s8+s3] =	stream.indirect_vreg.scatter [tilespmem:s14], [sflag:$0x2], $0x80, v4, vm0, $0xb8;
	[tilespmem:$0xF900] =	vst v63  }
0xb7: {  	v3 =	vadd.s32 v1, v3  }
0xb8: {  	[hbm4b:s12+s3] =	stream.indirect_vreg.scatter [tilespmem:s23], [sflag:$0x2], $0x80, v4, vm0, $0xb8;
	[tilespmem:$0xF900] =	vst v63  }
0xb9: {  	_ = 	snop  }
0xba: {  	[hbm4b:s13+s3] =	stream.indirect_vreg.scatter [tilespmem:s24], [sflag:$0x2], $0x80, v4, vm0, $0xb8;
	[tilespmem:$0xF900] =	vst v63  }
0xbb: {  	_ = 	snop  }
0xbc: {  	[hbm4b:s8+s3] =	stream.indirect_vreg.scatter [tilespmem:s19], [sflag:$0x2], $0x80, v3, vm0, $0xb8;
	[tilespmem:$0xF900] =	vst v63  }
.Ltmp2:
0xbd: {  	_ = 	snop;
	(pc) =	sbr.rel @p0 .LBB2_5-.Ltmp2, $4  }
0xbe: {  	_ = 	snop  }
0xbf: {  	[hbm4b:s12+s3] =	stream.indirect_vreg.scatter [tilespmem:s20], [sflag:$0x2], $0x80, v3, vm0, $0xb8;
	[tilespmem:$0xF900] =	vst v63  }
0xc0: {  	_ = 	snop  }
0xc1: {  	[hbm4b:s13+s3] =	stream.indirect_vreg.scatter [tilespmem:s21], [sflag:$0x2], $0x80, v3, vm0, $0xb8;
	[tilespmem:$0xF900] =	vst v63  }
0xc2: {  	s19 =	simm.s32 $0x0;
	s20 =	rddreg [dreg:$0x4];
	s0 =	simm.s32 $0xC100  }
0xc3: {  	[tilespmem:s0], [sflag:$0x3] =	stream.linear.gather [hbm4b:s20+s19], $0x800, $0x38;
	[tilespmem:$0xF900] =	vst v63  }
0xc4: {  	_ =	swait.ge [sflag:s15], $0x800  }
0xc5: {  	s25 =	smov.u32 s22;
	[sflag:s15] =	ssyncset.done $0x0  }
0xc6: {  	s22 =	simm.s32 $0xC900;
	s21 =	rddreg [dreg:$0x5];
	[sflag:s15] =	ssyncadd.s32 $0xFFFFF800  }
0xc7: {  	[tilespmem:s22], [sflag:$0x3] =	stream.linear.gather [hbm4b:s21+s19], $0x800, $0x38;
	[tilespmem:$0xF900] =	vst v63  }
0xc8: {  	_ =	swait.ge [sflag:s15], $0x800  }
0xc9: {  	[sflag:s15] =	ssyncset.done $0x0  }
0xca: {  	s1 =	simm.s32 $0xD100;
	s0 =	rddreg [dreg:$0x6];
	[sflag:s15] =	ssyncadd.s32 $0xFFFFF800  }
0xcb: {  	[tilespmem:s1], [sflag:$0x3] =	stream.linear.gather [hbm4b:s0+s19], $0x800, $0x38;
	[tilespmem:$0xF900] =	vst v63  }
0xcc: {  	_ =	swait.ge [sflag:s15], $0x800  }
0xcd: {  	[sflag:s15] =	ssyncset.done $0x0  }
0xce: {  	s22 =	simm.s32 $0xD900;
	s21 =	rddreg [dreg:$0x7];
	[sflag:s15] =	ssyncadd.s32 $0xFFFFF800  }
0xcf: {  	[tilespmem:s22], [sflag:$0x3] =	stream.linear.gather [hbm4b:s21+s19], $0x800, $0x38;
	[tilespmem:$0xF900] =	vst v63  }
0xd0: {  	_ =	swait.ge [sflag:s15], $0x800  }
0xd1: {  	[sflag:s15] =	ssyncset.done $0x0  }
0xd2: {  	s21 =	simm.s32 $0x0;
	[sflag:s15] =	ssyncadd.s32 $0xFFFFF800  }
0xd3: {  	v3 =	vld [tilespmem:s21+$0xC100];
	_ =	sdelay $0x2  }
0xd4: {  	v4 =	vld [tilespmem:s21+$0xD100];
	_ =	sdelay $0x4  }
0xd5: {  	[tilespmem:v3+s10+$0x0] =	vst.idx.msk $0xffff, v4  }
0xd6: {  	v3 =	vld [tilespmem:s21+$0xC900];
	_ =	sdelay $0x2  }
0xd7: {  	s20 =	simm.s32 $0x80;
	s19 =	simm.s32 $0x40;
	v4 =	vld [tilespmem:s21+$0xD900]  }
.LBB2_3:
0xd8: {  	_ =	sdelay $0x2  }
0xd9: {  	p1 =	sne.s32 s20, $0x1FC0  }
0xda: {  	s21 =	sshra.s32 s19, $0x2;
	s19 =	smov.u32 s20;
	s20 =	sadd.s32 $0x40, s20;
	[tilespmem:v3+s10+$0x0] =	vst.idx.msk $0xffff, v4  }
0xdb: {  	v3 =	vld [tilespmem:s21+$0xC100];
	_ =	sdelay $0x2  }
0xdc: {  	v4 =	vld [tilespmem:s21+$0xD100];
	_ =	sdelay $0x4  }
.Ltmp3:
0xdd: {  	[tilespmem:v3+s10+$0x0] =	vst.idx.msk $0xffff, v4;
	(pc) =	sbr.rel @p1 .LBB2_3-.Ltmp3, $2  }
0xde: {  	v3 =	vld [tilespmem:s21+$0xC900];
	_ =	sdelay $0x2  }
0xdf: {  	v4 =	vld [tilespmem:s21+$0xD900]  }
0xe0: {  	_ =	sdelay $0x4  }
0xe1: {  	s19 =	sshra.s32 s19, $0x2;
	[tilespmem:v3+s10+$0x0] =	vst.idx.msk $0xffff, v4  }
0xe2: {  	v3 =	vld [tilespmem:s19+$0xC100];
	_ =	sdelay $0x2  }
0xe3: {  	v4 =	vld [tilespmem:s19+$0xD100];
	_ =	sdelay $0x4  }
0xe4: {  	[tilespmem:v3+s10+$0x0] =	vst.idx.msk $0xffff, v4  }
0xe5: {  	v3 =	vld [tilespmem:s19+$0xC900];
	_ =	sdelay $0x2  }
0xe6: {  	v4 =	vld [tilespmem:s19+$0xD900];
	_ =	sdelay $0x4  }
.Ltmp4:
0xe7: {  	s22 =	rddreg [dreg:$0x2];
	[tilespmem:v3+s10+$0x0] =	vst.idx.msk $0xffff, v4;
	(pc) =	sbr.rel .LBB2_5-.Ltmp4, $4  }
0xe8: {  	[hbm4b:s22+s3] =	stream.linear.scatter [tilespmem:s10], [sflag:$0x3], $0x1800, $0x38;
	[tilespmem:$0xF900] =	vst v63  }
0xe9: {  	_ =	swait.ge [sflag:s15], $0x1800  }
0xea: {  	[sflag:s15] =	ssyncset.done $0x0  }
0xeb: {  	s22 =	smov.u32 s25;
	s25 =	simm.s32 $0x800;
	[sflag:s15] =	ssyncadd.s32 $0xFFFFE800  }
.LBB2_6:
0xec: {  	_ =	sfence.sel $0x180000  }
0xed: {  	[bflag:$0x0] =	sbarrier.arrive $0xFFFF  }
0xee: {  	_ =	strace $0x90000047  }
0xef: {  	s0 =	stileid.u32;
	[bflag:$0x2] =	sbarrier.arrive $0xFFFF  }
0xf0: {  	p0 =	sne.s32 s0, $0x0;
	s0 =	rddreg [dreg:$0x3]  }
0xf1: {  	s0 =	sadd.s32 @!p0 $0x100000, s0  }
0xf2: {  	[sflag:s0] =	ssyncadd.tile.s32 @!p0 $0x1;
	_ =	shalt  }
.Lfunc_end2:
_tile_overlayer_lowered:
.L_overlay_start_2:
0xf3: {  	(tag) =	ssettag $0x2  }
0xf4: {  	s0 =	rddreg [dreg:$0x0];
	s2 =	stileid.u32  }
0xf5: {  	s1 =	rddreg [dreg:$0x1];
	p0 =	sne.s32 s2, $0x0  }
0xf6: {  	s3 =	rddreg [dreg:$0x2];
	[bflag:$0x3] =	sbarrier.arrive $0xFFFF;
	s2 =	simm.s32 @!p0 $0x1C03  }
0xf7: {  	[timem:s3], [sflag:s2] =	dma.local @!p0 [hbm:s0], s1  }
0xf8: {  	s0 =	simm.s32 @!p0 $0x3  }
0xf9: {  	_ =	swait.ge @!p0 [sflag:s0], s1  }
0xfa: {  	s1 =	ssub.s32 @!p0 $0x0, s1;
	[sflag:s0] =	ssyncset.done @!p0 $0x0  }
0xfb: {  	[sflag:s0] =	ssyncadd.s32 @!p0 s1  }
0xfc: {  	[bflag:$0x3] =	sbarrier.arrive $0xFFFF  }
0xfd: {  	_ =	shalt  }

// kernel: kernel.9.cloned.1.call-start
scs
__scs_entry_jumppad:
0x0: {  	(pc) =	sbr.rel $0x88, $3  }
0x1: {  	(tag) =	ssettag $0x0;
	lr =	simm.s32 $0x1  }
0x2: {  	[smem:$0x3F9A] =	sst lr;
	_ =	strace $0xD0000000  }
0x3: {  	_ = 	snop  }
0x4: {  	_ = 	snop  }
0x5: {  	_ = 	snop  }
0x6: {  	_ = 	snop  }
0x7: {  	_ = 	snop  }
__scs_overlays_trampoline_lowered:
0x8: {  	[smem:$0x3FA9] =	sst s0  }
0x9: {  	[smem:$0x3FAA] =	sst s1  }
0xa: {  	[smem:$0x3FAB] =	sst s2  }
0xb: {  	[smem:$0x3FAC] =	sst s3  }
0xc: {  	[smem:$0x3FAD] =	sst s4  }
0xd: {  	[smem:$0x3FAE] =	sst s5  }
0xe: {  	[smem:$0x3FAF] =	sst s6  }
0xf: {  	[smem:$0x3FB0] =	sst s7  }
0x10: {  	[smem:$0x3FB1] =	sst s8  }
0x11: {  	[smem:$0x3FB2] =	sst s9;
	s0 =	simm.s32 @!p0 $0x0  }
0x12: {  	s1 =	sld [smem:$0x3F98];
	s0 =	simm.s32 @p0 $0x1  }
0x13: {  	[smem:$0x3FB3] =	sst s0;
	s0 =	simm.s32 @!p1 $0x0  }
0x14: {  	s2 =	sld [smem:$0x3F97];
	s0 =	simm.s32 @p1 $0x1  }
0x15: {  	[smem:$0x3FB4] =	sst s0;
	s0 =	simm.s32 @!p2 $0x0  }
0x16: {  	s3 =	sld [smem:$0x3FDB];
	s0 =	simm.s32 @p2 $0x1  }
0x17: {  	s4 =	simm.s32 $0x1BF5;
	[smem:$0x3FB6] =	sst s0  }
0x18: {  	s0 =	sld [smem:$0x3F99];
	_ =	swait.ge [sflag:s4], $0x0  }
0x19: {  	s7 =	sld [smem:$0x3F9A]  }
0x1a: {  	s8 =	sadd.s32 $0xFFFFE003, lr  }
0x1b: {  	s9 =	sadd.s32 $0xFFFFFEF7, lr;
	s5 =	simm.s32 $0xFFFFFFFF;
	p2 =	slt.u32 s8, $0xFFFFF086  }
0x1c: {  	p1 =	slt.u32 s9, $0xF7A;
	s5 =	simm.s32 @!p2 $0x0  }
0x1d: {  	s5 =	simm.s32 @p1 $0x1;
	p0 =	seq.s32 s7, s2  }
0x1e: {  	s7 =	smul.u32 @!p0 $0xF7A, s2;
	p2 =	seq.s32 @!p0 s5, $0x0  }
0x1f: {  	s9 =	smul.u32 $0xF7A, s1;
	s8 =	simm.s32 @!p0 $0x1BF5;
	p2 =	por !p2, p0  }
0x20: {  	[sflag:s8] =	ssyncset.s32 @!p0 $0xFFFFF086;
	s6 =	sadd.s32 @!p0 s3, s7;
	s7 =	simm.s32 @!p0 $0x108  }
0x21: {  	s3 =	sadd.s32 s3, s9;
	s6 =	sadd.s32 @!p0 $0x88, s6;
	s7 =	simm.s32 @p2 $0x1082  }
0x22: {  	[simem:s7], [sflag:s8] =	dma.local @!p0 [hbm:s6], $0xF7A  }
0x23: {  	s9 =	sor.u32 $0xD0000000, s2;
	s6 =	simm.s32 $0x108;
	_ =	swait.ge @!p0 [sflag:s8], $0x0  }
0x24: {  	s3 =	sadd.s32 $0x88, s3;
	s6 =	simm.s32 @!p1 $0x1082;
	[sflag:s4] =	ssyncset.s32 $0xFFFFF086  }
0x25: {  	[simem:s6], [sflag:s4] =	dma.local [hbm:s3], $0xF7A  }
0x26: {  	[smem:$0x3F9A] =	sst s1;
	(tag) =	ssettag s2;
	_ =	strace s9  }
0x27: {  	s1 =	sld [smem:$0x3FAA]  }
0x28: {  	s2 =	sld [smem:$0x3FAB]  }
0x29: {  	s4 =	sld [smem:$0x3FAD]  }
0x2a: {  	p0 =	seq.s32 s5, $0x0;
	s5 =	sld [smem:$0x3FAE]  }
0x2b: {  	s6 =	sld [smem:$0x3FAF]  }
0x2c: {  	s7 =	sld [smem:$0x3FB0]  }
0x2d: {  	s3 =	simm.s32 $0x108;
	s8 =	sld [smem:$0x3FB1]  }
0x2e: {  	s3 =	simm.s32 @!p0 $0x1082;
	s9 =	sld [smem:$0x3FB2]  }
0x2f: {  	lr =	sadd.s32 s0, s3;
	s0 =	sld [smem:$0x3FA9]  }
0x30: {  	s3 =	sld [smem:$0x3FAC]  }
0x31: {  	[smem:$0x3FB5] =	sst s10  }
0x32: {  	s10 =	sld [smem:$0x3FB3];
	_ =	sdelay $0x3  }
0x33: {  	p0 =	seq.s32 s10, $0x1;
	s10 =	sld [smem:$0x3FB5];
	_ =	sdelay $0x3  }
0x34: {  	[smem:$0x3FB5] =	sst s10  }
0x35: {  	s10 =	sld [smem:$0x3FB4];
	_ =	sdelay $0x3  }
0x36: {  	p1 =	seq.s32 s10, $0x1;
	s10 =	sld [smem:$0x3FB5];
	_ =	sdelay $0x3  }
0x37: {  	[smem:$0x3FB5] =	sst s10  }
0x38: {  	s10 =	sld [smem:$0x3FB6]  }
0x39: {  	_ = 	snop;
	(pc) =	sbr.ind lr, $3  }
0x3a: {  	_ = 	snop  }
0x3b: {  	_ = 	snop  }
0x3c: {  	p2 =	seq.s32 s10, $0x1;
	s10 =	sld [smem:$0x3FB5]  }
0x3d: {  	_ =	shalt  }
0x3e: {  	_ =	shalt  }
0x3f: {  	_ =	shalt  }
0x40: {  	_ =	shalt  }
0x41: {  	_ =	shalt  }
0x42: {  	_ =	shalt  }
0x43: {  	_ =	shalt  }
0x44: {  	_ =	shalt  }
0x45: {  	_ =	shalt  }
0x46: {  	_ =	shalt  }
0x47: {  	_ =	shalt  }
0x48: {  	_ =	shalt  }
0x49: {  	_ =	shalt  }
0x4a: {  	_ =	shalt  }
0x4b: {  	_ =	shalt  }
0x4c: {  	_ =	shalt  }
0x4d: {  	_ =	shalt  }
0x4e: {  	_ =	shalt  }
0x4f: {  	_ =	shalt  }
0x50: {  	_ =	shalt  }
0x51: {  	_ =	shalt  }
0x52: {  	_ =	shalt  }
0x53: {  	_ =	shalt  }
0x54: {  	_ =	shalt  }
0x55: {  	_ =	shalt  }
0x56: {  	_ =	shalt  }
0x57: {  	_ =	shalt  }
0x58: {  	_ =	shalt  }
0x59: {  	_ =	shalt  }
0x5a: {  	_ =	shalt  }
0x5b: {  	_ =	shalt  }
0x5c: {  	_ =	shalt  }
0x5d: {  	_ =	shalt  }
0x5e: {  	_ =	shalt  }
0x5f: {  	_ =	shalt  }
0x60: {  	_ =	shalt  }
0x61: {  	_ =	shalt  }
0x62: {  	_ =	shalt  }
0x63: {  	_ =	shalt  }
0x64: {  	_ =	shalt  }
0x65: {  	_ =	shalt  }
0x66: {  	_ =	shalt  }
0x67: {  	_ =	shalt  }
0x68: {  	_ =	shalt  }
0x69: {  	_ =	shalt  }
0x6a: {  	_ =	shalt  }
0x6b: {  	_ =	shalt  }
0x6c: {  	_ =	shalt  }
0x6d: {  	_ =	shalt  }
0x6e: {  	_ =	shalt  }
0x6f: {  	_ =	shalt  }
0x70: {  	_ =	shalt  }
0x71: {  	_ =	shalt  }
0x72: {  	_ =	shalt  }
0x73: {  	_ =	shalt  }
0x74: {  	_ =	shalt  }
0x75: {  	_ =	shalt  }
0x76: {  	_ =	shalt  }
0x77: {  	_ =	shalt  }
0x78: {  	_ =	shalt  }
0x79: {  	_ =	shalt  }
0x7a: {  	_ =	shalt  }
0x7b: {  	_ =	shalt  }
0x7c: {  	_ =	shalt  }
0x7d: {  	_ =	shalt  }
0x7e: {  	_ =	shalt  }
0x7f: {  	_ =	shalt  }
0x80: {  	_ =	shalt  }
0x81: {  	_ =	shalt  }
0x82: {  	_ =	shalt  }
0x83: {  	_ =	shalt  }
0x84: {  	_ =	shalt  }
0x85: {  	_ =	shalt  }
0x86: {  	_ =	shalt  }
0x87: {  	_ =	shalt  }
.Lfunc_end0:
.L_simem_size_0:
called_computation.1_lowered:
.L_overlay_start_0:
0x88: {  	s2 =	sld [smem:$0x3FD9]  }
0x89: {  	s3 =	sld [smem:$0x3FFE];
	_ =	sdelay $0x1  }
0x8a: {  	s1 =	srdreg.scid  }
0x8b: {  	s0 =	sand.u32 $0x1, s1  }
0x8c: {  	s17 =	sshll.u32 s0, $0xA;
	s2 =	sadd.s32 s3, s2  }
0x8d: {  	s2 =	sadd.s32 s2, s17  }
0x8e: {  	[smem:$0x3FC1] =	sst s2  }
0x8f: {  	_ = 	snop  }
0x90: {  	s2 =	sld [smem:$0x3FD0];
	(tm) =	ssettm $0x1  }
0x91: {  	s18 =	sld [smem:$0x3FFB];
	_ =	sdelay $0x3  }
0x92: {  	_ =	strace s18  }
0x93: {  	s3 =	sld [smem:$0x3FFC];
	_ =	sdelay $0x3  }
0x94: {  	_ =	strace s3  }
0x95: {  	s3 =	sld [smem:$0x3FFD];
	_ =	sdelay $0x3  }
0x96: {  	_ =	strace s3  }
0x97: {  	_ =	strace $0x8FFFFFFF  }
0x98: {  	s19 =	sld [smem:$0x3FDB];
	_ =	sdelay $0x1  }
0x99: {  	s4 =	simm.s32 $_scs_section_size  }
0x9a: {  	s5 =	simm.s32 $_size__tile_overlayer_lowered;
	s6 =	simm.s32 $_tile_overlayer_lowered  }
0x9b: {  	s22 =	simm.s32 $0x1BFF;
	s21 =	sshll.u32 s6, $0x1;
	s3 =	sadd.s32 s4, s19  }
0x9c: {  	s7 =	simm.s32 $0x0;
	s20 =	sshll.u32 s5, $0x1;
	s5 =	sadd.s32 s21, s3  }
0x9d: {  	[timem:s7], [sflag:s22] =	dma.local [hbm:s5], s20  }
0x9e: {  	_ =	swait.ge [sflag:s22], s20  }
0x9f: {  	s4 =	ssub.s32 $0x0, s20;
	[sflag:s22] =	ssyncset.done $0x0  }
0xa0: {  	[sflag:s22] =	ssyncadd.s32 s4;
	_ =	sdelay $0x1  }
0xa1: {  	s23 =	simm.s32 $0x1B8B  }
0xa2: {  	_ =	swait.ge [sflag:s23], $0x1  }
0xa3: {  	[sflag:s23] =	ssyncset.done $0x0  }
0xa4: {  	s25 =	simm.s32 $0x1B8E;
	s24 =	sld [smem:$0x3FFE];
	[sflag:s23] =	ssyncadd.s32 $0xFFFFFFFF  }
0xa5: {  	s26 =	simm.s32 $execute0_lowered;
	[smem:$0x3FD2] =	sst s25  }
0xa6: {  	s5 =	sshll.u32 s26, $0x1;
	_ =	strace $0x80000049;
	[dreg:$0x1] =	wrdreg $0xFFFFFFFF  }
0xa7: {  	s28 =	simm.s32 $_size_execute0_lowered;
	s3 =	sadd.s32 s3, s5;
	[dreg:$0x0] =	wrdreg $0x0  }
0xa8: {  	s5 =	sshll.u32 s28, $0x1;
	[dreg:$0x2] =	wrdreg s3  }
0xa9: {  	[dreg:$0x3] =	wrdreg s5  }
0xaa: {  	[dreg:$0x4] =	wrdreg $0xC0  }
0xab: {  	_ =	task [dreg:s7], $0x5FFFF  }
0xac: {  	[dreg:$0x1] =	wrdreg $0xFFFFFFFF  }
0xad: {  	[dreg:$0x0] =	wrdreg $0x60  }
0xae: {  	[dreg:$0x2] =	wrdreg s24  }
0xaf: {  	[dreg:$0x3] =	wrdreg s2  }
0xb0: {  	[dreg:$0x4] =	wrdreg $0x9  }
0xb1: {  	_ =	task.clear_ibuf [dreg:s7], $0x5FFFF;
	_ =	strace $0x90000049  }
0xb2: {  	s29 =	simm.s32 $0x9;
	_ =	strace $0x8000004B  }
0xb3: {  	_ =	swait.ge [sflag:s29], $0x1  }
0xb4: {  	[sflag:s29] =	ssyncadd.s32 $0xFFFFFFFF  }
0xb5: {  	_ =	strace $0x9000004B  }
0xb6: {  	_ =	sfence  }
0xb7: {  	s30 =	sld [smem:$0x0];
	_ =	sdelay $0x2  }
0xb8: {  	s31 =	sshll.u32 s1, $0xD;
	s1 =	sshrl.u32 s1, $0x2  }
0xb9: {  	s3 =	sand.u32 $0x4000, s31;
	s1 =	sadd.s32 s1, s30  }
0xba: {  	s0 =	sor.u32 s3, s0;
	s1 =	sshll.u32 s1, $0x11  }
0xbb: {  	s0 =	sor.u32 s1, s0  }
0xbc: {  	s0 =	sadd.s32 $0x8F2B, s0  }
0xbd: {  	[sflag:s0] =	ssyncadd.remote.s32 $0x1  }
0xbe: {  	_ =	sfence.sel $0xFFFF  }
0xbf: {  	[dreg:$0x0] =	wrdreg $0xFFFFFFFF;
	(pc) =	sbr.abs _section_cstart, $3  }
0xc0: {  	[dreg:$0x1] =	wrdreg $0xFFFFFFFF  }
0xc1: {  	_ =	task.clear_ibuf [dreg:s7], $0x2FFFF;
	_ =	strace $0x9FFFFFFF  }
0xc2: {  	(tm) =	ssettm $0x7FFFFFFF  }
0xc3: {  	_ =	shalt  }
tec
execute0_lowered:
.L_overlay_start_1:
0x0: {  	(tag) =	ssettag $0x1  }
0x1: {  	s0 =	rddreg [dreg:$0x0]  }
0x2: {  	s1 =	rddreg [dreg:$0x1]  }
0x3: {  	s2 =	simm.s32 $0x0;
	s3 =	srdreg.scid;
	s5 =	stileid.u32  }
0x4: {  	s12 =	simm.s32 $0x5;
	s16 =	simm.s32 $0x6000;
	s31 =	simm.s32 $0x13000  }
0x5: {  	s13 =	simm.s32 $0x15000;
	s14 =	simm.s32 $0x15800;
	s15 =	simm.s32 $0x16000  }
0x6: {  	s17 =	simm.s32 $0x16800;
	s18 =	simm.s32 $0x17000;
	s19 =	simm.s32 $0x17800  }
0x7: {  	s20 =	simm.s32 $0x1;
	s21 =	simm.s32 $0x3;
	s22 =	simm.s32 $0x2  }
0x8: {  	s23 =	simm.s32 $0x4;
	s24 =	simm.s32 $0x0;
	s4 =	sand.u32 $0x1, s3  }
0x9: {  	[smem:$0x7FF] =	sst s2;
	s5 =	sshll.u32 s5, $0x4;
	s6 =	sshll.u32 s4, $0x3  }
0xa: {  	s3 =	sadd.s32 $0x92600, s0;
	s4 =	ssub.s32 $0x2, s4;
	s5 =	sor.u32 s6, s5  }
0xb: {  	_ =	strace $0x8000004A;
	s7 =	sshrl.u32 s4, $0x1;
	s8 =	smul.u32 $0x1800, s5  }
0xc: {  	s6 =	sadd.s32 s5, s0;
	s10 =	ssub.s32 s4, s7;
	s9 =	smul.u32 $0x300, s5  }
0xd: {  	s7 =	sadd.s32 $0x92800, s0;
	s4 =	sadd.s32 $0x1C00, s6;
	s5 =	sadd.s32 $0x1E00, s6  }
0xe: {  	v2 =	vlaneseq.u32;
	s6 =	sadd.s32 $0x92700, s0;
	s10 =	smax.u32 s10, $0x1;
	s11 =	sshrl.u32 s8, $0x3  }
0xf: {  	vm0 =	vmmov $0xffff;
	v1 =	vshrl.u32 v2, $0x3;
	s0 =	simm.s32 $0x13800;
	s8 =	sadd.s32 s1, s9;
	s30 =	sadd.s32 s1, s11  }
0x10: {  	v0 =	vand.u32 $0x7, v2;
	v2 =	vor.u32 $0x8, v2;
	v1 =	vmul.u32 $0x8, v1;
	s1 =	simm.s32 $0x14000;
	s11 =	simm.s32 $0x14800;
	s9 =	sadd.s32 $0xC00, s30  }
.LBB2_1:
0x11: {  	s25 =	simm.s32 $0x18000  }
0x12: {  	[tilespmem:s25], [sflag:$0x5] =	stream.linear.gather [hbm4b:s4+s2], $0x40, $0x38;
	[tilespmem:$0x18100] =	vst v63  }
0x13: {  	_ =	swait.ge [sflag:s12], $0x40  }
0x14: {  	[sflag:s12] =	ssyncset.done $0x0  }
0x15: {  	s29 =	simm.s32 $0x18080;
	[sflag:s12] =	ssyncadd.s32 $0xFFFFFFC0  }
0x16: {  	[tilespmem:s29], [sflag:$0x5] =	stream.linear.gather [hbm4b:s5+s2], $0x40, $0x38;
	[tilespmem:$0x18100] =	vst v63  }
0x17: {  	_ =	swait.ge [sflag:s12], $0x40  }
0x18: {  	[sflag:s12] =	ssyncset.done $0x0  }
0x19: {  	[sflag:s12] =	ssyncadd.s32 $0xFFFFFFC0  }
0x1a: {  	v3 =	vld [tilespmem:$0x18000];
	_ =	sdelay $0x4  }
0x1b: {  	v4 =	vshrl.u32 v3, $0x3  }
0x1c: {  	v4 =	vmul.u32 $0x30, v4  }
0x1d: {  	v3 =	vand.u32 $0x7, v3  }
0x1e: {  	v3 =	vor.u32 v3, v4  }
0x1f: {  	v4 =	vperm.xlane v3, v0;
	_ =	sdelay $0x1  }
0x20: {  	v4 =	vadd.s32 v1, v4;
	_ =	sdelay $0x3  }
0x21: {  	v3 =	vperm.xlane v3, v2  }
0x22: {  	[tilespmem:s2], [sflag:$0x1] =	stream.indirect_vreg.gather [hbm4b:s3+s2], $0x80, v4, vm0, $0xb8;
	[tilespmem:$0x18100] =	vst v63  }
0x23: {  	s30 =	simm.s32 $0x800;
	v3 =	vadd.s32 v1, v3  }
0x24: {  	[tilespmem:s30], [sflag:$0x1] =	stream.indirect_vreg.gather [hbm4b:s6+s2], $0x80, v4, vm0, $0xb8;
	[tilespmem:$0x18100] =	vst v63  }
0x25: {  	s26 =	simm.s32 $0x1000  }
0x26: {  	[tilespmem:s26], [sflag:$0x1] =	stream.indirect_vreg.gather [hbm4b:s7+s2], $0x80, v4, vm0, $0xb8;
	[tilespmem:$0x18100] =	vst v63  }
0x27: {  	s29 =	simm.s32 $0x1800  }
0x28: {  	[tilespmem:s29], [sflag:$0x1] =	stream.indirect_vreg.gather [hbm4b:s3+s2], $0x80, v3, vm0, $0xb8;
	[tilespmem:$0x18100] =	vst v63  }
0x29: {  	s30 =	simm.s32 $0x2000  }
0x2a: {  	[tilespmem:s30], [sflag:$0x1] =	stream.indirect_vreg.gather [hbm4b:s6+s2], $0x80, v3, vm0, $0xb8;
	[tilespmem:$0x18100] =	vst v63  }
0x2b: {  	s26 =	simm.s32 $0x2800  }
0x2c: {  	[tilespmem:s26], [sflag:$0x1] =	stream.indirect_vreg.gather [hbm4b:s7+s2], $0x80, v3, vm0, $0xb8;
	[tilespmem:$0x18100] =	vst v63  }
0x2d: {  	v3 =	vld [tilespmem:$0x18010];
	_ =	sdelay $0x4  }
0x2e: {  	v4 =	vshrl.u32 v3, $0x3  }
0x2f: {  	v4 =	vmul.u32 $0x30, v4  }
0x30: {  	v3 =	vand.u32 $0x7, v3  }
0x31: {  	v3 =	vor.u32 v3, v4  }
0x32: {  	v4 =	vperm.xlane v3, v0;
	_ =	sdelay $0x1  }
0x33: {  	v4 =	vadd.s32 v1, v4;
	_ =	sdelay $0x3  }
0x34: {  	s29 =	simm.s32 $0x3000;
	v3 =	vperm.xlane v3, v2  }
0x35: {  	[tilespmem:s29], [sflag:$0x1] =	stream.indirect_vreg.gather [hbm4b:s3+s2], $0x80, v4, vm0, $0xb8;
	[tilespmem:$0x18100] =	vst v63  }
0x36: {  	s30 =	simm.s32 $0x3800;
	v3 =	vadd.s32 v1, v3  }
0x37: {  	[tilespmem:s30], [sflag:$0x1] =	stream.indirect_vreg.gather [hbm4b:s6+s2], $0x80, v4, vm0, $0xb8;
	[tilespmem:$0x18100] =	vst v63  }
0x38: {  	s26 =	simm.s32 $0x4000  }
0x39: {  	[tilespmem:s26], [sflag:$0x1] =	stream.indirect_vreg.gather [hbm4b:s7+s2], $0x80, v4, vm0, $0xb8;
	[tilespmem:$0x18100] =	vst v63  }
0x3a: {  	s29 =	simm.s32 $0x4800  }
0x3b: {  	[tilespmem:s29], [sflag:$0x1] =	stream.indirect_vreg.gather [hbm4b:s3+s2], $0x80, v3, vm0, $0xb8;
	[tilespmem:$0x18100] =	vst v63  }
0x3c: {  	s30 =	simm.s32 $0x5000  }
0x3d: {  	[tilespmem:s30], [sflag:$0x1] =	stream.indirect_vreg.gather [hbm4b:s6+s2], $0x80, v3, vm0, $0xb8;
	[tilespmem:$0x18100] =	vst v63  }
0x3e: {  	s26 =	simm.s32 $0x5800  }
0x3f: {  	[tilespmem:s26], [sflag:$0x1] =	stream.indirect_vreg.gather [hbm4b:s7+s2], $0x80, v3, vm0, $0xb8;
	[tilespmem:$0x18100] =	vst v63  }
0x40: {  	v3 =	vld [tilespmem:$0x18080];
	_ =	sdelay $0x4  }
0x41: {  	v4 =	vshrl.u32 v3, $0x3  }
0x42: {  	v4 =	vmul.u32 $0x30, v4  }
0x43: {  	v3 =	vand.u32 $0x7, v3  }
0x44: {  	v3 =	vor.u32 v3, v4  }
0x45: {  	v4 =	vperm.xlane v3, v0;
	_ =	sdelay $0x1  }
0x46: {  	v4 =	vadd.s32 v1, v4;
	_ =	sdelay $0x3  }
0x47: {  	s29 =	simm.s32 $0xC000;
	v3 =	vperm.xlane v3, v2  }
0x48: {  	[tilespmem:s29], [sflag:$0x3] =	stream.indirect_vreg.gather [hbm4b:s3+s2], $0x80, v4, vm0, $0xb8;
	[tilespmem:$0x18100] =	vst v63  }
0x49: {  	s30 =	simm.s32 $0xC800;
	v3 =	vadd.s32 v1, v3  }
0x4a: {  	[tilespmem:s30], [sflag:$0x3] =	stream.indirect_vreg.gather [hbm4b:s6+s2], $0x80, v4, vm0, $0xb8;
	[tilespmem:$0x18100] =	vst v63  }
0x4b: {  	s26 =	simm.s32 $0xD000  }
0x4c: {  	[tilespmem:s26], [sflag:$0x3] =	stream.indirect_vreg.gather [hbm4b:s7+s2], $0x80, v4, vm0, $0xb8;
	[tilespmem:$0x18100] =	vst v63  }
0x4d: {  	s29 =	simm.s32 $0xD800  }
0x4e: {  	[tilespmem:s29], [sflag:$0x3] =	stream.indirect_vreg.gather [hbm4b:s3+s2], $0x80, v3, vm0, $0xb8;
	[tilespmem:$0x18100] =	vst v63  }
0x4f: {  	s30 =	simm.s32 $0xE000  }
0x50: {  	[tilespmem:s30], [sflag:$0x3] =	stream.indirect_vreg.gather [hbm4b:s6+s2], $0x80, v3, vm0, $0xb8;
	[tilespmem:$0x18100] =	vst v63  }
0x51: {  	s26 =	simm.s32 $0xE800  }
0x52: {  	[tilespmem:s26], [sflag:$0x3] =	stream.indirect_vreg.gather [hbm4b:s7+s2], $0x80, v3, vm0, $0xb8;
	[tilespmem:$0x18100] =	vst v63  }
0x53: {  	v3 =	vld [tilespmem:$0x18090];
	_ =	sdelay $0x4  }
0x54: {  	v4 =	vshrl.u32 v3, $0x3  }
0x55: {  	v4 =	vmul.u32 $0x30, v4  }
0x56: {  	v3 =	vand.u32 $0x7, v3  }
0x57: {  	v3 =	vor.u32 v3, v4  }
0x58: {  	v4 =	vperm.xlane v3, v0;
	_ =	sdelay $0x1  }
0x59: {  	v4 =	vadd.s32 v1, v4;
	_ =	sdelay $0x3  }
0x5a: {  	s29 =	simm.s32 $0xF000;
	v3 =	vperm.xlane v3, v2  }
0x5b: {  	[tilespmem:s29], [sflag:$0x3] =	stream.indirect_vreg.gather [hbm4b:s3+s2], $0x80, v4, vm0, $0xb8;
	[tilespmem:$0x18100] =	vst v63  }
0x5c: {  	s30 =	simm.s32 $0xF800;
	v3 =	vadd.s32 v1, v3  }
0x5d: {  	[tilespmem:s30], [sflag:$0x3] =	stream.indirect_vreg.gather [hbm4b:s6+s2], $0x80, v4, vm0, $0xb8;
	[tilespmem:$0x18100] =	vst v63  }
0x5e: {  	s26 =	simm.s32 $0x10000  }
0x5f: {  	[tilespmem:s26], [sflag:$0x3] =	stream.indirect_vreg.gather [hbm4b:s7+s2], $0x80, v4, vm0, $0xb8;
	[tilespmem:$0x18100] =	vst v63  }
0x60: {  	s29 =	simm.s32 $0x10800  }
0x61: {  	[tilespmem:s29], [sflag:$0x3] =	stream.indirect_vreg.gather [hbm4b:s3+s2], $0x80, v3, vm0, $0xb8;
	[tilespmem:$0x18100] =	vst v63  }
0x62: {  	s30 =	simm.s32 $0x11000  }
0x63: {  	[tilespmem:s30], [sflag:$0x3] =	stream.indirect_vreg.gather [hbm4b:s6+s2], $0x80, v3, vm0, $0xb8;
	[tilespmem:$0x18100] =	vst v63  }
0x64: {  	s26 =	simm.s32 $0x11800  }
0x65: {  	[tilespmem:s26], [sflag:$0x3] =	stream.indirect_vreg.gather [hbm4b:s7+s2], $0x80, v3, vm0, $0xb8;
	[tilespmem:$0x18100] =	vst v63  }
0x66: {  	v3 =	vld [tilespmem:$0x18020];
	_ =	sdelay $0x4  }
0x67: {  	v4 =	vshrl.u32 v3, $0x3  }
0x68: {  	v4 =	vmul.u32 $0x30, v4  }
0x69: {  	v3 =	vand.u32 $0x7, v3  }
0x6a: {  	v3 =	vor.u32 v3, v4  }
0x6b: {  	v4 =	vperm.xlane v3, v0;
	_ =	sdelay $0x1  }
0x6c: {  	v4 =	vadd.s32 v1, v4;
	_ =	sdelay $0x3  }
0x6d: {  	v3 =	vperm.xlane v3, v2  }
0x6e: {  	[tilespmem:s16], [sflag:$0x2] =	stream.indirect_vreg.gather [hbm4b:s3+s2], $0x80, v4, vm0, $0xb8;
	[tilespmem:$0x18100] =	vst v63  }
0x6f: {  	s29 =	simm.s32 $0x6800;
	v3 =	vadd.s32 v1, v3  }
0x70: {  	[tilespmem:s29], [sflag:$0x2] =	stream.indirect_vreg.gather [hbm4b:s6+s2], $0x80, v4, vm0, $0xb8;
	[tilespmem:$0x18100] =	vst v63  }
0x71: {  	s30 =	simm.s32 $0x7000  }
0x72: {  	[tilespmem:s30], [sflag:$0x2] =	stream.indirect_vreg.gather [hbm4b:s7+s2], $0x80, v4, vm0, $0xb8;
	[tilespmem:$0x18100] =	vst v63  }
0x73: {  	s26 =	simm.s32 $0x7800  }
0x74: {  	[tilespmem:s26], [sflag:$0x2] =	stream.indirect_vreg.gather [hbm4b:s3+s2], $0x80, v3, vm0, $0xb8;
	[tilespmem:$0x18100] =	vst v63  }
0x75: {  	s29 =	simm.s32 $0x8000  }
0x76: {  	[tilespmem:s29], [sflag:$0x2] =	stream.indirect_vreg.gather [hbm4b:s6+s2], $0x80, v3, vm0, $0xb8;
	[tilespmem:$0x18100] =	vst v63  }
0x77: {  	s30 =	simm.s32 $0x8800  }
0x78: {  	[tilespmem:s30], [sflag:$0x2] =	stream.indirect_vreg.gather [hbm4b:s7+s2], $0x80, v3, vm0, $0xb8;
	[tilespmem:$0x18100] =	vst v63  }
0x79: {  	v3 =	vld [tilespmem:$0x18030];
	_ =	sdelay $0x4  }
0x7a: {  	v4 =	vshrl.u32 v3, $0x3  }
0x7b: {  	v4 =	vmul.u32 $0x30, v4  }
0x7c: {  	v3 =	vand.u32 $0x7, v3  }
0x7d: {  	v3 =	vor.u32 v3, v4  }
0x7e: {  	v4 =	vperm.xlane v3, v0;
	_ =	sdelay $0x1  }
0x7f: {  	v4 =	vadd.s32 v1, v4;
	_ =	sdelay $0x3  }
0x80: {  	s26 =	simm.s32 $0x9000;
	v3 =	vperm.xlane v3, v2  }
0x81: {  	[tilespmem:s26], [sflag:$0x2] =	stream.indirect_vreg.gather [hbm4b:s3+s2], $0x80, v4, vm0, $0xb8;
	[tilespmem:$0x18100] =	vst v63  }
0x82: {  	s29 =	simm.s32 $0x9800;
	v3 =	vadd.s32 v1, v3  }
0x83: {  	[tilespmem:s29], [sflag:$0x2] =	stream.indirect_vreg.gather [hbm4b:s6+s2], $0x80, v4, vm0, $0xb8;
	[tilespmem:$0x18100] =	vst v63  }
0x84: {  	s30 =	simm.s32 $0xA000  }
0x85: {  	[tilespmem:s30], [sflag:$0x2] =	stream.indirect_vreg.gather [hbm4b:s7+s2], $0x80, v4, vm0, $0xb8;
	[tilespmem:$0x18100] =	vst v63  }
0x86: {  	s26 =	simm.s32 $0xA800  }
0x87: {  	[tilespmem:s26], [sflag:$0x2] =	stream.indirect_vreg.gather [hbm4b:s3+s2], $0x80, v3, vm0, $0xb8;
	[tilespmem:$0x18100] =	vst v63  }
0x88: {  	s29 =	simm.s32 $0xB000  }
0x89: {  	[tilespmem:s29], [sflag:$0x2] =	stream.indirect_vreg.gather [hbm4b:s6+s2], $0x80, v3, vm0, $0xb8;
	[tilespmem:$0x18100] =	vst v63  }
0x8a: {  	s30 =	simm.s32 $0xB800  }
0x8b: {  	[tilespmem:s30], [sflag:$0x2] =	stream.indirect_vreg.gather [hbm4b:s7+s2], $0x80, v3, vm0, $0xb8;
	[tilespmem:$0x18100] =	vst v63  }
0x8c: {  	v3 =	vld [tilespmem:$0x180A0];
	_ =	sdelay $0x4  }
0x8d: {  	v4 =	vshrl.u32 v3, $0x3  }
0x8e: {  	v4 =	vmul.u32 $0x30, v4  }
0x8f: {  	v3 =	vand.u32 $0x7, v3  }
0x90: {  	v3 =	vor.u32 v3, v4  }
0x91: {  	v4 =	vperm.xlane v3, v0;
	_ =	sdelay $0x1  }
0x92: {  	v4 =	vadd.s32 v1, v4;
	_ =	sdelay $0x3  }
0x93: {  	s26 =	simm.s32 $0x12000;
	v3 =	vperm.xlane v3, v2  }
0x94: {  	[tilespmem:s26], [sflag:$0x4] =	stream.indirect_vreg.gather [hbm4b:s3+s2], $0x80, v4, vm0, $0xb8;
	[tilespmem:$0x18100] =	vst v63  }
0x95: {  	s29 =	simm.s32 $0x12800;
	v3 =	vadd.s32 v1, v3  }
0x96: {  	[tilespmem:s29], [sflag:$0x4] =	stream.indirect_vreg.gather [hbm4b:s6+s2], $0x80, v4, vm0, $0xb8;
	[tilespmem:$0x18100] =	vst v63  }
0x97: {  	_ = 	snop  }
0x98: {  	[tilespmem:s31], [sflag:$0x4] =	stream.indirect_vreg.gather [hbm4b:s7+s2], $0x80, v4, vm0, $0xb8;
	[tilespmem:$0x18100] =	vst v63  }
0x99: {  	_ = 	snop  }
0x9a: {  	[tilespmem:s0], [sflag:$0x4] =	stream.indirect_vreg.gather [hbm4b:s3+s2], $0x80, v3, vm0, $0xb8;
	[tilespmem:$0x18100] =	vst v63  }
0x9b: {  	_ = 	snop  }
0x9c: {  	[tilespmem:s1], [sflag:$0x4] =	stream.indirect_vreg.gather [hbm4b:s6+s2], $0x80, v3, vm0, $0xb8;
	[tilespmem:$0x18100] =	vst v63  }
0x9d: {  	_ = 	snop  }
0x9e: {  	[tilespmem:s11], [sflag:$0x4] =	stream.indirect_vreg.gather [hbm4b:s7+s2], $0x80, v3, vm0, $0xb8;
	[tilespmem:$0x18100] =	vst v63  }
0x9f: {  	v3 =	vld [tilespmem:$0x180B0];
	_ =	sdelay $0x4  }
0xa0: {  	v4 =	vshrl.u32 v3, $0x3  }
0xa1: {  	v4 =	vmul.u32 $0x30, v4  }
0xa2: {  	v3 =	vand.u32 $0x7, v3  }
0xa3: {  	v3 =	vor.u32 v3, v4  }
0xa4: {  	v4 =	vperm.xlane v3, v0;
	_ =	sdelay $0x1  }
0xa5: {  	v4 =	vadd.s32 v1, v4;
	_ =	sdelay $0x3  }
0xa6: {  	v3 =	vperm.xlane v3, v2  }
0xa7: {  	[tilespmem:s13], [sflag:$0x4] =	stream.indirect_vreg.gather [hbm4b:s3+s2], $0x80, v4, vm0, $0xb8;
	[tilespmem:$0x18100] =	vst v63  }
0xa8: {  	v3 =	vadd.s32 v1, v3  }
0xa9: {  	[tilespmem:s14], [sflag:$0x4] =	stream.indirect_vreg.gather [hbm4b:s6+s2], $0x80, v4, vm0, $0xb8;
	[tilespmem:$0x18100] =	vst v63  }
0xaa: {  	_ = 	snop  }
0xab: {  	[tilespmem:s15], [sflag:$0x4] =	stream.indirect_vreg.gather [hbm4b:s7+s2], $0x80, v4, vm0, $0xb8;
	[tilespmem:$0x18100] =	vst v63  }
0xac: {  	_ = 	snop  }
0xad: {  	[tilespmem:s17], [sflag:$0x4] =	stream.indirect_vreg.gather [hbm4b:s3+s2], $0x80, v3, vm0, $0xb8;
	[tilespmem:$0x18100] =	vst v63  }
0xae: {  	_ = 	snop  }
0xaf: {  	[tilespmem:s18], [sflag:$0x4] =	stream.indirect_vreg.gather [hbm4b:s6+s2], $0x80, v3, vm0, $0xb8;
	[tilespmem:$0x18100] =	vst v63  }
0xb0: {  	_ = 	snop  }
0xb1: {  	[tilespmem:s19], [sflag:$0x4] =	stream.indirect_vreg.gather [hbm4b:s7+s2], $0x80, v3, vm0, $0xb8;
	[tilespmem:$0x18100] =	vst v63  }
0xb2: {  	_ =	swait.ge [sflag:s20], $0x6000  }
0xb3: {  	[sflag:s20] =	ssyncset.done $0x0  }
0xb4: {  	s30 =	simm.s32 $0x0;
	[sflag:s20] =	ssyncadd.s32 $0xFFFFA000  }
0xb5: {  	s25 =	smul.u32 $0x1800, s30;
	_ =	swait.ge [sflag:s21], $0x6000  }
0xb6: {  	s26 =	sand.u32 $0x380, s2;
	[sflag:s21] =	ssyncset.done $0x0  }
0xb7: {  	s25 =	sor.u32 s26, s25;
	[sflag:s21] =	ssyncadd.s32 $0xFFFFA000  }
0xb8: {  	v12 =	vld [tilespmem:s25+$0xC000]  }
0xb9: {  	v13 =	vld [tilespmem:s25+$0xC010]  }
0xba: {  	v14 =	vld [tilespmem:s25+$0xC020]  }
0xbb: {  	v15 =	vld [tilespmem:s25+$0xC030]  }
0xbc: {  	v16 =	vld [tilespmem:s25+$0xC040]  }
0xbd: {  	v17 =	vld [tilespmem:s25+$0xC050]  }
0xbe: {  	v18 =	vld [tilespmem:s25+$0xC060]  }
0xbf: {  	v19 =	vld [tilespmem:s25+$0xC070]  }
0xc0: {  	v20 =	vld [tilespmem:s25+$0xC400]  }
0xc1: {  	v21 =	vld [tilespmem:s25+$0xC410]  }
0xc2: {  	v22 =	vld [tilespmem:s25+$0xC420]  }
0xc3: {  	v23 =	vld [tilespmem:s25+$0xC430]  }
0xc4: {  	v24 =	vld [tilespmem:s25+$0xC440]  }
0xc5: {  	v25 =	vld [tilespmem:s25+$0xC450]  }
0xc6: {  	v26 =	vld [tilespmem:s25+$0xC460]  }
0xc7: {  	v27 =	vld [tilespmem:s25+$0xC470]  }
0xc8: {  	v28 =	vld [tilespmem:s25+$0xC800]  }
0xc9: {  	v29 =	vld [tilespmem:s25+$0xC810]  }
0xca: {  	v30 =	vld [tilespmem:s25+$0xC820]  }
0xcb: {  	v31 =	vld [tilespmem:s25+$0xC830]  }
0xcc: {  	v32 =	vld [tilespmem:s25+$0xC840]  }
0xcd: {  	v33 =	vld [tilespmem:s25+$0xC850]  }
0xce: {  	v34 =	vld [tilespmem:s25+$0xC860]  }
0xcf: {  	v35 =	vld [tilespmem:s25+$0xC870]  }
0xd0: {  	v36 =	vld [tilespmem:s25+$0xCC00]  }
0xd1: {  	v37 =	vld [tilespmem:s25+$0xCC10]  }
0xd2: {  	v38 =	vld [tilespmem:s25+$0xCC20]  }
0xd3: {  	v39 =	vld [tilespmem:s25+$0xCC30]  }
0xd4: {  	v40 =	vld [tilespmem:s25+$0xCC40]  }
0xd5: {  	v41 =	vld [tilespmem:s25+$0xCC50]  }
0xd6: {  	v42 =	vld [tilespmem:s25+$0xCC60]  }
0xd7: {  	v43 =	vld [tilespmem:s25+$0xCC70]  }
0xd8: {  	v44 =	vld [tilespmem:s25+$0xD000]  }
0xd9: {  	v45 =	vld [tilespmem:s25+$0xD010]  }
0xda: {  	v46 =	vld [tilespmem:s25+$0xD020]  }
0xdb: {  	v47 =	vld [tilespmem:s25+$0xD030]  }
0xdc: {  	v48 =	vld [tilespmem:s25+$0xD040]  }
0xdd: {  	v49 =	vld [tilespmem:s25+$0xD050]  }
0xde: {  	v50 =	vld [tilespmem:s25+$0xD060]  }
0xdf: {  	v11 =	vld [tilespmem:s25+$0xD070]  }
0xe0: {  	v10 =	vld [tilespmem:s25+$0xD400]  }
0xe1: {  	v9 =	vld [tilespmem:s25+$0xD410]  }
0xe2: {  	v8 =	vld [tilespmem:s25+$0xD420]  }
0xe3: {  	v7 =	vld [tilespmem:s25+$0xD430]  }
0xe4: {  	v6 =	vld [tilespmem:s25+$0xD440]  }
0xe5: {  	v51 =	vld [tilespmem:s25+$0x0]  }
0xe6: {  	v52 =	vld [tilespmem:s25+$0x10]  }
0xe7: {  	v53 =	vld [tilespmem:s25+$0x20]  }
0xe8: {  	v54 =	vld [tilespmem:s25+$0x30]  }
0xe9: {  	v55 =	vld [tilespmem:s25+$0x40]  }
0xea: {  	v62 =	vld [tilespmem:s25+$0x50];
	v12 =	vadd.f32 v12, v51  }
0xeb: {  	v63 =	vld [tilespmem:s25+$0x60];
	v13 =	vadd.f32 v13, v52  }
0xec: {  	[tilespmem:s25+$0x0] =	vst v12;
	v12 =	vadd.f32 v14, v53;
	v14 =	vld [tilespmem:s25+$0x70]  }
0xed: {  	[tilespmem:s25+$0x10] =	vst v13;
	v13 =	vadd.f32 v15, v54;
	v15 =	vld [tilespmem:s25+$0x400]  }
0xee: {  	[tilespmem:s25+$0x20] =	vst v12;
	v12 =	vadd.f32 v16, v55;
	v16 =	vld [tilespmem:s25+$0x410]  }
0xef: {  	[tilespmem:s25+$0x30] =	vst v13;
	v13 =	vadd.f32 v17, v62;
	v17 =	vld [tilespmem:s25+$0x420]  }
0xf0: {  	v5 =	vld [tilespmem:s25+$0xD450]  }
0xf1: {  	[tilespmem:s25+$0x40] =	vst v12;
	v12 =	vadd.f32 v18, v63;
	v18 =	vld [tilespmem:s25+$0x470]  }
0xf2: {  	[tilespmem:s25+$0x50] =	vst v13;
	v13 =	vadd.f32 v19, v14;
	v14 =	vld [tilespmem:s25+$0x430]  }
0xf3: {  	[tilespmem:s25+$0x60] =	vst v12;
	v12 =	vadd.f32 v20, v15;
	v15 =	vld [tilespmem:s25+$0x440]  }
0xf4: {  	[tilespmem:s25+$0x70] =	vst v13;
	v13 =	vadd.f32 v21, v16;
	v16 =	vadd.f32 v22, v17;
	v17 =	vld [tilespmem:s25+$0x460]  }
0xf5: {  	[tilespmem:s25+$0x400] =	vst v12;
	v12 =	vld [tilespmem:s25+$0x450]  }
0xf6: {  	[tilespmem:s25+$0x410] =	vst v13;
	v13 =	vld [tilespmem:s25+$0x800];
	v18 =	vadd.f32 v27, v18  }
0xf7: {  	[tilespmem:s25+$0x420] =	vst v16;
	v16 =	vld [tilespmem:s25+$0x810];
	v14 =	vadd.f32 v23, v14  }
0xf8: {  	v4 =	vld [tilespmem:s25+$0xD460];
	v15 =	vadd.f32 v24, v15;
	[tilespmem:s25+$0x470] =	vst v18  }
0xf9: {  	[tilespmem:s25+$0x430] =	vst v14;
	v14 =	vld [tilespmem:s25+$0x820];
	v17 =	vadd.f32 v26, v17  }
0xfa: {  	v12 =	vadd.f32 v25, v12;
	[tilespmem:s25+$0x440] =	vst v15;
	v15 =	vld [tilespmem:s25+$0x830]  }
0xfb: {  	v18 =	vld [tilespmem:s25+$0x870];
	[tilespmem:s25+$0x460] =	vst v17;
	v13 =	vadd.f32 v28, v13  }
0xfc: {  	v16 =	vadd.f32 v29, v16;
	[tilespmem:s25+$0x450] =	vst v12;
	v12 =	vld [tilespmem:s25+$0x840]  }
0xfd: {  	v17 =	vld [tilespmem:s25+$0x850];
	[tilespmem:s25+$0x800] =	vst v13  }
0xfe: {  	[tilespmem:s25+$0x810] =	vst v16;
	v16 =	vld [tilespmem:s25+$0x860];
	v13 =	vadd.f32 v30, v14  }
0xff: {  	v14 =	vld [tilespmem:s25+$0xC00];
	v15 =	vadd.f32 v31, v15  }
0x100: {  	[tilespmem:s25+$0x820] =	vst v13;
	v13 =	vld [tilespmem:s25+$0xC10]  }
0x101: {  	v12 =	vadd.f32 v32, v12;
	[tilespmem:s25+$0x830] =	vst v15;
	v15 =	vld [tilespmem:s25+$0xC20]  }
0x102: {  	v3 =	vld [tilespmem:s25+$0xD470];
	v17 =	vadd.f32 v33, v17  }
0x103: {  	v16 =	vadd.f32 v34, v16;
	[tilespmem:s25+$0x840] =	vst v12;
	v12 =	vld [tilespmem:s25+$0xC30]  }
0x104: {  	[tilespmem:s25+$0x850] =	vst v17;
	v17 =	vld [tilespmem:s25+$0xC40];
	v14 =	vadd.f32 v36, v14  }
0x105: {  	v18 =	vadd.f32 v35, v18;
	[tilespmem:s25+$0x860] =	vst v16;
	v16 =	vld [tilespmem:s25+$0xC50]  }
0x106: {  	v13 =	vadd.f32 v37, v13;
	[tilespmem:s25+$0xC00] =	vst v14;
	v14 =	vadd.f32 v38, v15;
	v15 =	vld [tilespmem:s25+$0xC60]  }
0x107: {  	[tilespmem:s25+$0x870] =	vst v18;
	v18 =	vld [tilespmem:s25+$0xC70]  }
0x108: {  	[tilespmem:s25+$0xC10] =	vst v13;
	v13 =	vld [tilespmem:s25+$0x1000];
	v12 =	vadd.f32 v39, v12  }
0x109: {  	v17 =	vadd.f32 v40, v17;
	[tilespmem:s25+$0xC20] =	vst v14;
	v14 =	vld [tilespmem:s25+$0x1010]  }
0x10a: {  	v16 =	vadd.f32 v41, v16;
	[tilespmem:s25+$0xC30] =	vst v12;
	v12 =	vld [tilespmem:s25+$0x1020]  }
0x10b: {  	[tilespmem:s25+$0xC40] =	vst v17;
	v17 =	vld [tilespmem:s25+$0x1030];
	v15 =	vadd.f32 v42, v15  }
0x10c: {  	v19 =	vld [tilespmem:s25+$0x1040];
	[tilespmem:s25+$0xC50] =	vst v16;
	v16 =	vadd.f32 v43, v18  }
0x10d: {  	v18 =	vld [tilespmem:s25+$0x1050];
	v13 =	vadd.f32 v44, v13;
	[tilespmem:s25+$0xC60] =	vst v15  }
0x10e: {  	v20 =	vld [tilespmem:s25+$0x1060];
	[tilespmem:s25+$0xC70] =	vst v16;
	v14 =	vadd.f32 v45, v14  }
0x10f: {  	v16 =	vld [tilespmem:s25+$0x1070];
	[tilespmem:s25+$0x1000] =	vst v13;
	v12 =	vadd.f32 v46, v12  }
0x110: {  	v15 =	vld [tilespmem:s25+$0x1400];
	v13 =	vadd.f32 v47, v17;
	[tilespmem:s25+$0x1010] =	vst v14  }
0x111: {  	v14 =	vld [tilespmem:s25+$0x1410];
	[tilespmem:s25+$0x1020] =	vst v12;
	v12 =	vadd.f32 v48, v19  }
0x112: {  	[tilespmem:s25+$0x1030] =	vst v13;
	v13 =	vld [tilespmem:s25+$0x1420];
	v18 =	vadd.f32 v49, v18  }
0x113: {  	s28 =	simm.s32 $0x0;
	s26 =	simm.s32 $0x1;
	v17 =	vadd.f32 v50, v20;
	[tilespmem:s25+$0x1040] =	vst v12;
	v12 =	vld [tilespmem:s25+$0x1430]  }
.LBB2_2:
0x114: {  	s29 =	sshrl.u32 s26, $0x3;
	p0 =	sne.s32 s26, $0x1F;
	[tilespmem:s25+$0x1050] =	vst v18;
	v11 =	vadd.f32 v11, v16;
	v16 =	vld [tilespmem:s25+$0x1440]  }
0x115: {  	s28 =	sadd.s32 $0x80, s28;
	s29 =	smul.u32 $0x1800, s29;
	[tilespmem:s25+$0x1060] =	vst v17;
	v10 =	vadd.f32 v10, v15;
	v15 =	vld [tilespmem:s25+$0x1450]  }
0x116: {  	s30 =	sand.u32 $0x380, s28;
	[tilespmem:s25+$0x1070] =	vst v11;
	v9 =	vadd.f32 v9, v14;
	v11 =	vld [tilespmem:s25+$0x1460]  }
0x117: {  	s29 =	sor.u32 s30, s29;
	[tilespmem:s25+$0x1400] =	vst v10;
	v8 =	vadd.f32 v8, v13;
	v10 =	vld [tilespmem:s25+$0x1470]  }
0x118: {  	v39 =	vld [tilespmem:s29+$0xC000];
	[tilespmem:s25+$0x1410] =	vst v9;
	v7 =	vadd.f32 v7, v12  }
0x119: {  	v40 =	vld [tilespmem:s29+$0xC010];
	[tilespmem:s25+$0x1420] =	vst v8;
	v6 =	vadd.f32 v6, v16  }
0x11a: {  	v41 =	vld [tilespmem:s29+$0xC020];
	[tilespmem:s25+$0x1430] =	vst v7;
	v5 =	vadd.f32 v5, v15  }
0x11b: {  	v42 =	vld [tilespmem:s29+$0xC030];
	[tilespmem:s25+$0x1440] =	vst v6;
	v4 =	vadd.f32 v4, v11  }
0x11c: {  	v43 =	vld [tilespmem:s29+$0xC040];
	[tilespmem:s25+$0x1450] =	vst v5;
	v3 =	vadd.f32 v3, v10  }
0x11d: {  	v44 =	vld [tilespmem:s29+$0xC050];
	[tilespmem:s25+$0x1460] =	vst v4  }
0x11e: {  	v45 =	vld [tilespmem:s29+$0xC060];
	[tilespmem:s25+$0x1470] =	vst v3;
	s25 =	smov.u32 s29  }
0x11f: {  	v46 =	vld [tilespmem:s25+$0xC070]  }
0x120: {  	v47 =	vld [tilespmem:s25+$0xC400]  }
0x121: {  	v48 =	vld [tilespmem:s25+$0xC410]  }
0x122: {  	v49 =	vld [tilespmem:s25+$0xC420]  }
0x123: {  	v50 =	vld [tilespmem:s25+$0xC430]  }
0x124: {  	v38 =	vld [tilespmem:s25+$0xC440]  }
0x125: {  	v37 =	vld [tilespmem:s25+$0xC450]  }
0x126: {  	v36 =	vld [tilespmem:s25+$0xC460]  }
0x127: {  	v35 =	vld [tilespmem:s25+$0xC470]  }
0x128: {  	v34 =	vld [tilespmem:s25+$0xC800]  }
0x129: {  	v33 =	vld [tilespmem:s25+$0xC810]  }
0x12a: {  	v32 =	vld [tilespmem:s25+$0xC820]  }
0x12b: {  	v31 =	vld [tilespmem:s25+$0xC830]  }
0x12c: {  	v30 =	vld [tilespmem:s25+$0xC840]  }
0x12d: {  	v29 =	vld [tilespmem:s25+$0xC850]  }
0x12e: {  	v28 =	vld [tilespmem:s25+$0xC860]  }
0x12f: {  	v27 =	vld [tilespmem:s25+$0xC870]  }
0x130: {  	v26 =	vld [tilespmem:s25+$0xCC00]  }
0x131: {  	v25 =	vld [tilespmem:s25+$0xCC10]  }
0x132: {  	v24 =	vld [tilespmem:s25+$0xCC20]  }
0x133: {  	v23 =	vld [tilespmem:s25+$0xCC30]  }
0x134: {  	v22 =	vld [tilespmem:s25+$0xCC40]  }
0x135: {  	v21 =	vld [tilespmem:s25+$0xCC50]  }
0x136: {  	v20 =	vld [tilespmem:s25+$0xCC60]  }
0x137: {  	v19 =	vld [tilespmem:s25+$0xCC70]  }
0x138: {  	v18 =	vld [tilespmem:s25+$0xD000]  }
0x139: {  	v17 =	vld [tilespmem:s25+$0xD010]  }
0x13a: {  	v16 =	vld [tilespmem:s25+$0xD020]  }
0x13b: {  	v15 =	vld [tilespmem:s25+$0xD030]  }
0x13c: {  	v14 =	vld [tilespmem:s25+$0xD040]  }
0x13d: {  	v13 =	vld [tilespmem:s25+$0xD050]  }
0x13e: {  	v12 =	vld [tilespmem:s25+$0xD060]  }
0x13f: {  	v11 =	vld [tilespmem:s25+$0xD070]  }
0x140: {  	v10 =	vld [tilespmem:s25+$0xD400]  }
0x141: {  	v9 =	vld [tilespmem:s25+$0xD410]  }
0x142: {  	v8 =	vld [tilespmem:s25+$0xD420]  }
0x143: {  	v7 =	vld [tilespmem:s25+$0xD430]  }
0x144: {  	v6 =	vld [tilespmem:s25+$0xD440]  }
0x145: {  	v5 =	vld [tilespmem:s25+$0xD450]  }
0x146: {  	v4 =	vld [tilespmem:s25+$0xD460]  }
0x147: {  	v3 =	vld [tilespmem:s25+$0xD470]  }
0x148: {  	v51 =	vld [tilespmem:s25+$0x0]  }
0x149: {  	v52 =	vld [tilespmem:s25+$0x10]  }
0x14a: {  	v53 =	vld [tilespmem:s25+$0x20]  }
0x14b: {  	v54 =	vld [tilespmem:s25+$0x30]  }
0x14c: {  	v55 =	vld [tilespmem:s25+$0x40]  }
0x14d: {  	v39 =	vadd.f32 v39, v51;
	v51 =	vld [tilespmem:s25+$0x50]  }
0x14e: {  	v40 =	vadd.f32 v40, v52;
	v52 =	vld [tilespmem:s25+$0x60]  }
0x14f: {  	[tilespmem:s25+$0x0] =	vst v39;
	v39 =	vadd.f32 v41, v53;
	v41 =	vld [tilespmem:s25+$0x70]  }
0x150: {  	[tilespmem:s25+$0x10] =	vst v40;
	v40 =	vadd.f32 v42, v54;
	v42 =	vld [tilespmem:s25+$0x400]  }
0x151: {  	[tilespmem:s25+$0x20] =	vst v39;
	v39 =	vadd.f32 v43, v55;
	v43 =	vld [tilespmem:s25+$0x410]  }
0x152: {  	[tilespmem:s25+$0x30] =	vst v40;
	v40 =	vadd.f32 v44, v51;
	v44 =	vld [tilespmem:s25+$0x420]  }
0x153: {  	[tilespmem:s25+$0x40] =	vst v39;
	v39 =	vadd.f32 v45, v52;
	v45 =	vld [tilespmem:s25+$0x430]  }
0x154: {  	[tilespmem:s25+$0x50] =	vst v40;
	v40 =	vadd.f32 v46, v41;
	v41 =	vld [tilespmem:s25+$0x440]  }
0x155: {  	[tilespmem:s25+$0x60] =	vst v39;
	v39 =	vadd.f32 v47, v42;
	v42 =	vld [tilespmem:s25+$0x450]  }
0x156: {  	[tilespmem:s25+$0x70] =	vst v40;
	v40 =	vadd.f32 v48, v43;
	v43 =	vld [tilespmem:s25+$0x460]  }
0x157: {  	[tilespmem:s25+$0x400] =	vst v39;
	v39 =	vadd.f32 v49, v44;
	v44 =	vld [tilespmem:s25+$0x470]  }
0x158: {  	[tilespmem:s25+$0x410] =	vst v40;
	v40 =	vadd.f32 v50, v45;
	v45 =	vld [tilespmem:s25+$0x800]  }
0x159: {  	[tilespmem:s25+$0x420] =	vst v39;
	v38 =	vadd.f32 v38, v41;
	v39 =	vld [tilespmem:s25+$0x810]  }
0x15a: {  	[tilespmem:s25+$0x430] =	vst v40;
	v37 =	vadd.f32 v37, v42;
	v40 =	vld [tilespmem:s25+$0x820]  }
0x15b: {  	[tilespmem:s25+$0x440] =	vst v38;
	v36 =	vadd.f32 v36, v43;
	v38 =	vld [tilespmem:s25+$0x830]  }
0x15c: {  	[tilespmem:s25+$0x450] =	vst v37;
	v35 =	vadd.f32 v35, v44;
	v37 =	vld [tilespmem:s25+$0x840]  }
0x15d: {  	[tilespmem:s25+$0x460] =	vst v36;
	v34 =	vadd.f32 v34, v45;
	v36 =	vld [tilespmem:s25+$0x850]  }
0x15e: {  	[tilespmem:s25+$0x470] =	vst v35;
	v33 =	vadd.f32 v33, v39;
	v35 =	vld [tilespmem:s25+$0x860]  }
0x15f: {  	[tilespmem:s25+$0x800] =	vst v34;
	v32 =	vadd.f32 v32, v40;
	v34 =	vld [tilespmem:s25+$0x870]  }
0x160: {  	[tilespmem:s25+$0x810] =	vst v33;
	v31 =	vadd.f32 v31, v38;
	v33 =	vld [tilespmem:s25+$0xC00]  }
0x161: {  	[tilespmem:s25+$0x820] =	vst v32;
	v30 =	vadd.f32 v30, v37;
	v32 =	vld [tilespmem:s25+$0xC10]  }
0x162: {  	[tilespmem:s25+$0x830] =	vst v31;
	v29 =	vadd.f32 v29, v36;
	v31 =	vld [tilespmem:s25+$0xC20]  }
0x163: {  	[tilespmem:s25+$0x840] =	vst v30;
	v28 =	vadd.f32 v28, v35;
	v30 =	vld [tilespmem:s25+$0xC30]  }
0x164: {  	[tilespmem:s25+$0x850] =	vst v29;
	v27 =	vadd.f32 v27, v34;
	v29 =	vld [tilespmem:s25+$0xC40]  }
0x165: {  	[tilespmem:s25+$0x860] =	vst v28;
	v26 =	vadd.f32 v26, v33;
	v28 =	vld [tilespmem:s25+$0xC50]  }
0x166: {  	[tilespmem:s25+$0x870] =	vst v27;
	v25 =	vadd.f32 v25, v32;
	v27 =	vld [tilespmem:s25+$0xC60]  }
0x167: {  	[tilespmem:s25+$0xC00] =	vst v26;
	v24 =	vadd.f32 v24, v31;
	v26 =	vld [tilespmem:s25+$0xC70]  }
0x168: {  	[tilespmem:s25+$0xC10] =	vst v25;
	v23 =	vadd.f32 v23, v30;
	v25 =	vld [tilespmem:s25+$0x1000]  }
0x169: {  	[tilespmem:s25+$0xC20] =	vst v24;
	v22 =	vadd.f32 v22, v29;
	v24 =	vld [tilespmem:s25+$0x1010]  }
0x16a: {  	[tilespmem:s25+$0xC30] =	vst v23;
	v21 =	vadd.f32 v21, v28;
	v23 =	vld [tilespmem:s25+$0x1020]  }
0x16b: {  	[tilespmem:s25+$0xC40] =	vst v22;
	v20 =	vadd.f32 v20, v27;
	v22 =	vld [tilespmem:s25+$0x1030]  }
0x16c: {  	[tilespmem:s25+$0xC50] =	vst v21;
	v19 =	vadd.f32 v19, v26;
	v21 =	vld [tilespmem:s25+$0x1040]  }
0x16d: {  	[tilespmem:s25+$0xC60] =	vst v20;
	v18 =	vadd.f32 v18, v25;
	v20 =	vld [tilespmem:s25+$0x1050]  }
0x16e: {  	[tilespmem:s25+$0xC70] =	vst v19;
	v17 =	vadd.f32 v17, v24;
	v19 =	vld [tilespmem:s25+$0x1060]  }
.Ltmp0:
0x16f: {  	[tilespmem:s25+$0x1000] =	vst v18;
	v18 =	vadd.f32 v16, v23;
	v16 =	vld [tilespmem:s25+$0x1070];
	(pc) =	sbr.rel @p0 .LBB2_2-.Ltmp0, $4  }
0x170: {  	[tilespmem:s25+$0x1010] =	vst v17;
	v17 =	vadd.f32 v15, v22;
	v15 =	vld [tilespmem:s25+$0x1400]  }
0x171: {  	[tilespmem:s25+$0x1020] =	vst v18;
	v21 =	vadd.f32 v14, v21;
	v14 =	vld [tilespmem:s25+$0x1410]  }
0x172: {  	[tilespmem:s25+$0x1030] =	vst v17;
	v18 =	vadd.f32 v13, v20;
	v13 =	vld [tilespmem:s25+$0x1420]  }
0x173: {  	s26 =	sadd.s32 $0x1, s26;
	[tilespmem:s25+$0x1040] =	vst v21;
	v17 =	vadd.f32 v12, v19;
	v12 =	vld [tilespmem:s25+$0x1430]  }
0x174: {  	[tilespmem:s25+$0x1050] =	vst v18;
	v18 =	vld [tilespmem:s25+$0x1440];
	v11 =	vadd.f32 v11, v16  }
0x175: {  	v16 =	vld [tilespmem:s25+$0x1450];
	[tilespmem:s25+$0x1060] =	vst v17;
	v10 =	vadd.f32 v10, v15  }
0x176: {  	[tilespmem:s25+$0x1070] =	vst v11;
	v9 =	vadd.f32 v9, v14;
	v11 =	vld [tilespmem:s25+$0x1460]  }
0x177: {  	[tilespmem:s25+$0x1400] =	vst v10;
	v8 =	vadd.f32 v8, v13;
	v10 =	vld [tilespmem:s25+$0x1470]  }
0x178: {  	[tilespmem:s25+$0x1410] =	vst v9;
	v7 =	vadd.f32 v7, v12  }
0x179: {  	[tilespmem:s25+$0x1420] =	vst v8;
	v6 =	vadd.f32 v6, v18  }
0x17a: {  	v5 =	vadd.f32 v5, v16;
	[tilespmem:s25+$0x1430] =	vst v7  }
0x17b: {  	[tilespmem:s25+$0x1440] =	vst v6;
	v4 =	vadd.f32 v4, v11  }
0x17c: {  	[tilespmem:s25+$0x1450] =	vst v5;
	v3 =	vadd.f32 v3, v10  }
0x17d: {  	[tilespmem:s25+$0x1460] =	vst v4  }
0x17e: {  	[tilespmem:s25+$0x1470] =	vst v3  }
0x17f: {  	[hbm4b:s8+s2] =	stream.linear.scatter [tilespmem:s2], [sflag:$0x5], $0x6000, $0x38;
	[tilespmem:$0x18100] =	vst v63  }
0x180: {  	_ =	swait.ge [sflag:s12], $0x6000  }
0x181: {  	[sflag:s12] =	ssyncset.done $0x0  }
0x182: {  	[sflag:s12] =	ssyncadd.s32 $0xFFFFA000  }
0x183: {  	_ =	swait.ge [sflag:s22], $0x6000  }
0x184: {  	[sflag:s22] =	ssyncset.done $0x0  }
0x185: {  	s30 =	simm.s32 $0x4;
	[sflag:s22] =	ssyncadd.s32 $0xFFFFA000  }
0x186: {  	s26 =	simm.s32 $0x1000;
	s25 =	smul.u32 $0x1800, s30;
	_ =	swait.ge [sflag:s23], $0x6000  }
0x187: {  	s28 =	sand.u32 $0x380, s26;
	[sflag:s23] =	ssyncset.done $0x0  }
0x188: {  	s25 =	sor.u32 s28, s25;
	[sflag:s23] =	ssyncadd.s32 $0xFFFFA000  }
0x189: {  	v12 =	vld [tilespmem:s25+$0xC000]  }
0x18a: {  	v13 =	vld [tilespmem:s25+$0xC010]  }
0x18b: {  	v14 =	vld [tilespmem:s25+$0xC020]  }
0x18c: {  	v15 =	vld [tilespmem:s25+$0xC030]  }
0x18d: {  	v16 =	vld [tilespmem:s25+$0xC040]  }
0x18e: {  	v17 =	vld [tilespmem:s25+$0xC050]  }
0x18f: {  	v18 =	vld [tilespmem:s25+$0xC060]  }
0x190: {  	v19 =	vld [tilespmem:s25+$0xC070]  }
0x191: {  	v20 =	vld [tilespmem:s25+$0xC400]  }
0x192: {  	v21 =	vld [tilespmem:s25+$0xC410]  }
0x193: {  	v22 =	vld [tilespmem:s25+$0xC420]  }
0x194: {  	v23 =	vld [tilespmem:s25+$0xC430]  }
0x195: {  	v24 =	vld [tilespmem:s25+$0xC440]  }
0x196: {  	v25 =	vld [tilespmem:s25+$0xC450]  }
0x197: {  	v26 =	vld [tilespmem:s25+$0xC460]  }
0x198: {  	v27 =	vld [tilespmem:s25+$0xC470]  }
0x199: {  	v28 =	vld [tilespmem:s25+$0xC800]  }
0x19a: {  	v29 =	vld [tilespmem:s25+$0xC810]  }
0x19b: {  	v30 =	vld [tilespmem:s25+$0xC820]  }
0x19c: {  	v31 =	vld [tilespmem:s25+$0xC830]  }
0x19d: {  	v32 =	vld [tilespmem:s25+$0xC840]  }
0x19e: {  	v33 =	vld [tilespmem:s25+$0xC850]  }
0x19f: {  	v34 =	vld [tilespmem:s25+$0xC860]  }
0x1a0: {  	v35 =	vld [tilespmem:s25+$0xC870]  }
0x1a1: {  	v36 =	vld [tilespmem:s25+$0xCC00]  }
0x1a2: {  	v37 =	vld [tilespmem:s25+$0xCC10]  }
0x1a3: {  	v38 =	vld [tilespmem:s25+$0xCC20]  }
0x1a4: {  	v39 =	vld [tilespmem:s25+$0xCC30]  }
0x1a5: {  	v40 =	vld [tilespmem:s25+$0xCC40]  }
0x1a6: {  	v41 =	vld [tilespmem:s25+$0xCC50]  }
0x1a7: {  	v42 =	vld [tilespmem:s25+$0xCC60]  }
0x1a8: {  	v43 =	vld [tilespmem:s25+$0xCC70]  }
0x1a9: {  	v44 =	vld [tilespmem:s25+$0xD000]  }
0x1aa: {  	v45 =	vld [tilespmem:s25+$0xD010]  }
0x1ab: {  	v46 =	vld [tilespmem:s25+$0xD020]  }
0x1ac: {  	v47 =	vld [tilespmem:s25+$0xD030]  }
0x1ad: {  	v48 =	vld [tilespmem:s25+$0xD040]  }
0x1ae: {  	v49 =	vld [tilespmem:s25+$0xD050]  }
0x1af: {  	v50 =	vld [tilespmem:s25+$0xD060]  }
0x1b0: {  	v11 =	vld [tilespmem:s25+$0xD070]  }
0x1b1: {  	v10 =	vld [tilespmem:s25+$0xD400]  }
0x1b2: {  	v9 =	vld [tilespmem:s25+$0xD410]  }
0x1b3: {  	v8 =	vld [tilespmem:s25+$0xD420]  }
0x1b4: {  	v7 =	vld [tilespmem:s25+$0xD430]  }
0x1b5: {  	v6 =	vld [tilespmem:s25+$0xD440]  }
0x1b6: {  	v51 =	vld [tilespmem:s25+$0x0]  }
0x1b7: {  	v52 =	vld [tilespmem:s25+$0x10]  }
0x1b8: {  	v53 =	vld [tilespmem:s25+$0x20]  }
0x1b9: {  	v54 =	vld [tilespmem:s25+$0x30]  }
0x1ba: {  	v55 =	vld [tilespmem:s25+$0x40]  }
0x1bb: {  	v62 =	vld [tilespmem:s25+$0x50];
	v12 =	vadd.f32 v12, v51  }
0x1bc: {  	v63 =	vld [tilespmem:s25+$0x60];
	v13 =	vadd.f32 v13, v52  }
0x1bd: {  	[tilespmem:s25+$0x0] =	vst v12;
	v12 =	vadd.f32 v14, v53;
	v14 =	vld [tilespmem:s25+$0x70]  }
0x1be: {  	[tilespmem:s25+$0x10] =	vst v13;
	v13 =	vadd.f32 v15, v54;
	v15 =	vld [tilespmem:s25+$0x400]  }
0x1bf: {  	[tilespmem:s25+$0x20] =	vst v12;
	v12 =	vadd.f32 v16, v55;
	v16 =	vld [tilespmem:s25+$0x410]  }
0x1c0: {  	[tilespmem:s25+$0x30] =	vst v13;
	v13 =	vadd.f32 v17, v62;
	v17 =	vld [tilespmem:s25+$0x420]  }
0x1c1: {  	v5 =	vld [tilespmem:s25+$0xD450]  }
0x1c2: {  	[tilespmem:s25+$0x40] =	vst v12;
	v12 =	vadd.f32 v18, v63;
	v18 =	vld [tilespmem:s25+$0x470]  }
0x1c3: {  	[tilespmem:s25+$0x50] =	vst v13;
	v13 =	vadd.f32 v19, v14;
	v14 =	vld [tilespmem:s25+$0x430]  }
0x1c4: {  	[tilespmem:s25+$0x60] =	vst v12;
	v12 =	vadd.f32 v20, v15;
	v15 =	vld [tilespmem:s25+$0x440]  }
0x1c5: {  	[tilespmem:s25+$0x70] =	vst v13;
	v13 =	vadd.f32 v21, v16;
	v16 =	vadd.f32 v22, v17;
	v17 =	vld [tilespmem:s25+$0x460]  }
0x1c6: {  	[tilespmem:s25+$0x400] =	vst v12;
	v12 =	vld [tilespmem:s25+$0x450]  }
0x1c7: {  	[tilespmem:s25+$0x410] =	vst v13;
	v13 =	vld [tilespmem:s25+$0x800];
	v18 =	vadd.f32 v27, v18  }
0x1c8: {  	[tilespmem:s25+$0x420] =	vst v16;
	v16 =	vld [tilespmem:s25+$0x810];
	v14 =	vadd.f32 v23, v14  }
0x1c9: {  	v4 =	vld [tilespmem:s25+$0xD460];
	v15 =	vadd.f32 v24, v15;
	[tilespmem:s25+$0x470] =	vst v18  }
0x1ca: {  	[tilespmem:s25+$0x430] =	vst v14;
	v14 =	vld [tilespmem:s25+$0x820];
	v17 =	vadd.f32 v26, v17  }
0x1cb: {  	v12 =	vadd.f32 v25, v12;
	[tilespmem:s25+$0x440] =	vst v15;
	v15 =	vld [tilespmem:s25+$0x830]  }
0x1cc: {  	v18 =	vld [tilespmem:s25+$0x870];
	[tilespmem:s25+$0x460] =	vst v17;
	v13 =	vadd.f32 v28, v13  }
0x1cd: {  	v16 =	vadd.f32 v29, v16;
	[tilespmem:s25+$0x450] =	vst v12;
	v12 =	vld [tilespmem:s25+$0x840]  }
0x1ce: {  	v17 =	vld [tilespmem:s25+$0x850];
	[tilespmem:s25+$0x800] =	vst v13  }
0x1cf: {  	[tilespmem:s25+$0x810] =	vst v16;
	v16 =	vld [tilespmem:s25+$0x860];
	v13 =	vadd.f32 v30, v14  }
0x1d0: {  	v14 =	vld [tilespmem:s25+$0xC00];
	v15 =	vadd.f32 v31, v15  }
0x1d1: {  	[tilespmem:s25+$0x820] =	vst v13;
	v13 =	vld [tilespmem:s25+$0xC10]  }
0x1d2: {  	v12 =	vadd.f32 v32, v12;
	[tilespmem:s25+$0x830] =	vst v15;
	v15 =	vld [tilespmem:s25+$0xC20]  }
0x1d3: {  	v3 =	vld [tilespmem:s25+$0xD470];
	v17 =	vadd.f32 v33, v17  }
0x1d4: {  	v16 =	vadd.f32 v34, v16;
	[tilespmem:s25+$0x840] =	vst v12;
	v12 =	vld [tilespmem:s25+$0xC30]  }
0x1d5: {  	[tilespmem:s25+$0x850] =	vst v17;
	v17 =	vld [tilespmem:s25+$0xC40];
	v14 =	vadd.f32 v36, v14  }
0x1d6: {  	v18 =	vadd.f32 v35, v18;
	[tilespmem:s25+$0x860] =	vst v16;
	v16 =	vld [tilespmem:s25+$0xC50]  }
0x1d7: {  	v13 =	vadd.f32 v37, v13;
	[tilespmem:s25+$0xC00] =	vst v14;
	v14 =	vadd.f32 v38, v15;
	v15 =	vld [tilespmem:s25+$0xC60]  }
0x1d8: {  	[tilespmem:s25+$0x870] =	vst v18;
	v18 =	vld [tilespmem:s25+$0xC70]  }
0x1d9: {  	[tilespmem:s25+$0xC10] =	vst v13;
	v13 =	vld [tilespmem:s25+$0x1000];
	v12 =	vadd.f32 v39, v12  }
0x1da: {  	v17 =	vadd.f32 v40, v17;
	[tilespmem:s25+$0xC20] =	vst v14;
	v14 =	vld [tilespmem:s25+$0x1010]  }
0x1db: {  	v16 =	vadd.f32 v41, v16;
	[tilespmem:s25+$0xC30] =	vst v12;
	v12 =	vld [tilespmem:s25+$0x1020]  }
0x1dc: {  	[tilespmem:s25+$0xC40] =	vst v17;
	v17 =	vld [tilespmem:s25+$0x1030];
	v15 =	vadd.f32 v42, v15  }
0x1dd: {  	v19 =	vld [tilespmem:s25+$0x1040];
	[tilespmem:s25+$0xC50] =	vst v16;
	v16 =	vadd.f32 v43, v18  }
0x1de: {  	v18 =	vld [tilespmem:s25+$0x1050];
	v13 =	vadd.f32 v44, v13;
	[tilespmem:s25+$0xC60] =	vst v15  }
0x1df: {  	v20 =	vld [tilespmem:s25+$0x1060];
	[tilespmem:s25+$0xC70] =	vst v16;
	v14 =	vadd.f32 v45, v14  }
0x1e0: {  	v16 =	vld [tilespmem:s25+$0x1070];
	[tilespmem:s25+$0x1000] =	vst v13;
	v12 =	vadd.f32 v46, v12  }
0x1e1: {  	v15 =	vld [tilespmem:s25+$0x1400];
	v13 =	vadd.f32 v47, v17;
	[tilespmem:s25+$0x1010] =	vst v14  }
0x1e2: {  	v14 =	vld [tilespmem:s25+$0x1410];
	[tilespmem:s25+$0x1020] =	vst v12;
	v12 =	vadd.f32 v48, v19  }
0x1e3: {  	[tilespmem:s25+$0x1030] =	vst v13;
	v13 =	vld [tilespmem:s25+$0x1420];
	v18 =	vadd.f32 v49, v18  }
0x1e4: {  	s28 =	simm.s32 $0x21;
	v17 =	vadd.f32 v50, v20;
	[tilespmem:s25+$0x1040] =	vst v12;
	v12 =	vld [tilespmem:s25+$0x1430]  }
.LBB2_4:
0x1e5: {  	s29 =	sshrl.u32 s28, $0x3;
	p0 =	sne.s32 s28, $0x3F;
	[tilespmem:s25+$0x1050] =	vst v18;
	v11 =	vadd.f32 v11, v16;
	v16 =	vld [tilespmem:s25+$0x1440]  }
0x1e6: {  	s26 =	sadd.s32 $0x80, s26;
	s29 =	smul.u32 $0x1800, s29;
	[tilespmem:s25+$0x1060] =	vst v17;
	v10 =	vadd.f32 v10, v15;
	v15 =	vld [tilespmem:s25+$0x1450]  }
0x1e7: {  	s30 =	sand.u32 $0x380, s26;
	[tilespmem:s25+$0x1070] =	vst v11;
	v9 =	vadd.f32 v9, v14;
	v11 =	vld [tilespmem:s25+$0x1460]  }
0x1e8: {  	s29 =	sor.u32 s30, s29;
	[tilespmem:s25+$0x1400] =	vst v10;
	v8 =	vadd.f32 v8, v13;
	v10 =	vld [tilespmem:s25+$0x1470]  }
0x1e9: {  	v39 =	vld [tilespmem:s29+$0xC000];
	[tilespmem:s25+$0x1410] =	vst v9;
	v7 =	vadd.f32 v7, v12  }
0x1ea: {  	v40 =	vld [tilespmem:s29+$0xC010];
	[tilespmem:s25+$0x1420] =	vst v8;
	v6 =	vadd.f32 v6, v16  }
0x1eb: {  	v41 =	vld [tilespmem:s29+$0xC020];
	[tilespmem:s25+$0x1430] =	vst v7;
	v5 =	vadd.f32 v5, v15  }
0x1ec: {  	v42 =	vld [tilespmem:s29+$0xC030];
	[tilespmem:s25+$0x1440] =	vst v6;
	v4 =	vadd.f32 v4, v11  }
0x1ed: {  	v43 =	vld [tilespmem:s29+$0xC040];
	[tilespmem:s25+$0x1450] =	vst v5;
	v3 =	vadd.f32 v3, v10  }
0x1ee: {  	v44 =	vld [tilespmem:s29+$0xC050];
	[tilespmem:s25+$0x1460] =	vst v4  }
0x1ef: {  	v45 =	vld [tilespmem:s29+$0xC060];
	[tilespmem:s25+$0x1470] =	vst v3;
	s25 =	smov.u32 s29  }
0x1f0: {  	v46 =	vld [tilespmem:s25+$0xC070]  }
0x1f1: {  	v47 =	vld [tilespmem:s25+$0xC400]  }
0x1f2: {  	v48 =	vld [tilespmem:s25+$0xC410]  }
0x1f3: {  	v49 =	vld [tilespmem:s25+$0xC420]  }
0x1f4: {  	v50 =	vld [tilespmem:s25+$0xC430]  }
0x1f5: {  	v38 =	vld [tilespmem:s25+$0xC440]  }
0x1f6: {  	v37 =	vld [tilespmem:s25+$0xC450]  }
0x1f7: {  	v36 =	vld [tilespmem:s25+$0xC460]  }
0x1f8: {  	v35 =	vld [tilespmem:s25+$0xC470]  }
0x1f9: {  	v34 =	vld [tilespmem:s25+$0xC800]  }
0x1fa: {  	v33 =	vld [tilespmem:s25+$0xC810]  }
0x1fb: {  	v32 =	vld [tilespmem:s25+$0xC820]  }
0x1fc: {  	v31 =	vld [tilespmem:s25+$0xC830]  }
0x1fd: {  	v30 =	vld [tilespmem:s25+$0xC840]  }
0x1fe: {  	v29 =	vld [tilespmem:s25+$0xC850]  }
0x1ff: {  	v28 =	vld [tilespmem:s25+$0xC860]  }
0x200: {  	v27 =	vld [tilespmem:s25+$0xC870]  }
0x201: {  	v26 =	vld [tilespmem:s25+$0xCC00]  }
0x202: {  	v25 =	vld [tilespmem:s25+$0xCC10]  }
0x203: {  	v24 =	vld [tilespmem:s25+$0xCC20]  }
0x204: {  	v23 =	vld [tilespmem:s25+$0xCC30]  }
0x205: {  	v22 =	vld [tilespmem:s25+$0xCC40]  }
0x206: {  	v21 =	vld [tilespmem:s25+$0xCC50]  }
0x207: {  	v20 =	vld [tilespmem:s25+$0xCC60]  }
0x208: {  	v19 =	vld [tilespmem:s25+$0xCC70]  }
0x209: {  	v18 =	vld [tilespmem:s25+$0xD000]  }
0x20a: {  	v17 =	vld [tilespmem:s25+$0xD010]  }
0x20b: {  	v16 =	vld [tilespmem:s25+$0xD020]  }
0x20c: {  	v15 =	vld [tilespmem:s25+$0xD030]  }
0x20d: {  	v14 =	vld [tilespmem:s25+$0xD040]  }
0x20e: {  	v13 =	vld [tilespmem:s25+$0xD050]  }
0x20f: {  	v12 =	vld [tilespmem:s25+$0xD060]  }
0x210: {  	v11 =	vld [tilespmem:s25+$0xD070]  }
0x211: {  	v10 =	vld [tilespmem:s25+$0xD400]  }
0x212: {  	v9 =	vld [tilespmem:s25+$0xD410]  }
0x213: {  	v8 =	vld [tilespmem:s25+$0xD420]  }
0x214: {  	v7 =	vld [tilespmem:s25+$0xD430]  }
0x215: {  	v6 =	vld [tilespmem:s25+$0xD440]  }
0x216: {  	v5 =	vld [tilespmem:s25+$0xD450]  }
0x217: {  	v4 =	vld [tilespmem:s25+$0xD460]  }
0x218: {  	v3 =	vld [tilespmem:s25+$0xD470]  }
0x219: {  	v51 =	vld [tilespmem:s25+$0x0]  }
0x21a: {  	v52 =	vld [tilespmem:s25+$0x10]  }
0x21b: {  	v53 =	vld [tilespmem:s25+$0x20]  }
0x21c: {  	v54 =	vld [tilespmem:s25+$0x30]  }
0x21d: {  	v55 =	vld [tilespmem:s25+$0x40]  }
0x21e: {  	v39 =	vadd.f32 v39, v51;
	v51 =	vld [tilespmem:s25+$0x50]  }
0x21f: {  	v40 =	vadd.f32 v40, v52;
	v52 =	vld [tilespmem:s25+$0x60]  }
0x220: {  	[tilespmem:s25+$0x0] =	vst v39;
	v39 =	vadd.f32 v41, v53;
	v41 =	vld [tilespmem:s25+$0x70]  }
0x221: {  	[tilespmem:s25+$0x10] =	vst v40;
	v40 =	vadd.f32 v42, v54;
	v42 =	vld [tilespmem:s25+$0x400]  }
0x222: {  	[tilespmem:s25+$0x20] =	vst v39;
	v39 =	vadd.f32 v43, v55;
	v43 =	vld [tilespmem:s25+$0x410]  }
0x223: {  	[tilespmem:s25+$0x30] =	vst v40;
	v40 =	vadd.f32 v44, v51;
	v44 =	vld [tilespmem:s25+$0x420]  }
0x224: {  	[tilespmem:s25+$0x40] =	vst v39;
	v39 =	vadd.f32 v45, v52;
	v45 =	vld [tilespmem:s25+$0x430]  }
0x225: {  	[tilespmem:s25+$0x50] =	vst v40;
	v40 =	vadd.f32 v46, v41;
	v41 =	vld [tilespmem:s25+$0x440]  }
0x226: {  	[tilespmem:s25+$0x60] =	vst v39;
	v39 =	vadd.f32 v47, v42;
	v42 =	vld [tilespmem:s25+$0x450]  }
0x227: {  	[tilespmem:s25+$0x70] =	vst v40;
	v40 =	vadd.f32 v48, v43;
	v43 =	vld [tilespmem:s25+$0x460]  }
0x228: {  	[tilespmem:s25+$0x400] =	vst v39;
	v39 =	vadd.f32 v49, v44;
	v44 =	vld [tilespmem:s25+$0x470]  }
0x229: {  	[tilespmem:s25+$0x410] =	vst v40;
	v40 =	vadd.f32 v50, v45;
	v45 =	vld [tilespmem:s25+$0x800]  }
0x22a: {  	[tilespmem:s25+$0x420] =	vst v39;
	v38 =	vadd.f32 v38, v41;
	v39 =	vld [tilespmem:s25+$0x810]  }
0x22b: {  	[tilespmem:s25+$0x430] =	vst v40;
	v37 =	vadd.f32 v37, v42;
	v40 =	vld [tilespmem:s25+$0x820]  }
0x22c: {  	[tilespmem:s25+$0x440] =	vst v38;
	v36 =	vadd.f32 v36, v43;
	v38 =	vld [tilespmem:s25+$0x830]  }
0x22d: {  	[tilespmem:s25+$0x450] =	vst v37;
	v35 =	vadd.f32 v35, v44;
	v37 =	vld [tilespmem:s25+$0x840]  }
0x22e: {  	[tilespmem:s25+$0x460] =	vst v36;
	v34 =	vadd.f32 v34, v45;
	v36 =	vld [tilespmem:s25+$0x850]  }
0x22f: {  	[tilespmem:s25+$0x470] =	vst v35;
	v33 =	vadd.f32 v33, v39;
	v35 =	vld [tilespmem:s25+$0x860]  }
0x230: {  	[tilespmem:s25+$0x800] =	vst v34;
	v32 =	vadd.f32 v32, v40;
	v34 =	vld [tilespmem:s25+$0x870]  }
0x231: {  	[tilespmem:s25+$0x810] =	vst v33;
	v31 =	vadd.f32 v31, v38;
	v33 =	vld [tilespmem:s25+$0xC00]  }
0x232: {  	[tilespmem:s25+$0x820] =	vst v32;
	v30 =	vadd.f32 v30, v37;
	v32 =	vld [tilespmem:s25+$0xC10]  }
0x233: {  	[tilespmem:s25+$0x830] =	vst v31;
	v29 =	vadd.f32 v29, v36;
	v31 =	vld [tilespmem:s25+$0xC20]  }
0x234: {  	[tilespmem:s25+$0x840] =	vst v30;
	v28 =	vadd.f32 v28, v35;
	v30 =	vld [tilespmem:s25+$0xC30]  }
0x235: {  	[tilespmem:s25+$0x850] =	vst v29;
	v27 =	vadd.f32 v27, v34;
	v29 =	vld [tilespmem:s25+$0xC40]  }
0x236: {  	[tilespmem:s25+$0x860] =	vst v28;
	v26 =	vadd.f32 v26, v33;
	v28 =	vld [tilespmem:s25+$0xC50]  }
0x237: {  	[tilespmem:s25+$0x870] =	vst v27;
	v25 =	vadd.f32 v25, v32;
	v27 =	vld [tilespmem:s25+$0xC60]  }
0x238: {  	[tilespmem:s25+$0xC00] =	vst v26;
	v24 =	vadd.f32 v24, v31;
	v26 =	vld [tilespmem:s25+$0xC70]  }
0x239: {  	[tilespmem:s25+$0xC10] =	vst v25;
	v23 =	vadd.f32 v23, v30;
	v25 =	vld [tilespmem:s25+$0x1000]  }
0x23a: {  	[tilespmem:s25+$0xC20] =	vst v24;
	v22 =	vadd.f32 v22, v29;
	v24 =	vld [tilespmem:s25+$0x1010]  }
0x23b: {  	[tilespmem:s25+$0xC30] =	vst v23;
	v21 =	vadd.f32 v21, v28;
	v23 =	vld [tilespmem:s25+$0x1020]  }
0x23c: {  	[tilespmem:s25+$0xC40] =	vst v22;
	v20 =	vadd.f32 v20, v27;
	v22 =	vld [tilespmem:s25+$0x1030]  }
0x23d: {  	[tilespmem:s25+$0xC50] =	vst v21;
	v19 =	vadd.f32 v19, v26;
	v21 =	vld [tilespmem:s25+$0x1040]  }
0x23e: {  	[tilespmem:s25+$0xC60] =	vst v20;
	v18 =	vadd.f32 v18, v25;
	v20 =	vld [tilespmem:s25+$0x1050]  }
0x23f: {  	[tilespmem:s25+$0xC70] =	vst v19;
	v17 =	vadd.f32 v17, v24;
	v19 =	vld [tilespmem:s25+$0x1060]  }
.Ltmp1:
0x240: {  	[tilespmem:s25+$0x1000] =	vst v18;
	v18 =	vadd.f32 v16, v23;
	v16 =	vld [tilespmem:s25+$0x1070];
	(pc) =	sbr.rel @p0 .LBB2_4-.Ltmp1, $4  }
0x241: {  	[tilespmem:s25+$0x1010] =	vst v17;
	v17 =	vadd.f32 v15, v22;
	v15 =	vld [tilespmem:s25+$0x1400]  }
0x242: {  	[tilespmem:s25+$0x1020] =	vst v18;
	v21 =	vadd.f32 v14, v21;
	v14 =	vld [tilespmem:s25+$0x1410]  }
0x243: {  	[tilespmem:s25+$0x1030] =	vst v17;
	v18 =	vadd.f32 v13, v20;
	v13 =	vld [tilespmem:s25+$0x1420]  }
0x244: {  	s28 =	sadd.s32 $0x1, s28;
	[tilespmem:s25+$0x1040] =	vst v21;
	v17 =	vadd.f32 v12, v19;
	v12 =	vld [tilespmem:s25+$0x1430]  }
0x245: {  	[tilespmem:s25+$0x1050] =	vst v18;
	v60 =	vld [tilespmem:s25+$0x1440];
	v11 =	vadd.f32 v11, v16  }
0x246: {  	v61 =	vld [tilespmem:s25+$0x1450];
	[tilespmem:s25+$0x1060] =	vst v17;
	v10 =	vadd.f32 v10, v15  }
0x247: {  	v62 =	vld [tilespmem:s25+$0x1460];
	[tilespmem:s25+$0x1070] =	vst v11;
	v9 =	vadd.f32 v9, v14  }
0x248: {  	v63 =	vld [tilespmem:s25+$0x1470];
	[tilespmem:s25+$0x1400] =	vst v10;
	v8 =	vadd.f32 v8, v13  }
0x249: {  	[tilespmem:s25+$0x1410] =	vst v9;
	v7 =	vadd.f32 v7, v12  }
0x24a: {  	[tilespmem:s25+$0x1420] =	vst v8;
	v6 =	vadd.f32 v6, v60  }
0x24b: {  	v5 =	vadd.f32 v5, v61;
	[tilespmem:s25+$0x1430] =	vst v7  }
0x24c: {  	v4 =	vadd.f32 v4, v62;
	[tilespmem:s25+$0x1440] =	vst v6  }
0x24d: {  	s24 =	sadd.s32 $0x1, s24;
	v3 =	vadd.f32 v3, v63;
	[tilespmem:s25+$0x1450] =	vst v5  }
0x24e: {  	p0 =	sne.s32 s24, s10;
	[tilespmem:s25+$0x1460] =	vst v4  }
.Ltmp2:
0x24f: {  	[tilespmem:s25+$0x1470] =	vst v3;
	(pc) =	sbr.rel @p0 .LBB2_1-.Ltmp2, $4  }
0x250: {  	[hbm4b:s9+s2] =	stream.linear.scatter [tilespmem:s16], [sflag:$0x5], $0x6000, $0x38;
	[tilespmem:$0x18100] =	vst v63  }
0x251: {  	_ =	swait.ge [sflag:s12], $0x6000  }
0x252: {  	[sflag:s12] =	ssyncset.done $0x0  }
0x253: {  	[sflag:s12] =	ssyncadd.s32 $0xFFFFA000  }
0x254: {  	_ =	sfence.sel $0x180000  }
0x255: {  	[bflag:$0x0] =	sbarrier.arrive $0xFFFF  }
0x256: {  	_ =	strace $0x9000004A  }
0x257: {  	s0 =	stileid.u32;
	[bflag:$0x2] =	sbarrier.arrive $0xFFFF  }
0x258: {  	p0 =	sne.s32 s0, $0x0;
	s0 =	rddreg [dreg:$0x2]  }
0x259: {  	s0 =	sadd.s32 @!p0 $0x100000, s0  }
0x25a: {  	[sflag:s0] =	ssyncadd.tile.s32 @!p0 $0x1;
	_ =	shalt  }
.Lfunc_end2:
_tile_overlayer_lowered:
.L_overlay_start_2:
0x25b: {  	(tag) =	ssettag $0x2  }
0x25c: {  	s0 =	rddreg [dreg:$0x0];
	s2 =	stileid.u32  }
0x25d: {  	s1 =	rddreg [dreg:$0x1];
	p0 =	sne.s32 s2, $0x0  }
0x25e: {  	s3 =	rddreg [dreg:$0x2];
	[bflag:$0x3] =	sbarrier.arrive $0xFFFF;
	s2 =	simm.s32 @!p0 $0x1C05  }
0x25f: {  	[timem:s3], [sflag:s2] =	dma.local @!p0 [hbm:s0], s1  }
0x260: {  	s0 =	simm.s32 @!p0 $0x5  }
0x261: {  	_ =	swait.ge @!p0 [sflag:s0], s1  }
0x262: {  	s1 =	ssub.s32 @!p0 $0x0, s1;
	[sflag:s0] =	ssyncset.done @!p0 $0x0  }
0x263: {  	[sflag:s0] =	ssyncadd.s32 @!p0 s1  }
0x264: {  	[bflag:$0x3] =	sbarrier.arrive $0xFFFF  }
0x265: {  	_ =	shalt  }

</sc_bundles>
